<compile_context>
chip_gen: v7x
topology: tpu7x:2x2x1
jax: 0.10.2.dev20260603
libtpu: 0.0.44.dev20260713+nightly
codegen_flags: <defaults>
</compile_context>

<pallas_src>
import functools

import jax
import jax.numpy as jnp
from jax import lax
from jax.experimental import pallas as pl
from jax.experimental.pallas import tpu as pltpu
from jax.experimental.pallas import tpu_sc as plsc

_NC = 2
_NS = 16
_NW = _NC * _NS
_CH = 4
_SLOTS = 6
_AHEAD = 4
_L = 16


def kernel(x, pos_table):
    S, B, D = x.shape
    pe = pos_table[:S]
    rows_per_w = S // _NW
    n_chunks = rows_per_w // _CH
    dpc = D // _L
    dpc_shift = dpc.bit_length() - 1
    mesh = plsc.VectorSubcoreMesh(core_axis_name="c", subcore_axis_name="s")

    @functools.partial(
        pl.kernel,
        out_type=jax.ShapeDtypeStruct((S, B, D), x.dtype),
        mesh=mesh,
        scratch_types=[
            pltpu.VMEM((_SLOTS, _CH, B, D), jnp.float32),
            pltpu.VMEM((_SLOTS, _CH, D), jnp.float32),
            pltpu.SemaphoreType.DMA((_SLOTS,)),
            pltpu.SemaphoreType.DMA((_SLOTS,)),
        ],
    )
    def sc_add(x_hbm, pe_hbm, out_hbm, xb, pb, sin, sout):
        wid = lax.axis_index("s") * _NC + lax.axis_index("c")
        base = wid * rows_per_w

        in_descs = {}
        out_descs = {}

        def start_in(c):
            slot = c % _SLOTS
            row0 = base + c * _CH
            in_descs[c] = (
                pltpu.async_copy(
                    x_hbm.at[pl.ds(row0, _CH)], xb.at[slot], sin.at[slot]),
                pltpu.async_copy(
                    pe_hbm.at[pl.ds(row0, _CH)], pb.at[slot], sin.at[slot]),
            )

        for c in range(min(_AHEAD, n_chunks)):
            start_in(c)
        for c in range(n_chunks):
            slot = c % _SLOTS
            dx, dp = in_descs.pop(c)
            dx.wait()
            dp.wait()

            @plsc.parallel_loop(0, _CH * dpc, unroll=4)
            def _body(i, _slot=slot):
                r = lax.shift_right_logical(i, dpc_shift)
                dc = lax.bitwise_and(i, dpc - 1)
                sl = pl.ds(dc * _L, _L)
                pv = pb[_slot, r, sl]
                for b in range(B):
                    xb[_slot, r, b, sl] += pv

            row0 = base + c * _CH
            out_descs[c] = pltpu.async_copy(
                xb.at[slot], out_hbm.at[pl.ds(row0, _CH)], sout.at[slot])
            nxt = c + _AHEAD
            if nxt < n_chunks:
                prev = nxt - _SLOTS
                if prev >= 0:
                    out_descs.pop(prev).wait()
                start_in(nxt)
        for c in sorted(out_descs):
            out_descs[c].wait()

    return sc_add(x, pe)

# --- scband reference (transcript-rebuilt; emitter-appended) ---
"""Pipeline reference for scband-positional-encoding-lut-69398081569336 (READ-ONLY COPY).

The authoritative reference and input builder live on the scoring server;
editing this copy changes nothing except your own understanding.
"""

import jax, jax.numpy as jnp
import numpy as np

D_MODEL = 1024
MAX_LEN = 2048
SEQ = 2048
BATCH = 4

def setup_inputs(seed: int = 0) -> dict:
    key = jax.random.key(seed)
    k1, k2 = jax.random.split(key)
    x = jax.random.normal(k1, (SEQ, BATCH, D_MODEL), dtype=jnp.float32)
    # kaiming_normal_ with mode='fan_in' on Embedding weight [max_len, d_model]:
    # fan_in = d_model, gain = sqrt(2) (default leaky_relu a=0) -> std = sqrt(2/d_model)
    pos_table = jax.random.normal(k2, (MAX_LEN, D_MODEL), dtype=jnp.float32) * np.sqrt(2.0 / D_MODEL)
    return {"x": x, "pos_table": pos_table}

def reference(x, pos_table):
    # pos = position[:x.size(0)] -> arange(S), shape [S, 1]
    S = x.shape[0]
    pos = jnp.arange(S, dtype=jnp.int32)
    pe = jnp.take(pos_table, pos, axis=0)  # [S, d_model]
    pe = pe[:, None, :]                     # [S, 1, d_model] broadcasts over batch
    out = x + pe
    # dropout is identity in eval mode
    return out

if __name__ == "__main__":
    import jax
    _d = setup_inputs()
    print(jax.jit(kernel)(*tuple(_d.values())))

</pallas_src>

<mosaic_0001>
#map = affine_map<(d0, d1) -> (0, 0, 0)>
#map1 = affine_map<(d0, d1) -> (0, 0)>
module attributes {stable_mosaic.version = 14 : i64} {
  func.func @sc_add(%arg0: i32, %arg1: i32, %arg2: memref<2048x4x1024xf32, #tpu.memory_space<hbm>>, %arg3: memref<2048x1024xf32, #tpu.memory_space<hbm>>, %arg4: memref<2048x4x1024xf32, #tpu.memory_space<hbm>>, %arg5: memref<6x4x4x1024xf32, #tpu.memory_space<vmem>>, %arg6: memref<6x4x1024xf32, #tpu.memory_space<vmem>>, %arg7: memref<6x!tpu.dma_semaphore, #tpu.memory_space<semaphore_mem>>, %arg8: memref<6x!tpu.dma_semaphore, #tpu.memory_space<semaphore_mem>>) attributes {dimension_semantics = [#tpu.dimension_semantics<core_parallel>, #tpu.dimension_semantics<subcore_parallel>], iteration_bounds = array<i64: 2, 16>, scalar_prefetch = 0 : i64, scratch_operands = 4 : i64, tpu.core_type = #tpu.core_type<sc_vector_subcore>, window_params = [{transform_indices = #map}, {transform_indices = #map1}, {transform_indices = #map}]} {
    %mul3A = arith.constant 2 : i32
    %mul3A_0 = arith.muli %arg1, %mul3A : i32
    %add3A = arith.addi %mul3A_0, %arg0 : i32
    %mul3A_1 = arith.constant 64 : i32
    %mul3A_2 = arith.muli %add3A, %mul3A_1 : i32
    %add3A_3 = arith.constant 0 : i32
    %add3A_4 = arith.addi %mul3A_2, %add3A_3 : i32
    %dma_start3A = arith.constant 0 : i32
    %dma_start3A_5 = arith.constant 0 : i32
    %dma_start3A_6 = arith.constant 0 : i32
    %dma_start3A_7 = arith.constant 0 : i32
    %dma_start3A_8 = arith.constant 0 : i32
    %dma_start3A_9 = tpu.memref_slice %arg5[%dma_start3A, %dma_start3A_6, %dma_start3A_7, %dma_start3A_8] : memref<6x4x4x1024xf32, #tpu.memory_space<vmem>> -> memref<1x4x4x1024xf32, #tpu.memory_space<vmem>>
    %dma_start3A_10 = tpu.memref_squeeze %dma_start3A_9 : memref<1x4x4x1024xf32, #tpu.memory_space<vmem>> -> memref<4x4x1024xf32, #tpu.memory_space<vmem>>
    %dma_start3A_11 = arith.constant 0 : i32
    %dma_start3A_12 = arith.constant 0 : i32
    %dma_start3A_13 = tpu.memref_slice %arg2[%add3A_4, %dma_start3A_11, %dma_start3A_12] : memref<2048x4x1024xf32, #tpu.memory_space<hbm>> -> memref<4x4x1024xf32, #tpu.memory_space<hbm>>
    %dma_start3A_14 = tpu.memref_slice %arg7[%dma_start3A_5] : memref<6x!tpu.dma_semaphore, #tpu.memory_space<semaphore_mem>> -> memref<1x!tpu.dma_semaphore, #tpu.memory_space<semaphore_mem>>
    %dma_start3A_15 = tpu.memref_squeeze %dma_start3A_14 : memref<1x!tpu.dma_semaphore, #tpu.memory_space<semaphore_mem>> -> memref<!tpu.dma_semaphore, #tpu.memory_space<semaphore_mem>>
    %dma_start3A_16 = arith.constant 0 : i32
    %dma_start3A_17 = arith.constant 0 : i32
    %dma_start3A_18 = arith.constant 0 : i32
    %dma_start3A_19 = tpu.memref_slice %arg5[%dma_start3A, %dma_start3A_16, %dma_start3A_17, %dma_start3A_18] : memref<6x4x4x1024xf32, #tpu.memory_space<vmem>> -> memref<1x4x4x1024xf32, #tpu.memory_space<vmem>>
    %dma_start3A_20 = tpu.memref_squeeze %dma_start3A_19 : memref<1x4x4x1024xf32, #tpu.memory_space<vmem>> -> memref<4x4x1024xf32, #tpu.memory_space<vmem>>
    %dma_start3A_21 = arith.constant 0 : i32
    %dma_start3A_22 = arith.constant 0 : i32
    %dma_start3A_23 = tpu.memref_slice %arg2[%add3A_4, %dma_start3A_21, %dma_start3A_22] : memref<2048x4x1024xf32, #tpu.memory_space<hbm>> -> memref<4x4x1024xf32, #tpu.memory_space<hbm>>
    tpu.enqueue_dma source(%dma_start3A_23 : memref<4x4x1024xf32, #tpu.memory_space<hbm>>) target(%dma_start3A_20 : memref<4x4x1024xf32, #tpu.memory_space<vmem>>) target_semaphore(%dma_start3A_15 : memref<!tpu.dma_semaphore, #tpu.memory_space<semaphore_mem>>)
    %dma_start3A_24 = arith.constant 0 : i32
    %dma_start3A_25 = arith.constant 0 : i32
    %dma_start3A_26 = arith.constant 0 : i32
    %dma_start3A_27 = arith.constant 0 : i32
    %dma_start3A_28 = tpu.memref_slice %arg6[%dma_start3A_24, %dma_start3A_26, %dma_start3A_27] : memref<6x4x1024xf32, #tpu.memory_space<vmem>> -> memref<1x4x1024xf32, #tpu.memory_space<vmem>>
    %dma_start3A_29 = tpu.memref_squeeze %dma_start3A_28 : memref<1x4x1024xf32, #tpu.memory_space<vmem>> -> memref<4x1024xf32, #tpu.memory_space<vmem>>
    %dma_start3A_30 = arith.constant 0 : i32
    %dma_start3A_31 = tpu.memref_slice %arg3[%add3A_4, %dma_start3A_30] : memref<2048x1024xf32, #tpu.memory_space<hbm>> -> memref<4x1024xf32, #tpu.memory_space<hbm>>
    %dma_start3A_32 = tpu.memref_slice %arg7[%dma_start3A_25] : memref<6x!tpu.dma_semaphore, #tpu.memory_space<semaphore_mem>> -> memref<1x!tpu.dma_semaphore, #tpu.memory_space<semaphore_mem>>
    %dma_start3A_33 = tpu.memref_squeeze %dma_start3A_32 : memref<1x!tpu.dma_semaphore, #tpu.memory_space<semaphore_mem>> -> memref<!tpu.dma_semaphore, #tpu.memory_space<semaphore_mem>>
    %dma_start3A_34 = arith.constant 0 : i32
    %dma_start3A_35 = arith.constant 0 : i32
    %dma_start3A_36 = tpu.memref_slice %arg6[%dma_start3A_24, %dma_start3A_34, %dma_start3A_35] : memref<6x4x1024xf32, #tpu.memory_space<vmem>> -> memref<1x4x1024xf32, #tpu.memory_space<vmem>>
    %dma_start3A_37 = tpu.memref_squeeze %dma_start3A_36 : memref<1x4x1024xf32, #tpu.memory_space<vmem>> -> memref<4x1024xf32, #tpu.memory_space<vmem>>
    %dma_start3A_38 = arith.constant 0 : i32
    %dma_start3A_39 = tpu.memref_slice %arg3[%add3A_4, %dma_start3A_38] : memref<2048x1024xf32, #tpu.memory_space<hbm>> -> memref<4x1024xf32, #tpu.memory_space<hbm>>
    tpu.enqueue_dma source(%dma_start3A_39 : memref<4x1024xf32, #tpu.memory_space<hbm>>) target(%dma_start3A_37 : memref<4x1024xf32, #tpu.memory_space<vmem>>) target_semaphore(%dma_start3A_33 : memref<!tpu.dma_semaphore, #tpu.memory_space<semaphore_mem>>)
    %add3A_40 = arith.constant 4 : i32
    %add3A_41 = arith.addi %mul3A_2, %add3A_40 : i32
    %dma_start3A_42 = arith.constant 1 : i32
    %dma_start3A_43 = arith.constant 1 : i32
    %dma_start3A_44 = arith.constant 0 : i32
    %dma_start3A_45 = arith.constant 0 : i32
    %dma_start3A_46 = arith.constant 0 : i32
    %dma_start3A_47 = tpu.memref_slice %arg5[%dma_start3A_42, %dma_start3A_44, %dma_start3A_45, %dma_start3A_46] : memref<6x4x4x1024xf32, #tpu.memory_space<vmem>> -> memref<1x4x4x1024xf32, #tpu.memory_space<vmem>>
    %dma_start3A_48 = tpu.memref_squeeze %dma_start3A_47 : memref<1x4x4x1024xf32, #tpu.memory_space<vmem>> -> memref<4x4x1024xf32, #tpu.memory_space<vmem>>
    %dma_start3A_49 = arith.constant 0 : i32
    %dma_start3A_50 = arith.constant 0 : i32
    %dma_start3A_51 = tpu.memref_slice %arg2[%add3A_41, %dma_start3A_49, %dma_start3A_50] : memref<2048x4x1024xf32, #tpu.memory_space<hbm>> -> memref<4x4x1024xf32, #tpu.memory_space<hbm>>
    %dma_start3A_52 = tpu.memref_slice %arg7[%dma_start3A_43] : memref<6x!tpu.dma_semaphore, #tpu.memory_space<semaphore_mem>> -> memref<1x!tpu.dma_semaphore, #tpu.memory_space<semaphore_mem>>
    %dma_start3A_53 = tpu.memref_squeeze %dma_start3A_52 : memref<1x!tpu.dma_semaphore, #tpu.memory_space<semaphore_mem>> -> memref<!tpu.dma_semaphore, #tpu.memory_space<semaphore_mem>>
    %dma_start3A_54 = arith.constant 0 : i32
    %dma_start3A_55 = arith.constant 0 : i32
    %dma_start3A_56 = arith.constant 0 : i32
    %dma_start3A_57 = tpu.memref_slice %arg5[%dma_start3A_42, %dma_start3A_54, %dma_start3A_55, %dma_start3A_56] : memref<6x4x4x1024xf32, #tpu.memory_space<vmem>> -> memref<1x4x4x1024xf32, #tpu.memory_space<vmem>>
    %dma_start3A_58 = tpu.memref_squeeze %dma_start3A_57 : memref<1x4x4x1024xf32, #tpu.memory_space<vmem>> -> memref<4x4x1024xf32, #tpu.memory_space<vmem>>
    %dma_start3A_59 = arith.constant 0 : i32
    %dma_start3A_60 = arith.constant 0 : i32
    %dma_start3A_61 = tpu.memref_slice %arg2[%add3A_41, %dma_start3A_59, %dma_start3A_60] : memref<2048x4x1024xf32, #tpu.memory_space<hbm>> -> memref<4x4x1024xf32, #tpu.memory_space<hbm>>
    tpu.enqueue_dma source(%dma_start3A_61 : memref<4x4x1024xf32, #tpu.memory_space<hbm>>) target(%dma_start3A_58 : memref<4x4x1024xf32, #tpu.memory_space<vmem>>) target_semaphore(%dma_start3A_53 : memref<!tpu.dma_semaphore, #tpu.memory_space<semaphore_mem>>)
    %dma_start3A_62 = arith.constant 1 : i32
    %dma_start3A_63 = arith.constant 1 : i32
    %dma_start3A_64 = arith.constant 0 : i32
    %dma_start3A_65 = arith.constant 0 : i32
    %dma_start3A_66 = tpu.memref_slice %arg6[%dma_start3A_62, %dma_start3A_64, %dma_start3A_65] : memref<6x4x1024xf32, #tpu.memory_space<vmem>> -> memref<1x4x1024xf32, #tpu.memory_space<vmem>>
    %dma_start3A_67 = tpu.memref_squeeze %dma_start3A_66 : memref<1x4x1024xf32, #tpu.memory_space<vmem>> -> memref<4x1024xf32, #tpu.memory_space<vmem>>
    %dma_start3A_68 = arith.constant 0 : i32
    %dma_start3A_69 = tpu.memref_slice %arg3[%add3A_41, %dma_start3A_68] : memref<2048x1024xf32, #tpu.memory_space<hbm>> -> memref<4x1024xf32, #tpu.memory_space<hbm>>
    %dma_start3A_70 = tpu.memref_slice %arg7[%dma_start3A_63] : memref<6x!tpu.dma_semaphore, #tpu.memory_space<semaphore_mem>> -> memref<1x!tpu.dma_semaphore, #tpu.memory_space<semaphore_mem>>
    %dma_start3A_71 = tpu.memref_squeeze %dma_start3A_70 : memref<1x!tpu.dma_semaphore, #tpu.memory_space<semaphore_mem>> -> memref<!tpu.dma_semaphore, #tpu.memory_space<semaphore_mem>>
    %dma_start3A_72 = arith.constant 0 : i32
    %dma_start3A_73 = arith.constant 0 : i32
    %dma_start3A_74 = tpu.memref_slice %arg6[%dma_start3A_62, %dma_start3A_72, %dma_start3A_73] : memref<6x4x1024xf32, #tpu.memory_space<vmem>> -> memref<1x4x1024xf32, #tpu.memory_space<vmem>>
    %dma_start3A_75 = tpu.memref_squeeze %dma_start3A_74 : memref<1x4x1024xf32, #tpu.memory_space<vmem>> -> memref<4x1024xf32, #tpu.memory_space<vmem>>
    %dma_start3A_76 = arith.constant 0 : i32
    %dma_start3A_77 = tpu.memref_slice %arg3[%add3A_41, %dma_start3A_76] : memref<2048x1024xf32, #tpu.memory_space<hbm>> -> memref<4x1024xf32, #tpu.memory_space<hbm>>
    tpu.enqueue_dma source(%dma_start3A_77 : memref<4x1024xf32, #tpu.memory_space<hbm>>) target(%dma_start3A_75 : memref<4x1024xf32, #tpu.memory_space<vmem>>) target_semaphore(%dma_start3A_71 : memref<!tpu.dma_semaphore, #tpu.memory_space<semaphore_mem>>)
    %add3A_78 = arith.constant 8 : i32
    %add3A_79 = arith.addi %mul3A_2, %add3A_78 : i32
    %dma_start3A_80 = arith.constant 2 : i32
    %dma_start3A_81 = arith.constant 2 : i32
    %dma_start3A_82 = arith.constant 0 : i32
    %dma_start3A_83 = arith.constant 0 : i32
    %dma_start3A_84 = arith.constant 0 : i32
    %dma_start3A_85 = tpu.memref_slice %arg5[%dma_start3A_80, %dma_start3A_82, %dma_start3A_83, %dma_start3A_84] : memref<6x4x4x1024xf32, #tpu.memory_space<vmem>> -> memref<1x4x4x1024xf32, #tpu.memory_space<vmem>>
    %dma_start3A_86 = tpu.memref_squeeze %dma_start3A_85 : memref<1x4x4x1024xf32, #tpu.memory_space<vmem>> -> memref<4x4x1024xf32, #tpu.memory_space<vmem>>
    %dma_start3A_87 = arith.constant 0 : i32
    %dma_start3A_88 = arith.constant 0 : i32
    %dma_start3A_89 = tpu.memref_slice %arg2[%add3A_79, %dma_start3A_87, %dma_start3A_88] : memref<2048x4x1024xf32, #tpu.memory_space<hbm>> -> memref<4x4x1024xf32, #tpu.memory_space<hbm>>
    %dma_start3A_90 = tpu.memref_slice %arg7[%dma_start3A_81] : memref<6x!tpu.dma_semaphore, #tpu.memory_space<semaphore_mem>> -> memref<1x!tpu.dma_semaphore, #tpu.memory_space<semaphore_mem>>
    %dma_start3A_91 = tpu.memref_squeeze %dma_start3A_90 : memref<1x!tpu.dma_semaphore, #tpu.memory_space<semaphore_mem>> -> memref<!tpu.dma_semaphore, #tpu.memory_space<semaphore_mem>>
    %dma_start3A_92 = arith.constant 0 : i32
    %dma_start3A_93 = arith.constant 0 : i32
    %dma_start3A_94 = arith.constant 0 : i32
    %dma_start3A_95 = tpu.memref_slice %arg5[%dma_start3A_80, %dma_start3A_92, %dma_start3A_93, %dma_start3A_94] : memref<6x4x4x1024xf32, #tpu.memory_space<vmem>> -> memref<1x4x4x1024xf32, #tpu.memory_space<vmem>>
    %dma_start3A_96 = tpu.memref_squeeze %dma_start3A_95 : memref<1x4x4x1024xf32, #tpu.memory_space<vmem>> -> memref<4x4x1024xf32, #tpu.memory_space<vmem>>
    %dma_start3A_97 = arith.constant 0 : i32
    %dma_start3A_98 = arith.constant 0 : i32
    %dma_start3A_99 = tpu.memref_slice %arg2[%add3A_79, %dma_start3A_97, %dma_start3A_98] : memref<2048x4x1024xf32, #tpu.memory_space<hbm>> -> memref<4x4x1024xf32, #tpu.memory_space<hbm>>
    tpu.enqueue_dma source(%dma_start3A_99 : memref<4x4x1024xf32, #tpu.memory_space<hbm>>) target(%dma_start3A_96 : memref<4x4x1024xf32, #tpu.memory_space<vmem>>) target_semaphore(%dma_start3A_91 : memref<!tpu.dma_semaphore, #tpu.memory_space<semaphore_mem>>)
    %dma_start3A_100 = arith.constant 2 : i32
    %dma_start3A_101 = arith.constant 2 : i32
    %dma_start3A_102 = arith.constant 0 : i32
    %dma_start3A_103 = arith.constant 0 : i32
    %dma_start3A_104 = tpu.memref_slice %arg6[%dma_start3A_100, %dma_start3A_102, %dma_start3A_103] : memref<6x4x1024xf32, #tpu.memory_space<vmem>> -> memref<1x4x1024xf32, #tpu.memory_space<vmem>>
    %dma_start3A_105 = tpu.memref_squeeze %dma_start3A_104 : memref<1x4x1024xf32, #tpu.memory_space<vmem>> -> memref<4x1024xf32, #tpu.memory_space<vmem>>
    %dma_start3A_106 = arith.constant 0 : i32
    %dma_start3A_107 = tpu.memref_slice %arg3[%add3A_79, %dma_start3A_106] : memref<2048x1024xf32, #tpu.memory_space<hbm>> -> memref<4x1024xf32, #tpu.memory_space<hbm>>
    %dma_start3A_108 = tpu.memref_slice %arg7[%dma_start3A_101] : memref<6x!tpu.dma_semaphore, #tpu.memory_space<semaphore_mem>> -> memref<1x!tpu.dma_semaphore, #tpu.memory_space<semaphore_mem>>
    %dma_start3A_109 = tpu.memref_squeeze %dma_start3A_108 : memref<1x!tpu.dma_semaphore, #tpu.memory_space<semaphore_mem>> -> memref<!tpu.dma_semaphore, #tpu.memory_space<semaphore_mem>>
    %dma_start3A_110 = arith.constant 0 : i32
    %dma_start3A_111 = arith.constant 0 : i32
    %dma_start3A_112 = tpu.memref_slice %arg6[%dma_start3A_100, %dma_start3A_110, %dma_start3A_111] : memref<6x4x1024xf32, #tpu.memory_space<vmem>> -> memref<1x4x1024xf32, #tpu.memory_space<vmem>>
    %dma_start3A_113 = tpu.memref_squeeze %dma_start3A_112 : memref<1x4x1024xf32, #tpu.memory_space<vmem>> -> memref<4x1024xf32, #tpu.memory_space<vmem>>
    %dma_start3A_114 = arith.constant 0 : i32
    %dma_start3A_115 = tpu.memref_slice %arg3[%add3A_79, %dma_start3A_114] : memref<2048x1024xf32, #tpu.memory_space<hbm>> -> memref<4x1024xf32, #tpu.memory_space<hbm>>
    tpu.enqueue_dma source(%dma_start3A_115 : memref<4x1024xf32, #tpu.memory_space<hbm>>) target(%dma_start3A_113 : memref<4x1024xf32, #tpu.memory_space<vmem>>) target_semaphore(%dma_start3A_109 : memref<!tpu.dma_semaphore, #tpu.memory_space<semaphore_mem>>)
    %add3A_116 = arith.constant 12 : i32
    %add3A_117 = arith.addi %mul3A_2, %add3A_116 : i32
    %dma_start3A_118 = arith.constant 3 : i32
    %dma_start3A_119 = arith.constant 3 : i32
    %dma_start3A_120 = arith.constant 0 : i32
    %dma_start3A_121 = arith.constant 0 : i32
    %dma_start3A_122 = arith.constant 0 : i32
    %dma_start3A_123 = tpu.memref_slice %arg5[%dma_start3A_118, %dma_start3A_120, %dma_start3A_121, %dma_start3A_122] : memref<6x4x4x1024xf32, #tpu.memory_space<vmem>> -> memref<1x4x4x1024xf32, #tpu.memory_space<vmem>>
    %dma_start3A_124 = tpu.memref_squeeze %dma_start3A_123 : memref<1x4x4x1024xf32, #tpu.memory_space<vmem>> -> memref<4x4x1024xf32, #tpu.memory_space<vmem>>
    %dma_start3A_125 = arith.constant 0 : i32
    %dma_start3A_126 = arith.constant 0 : i32
    %dma_start3A_127 = tpu.memref_slice %arg2[%add3A_117, %dma_start3A_125, %dma_start3A_126] : memref<2048x4x1024xf32, #tpu.memory_space<hbm>> -> memref<4x4x1024xf32, #tpu.memory_space<hbm>>
    %dma_start3A_128 = tpu.memref_slice %arg7[%dma_start3A_119] : memref<6x!tpu.dma_semaphore, #tpu.memory_space<semaphore_mem>> -> memref<1x!tpu.dma_semaphore, #tpu.memory_space<semaphore_mem>>
    %dma_start3A_129 = tpu.memref_squeeze %dma_start3A_128 : memref<1x!tpu.dma_semaphore, #tpu.memory_space<semaphore_mem>> -> memref<!tpu.dma_semaphore, #tpu.memory_space<semaphore_mem>>
    %dma_start3A_130 = arith.constant 0 : i32
    %dma_start3A_131 = arith.constant 0 : i32
    %dma_start3A_132 = arith.constant 0 : i32
    %dma_start3A_133 = tpu.memref_slice %arg5[%dma_start3A_118, %dma_start3A_130, %dma_start3A_131, %dma_start3A_132] : memref<6x4x4x1024xf32, #tpu.memory_space<vmem>> -> memref<1x4x4x1024xf32, #tpu.memory_space<vmem>>
    %dma_start3A_134 = tpu.memref_squeeze %dma_start3A_133 : memref<1x4x4x1024xf32, #tpu.memory_space<vmem>> -> memref<4x4x1024xf32, #tpu.memory_space<vmem>>
    %dma_start3A_135 = arith.constant 0 : i32
    %dma_start3A_136 = arith.constant 0 : i32
    %dma_start3A_137 = tpu.memref_slice %arg2[%add3A_117, %dma_start3A_135, %dma_start3A_136] : memref<2048x4x1024xf32, #tpu.memory_space<hbm>> -> memref<4x4x1024xf32, #tpu.memory_space<hbm>>
    tpu.enqueue_dma source(%dma_start3A_137 : memref<4x4x1024xf32, #tpu.memory_space<hbm>>) target(%dma_start3A_134 : memref<4x4x1024xf32, #tpu.memory_space<vmem>>) target_semaphore(%dma_start3A_129 : memref<!tpu.dma_semaphore, #tpu.memory_space<semaphore_mem>>)
    %dma_start3A_138 = arith.constant 3 : i32
    %dma_start3A_139 = arith.constant 3 : i32
    %dma_start3A_140 = arith.constant 0 : i32
    %dma_start3A_141 = arith.constant 0 : i32
    %dma_start3A_142 = tpu.memref_slice %arg6[%dma_start3A_138, %dma_start3A_140, %dma_start3A_141] : memref<6x4x1024xf32, #tpu.memory_space<vmem>> -> memref<1x4x1024xf32, #tpu.memory_space<vmem>>
    %dma_start3A_143 = tpu.memref_squeeze %dma_start3A_142 : memref<1x4x1024xf32, #tpu.memory_space<vmem>> -> memref<4x1024xf32, #tpu.memory_space<vmem>>
    %dma_start3A_144 = arith.constant 0 : i32
    %dma_start3A_145 = tpu.memref_slice %arg3[%add3A_117, %dma_start3A_144] : memref<2048x1024xf32, #tpu.memory_space<hbm>> -> memref<4x1024xf32, #tpu.memory_space<hbm>>
    %dma_start3A_146 = tpu.memref_slice %arg7[%dma_start3A_139] : memref<6x!tpu.dma_semaphore, #tpu.memory_space<semaphore_mem>> -> memref<1x!tpu.dma_semaphore, #tpu.memory_space<semaphore_mem>>
    %dma_start3A_147 = tpu.memref_squeeze %dma_start3A_146 : memref<1x!tpu.dma_semaphore, #tpu.memory_space<semaphore_mem>> -> memref<!tpu.dma_semaphore, #tpu.memory_space<semaphore_mem>>
    %dma_start3A_148 = arith.constant 0 : i32
    %dma_start3A_149 = arith.constant 0 : i32
    %dma_start3A_150 = tpu.memref_slice %arg6[%dma_start3A_138, %dma_start3A_148, %dma_start3A_149] : memref<6x4x1024xf32, #tpu.memory_space<vmem>> -> memref<1x4x1024xf32, #tpu.memory_space<vmem>>
    %dma_start3A_151 = tpu.memref_squeeze %dma_start3A_150 : memref<1x4x1024xf32, #tpu.memory_space<vmem>> -> memref<4x1024xf32, #tpu.memory_space<vmem>>
    %dma_start3A_152 = arith.constant 0 : i32
    %dma_start3A_153 = tpu.memref_slice %arg3[%add3A_117, %dma_start3A_152] : memref<2048x1024xf32, #tpu.memory_space<hbm>> -> memref<4x1024xf32, #tpu.memory_space<hbm>>
    tpu.enqueue_dma source(%dma_start3A_153 : memref<4x1024xf32, #tpu.memory_space<hbm>>) target(%dma_start3A_151 : memref<4x1024xf32, #tpu.memory_space<vmem>>) target_semaphore(%dma_start3A_147 : memref<!tpu.dma_semaphore, #tpu.memory_space<semaphore_mem>>)
    %dma_wait3A = arith.constant 0 : i32
    %dma_wait3A_154 = arith.constant 0 : i32
    %dma_wait3A_155 = arith.constant 0 : i32
    %dma_wait3A_156 = arith.constant 0 : i32
    %dma_wait3A_157 = arith.constant 0 : i32
    %dma_wait3A_158 = tpu.memref_slice %arg5[%dma_wait3A, %dma_wait3A_155, %dma_wait3A_156, %dma_wait3A_157] : memref<6x4x4x1024xf32, #tpu.memory_space<vmem>> -> memref<1x4x4x1024xf32, #tpu.memory_space<vmem>>
    %dma_wait3A_159 = tpu.memref_squeeze %dma_wait3A_158 : memref<1x4x4x1024xf32, #tpu.memory_space<vmem>> -> memref<4x4x1024xf32, #tpu.memory_space<vmem>>
    %dma_wait3A_160 = arith.constant 0 : i32
    %dma_wait3A_161 = arith.constant 0 : i32
    %dma_wait3A_162 = tpu.memref_slice %arg2[%add3A_4, %dma_wait3A_160, %dma_wait3A_161] : memref<2048x4x1024xf32, #tpu.memory_space<hbm>> -> memref<4x4x1024xf32, #tpu.memory_space<hbm>>
    %dma_wait3A_163 = tpu.memref_slice %arg7[%dma_wait3A_154] : memref<6x!tpu.dma_semaphore, #tpu.memory_space<semaphore_mem>> -> memref<1x!tpu.dma_semaphore, #tpu.memory_space<semaphore_mem>>
    %dma_wait3A_164 = tpu.memref_squeeze %dma_wait3A_163 : memref<1x!tpu.dma_semaphore, #tpu.memory_space<semaphore_mem>> -> memref<!tpu.dma_semaphore, #tpu.memory_space<semaphore_mem>>
    %dma_wait3A_165 = arith.constant 0 : i32
    %dma_wait3A_166 = arith.constant 0 : i32
    %dma_wait3A_167 = arith.constant 0 : i32
    %dma_wait3A_168 = tpu.memref_slice %arg5[%dma_wait3A, %dma_wait3A_165, %dma_wait3A_166, %dma_wait3A_167] : memref<6x4x4x1024xf32, #tpu.memory_space<vmem>> -> memref<1x4x4x1024xf32, #tpu.memory_space<vmem>>
    %dma_wait3A_169 = tpu.memref_squeeze %dma_wait3A_168 : memref<1x4x4x1024xf32, #tpu.memory_space<vmem>> -> memref<4x4x1024xf32, #tpu.memory_space<vmem>>
    %dma_wait3A_170 = arith.constant 0 : i32
    %dma_wait3A_171 = arith.constant 0 : i32
    %dma_wait3A_172 = tpu.memref_slice %arg2[%add3A_4, %dma_wait3A_170, %dma_wait3A_171] : memref<2048x4x1024xf32, #tpu.memory_space<hbm>> -> memref<4x4x1024xf32, #tpu.memory_space<hbm>>
    tpu.wait_dma2 semaphore(%dma_wait3A_164 : memref<!tpu.dma_semaphore, #tpu.memory_space<semaphore_mem>>) src(%dma_wait3A_172 : memref<4x4x1024xf32, #tpu.memory_space<hbm>>) dst(%dma_wait3A_169 : memref<4x4x1024xf32, #tpu.memory_space<vmem>>)
    %dma_wait3A_173 = arith.constant 0 : i32
    %dma_wait3A_174 = arith.constant 0 : i32
    %dma_wait3A_175 = arith.constant 0 : i32
    %dma_wait3A_176 = arith.constant 0 : i32
    %dma_wait3A_177 = tpu.memref_slice %arg6[%dma_wait3A_173, %dma_wait3A_175, %dma_wait3A_176] : memref<6x4x1024xf32, #tpu.memory_space<vmem>> -> memref<1x4x1024xf32, #tpu.memory_space<vmem>>
    %dma_wait3A_178 = tpu.memref_squeeze %dma_wait3A_177 : memref<1x4x1024xf32, #tpu.memory_space<vmem>> -> memref<4x1024xf32, #tpu.memory_space<vmem>>
    %dma_wait3A_179 = arith.constant 0 : i32
    %dma_wait3A_180 = tpu.memref_slice %arg3[%add3A_4, %dma_wait3A_179] : memref<2048x1024xf32, #tpu.memory_space<hbm>> -> memref<4x1024xf32, #tpu.memory_space<hbm>>
    %dma_wait3A_181 = tpu.memref_slice %arg7[%dma_wait3A_174] : memref<6x!tpu.dma_semaphore, #tpu.memory_space<semaphore_mem>> -> memref<1x!tpu.dma_semaphore, #tpu.memory_space<semaphore_mem>>
    %dma_wait3A_182 = tpu.memref_squeeze %dma_wait3A_181 : memref<1x!tpu.dma_semaphore, #tpu.memory_space<semaphore_mem>> -> memref<!tpu.dma_semaphore, #tpu.memory_space<semaphore_mem>>
    %dma_wait3A_183 = arith.constant 0 : i32
    %dma_wait3A_184 = arith.constant 0 : i32
    %dma_wait3A_185 = tpu.memref_slice %arg6[%dma_wait3A_173, %dma_wait3A_183, %dma_wait3A_184] : memref<6x4x1024xf32, #tpu.memory_space<vmem>> -> memref<1x4x1024xf32, #tpu.memory_space<vmem>>
    %dma_wait3A_186 = tpu.memref_squeeze %dma_wait3A_185 : memref<1x4x1024xf32, #tpu.memory_space<vmem>> -> memref<4x1024xf32, #tpu.memory_space<vmem>>
    %dma_wait3A_187 = arith.constant 0 : i32
    %dma_wait3A_188 = tpu.memref_slice %arg3[%add3A_4, %dma_wait3A_187] : memref<2048x1024xf32, #tpu.memory_space<hbm>> -> memref<4x1024xf32, #tpu.memory_space<hbm>>
    tpu.wait_dma2 semaphore(%dma_wait3A_182 : memref<!tpu.dma_semaphore, #tpu.memory_space<semaphore_mem>>) src(%dma_wait3A_188 : memref<4x1024xf32, #tpu.memory_space<hbm>>) dst(%dma_wait3A_186 : memref<4x1024xf32, #tpu.memory_space<vmem>>)
    %parallel_loop3A = arith.constant 0 : i32
    %parallel_loop3A_189 = arith.constant 256 : i32
    %parallel_loop3A_190 = arith.constant 1 : i32
    scf.for %parallel_loop3A_1904 = %parallel_loop3A to %parallel_loop3A_189 step %parallel_loop3A_190  : i32 {
      %parallel_loop3A_1905 = arith.constant 6 : i32
      %parallel_loop3A_1906 = arith.shrui %parallel_loop3A_1904, %parallel_loop3A_1905 : i32
      %parallel_loop3A_1907 = arith.constant 63 : i32
      %parallel_loop3A_1908 = arith.andi %parallel_loop3A_1904, %parallel_loop3A_1907 : i32
      %parallel_loop3A_1909 = arith.constant 16 : i32
      %parallel_loop3A_1910 = arith.muli %parallel_loop3A_1908, %parallel_loop3A_1909 : i32
      %parallel_loop3A_1911 = arith.constant 0 : i32
      %parallel_loop3A_1912 = arith.index_cast %parallel_loop3A_1911 : i32 to index
      %parallel_loop3A_1913 = arith.index_cast %parallel_loop3A_1906 : i32 to index
      %parallel_loop3A_1914 = arith.index_cast %parallel_loop3A_1910 : i32 to index
      %parallel_loop3A_1915 = tpu.vector_load %arg6[%parallel_loop3A_1912, %parallel_loop3A_1913, %parallel_loop3A_1914] {strides = array<i32>} : memref<6x4x1024xf32, #tpu.memory_space<vmem>>, vector<1x1x16xf32>,
      %parallel_loop3A_1916 = vector.shape_cast %parallel_loop3A_1915 : vector<1x1x16xf32> to vector<16xf32>
      %parallel_loop3A_1917 = arith.constant 0 : i32
      %parallel_loop3A_1918 = arith.constant 0 : i32
      %parallel_loop3A_1919 = arith.index_cast %parallel_loop3A_1917 : i32 to index
      %parallel_loop3A_1920 = arith.index_cast %parallel_loop3A_1906 : i32 to index
      %parallel_loop3A_1921 = arith.index_cast %parallel_loop3A_1918 : i32 to index
      %parallel_loop3A_1922 = arith.index_cast %parallel_loop3A_1910 : i32 to index
      %parallel_loop3A_1923 = tpu.vector_load %arg5[%parallel_loop3A_1919, %parallel_loop3A_1920, %parallel_loop3A_1921, %parallel_loop3A_1922] {strides = array<i32>} : memref<6x4x4x1024xf32, #tpu.memory_space<vmem>>, vector<1x1x1x16xf32>,
      %parallel_loop3A_1924 = vector.shape_cast %parallel_loop3A_1923 : vector<1x1x1x16xf32> to vector<16xf32>
      %parallel_loop3A_1925 = arith.addf %parallel_loop3A_1924, %parallel_loop3A_1916 : vector<16xf32>
      %parallel_loop3A_1926 = arith.constant 0 : i32
      %parallel_loop3A_1927 = arith.constant 0 : i32
      %parallel_loop3A_1928 = arith.index_cast %parallel_loop3A_1926 : i32 to index
      %parallel_loop3A_1929 = arith.index_cast %parallel_loop3A_1906 : i32 to index
      %parallel_loop3A_1930 = arith.index_cast %parallel_loop3A_1927 : i32 to index
      %parallel_loop3A_1931 = arith.index_cast %parallel_loop3A_1910 : i32 to index
      %parallel_loop3A_1932 = tpu.vector_load %arg5[%parallel_loop3A_1928, %parallel_loop3A_1929, %parallel_loop3A_1930, %parallel_loop3A_1931] {strides = array<i32>} : memref<6x4x4x1024xf32, #tpu.memory_space<vmem>>, vector<1x1x1x16xf32>,
      %parallel_loop3A_1933 = vector.shape_cast %parallel_loop3A_1932 : vector<1x1x1x16xf32> to vector<16xf32>
      %parallel_loop3A_1934 = vector.shape_cast %parallel_loop3A_1925 : vector<16xf32> to vector<1x1x1x16xf32>
      tpu.vector_store %arg5[%parallel_loop3A_1928, %parallel_loop3A_1929, %parallel_loop3A_1930, %parallel_loop3A_1931], %parallel_loop3A_1934 {strides = array<i32>} : memref<6x4x4x1024xf32, #tpu.memory_space<vmem>>, vector<1x1x1x16xf32>,
      %parallel_loop3A_1935 = arith.constant 0 : i32
      %parallel_loop3A_1936 = arith.constant 1 : i32
      %parallel_loop3A_1937 = arith.index_cast %parallel_loop3A_1935 : i32 to index
      %parallel_loop3A_1938 = arith.index_cast %parallel_loop3A_1906 : i32 to index
      %parallel_loop3A_1939 = arith.index_cast %parallel_loop3A_1936 : i32 to index
      %parallel_loop3A_1940 = arith.index_cast %parallel_loop3A_1910 : i32 to index
      %parallel_loop3A_1941 = tpu.vector_load %arg5[%parallel_loop3A_1937, %parallel_loop3A_1938, %parallel_loop3A_1939, %parallel_loop3A_1940] {strides = array<i32>} : memref<6x4x4x1024xf32, #tpu.memory_space<vmem>>, vector<1x1x1x16xf32>,
      %parallel_loop3A_1942 = vector.shape_cast %parallel_loop3A_1941 : vector<1x1x1x16xf32> to vector<16xf32>
      %parallel_loop3A_1943 = arith.addf %parallel_loop3A_1942, %parallel_loop3A_1916 : vector<16xf32>
      %parallel_loop3A_1944 = arith.constant 0 : i32
      %parallel_loop3A_1945 = arith.constant 1 : i32
      %parallel_loop3A_1946 = arith.index_cast %parallel_loop3A_1944 : i32 to index
      %parallel_loop3A_1947 = arith.index_cast %parallel_loop3A_1906 : i32 to index
      %parallel_loop3A_1948 = arith.index_cast %parallel_loop3A_1945 : i32 to index
      %parallel_loop3A_1949 = arith.index_cast %parallel_loop3A_1910 : i32 to index
      %parallel_loop3A_1950 = tpu.vector_load %arg5[%parallel_loop3A_1946, %parallel_loop3A_1947, %parallel_loop3A_1948, %parallel_loop3A_1949] {strides = array<i32>} : memref<6x4x4x1024xf32, #tpu.memory_space<vmem>>, vector<1x1x1x16xf32>,
      %parallel_loop3A_1951 = vector.shape_cast %parallel_loop3A_1950 : vector<1x1x1x16xf32> to vector<16xf32>
      %parallel_loop3A_1952 = vector.shape_cast %parallel_loop3A_1943 : vector<16xf32> to vector<1x1x1x16xf32>
      tpu.vector_store %arg5[%parallel_loop3A_1946, %parallel_loop3A_1947, %parallel_loop3A_1948, %parallel_loop3A_1949], %parallel_loop3A_1952 {strides = array<i32>} : memref<6x4x4x1024xf32, #tpu.memory_space<vmem>>, vector<1x1x1x16xf32>,
      %parallel_loop3A_1953 = arith.constant 0 : i32
      %parallel_loop3A_1954 = arith.constant 2 : i32
      %parallel_loop3A_1955 = arith.index_cast %parallel_loop3A_1953 : i32 to index
      %parallel_loop3A_1956 = arith.index_cast %parallel_loop3A_1906 : i32 to index
      %parallel_loop3A_1957 = arith.index_cast %parallel_loop3A_1954 : i32 to index
      %parallel_loop3A_1958 = arith.index_cast %parallel_loop3A_1910 : i32 to index
      %parallel_loop3A_1959 = tpu.vector_load %arg5[%parallel_loop3A_1955, %parallel_loop3A_1956, %parallel_loop3A_1957, %parallel_loop3A_1958] {strides = array<i32>} : memref<6x4x4x1024xf32, #tpu.memory_space<vmem>>, vector<1x1x1x16xf32>,
      %parallel_loop3A_1960 = vector.shape_cast %parallel_loop3A_1959 : vector<1x1x1x16xf32> to vector<16xf32>
      %parallel_loop3A_1961 = arith.addf %parallel_loop3A_1960, %parallel_loop3A_1916 : vector<16xf32>
      %parallel_loop3A_1962 = arith.constant 0 : i32
      %parallel_loop3A_1963 = arith.constant 2 : i32
      %parallel_loop3A_1964 = arith.index_cast %parallel_loop3A_1962 : i32 to index
      %parallel_loop3A_1965 = arith.index_cast %parallel_loop3A_1906 : i32 to index
      %parallel_loop3A_1966 = arith.index_cast %parallel_loop3A_1963 : i32 to index
      %parallel_loop3A_1967 = arith.index_cast %parallel_loop3A_1910 : i32 to index
      %parallel_loop3A_1968 = tpu.vector_load %arg5[%parallel_loop3A_1964, %parallel_loop3A_1965, %parallel_loop3A_1966, %parallel_loop3A_1967] {strides = array<i32>} : memref<6x4x4x1024xf32, #tpu.memory_space<vmem>>, vector<1x1x1x16xf32>,
      %parallel_loop3A_1969 = vector.shape_cast %parallel_loop3A_1968 : vector<1x1x1x16xf32> to vector<16xf32>
      %parallel_loop3A_1970 = vector.shape_cast %parallel_loop3A_1961 : vector<16xf32> to vector<1x1x1x16xf32>
      tpu.vector_store %arg5[%parallel_loop3A_1964, %parallel_loop3A_1965, %parallel_loop3A_1966, %parallel_loop3A_1967], %parallel_loop3A_1970 {strides = array<i32>} : memref<6x4x4x1024xf32, #tpu.memory_space<vmem>>, vector<1x1x1x16xf32>,
      %parallel_loop3A_1971 = arith.constant 0 : i32
      %parallel_loop3A_1972 = arith.constant 3 : i32
      %parallel_loop3A_1973 = arith.index_cast %parallel_loop3A_1971 : i32 to index
      %parallel_loop3A_1974 = arith.index_cast %parallel_loop3A_1906 : i32 to index
      %parallel_loop3A_1975 = arith.index_cast %parallel_loop3A_1972 : i32 to index
      %parallel_loop3A_1976 = arith.index_cast %parallel_loop3A_1910 : i32 to index
      %parallel_loop3A_1977 = tpu.vector_load %arg5[%parallel_loop3A_1973, %parallel_loop3A_1974, %parallel_loop3A_1975, %parallel_loop3A_1976] {strides = array<i32>} : memref<6x4x4x1024xf32, #tpu.memory_space<vmem>>, vector<1x1x1x16xf32>,
      %parallel_loop3A_1978 = vector.shape_cast %parallel_loop3A_1977 : vector<1x1x1x16xf32> to vector<16xf32>
      %parallel_loop3A_1979 = arith.addf %parallel_loop3A_1978, %parallel_loop3A_1916 : vector<16xf32>
      %parallel_loop3A_1980 = arith.constant 0 : i32
      %parallel_loop3A_1981 = arith.constant 3 : i32
      %parallel_loop3A_1982 = arith.index_cast %parallel_loop3A_1980 : i32 to index
      %parallel_loop3A_1983 = arith.index_cast %parallel_loop3A_1906 : i32 to index
      %parallel_loop3A_1984 = arith.index_cast %parallel_loop3A_1981 : i32 to index
      %parallel_loop3A_1985 = arith.index_cast %parallel_loop3A_1910 : i32 to index
      %parallel_loop3A_1986 = tpu.vector_load %arg5[%parallel_loop3A_1982, %parallel_loop3A_1983, %parallel_loop3A_1984, %parallel_loop3A_1985] {strides = array<i32>} : memref<6x4x4x1024xf32, #tpu.memory_space<vmem>>, vector<1x1x1x16xf32>,
      %parallel_loop3A_1987 = vector.shape_cast %parallel_loop3A_1986 : vector<1x1x1x16xf32> to vector<16xf32>
      %parallel_loop3A_1988 = vector.shape_cast %parallel_loop3A_1979 : vector<16xf32> to vector<1x1x1x16xf32>
      tpu.vector_store %arg5[%parallel_loop3A_1982, %parallel_loop3A_1983, %parallel_loop3A_1984, %parallel_loop3A_1985], %parallel_loop3A_1988 {strides = array<i32>} : memref<6x4x4x1024xf32, #tpu.memory_space<vmem>>, vector<1x1x1x16xf32>,
    } {sc.loop_unroll_factor = 4 : i64, sc.parallel_access}
    %add3A_191 = arith.constant 0 : i32
    %add3A_192 = arith.addi %mul3A_2, %add3A_191 : i32
    %dma_start3A_193 = arith.constant 0 : i32
    %dma_start3A_194 = arith.constant 0 : i32
    %dma_start3A_195 = arith.constant 0 : i32
    %dma_start3A_196 = arith.constant 0 : i32
    %dma_start3A_197 = arith.constant 0 : i32
    %dma_start3A_198 = tpu.memref_slice %arg5[%dma_start3A_193, %dma_start3A_195, %dma_start3A_196, %dma_start3A_197] : memref<6x4x4x1024xf32, #tpu.memory_space<vmem>> -> memref<1x4x4x1024xf32, #tpu.memory_space<vmem>>
    %dma_start3A_199 = tpu.memref_squeeze %dma_start3A_198 : memref<1x4x4x1024xf32, #tpu.memory_space<vmem>> -> memref<4x4x1024xf32, #tpu.memory_space<vmem>>
    %dma_start3A_200 = arith.constant 0 : i32
    %dma_start3A_201 = arith.constant 0 : i32
    %dma_start3A_202 = tpu.memref_slice %arg4[%add3A_192, %dma_start3A_200, %dma_start3A_201] : memref<2048x4x1024xf32, #tpu.memory_space<hbm>> -> memref<4x4x1024xf32, #tpu.memory_space<hbm>>
    %dma_start3A_203 = tpu.memref_slice %arg8[%dma_start3A_194] : memref<6x!tpu.dma_semaphore, #tpu.memory_space<semaphore_mem>> -> memref<1x!tpu.dma_semaphore, #tpu.memory_space<semaphore_mem>>
    %dma_start3A_204 = tpu.memref_squeeze %dma_start3A_203 : memref<1x!tpu.dma_semaphore, #tpu.memory_space<semaphore_mem>> -> memref<!tpu.dma_semaphore, #tpu.memory_space<semaphore_mem>>
    %dma_start3A_205 = arith.constant 0 : i32
    %dma_start3A_206 = arith.constant 0 : i32
    %dma_start3A_207 = tpu.memref_slice %arg4[%add3A_192, %dma_start3A_205, %dma_start3A_206] : memref<2048x4x1024xf32, #tpu.memory_space<hbm>> -> memref<4x4x1024xf32, #tpu.memory_space<hbm>>
    %dma_start3A_208 = arith.constant 0 : i32
    %dma_start3A_209 = arith.constant 0 : i32
    %dma_start3A_210 = arith.constant 0 : i32
    %dma_start3A_211 = tpu.memref_slice %arg5[%dma_start3A_193, %dma_start3A_208, %dma_start3A_209, %dma_start3A_210] : memref<6x4x4x1024xf32, #tpu.memory_space<vmem>> -> memref<1x4x4x1024xf32, #tpu.memory_space<vmem>>
    %dma_start3A_212 = tpu.memref_squeeze %dma_start3A_211 : memref<1x4x4x1024xf32, #tpu.memory_space<vmem>> -> memref<4x4x1024xf32, #tpu.memory_space<vmem>>
    tpu.enqueue_dma source(%dma_start3A_212 : memref<4x4x1024xf32, #tpu.memory_space<vmem>>) target(%dma_start3A_207 : memref<4x4x1024xf32, #tpu.memory_space<hbm>>) target_semaphore(%dma_start3A_204 : memref<!tpu.dma_semaphore, #tpu.memory_space<semaphore_mem>>)
    %add3A_213 = arith.constant 16 : i32
    %add3A_214 = arith.addi %mul3A_2, %add3A_213 : i32
    %dma_start3A_215 = arith.constant 4 : i32
    %dma_start3A_216 = arith.constant 4 : i32
    %dma_start3A_217 = arith.constant 0 : i32
    %dma_start3A_218 = arith.constant 0 : i32
    %dma_start3A_219 = arith.constant 0 : i32
    %dma_start3A_220 = tpu.memref_slice %arg5[%dma_start3A_215, %dma_start3A_217, %dma_start3A_218, %dma_start3A_219] : memref<6x4x4x1024xf32, #tpu.memory_space<vmem>> -> memref<1x4x4x1024xf32, #tpu.memory_space<vmem>>
    %dma_start3A_221 = tpu.memref_squeeze %dma_start3A_220 : memref<1x4x4x1024xf32, #tpu.memory_space<vmem>> -> memref<4x4x1024xf32, #tpu.memory_space<vmem>>
    %dma_start3A_222 = arith.constant 0 : i32
    %dma_start3A_223 = arith.constant 0 : i32
    %dma_start3A_224 = tpu.memref_slice %arg2[%add3A_214, %dma_start3A_222, %dma_start3A_223] : memref<2048x4x1024xf32, #tpu.memory_space<hbm>> -> memref<4x4x1024xf32, #tpu.memory_space<hbm>>
    %dma_start3A_225 = tpu.memref_slice %arg7[%dma_start3A_216] : memref<6x!tpu.dma_semaphore, #tpu.memory_space<semaphore_mem>> -> memref<1x!tpu.dma_semaphore, #tpu.memory_space<semaphore_mem>>
    %dma_start3A_226 = tpu.memref_squeeze %dma_start3A_225 : memref<1x!tpu.dma_semaphore, #tpu.memory_space<semaphore_mem>> -> memref<!tpu.dma_semaphore, #tpu.memory_space<semaphore_mem>>
    %dma_start3A_227 = arith.constant 0 : i32
    %dma_start3A_228 = arith.constant 0 : i32
    %dma_start3A_229 = arith.constant 0 : i32
    %dma_start3A_230 = tpu.memref_slice %arg5[%dma_start3A_215, %dma_start3A_227, %dma_start3A_228, %dma_start3A_229] : memref<6x4x4x1024xf32, #tpu.memory_space<vmem>> -> memref<1x4x4x1024xf32, #tpu.memory_space<vmem>>
    %dma_start3A_231 = tpu.memref_squeeze %dma_start3A_230 : memref<1x4x4x1024xf32, #tpu.memory_space<vmem>> -> memref<4x4x1024xf32, #tpu.memory_space<vmem>>
    %dma_start3A_232 = arith.constant 0 : i32
    %dma_start3A_233 = arith.constant 0 : i32
    %dma_start3A_234 = tpu.memref_slice %arg2[%add3A_214, %dma_start3A_232, %dma_start3A_233] : memref<2048x4x1024xf32, #tpu.memory_space<hbm>> -> memref<4x4x1024xf32, #tpu.memory_space<hbm>>
    tpu.enqueue_dma source(%dma_start3A_234 : memref<4x4x1024xf32, #tpu.memory_space<hbm>>) target(%dma_start3A_231 : memref<4x4x1024xf32, #tpu.memory_space<vmem>>) target_semaphore(%dma_start3A_226 : memref<!tpu.dma_semaphore, #tpu.memory_space<semaphore_mem>>)
    %dma_start3A_235 = arith.constant 4 : i32
    %dma_start3A_236 = arith.constant 4 : i32
    %dma_start3A_237 = arith.constant 0 : i32
    %dma_start3A_238 = arith.constant 0 : i32
    %dma_start3A_239 = tpu.memref_slice %arg6[%dma_start3A_235, %dma_start3A_237, %dma_start3A_238] : memref<6x4x1024xf32, #tpu.memory_space<vmem>> -> memref<1x4x1024xf32, #tpu.memory_space<vmem>>
    %dma_start3A_240 = tpu.memref_squeeze %dma_start3A_239 : memref<1x4x1024xf32, #tpu.memory_space<vmem>> -> memref<4x1024xf32, #tpu.memory_space<vmem>>
    %dma_start3A_241 = arith.constant 0 : i32
    %dma_start3A_242 = tpu.memref_slice %arg3[%add3A_214, %dma_start3A_241] : memref<2048x1024xf32, #tpu.memory_space<hbm>> -> memref<4x1024xf32, #tpu.memory_space<hbm>>
    %dma_start3A_243 = tpu.memref_slice %arg7[%dma_start3A_236] : memref<6x!tpu.dma_semaphore, #tpu.memory_space<semaphore_mem>> -> memref<1x!tpu.dma_semaphore, #tpu.memory_space<semaphore_mem>>
    %dma_start3A_244 = tpu.memref_squeeze %dma_start3A_243 : memref<1x!tpu.dma_semaphore, #tpu.memory_space<semaphore_mem>> -> memref<!tpu.dma_semaphore, #tpu.memory_space<semaphore_mem>>
    %dma_start3A_245 = arith.constant 0 : i32
    %dma_start3A_246 = arith.constant 0 : i32
    %dma_start3A_247 = tpu.memref_slice %arg6[%dma_start3A_235, %dma_start3A_245, %dma_start3A_246] : memref<6x4x1024xf32, #tpu.memory_space<vmem>> -> memref<1x4x1024xf32, #tpu.memory_space<vmem>>
    %dma_start3A_248 = tpu.memref_squeeze %dma_start3A_247 : memref<1x4x1024xf32, #tpu.memory_space<vmem>> -> memref<4x1024xf32, #tpu.memory_space<vmem>>
    %dma_start3A_249 = arith.constant 0 : i32
    %dma_start3A_250 = tpu.memref_slice %arg3[%add3A_214, %dma_start3A_249] : memref<2048x1024xf32, #tpu.memory_space<hbm>> -> memref<4x1024xf32, #tpu.memory_space<hbm>>
    tpu.enqueue_dma source(%dma_start3A_250 : memref<4x1024xf32, #tpu.memory_space<hbm>>) target(%dma_start3A_248 : memref<4x1024xf32, #tpu.memory_space<vmem>>) target_semaphore(%dma_start3A_244 : memref<!tpu.dma_semaphore, #tpu.memory_space<semaphore_mem>>)
    %dma_wait3A_251 = arith.constant 1 : i32
    %dma_wait3A_252 = arith.constant 1 : i32
    %dma_wait3A_253 = arith.constant 0 : i32
    %dma_wait3A_254 = arith.constant 0 : i32
    %dma_wait3A_255 = arith.constant 0 : i32
    %dma_wait3A_256 = tpu.memref_slice %arg5[%dma_wait3A_251, %dma_wait3A_253, %dma_wait3A_254, %dma_wait3A_255] : memref<6x4x4x1024xf32, #tpu.memory_space<vmem>> -> memref<1x4x4x1024xf32, #tpu.memory_space<vmem>>
    %dma_wait3A_257 = tpu.memref_squeeze %dma_wait3A_256 : memref<1x4x4x1024xf32, #tpu.memory_space<vmem>> -> memref<4x4x1024xf32, #tpu.memory_space<vmem>>
    %dma_wait3A_258 = arith.constant 0 : i32
    %dma_wait3A_259 = arith.constant 0 : i32
    %dma_wait3A_260 = tpu.memref_slice %arg2[%add3A_41, %dma_wait3A_258, %dma_wait3A_259] : memref<2048x4x1024xf32, #tpu.memory_space<hbm>> -> memref<4x4x1024xf32, #tpu.memory_space<hbm>>
    %dma_wait3A_261 = tpu.memref_slice %arg7[%dma_wait3A_252] : memref<6x!tpu.dma_semaphore, #tpu.memory_space<semaphore_mem>> -> memref<1x!tpu.dma_semaphore, #tpu.memory_space<semaphore_mem>>
    %dma_wait3A_262 = tpu.memref_squeeze %dma_wait3A_261 : memref<1x!tpu.dma_semaphore, #tpu.memory_space<semaphore_mem>> -> memref<!tpu.dma_semaphore, #tpu.memory_space<semaphore_mem>>
    %dma_wait3A_263 = arith.constant 0 : i32
    %dma_wait3A_264 = arith.constant 0 : i32
    %dma_wait3A_265 = arith.constant 0 : i32
    %dma_wait3A_266 = tpu.memref_slice %arg5[%dma_wait3A_251, %dma_wait3A_263, %dma_wait3A_264, %dma_wait3A_265] : memref<6x4x4x1024xf32, #tpu.memory_space<vmem>> -> memref<1x4x4x1024xf32, #tpu.memory_space<vmem>>
    %dma_wait3A_267 = tpu.memref_squeeze %dma_wait3A_266 : memref<1x4x4x1024xf32, #tpu.memory_space<vmem>> -> memref<4x4x1024xf32, #tpu.memory_space<vmem>>
    %dma_wait3A_268 = arith.constant 0 : i32
    %dma_wait3A_269 = arith.constant 0 : i32
    %dma_wait3A_270 = tpu.memref_slice %arg2[%add3A_41, %dma_wait3A_268, %dma_wait3A_269] : memref<2048x4x1024xf32, #tpu.memory_space<hbm>> -> memref<4x4x1024xf32, #tpu.memory_space<hbm>>
    tpu.wait_dma2 semaphore(%dma_wait3A_262 : memref<!tpu.dma_semaphore, #tpu.memory_space<semaphore_mem>>) src(%dma_wait3A_270 : memref<4x4x1024xf32, #tpu.memory_space<hbm>>) dst(%dma_wait3A_267 : memref<4x4x1024xf32, #tpu.memory_space<vmem>>)
    %dma_wait3A_271 = arith.constant 1 : i32
    %dma_wait3A_272 = arith.constant 1 : i32
    %dma_wait3A_273 = arith.constant 0 : i32
    %dma_wait3A_274 = arith.constant 0 : i32
    %dma_wait3A_275 = tpu.memref_slice %arg6[%dma_wait3A_271, %dma_wait3A_273, %dma_wait3A_274] : memref<6x4x1024xf32, #tpu.memory_space<vmem>> -> memref<1x4x1024xf32, #tpu.memory_space<vmem>>
    %dma_wait3A_276 = tpu.memref_squeeze %dma_wait3A_275 : memref<1x4x1024xf32, #tpu.memory_space<vmem>> -> memref<4x1024xf32, #tpu.memory_space<vmem>>
    %dma_wait3A_277 = arith.constant 0 : i32
    %dma_wait3A_278 = tpu.memref_slice %arg3[%add3A_41, %dma_wait3A_277] : memref<2048x1024xf32, #tpu.memory_space<hbm>> -> memref<4x1024xf32, #tpu.memory_space<hbm>>
    %dma_wait3A_279 = tpu.memref_slice %arg7[%dma_wait3A_272] : memref<6x!tpu.dma_semaphore, #tpu.memory_space<semaphore_mem>> -> memref<1x!tpu.dma_semaphore, #tpu.memory_space<semaphore_mem>>
    %dma_wait3A_280 = tpu.memref_squeeze %dma_wait3A_279 : memref<1x!tpu.dma_semaphore, #tpu.memory_space<semaphore_mem>> -> memref<!tpu.dma_semaphore, #tpu.memory_space<semaphore_mem>>
    %dma_wait3A_281 = arith.constant 0 : i32
    %dma_wait3A_282 = arith.constant 0 : i32
    %dma_wait3A_283 = tpu.memref_slice %arg6[%dma_wait3A_271, %dma_wait3A_281, %dma_wait3A_282] : memref<6x4x1024xf32, #tpu.memory_space<vmem>> -> memref<1x4x1024xf32, #tpu.memory_space<vmem>>
    %dma_wait3A_284 = tpu.memref_squeeze %dma_wait3A_283 : memref<1x4x1024xf32, #tpu.memory_space<vmem>> -> memref<4x1024xf32, #tpu.memory_space<vmem>>
    %dma_wait3A_285 = arith.constant 0 : i32
    %dma_wait3A_286 = tpu.memref_slice %arg3[%add3A_41, %dma_wait3A_285] : memref<2048x1024xf32, #tpu.memory_space<hbm>> -> memref<4x1024xf32, #tpu.memory_space<hbm>>
    tpu.wait_dma2 semaphore(%dma_wait3A_280 : memref<!tpu.dma_semaphore, #tpu.memory_space<semaphore_mem>>) src(%dma_wait3A_286 : memref<4x1024xf32, #tpu.memory_space<hbm>>) dst(%dma_wait3A_284 : memref<4x1024xf32, #tpu.memory_space<vmem>>)
    %parallel_loop3A_287 = arith.constant 0 : i32
    %parallel_loop3A_288 = arith.constant 256 : i32
    %parallel_loop3A_289 = arith.constant 1 : i32
    scf.for %parallel_loop3A_1904 = %parallel_loop3A_287 to %parallel_loop3A_288 step %parallel_loop3A_289  : i32 {
      %parallel_loop3A_1905 = arith.constant 6 : i32
      %parallel_loop3A_1906 = arith.shrui %parallel_loop3A_1904, %parallel_loop3A_1905 : i32
      %parallel_loop3A_1907 = arith.constant 63 : i32
      %parallel_loop3A_1908 = arith.andi %parallel_loop3A_1904, %parallel_loop3A_1907 : i32
      %parallel_loop3A_1909 = arith.constant 16 : i32
      %parallel_loop3A_1910 = arith.muli %parallel_loop3A_1908, %parallel_loop3A_1909 : i32
      %parallel_loop3A_1911 = arith.constant 1 : i32
      %parallel_loop3A_1912 = arith.index_cast %parallel_loop3A_1911 : i32 to index
      %parallel_loop3A_1913 = arith.index_cast %parallel_loop3A_1906 : i32 to index
      %parallel_loop3A_1914 = arith.index_cast %parallel_loop3A_1910 : i32 to index
      %parallel_loop3A_1915 = tpu.vector_load %arg6[%parallel_loop3A_1912, %parallel_loop3A_1913, %parallel_loop3A_1914] {strides = array<i32>} : memref<6x4x1024xf32, #tpu.memory_space<vmem>>, vector<1x1x16xf32>,
      %parallel_loop3A_1916 = vector.shape_cast %parallel_loop3A_1915 : vector<1x1x16xf32> to vector<16xf32>
      %parallel_loop3A_1917 = arith.constant 1 : i32
      %parallel_loop3A_1918 = arith.constant 0 : i32
      %parallel_loop3A_1919 = arith.index_cast %parallel_loop3A_1917 : i32 to index
      %parallel_loop3A_1920 = arith.index_cast %parallel_loop3A_1906 : i32 to index
      %parallel_loop3A_1921 = arith.index_cast %parallel_loop3A_1918 : i32 to index
      %parallel_loop3A_1922 = arith.index_cast %parallel_loop3A_1910 : i32 to index
      %parallel_loop3A_1923 = tpu.vector_load %arg5[%parallel_loop3A_1919, %parallel_loop3A_1920, %parallel_loop3A_1921, %parallel_loop3A_1922] {strides = array<i32>} : memref<6x4x4x1024xf32, #tpu.memory_space<vmem>>, vector<1x1x1x16xf32>,
      %parallel_loop3A_1924 = vector.shape_cast %parallel_loop3A_1923 : vector<1x1x1x16xf32> to vector<16xf32>
      %parallel_loop3A_1925 = arith.addf %parallel_loop3A_1924, %parallel_loop3A_1916 : vector<16xf32>
      %parallel_loop3A_1926 = arith.constant 1 : i32
      %parallel_loop3A_1927 = arith.constant 0 : i32
      %parallel_loop3A_1928 = arith.index_cast %parallel_loop3A_1926 : i32 to index
      %parallel_loop3A_1929 = arith.index_cast %parallel_loop3A_1906 : i32 to index
      %parallel_loop3A_1930 = arith.index_cast %parallel_loop3A_1927 : i32 to index
      %parallel_loop3A_1931 = arith.index_cast %parallel_loop3A_1910 : i32 to index
      %parallel_loop3A_1932 = tpu.vector_load %arg5[%parallel_loop3A_1928, %parallel_loop3A_1929, %parallel_loop3A_1930, %parallel_loop3A_1931] {strides = array<i32>} : memref<6x4x4x1024xf32, #tpu.memory_space<vmem>>, vector<1x1x1x16xf32>,
      %parallel_loop3A_1933 = vector.shape_cast %parallel_loop3A_1932 : vector<1x1x1x16xf32> to vector<16xf32>
      %parallel_loop3A_1934 = vector.shape_cast %parallel_loop3A_1925 : vector<16xf32> to vector<1x1x1x16xf32>
      tpu.vector_store %arg5[%parallel_loop3A_1928, %parallel_loop3A_1929, %parallel_loop3A_1930, %parallel_loop3A_1931], %parallel_loop3A_1934 {strides = array<i32>} : memref<6x4x4x1024xf32, #tpu.memory_space<vmem>>, vector<1x1x1x16xf32>,
      %parallel_loop3A_1935 = arith.constant 1 : i32
      %parallel_loop3A_1936 = arith.constant 1 : i32
      %parallel_loop3A_1937 = arith.index_cast %parallel_loop3A_1935 : i32 to index
      %parallel_loop3A_1938 = arith.index_cast %parallel_loop3A_1906 : i32 to index
      %parallel_loop3A_1939 = arith.index_cast %parallel_loop3A_1936 : i32 to index
      %parallel_loop3A_1940 = arith.index_cast %parallel_loop3A_1910 : i32 to index
      %parallel_loop3A_1941 = tpu.vector_load %arg5[%parallel_loop3A_1937, %parallel_loop3A_1938, %parallel_loop3A_1939, %parallel_loop3A_1940] {strides = array<i32>} : memref<6x4x4x1024xf32, #tpu.memory_space<vmem>>, vector<1x1x1x16xf32>,
      %parallel_loop3A_1942 = vector.shape_cast %parallel_loop3A_1941 : vector<1x1x1x16xf32> to vector<16xf32>
      %parallel_loop3A_1943 = arith.addf %parallel_loop3A_1942, %parallel_loop3A_1916 : vector<16xf32>
      %parallel_loop3A_1944 = arith.constant 1 : i32
      %parallel_loop3A_1945 = arith.constant 1 : i32
      %parallel_loop3A_1946 = arith.index_cast %parallel_loop3A_1944 : i32 to index
      %parallel_loop3A_1947 = arith.index_cast %parallel_loop3A_1906 : i32 to index
      %parallel_loop3A_1948 = arith.index_cast %parallel_loop3A_1945 : i32 to index
      %parallel_loop3A_1949 = arith.index_cast %parallel_loop3A_1910 : i32 to index
      %parallel_loop3A_1950 = tpu.vector_load %arg5[%parallel_loop3A_1946, %parallel_loop3A_1947, %parallel_loop3A_1948, %parallel_loop3A_1949] {strides = array<i32>} : memref<6x4x4x1024xf32, #tpu.memory_space<vmem>>, vector<1x1x1x16xf32>,
      %parallel_loop3A_1951 = vector.shape_cast %parallel_loop3A_1950 : vector<1x1x1x16xf32> to vector<16xf32>
      %parallel_loop3A_1952 = vector.shape_cast %parallel_loop3A_1943 : vector<16xf32> to vector<1x1x1x16xf32>
      tpu.vector_store %arg5[%parallel_loop3A_1946, %parallel_loop3A_1947, %parallel_loop3A_1948, %parallel_loop3A_1949], %parallel_loop3A_1952 {strides = array<i32>} : memref<6x4x4x1024xf32, #tpu.memory_space<vmem>>, vector<1x1x1x16xf32>,
      %parallel_loop3A_1953 = arith.constant 1 : i32
      %parallel_loop3A_1954 = arith.constant 2 : i32
      %parallel_loop3A_1955 = arith.index_cast %parallel_loop3A_1953 : i32 to index
      %parallel_loop3A_1956 = arith.index_cast %parallel_loop3A_1906 : i32 to index
      %parallel_loop3A_1957 = arith.index_cast %parallel_loop3A_1954 : i32 to index
      %parallel_loop3A_1958 = arith.index_cast %parallel_loop3A_1910 : i32 to index
      %parallel_loop3A_1959 = tpu.vector_load %arg5[%parallel_loop3A_1955, %parallel_loop3A_1956, %parallel_loop3A_1957, %parallel_loop3A_1958] {strides = array<i32>} : memref<6x4x4x1024xf32, #tpu.memory_space<vmem>>, vector<1x1x1x16xf32>,
      %parallel_loop3A_1960 = vector.shape_cast %parallel_loop3A_1959 : vector<1x1x1x16xf32> to vector<16xf32>
      %parallel_loop3A_1961 = arith.addf %parallel_loop3A_1960, %parallel_loop3A_1916 : vector<16xf32>
      %parallel_loop3A_1962 = arith.constant 1 : i32
      %parallel_loop3A_1963 = arith.constant 2 : i32
      %parallel_loop3A_1964 = arith.index_cast %parallel_loop3A_1962 : i32 to index
      %parallel_loop3A_1965 = arith.index_cast %parallel_loop3A_1906 : i32 to index
      %parallel_loop3A_1966 = arith.index_cast %parallel_loop3A_1963 : i32 to index
      %parallel_loop3A_1967 = arith.index_cast %parallel_loop3A_1910 : i32 to index
      %parallel_loop3A_1968 = tpu.vector_load %arg5[%parallel_loop3A_1964, %parallel_loop3A_1965, %parallel_loop3A_1966, %parallel_loop3A_1967] {strides = array<i32>} : memref<6x4x4x1024xf32, #tpu.memory_space<vmem>>, vector<1x1x1x16xf32>,
      %parallel_loop3A_1969 = vector.shape_cast %parallel_loop3A_1968 : vector<1x1x1x16xf32> to vector<16xf32>
      %parallel_loop3A_1970 = vector.shape_cast %parallel_loop3A_1961 : vector<16xf32> to vector<1x1x1x16xf32>
      tpu.vector_store %arg5[%parallel_loop3A_1964, %parallel_loop3A_1965, %parallel_loop3A_1966, %parallel_loop3A_1967], %parallel_loop3A_1970 {strides = array<i32>} : memref<6x4x4x1024xf32, #tpu.memory_space<vmem>>, vector<1x1x1x16xf32>,
      %parallel_loop3A_1971 = arith.constant 1 : i32
      %parallel_loop3A_1972 = arith.constant 3 : i32
      %parallel_loop3A_1973 = arith.index_cast %parallel_loop3A_1971 : i32 to index
      %parallel_loop3A_1974 = arith.index_cast %parallel_loop3A_1906 : i32 to index
      %parallel_loop3A_1975 = arith.index_cast %parallel_loop3A_1972 : i32 to index
      %parallel_loop3A_1976 = arith.index_cast %parallel_loop3A_1910 : i32 to index
      %parallel_loop3A_1977 = tpu.vector_load %arg5[%parallel_loop3A_1973, %parallel_loop3A_1974, %parallel_loop3A_1975, %parallel_loop3A_1976] {strides = array<i32>} : memref<6x4x4x1024xf32, #tpu.memory_space<vmem>>, vector<1x1x1x16xf32>,
      %parallel_loop3A_1978 = vector.shape_cast %parallel_loop3A_1977 : vector<1x1x1x16xf32> to vector<16xf32>
      %parallel_loop3A_1979 = arith.addf %parallel_loop3A_1978, %parallel_loop3A_1916 : vector<16xf32>
      %parallel_loop3A_1980 = arith.constant 1 : i32
      %parallel_loop3A_1981 = arith.constant 3 : i32
      %parallel_loop3A_1982 = arith.index_cast %parallel_loop3A_1980 : i32 to index
      %parallel_loop3A_1983 = arith.index_cast %parallel_loop3A_1906 : i32 to index
      %parallel_loop3A_1984 = arith.index_cast %parallel_loop3A_1981 : i32 to index
      %parallel_loop3A_1985 = arith.index_cast %parallel_loop3A_1910 : i32 to index
      %parallel_loop3A_1986 = tpu.vector_load %arg5[%parallel_loop3A_1982, %parallel_loop3A_1983, %parallel_loop3A_1984, %parallel_loop3A_1985] {strides = array<i32>} : memref<6x4x4x1024xf32, #tpu.memory_space<vmem>>, vector<1x1x1x16xf32>,
      %parallel_loop3A_1987 = vector.shape_cast %parallel_loop3A_1986 : vector<1x1x1x16xf32> to vector<16xf32>
      %parallel_loop3A_1988 = vector.shape_cast %parallel_loop3A_1979 : vector<16xf32> to vector<1x1x1x16xf32>
      tpu.vector_store %arg5[%parallel_loop3A_1982, %parallel_loop3A_1983, %parallel_loop3A_1984, %parallel_loop3A_1985], %parallel_loop3A_1988 {strides = array<i32>} : memref<6x4x4x1024xf32, #tpu.memory_space<vmem>>, vector<1x1x1x16xf32>,
    } {sc.loop_unroll_factor = 4 : i64, sc.parallel_access}
    %add3A_290 = arith.constant 4 : i32
    %add3A_291 = arith.addi %mul3A_2, %add3A_290 : i32
    %dma_start3A_292 = arith.constant 1 : i32
    %dma_start3A_293 = arith.constant 1 : i32
    %dma_start3A_294 = arith.constant 0 : i32
    %dma_start3A_295 = arith.constant 0 : i32
    %dma_start3A_296 = arith.constant 0 : i32
    %dma_start3A_297 = tpu.memref_slice %arg5[%dma_start3A_292, %dma_start3A_294, %dma_start3A_295, %dma_start3A_296] : memref<6x4x4x1024xf32, #tpu.memory_space<vmem>> -> memref<1x4x4x1024xf32, #tpu.memory_space<vmem>>
    %dma_start3A_298 = tpu.memref_squeeze %dma_start3A_297 : memref<1x4x4x1024xf32, #tpu.memory_space<vmem>> -> memref<4x4x1024xf32, #tpu.memory_space<vmem>>
    %dma_start3A_299 = arith.constant 0 : i32
    %dma_start3A_300 = arith.constant 0 : i32
    %dma_start3A_301 = tpu.memref_slice %arg4[%add3A_291, %dma_start3A_299, %dma_start3A_300] : memref<2048x4x1024xf32, #tpu.memory_space<hbm>> -> memref<4x4x1024xf32, #tpu.memory_space<hbm>>
    %dma_start3A_302 = tpu.memref_slice %arg8[%dma_start3A_293] : memref<6x!tpu.dma_semaphore, #tpu.memory_space<semaphore_mem>> -> memref<1x!tpu.dma_semaphore, #tpu.memory_space<semaphore_mem>>
    %dma_start3A_303 = tpu.memref_squeeze %dma_start3A_302 : memref<1x!tpu.dma_semaphore, #tpu.memory_space<semaphore_mem>> -> memref<!tpu.dma_semaphore, #tpu.memory_space<semaphore_mem>>
    %dma_start3A_304 = arith.constant 0 : i32
    %dma_start3A_305 = arith.constant 0 : i32
    %dma_start3A_306 = tpu.memref_slice %arg4[%add3A_291, %dma_start3A_304, %dma_start3A_305] : memref<2048x4x1024xf32, #tpu.memory_space<hbm>> -> memref<4x4x1024xf32, #tpu.memory_space<hbm>>
    %dma_start3A_307 = arith.constant 0 : i32
    %dma_start3A_308 = arith.constant 0 : i32
    %dma_start3A_309 = arith.constant 0 : i32
    %dma_start3A_310 = tpu.memref_slice %arg5[%dma_start3A_292, %dma_start3A_307, %dma_start3A_308, %dma_start3A_309] : memref<6x4x4x1024xf32, #tpu.memory_space<vmem>> -> memref<1x4x4x1024xf32, #tpu.memory_space<vmem>>
    %dma_start3A_311 = tpu.memref_squeeze %dma_start3A_310 : memref<1x4x4x1024xf32, #tpu.memory_space<vmem>> -> memref<4x4x1024xf32, #tpu.memory_space<vmem>>
    tpu.enqueue_dma source(%dma_start3A_311 : memref<4x4x1024xf32, #tpu.memory_space<vmem>>) target(%dma_start3A_306 : memref<4x4x1024xf32, #tpu.memory_space<hbm>>) target_semaphore(%dma_start3A_303 : memref<!tpu.dma_semaphore, #tpu.memory_space<semaphore_mem>>)
    %add3A_312 = arith.constant 20 : i32
    %add3A_313 = arith.addi %mul3A_2, %add3A_312 : i32
    %dma_start3A_314 = arith.constant 5 : i32
    %dma_start3A_315 = arith.constant 5 : i32
    %dma_start3A_316 = arith.constant 0 : i32
    %dma_start3A_317 = arith.constant 0 : i32
    %dma_start3A_318 = arith.constant 0 : i32
    %dma_start3A_319 = tpu.memref_slice %arg5[%dma_start3A_314, %dma_start3A_316, %dma_start3A_317, %dma_start3A_318] : memref<6x4x4x1024xf32, #tpu.memory_space<vmem>> -> memref<1x4x4x1024xf32, #tpu.memory_space<vmem>>
    %dma_start3A_320 = tpu.memref_squeeze %dma_start3A_319 : memref<1x4x4x1024xf32, #tpu.memory_space<vmem>> -> memref<4x4x1024xf32, #tpu.memory_space<vmem>>
    %dma_start3A_321 = arith.constant 0 : i32
    %dma_start3A_322 = arith.constant 0 : i32
    %dma_start3A_323 = tpu.memref_slice %arg2[%add3A_313, %dma_start3A_321, %dma_start3A_322] : memref<2048x4x1024xf32, #tpu.memory_space<hbm>> -> memref<4x4x1024xf32, #tpu.memory_space<hbm>>
    %dma_start3A_324 = tpu.memref_slice %arg7[%dma_start3A_315] : memref<6x!tpu.dma_semaphore, #tpu.memory_space<semaphore_mem>> -> memref<1x!tpu.dma_semaphore, #tpu.memory_space<semaphore_mem>>
    %dma_start3A_325 = tpu.memref_squeeze %dma_start3A_324 : memref<1x!tpu.dma_semaphore, #tpu.memory_space<semaphore_mem>> -> memref<!tpu.dma_semaphore, #tpu.memory_space<semaphore_mem>>
    %dma_start3A_326 = arith.constant 0 : i32
    %dma_start3A_327 = arith.constant 0 : i32
    %dma_start3A_328 = arith.constant 0 : i32
    %dma_start3A_329 = tpu.memref_slice %arg5[%dma_start3A_314, %dma_start3A_326, %dma_start3A_327, %dma_start3A_328] : memref<6x4x4x1024xf32, #tpu.memory_space<vmem>> -> memref<1x4x4x1024xf32, #tpu.memory_space<vmem>>
    %dma_start3A_330 = tpu.memref_squeeze %dma_start3A_329 : memref<1x4x4x1024xf32, #tpu.memory_space<vmem>> -> memref<4x4x1024xf32, #tpu.memory_space<vmem>>
    %dma_start3A_331 = arith.constant 0 : i32
    %dma_start3A_332 = arith.constant 0 : i32
    %dma_start3A_333 = tpu.memref_slice %arg2[%add3A_313, %dma_start3A_331, %dma_start3A_332] : memref<2048x4x1024xf32, #tpu.memory_space<hbm>> -> memref<4x4x1024xf32, #tpu.memory_space<hbm>>
    tpu.enqueue_dma source(%dma_start3A_333 : memref<4x4x1024xf32, #tpu.memory_space<hbm>>) target(%dma_start3A_330 : memref<4x4x1024xf32, #tpu.memory_space<vmem>>) target_semaphore(%dma_start3A_325 : memref<!tpu.dma_semaphore, #tpu.memory_space<semaphore_mem>>)
    %dma_start3A_334 = arith.constant 5 : i32
    %dma_start3A_335 = arith.constant 5 : i32
    %dma_start3A_336 = arith.constant 0 : i32
    %dma_start3A_337 = arith.constant 0 : i32
    %dma_start3A_338 = tpu.memref_slice %arg6[%dma_start3A_334, %dma_start3A_336, %dma_start3A_337] : memref<6x4x1024xf32, #tpu.memory_space<vmem>> -> memref<1x4x1024xf32, #tpu.memory_space<vmem>>
    %dma_start3A_339 = tpu.memref_squeeze %dma_start3A_338 : memref<1x4x1024xf32, #tpu.memory_space<vmem>> -> memref<4x1024xf32, #tpu.memory_space<vmem>>
    %dma_start3A_340 = arith.constant 0 : i32
    %dma_start3A_341 = tpu.memref_slice %arg3[%add3A_313, %dma_start3A_340] : memref<2048x1024xf32, #tpu.memory_space<hbm>> -> memref<4x1024xf32, #tpu.memory_space<hbm>>
    %dma_start3A_342 = tpu.memref_slice %arg7[%dma_start3A_335] : memref<6x!tpu.dma_semaphore, #tpu.memory_space<semaphore_mem>> -> memref<1x!tpu.dma_semaphore, #tpu.memory_space<semaphore_mem>>
    %dma_start3A_343 = tpu.memref_squeeze %dma_start3A_342 : memref<1x!tpu.dma_semaphore, #tpu.memory_space<semaphore_mem>> -> memref<!tpu.dma_semaphore, #tpu.memory_space<semaphore_mem>>
    %dma_start3A_344 = arith.constant 0 : i32
    %dma_start3A_345 = arith.constant 0 : i32
    %dma_start3A_346 = tpu.memref_slice %arg6[%dma_start3A_334, %dma_start3A_344, %dma_start3A_345] : memref<6x4x1024xf32, #tpu.memory_space<vmem>> -> memref<1x4x1024xf32, #tpu.memory_space<vmem>>
    %dma_start3A_347 = tpu.memref_squeeze %dma_start3A_346 : memref<1x4x1024xf32, #tpu.memory_space<vmem>> -> memref<4x1024xf32, #tpu.memory_space<vmem>>
    %dma_start3A_348 = arith.constant 0 : i32
    %dma_start3A_349 = tpu.memref_slice %arg3[%add3A_313, %dma_start3A_348] : memref<2048x1024xf32, #tpu.memory_space<hbm>> -> memref<4x1024xf32, #tpu.memory_space<hbm>>
    tpu.enqueue_dma source(%dma_start3A_349 : memref<4x1024xf32, #tpu.memory_space<hbm>>) target(%dma_start3A_347 : memref<4x1024xf32, #tpu.memory_space<vmem>>) target_semaphore(%dma_start3A_343 : memref<!tpu.dma_semaphore, #tpu.memory_space<semaphore_mem>>)
    %dma_wait3A_350 = arith.constant 2 : i32
    %dma_wait3A_351 = arith.constant 2 : i32
    %dma_wait3A_352 = arith.constant 0 : i32
    %dma_wait3A_353 = arith.constant 0 : i32
    %dma_wait3A_354 = arith.constant 0 : i32
    %dma_wait3A_355 = tpu.memref_slice %arg5[%dma_wait3A_350, %dma_wait3A_352, %dma_wait3A_353, %dma_wait3A_354] : memref<6x4x4x1024xf32, #tpu.memory_space<vmem>> -> memref<1x4x4x1024xf32, #tpu.memory_space<vmem>>
    %dma_wait3A_356 = tpu.memref_squeeze %dma_wait3A_355 : memref<1x4x4x1024xf32, #tpu.memory_space<vmem>> -> memref<4x4x1024xf32, #tpu.memory_space<vmem>>
    %dma_wait3A_357 = arith.constant 0 : i32
    %dma_wait3A_358 = arith.constant 0 : i32
    %dma_wait3A_359 = tpu.memref_slice %arg2[%add3A_79, %dma_wait3A_357, %dma_wait3A_358] : memref<2048x4x1024xf32, #tpu.memory_space<hbm>> -> memref<4x4x1024xf32, #tpu.memory_space<hbm>>
    %dma_wait3A_360 = tpu.memref_slice %arg7[%dma_wait3A_351] : memref<6x!tpu.dma_semaphore, #tpu.memory_space<semaphore_mem>> -> memref<1x!tpu.dma_semaphore, #tpu.memory_space<semaphore_mem>>
    %dma_wait3A_361 = tpu.memref_squeeze %dma_wait3A_360 : memref<1x!tpu.dma_semaphore, #tpu.memory_space<semaphore_mem>> -> memref<!tpu.dma_semaphore, #tpu.memory_space<semaphore_mem>>
    %dma_wait3A_362 = arith.constant 0 : i32
    %dma_wait3A_363 = arith.constant 0 : i32
    %dma_wait3A_364 = arith.constant 0 : i32
    %dma_wait3A_365 = tpu.memref_slice %arg5[%dma_wait3A_350, %dma_wait3A_362, %dma_wait3A_363, %dma_wait3A_364] : memref<6x4x4x1024xf32, #tpu.memory_space<vmem>> -> memref<1x4x4x1024xf32, #tpu.memory_space<vmem>>
    %dma_wait3A_366 = tpu.memref_squeeze %dma_wait3A_365 : memref<1x4x4x1024xf32, #tpu.memory_space<vmem>> -> memref<4x4x1024xf32, #tpu.memory_space<vmem>>
    %dma_wait3A_367 = arith.constant 0 : i32
    %dma_wait3A_368 = arith.constant 0 : i32
    %dma_wait3A_369 = tpu.memref_slice %arg2[%add3A_79, %dma_wait3A_367, %dma_wait3A_368] : memref<2048x4x1024xf32, #tpu.memory_space<hbm>> -> memref<4x4x1024xf32, #tpu.memory_space<hbm>>
    tpu.wait_dma2 semaphore(%dma_wait3A_361 : memref<!tpu.dma_semaphore, #tpu.memory_space<semaphore_mem>>) src(%dma_wait3A_369 : memref<4x4x1024xf32, #tpu.memory_space<hbm>>) dst(%dma_wait3A_366 : memref<4x4x1024xf32, #tpu.memory_space<vmem>>)
    %dma_wait3A_370 = arith.constant 2 : i32
    %dma_wait3A_371 = arith.constant 2 : i32
    %dma_wait3A_372 = arith.constant 0 : i32
    %dma_wait3A_373 = arith.constant 0 : i32
    %dma_wait3A_374 = tpu.memref_slice %arg6[%dma_wait3A_370, %dma_wait3A_372, %dma_wait3A_373] : memref<6x4x1024xf32, #tpu.memory_space<vmem>> -> memref<1x4x1024xf32, #tpu.memory_space<vmem>>
    %dma_wait3A_375 = tpu.memref_squeeze %dma_wait3A_374 : memref<1x4x1024xf32, #tpu.memory_space<vmem>> -> memref<4x1024xf32, #tpu.memory_space<vmem>>
    %dma_wait3A_376 = arith.constant 0 : i32
    %dma_wait3A_377 = tpu.memref_slice %arg3[%add3A_79, %dma_wait3A_376] : memref<2048x1024xf32, #tpu.memory_space<hbm>> -> memref<4x1024xf32, #tpu.memory_space<hbm>>
    %dma_wait3A_378 = tpu.memref_slice %arg7[%dma_wait3A_371] : memref<6x!tpu.dma_semaphore, #tpu.memory_space<semaphore_mem>> -> memref<1x!tpu.dma_semaphore, #tpu.memory_space<semaphore_mem>>
    %dma_wait3A_379 = tpu.memref_squeeze %dma_wait3A_378 : memref<1x!tpu.dma_semaphore, #tpu.memory_space<semaphore_mem>> -> memref<!tpu.dma_semaphore, #tpu.memory_space<semaphore_mem>>
    %dma_wait3A_380 = arith.constant 0 : i32
    %dma_wait3A_381 = arith.constant 0 : i32
    %dma_wait3A_382 = tpu.memref_slice %arg6[%dma_wait3A_370, %dma_wait3A_380, %dma_wait3A_381] : memref<6x4x1024xf32, #tpu.memory_space<vmem>> -> memref<1x4x1024xf32, #tpu.memory_space<vmem>>
    %dma_wait3A_383 = tpu.memref_squeeze %dma_wait3A_382 : memref<1x4x1024xf32, #tpu.memory_space<vmem>> -> memref<4x1024xf32, #tpu.memory_space<vmem>>
    %dma_wait3A_384 = arith.constant 0 : i32
    %dma_wait3A_385 = tpu.memref_slice %arg3[%add3A_79, %dma_wait3A_384] : memref<2048x1024xf32, #tpu.memory_space<hbm>> -> memref<4x1024xf32, #tpu.memory_space<hbm>>
    tpu.wait_dma2 semaphore(%dma_wait3A_379 : memref<!tpu.dma_semaphore, #tpu.memory_space<semaphore_mem>>) src(%dma_wait3A_385 : memref<4x1024xf32, #tpu.memory_space<hbm>>) dst(%dma_wait3A_383 : memref<4x1024xf32, #tpu.memory_space<vmem>>)
    %parallel_loop3A_386 = arith.constant 0 : i32
    %parallel_loop3A_387 = arith.constant 256 : i32
    %parallel_loop3A_388 = arith.constant 1 : i32
    scf.for %parallel_loop3A_1904 = %parallel_loop3A_386 to %parallel_loop3A_387 step %parallel_loop3A_388  : i32 {
      %parallel_loop3A_1905 = arith.constant 6 : i32
      %parallel_loop3A_1906 = arith.shrui %parallel_loop3A_1904, %parallel_loop3A_1905 : i32
      %parallel_loop3A_1907 = arith.constant 63 : i32
      %parallel_loop3A_1908 = arith.andi %parallel_loop3A_1904, %parallel_loop3A_1907 : i32
      %parallel_loop3A_1909 = arith.constant 16 : i32
      %parallel_loop3A_1910 = arith.muli %parallel_loop3A_1908, %parallel_loop3A_1909 : i32
      %parallel_loop3A_1911 = arith.constant 2 : i32
      %parallel_loop3A_1912 = arith.index_cast %parallel_loop3A_1911 : i32 to index
      %parallel_loop3A_1913 = arith.index_cast %parallel_loop3A_1906 : i32 to index
      %parallel_loop3A_1914 = arith.index_cast %parallel_loop3A_1910 : i32 to index
      %parallel_loop3A_1915 = tpu.vector_load %arg6[%parallel_loop3A_1912, %parallel_loop3A_1913, %parallel_loop3A_1914] {strides = array<i32>} : memref<6x4x1024xf32, #tpu.memory_space<vmem>>, vector<1x1x16xf32>,
      %parallel_loop3A_1916 = vector.shape_cast %parallel_loop3A_1915 : vector<1x1x16xf32> to vector<16xf32>
      %parallel_loop3A_1917 = arith.constant 2 : i32
      %parallel_loop3A_1918 = arith.constant 0 : i32
      %parallel_loop3A_1919 = arith.index_cast %parallel_loop3A_1917 : i32 to index
      %parallel_loop3A_1920 = arith.index_cast %parallel_loop3A_1906 : i32 to index
      %parallel_loop3A_1921 = arith.index_cast %parallel_loop3A_1918 : i32 to index
      %parallel_loop3A_1922 = arith.index_cast %parallel_loop3A_1910 : i32 to index
      %parallel_loop3A_1923 = tpu.vector_load %arg5[%parallel_loop3A_1919, %parallel_loop3A_1920, %parallel_loop3A_1921, %parallel_loop3A_1922] {strides = array<i32>} : memref<6x4x4x1024xf32, #tpu.memory_space<vmem>>, vector<1x1x1x16xf32>,
      %parallel_loop3A_1924 = vector.shape_cast %parallel_loop3A_1923 : vector<1x1x1x16xf32> to vector<16xf32>
      %parallel_loop3A_1925 = arith.addf %parallel_loop3A_1924, %parallel_loop3A_1916 : vector<16xf32>
      %parallel_loop3A_1926 = arith.constant 2 : i32
      %parallel_loop3A_1927 = arith.constant 0 : i32
      %parallel_loop3A_1928 = arith.index_cast %parallel_loop3A_1926 : i32 to index
      %parallel_loop3A_1929 = arith.index_cast %parallel_loop3A_1906 : i32 to index
      %parallel_loop3A_1930 = arith.index_cast %parallel_loop3A_1927 : i32 to index
      %parallel_loop3A_1931 = arith.index_cast %parallel_loop3A_1910 : i32 to index
      %parallel_loop3A_1932 = tpu.vector_load %arg5[%parallel_loop3A_1928, %parallel_loop3A_1929, %parallel_loop3A_1930, %parallel_loop3A_1931] {strides = array<i32>} : memref<6x4x4x1024xf32, #tpu.memory_space<vmem>>, vector<1x1x1x16xf32>,
      %parallel_loop3A_1933 = vector.shape_cast %parallel_loop3A_1932 : vector<1x1x1x16xf32> to vector<16xf32>
      %parallel_loop3A_1934 = vector.shape_cast %parallel_loop3A_1925 : vector<16xf32> to vector<1x1x1x16xf32>
      tpu.vector_store %arg5[%parallel_loop3A_1928, %parallel_loop3A_1929, %parallel_loop3A_1930, %parallel_loop3A_1931], %parallel_loop3A_1934 {strides = array<i32>} : memref<6x4x4x1024xf32, #tpu.memory_space<vmem>>, vector<1x1x1x16xf32>,
      %parallel_loop3A_1935 = arith.constant 2 : i32
      %parallel_loop3A_1936 = arith.constant 1 : i32
      %parallel_loop3A_1937 = arith.index_cast %parallel_loop3A_1935 : i32 to index
      %parallel_loop3A_1938 = arith.index_cast %parallel_loop3A_1906 : i32 to index
      %parallel_loop3A_1939 = arith.index_cast %parallel_loop3A_1936 : i32 to index
      %parallel_loop3A_1940 = arith.index_cast %parallel_loop3A_1910 : i32 to index
      %parallel_loop3A_1941 = tpu.vector_load %arg5[%parallel_loop3A_1937, %parallel_loop3A_1938, %parallel_loop3A_1939, %parallel_loop3A_1940] {strides = array<i32>} : memref<6x4x4x1024xf32, #tpu.memory_space<vmem>>, vector<1x1x1x16xf32>,
      %parallel_loop3A_1942 = vector.shape_cast %parallel_loop3A_1941 : vector<1x1x1x16xf32> to vector<16xf32>
      %parallel_loop3A_1943 = arith.addf %parallel_loop3A_1942, %parallel_loop3A_1916 : vector<16xf32>
      %parallel_loop3A_1944 = arith.constant 2 : i32
      %parallel_loop3A_1945 = arith.constant 1 : i32
      %parallel_loop3A_1946 = arith.index_cast %parallel_loop3A_1944 : i32 to index
      %parallel_loop3A_1947 = arith.index_cast %parallel_loop3A_1906 : i32 to index
      %parallel_loop3A_1948 = arith.index_cast %parallel_loop3A_1945 : i32 to index
      %parallel_loop3A_1949 = arith.index_cast %parallel_loop3A_1910 : i32 to index
      %parallel_loop3A_1950 = tpu.vector_load %arg5[%parallel_loop3A_1946, %parallel_loop3A_1947, %parallel_loop3A_1948, %parallel_loop3A_1949] {strides = array<i32>} : memref<6x4x4x1024xf32, #tpu.memory_space<vmem>>, vector<1x1x1x16xf32>,
      %parallel_loop3A_1951 = vector.shape_cast %parallel_loop3A_1950 : vector<1x1x1x16xf32> to vector<16xf32>
      %parallel_loop3A_1952 = vector.shape_cast %parallel_loop3A_1943 : vector<16xf32> to vector<1x1x1x16xf32>
      tpu.vector_store %arg5[%parallel_loop3A_1946, %parallel_loop3A_1947, %parallel_loop3A_1948, %parallel_loop3A_1949], %parallel_loop3A_1952 {strides = array<i32>} : memref<6x4x4x1024xf32, #tpu.memory_space<vmem>>, vector<1x1x1x16xf32>,
      %parallel_loop3A_1953 = arith.constant 2 : i32
      %parallel_loop3A_1954 = arith.constant 2 : i32
      %parallel_loop3A_1955 = arith.index_cast %parallel_loop3A_1953 : i32 to index
      %parallel_loop3A_1956 = arith.index_cast %parallel_loop3A_1906 : i32 to index
      %parallel_loop3A_1957 = arith.index_cast %parallel_loop3A_1954 : i32 to index
      %parallel_loop3A_1958 = arith.index_cast %parallel_loop3A_1910 : i32 to index
      %parallel_loop3A_1959 = tpu.vector_load %arg5[%parallel_loop3A_1955, %parallel_loop3A_1956, %parallel_loop3A_1957, %parallel_loop3A_1958] {strides = array<i32>} : memref<6x4x4x1024xf32, #tpu.memory_space<vmem>>, vector<1x1x1x16xf32>,
      %parallel_loop3A_1960 = vector.shape_cast %parallel_loop3A_1959 : vector<1x1x1x16xf32> to vector<16xf32>
      %parallel_loop3A_1961 = arith.addf %parallel_loop3A_1960, %parallel_loop3A_1916 : vector<16xf32>
      %parallel_loop3A_1962 = arith.constant 2 : i32
      %parallel_loop3A_1963 = arith.constant 2 : i32
      %parallel_loop3A_1964 = arith.index_cast %parallel_loop3A_1962 : i32 to index
      %parallel_loop3A_1965 = arith.index_cast %parallel_loop3A_1906 : i32 to index
      %parallel_loop3A_1966 = arith.index_cast %parallel_loop3A_1963 : i32 to index
      %parallel_loop3A_1967 = arith.index_cast %parallel_loop3A_1910 : i32 to index
      %parallel_loop3A_1968 = tpu.vector_load %arg5[%parallel_loop3A_1964, %parallel_loop3A_1965, %parallel_loop3A_1966, %parallel_loop3A_1967] {strides = array<i32>} : memref<6x4x4x1024xf32, #tpu.memory_space<vmem>>, vector<1x1x1x16xf32>,
      %parallel_loop3A_1969 = vector.shape_cast %parallel_loop3A_1968 : vector<1x1x1x16xf32> to vector<16xf32>
      %parallel_loop3A_1970 = vector.shape_cast %parallel_loop3A_1961 : vector<16xf32> to vector<1x1x1x16xf32>
      tpu.vector_store %arg5[%parallel_loop3A_1964, %parallel_loop3A_1965, %parallel_loop3A_1966, %parallel_loop3A_1967], %parallel_loop3A_1970 {strides = array<i32>} : memref<6x4x4x1024xf32, #tpu.memory_space<vmem>>, vector<1x1x1x16xf32>,
      %parallel_loop3A_1971 = arith.constant 2 : i32
      %parallel_loop3A_1972 = arith.constant 3 : i32
      %parallel_loop3A_1973 = arith.index_cast %parallel_loop3A_1971 : i32 to index
      %parallel_loop3A_1974 = arith.index_cast %parallel_loop3A_1906 : i32 to index
      %parallel_loop3A_1975 = arith.index_cast %parallel_loop3A_1972 : i32 to index
      %parallel_loop3A_1976 = arith.index_cast %parallel_loop3A_1910 : i32 to index
      %parallel_loop3A_1977 = tpu.vector_load %arg5[%parallel_loop3A_1973, %parallel_loop3A_1974, %parallel_loop3A_1975, %parallel_loop3A_1976] {strides = array<i32>} : memref<6x4x4x1024xf32, #tpu.memory_space<vmem>>, vector<1x1x1x16xf32>,
      %parallel_loop3A_1978 = vector.shape_cast %parallel_loop3A_1977 : vector<1x1x1x16xf32> to vector<16xf32>
      %parallel_loop3A_1979 = arith.addf %parallel_loop3A_1978, %parallel_loop3A_1916 : vector<16xf32>
      %parallel_loop3A_1980 = arith.constant 2 : i32
      %parallel_loop3A_1981 = arith.constant 3 : i32
      %parallel_loop3A_1982 = arith.index_cast %parallel_loop3A_1980 : i32 to index
      %parallel_loop3A_1983 = arith.index_cast %parallel_loop3A_1906 : i32 to index
      %parallel_loop3A_1984 = arith.index_cast %parallel_loop3A_1981 : i32 to index
      %parallel_loop3A_1985 = arith.index_cast %parallel_loop3A_1910 : i32 to index
      %parallel_loop3A_1986 = tpu.vector_load %arg5[%parallel_loop3A_1982, %parallel_loop3A_1983, %parallel_loop3A_1984, %parallel_loop3A_1985] {strides = array<i32>} : memref<6x4x4x1024xf32, #tpu.memory_space<vmem>>, vector<1x1x1x16xf32>,
      %parallel_loop3A_1987 = vector.shape_cast %parallel_loop3A_1986 : vector<1x1x1x16xf32> to vector<16xf32>
      %parallel_loop3A_1988 = vector.shape_cast %parallel_loop3A_1979 : vector<16xf32> to vector<1x1x1x16xf32>
      tpu.vector_store %arg5[%parallel_loop3A_1982, %parallel_loop3A_1983, %parallel_loop3A_1984, %parallel_loop3A_1985], %parallel_loop3A_1988 {strides = array<i32>} : memref<6x4x4x1024xf32, #tpu.memory_space<vmem>>, vector<1x1x1x16xf32>,
    } {sc.loop_unroll_factor = 4 : i64, sc.parallel_access}
    %add3A_389 = arith.constant 8 : i32
    %add3A_390 = arith.addi %mul3A_2, %add3A_389 : i32
    %dma_start3A_391 = arith.constant 2 : i32
    %dma_start3A_392 = arith.constant 2 : i32
    %dma_start3A_393 = arith.constant 0 : i32
    %dma_start3A_394 = arith.constant 0 : i32
    %dma_start3A_395 = arith.constant 0 : i32
    %dma_start3A_396 = tpu.memref_slice %arg5[%dma_start3A_391, %dma_start3A_393, %dma_start3A_394, %dma_start3A_395] : memref<6x4x4x1024xf32, #tpu.memory_space<vmem>> -> memref<1x4x4x1024xf32, #tpu.memory_space<vmem>>
    %dma_start3A_397 = tpu.memref_squeeze %dma_start3A_396 : memref<1x4x4x1024xf32, #tpu.memory_space<vmem>> -> memref<4x4x1024xf32, #tpu.memory_space<vmem>>
    %dma_start3A_398 = arith.constant 0 : i32
    %dma_start3A_399 = arith.constant 0 : i32
    %dma_start3A_400 = tpu.memref_slice %arg4[%add3A_390, %dma_start3A_398, %dma_start3A_399] : memref<2048x4x1024xf32, #tpu.memory_space<hbm>> -> memref<4x4x1024xf32, #tpu.memory_space<hbm>>
    %dma_start3A_401 = tpu.memref_slice %arg8[%dma_start3A_392] : memref<6x!tpu.dma_semaphore, #tpu.memory_space<semaphore_mem>> -> memref<1x!tpu.dma_semaphore, #tpu.memory_space<semaphore_mem>>
    %dma_start3A_402 = tpu.memref_squeeze %dma_start3A_401 : memref<1x!tpu.dma_semaphore, #tpu.memory_space<semaphore_mem>> -> memref<!tpu.dma_semaphore, #tpu.memory_space<semaphore_mem>>
    %dma_start3A_403 = arith.constant 0 : i32
    %dma_start3A_404 = arith.constant 0 : i32
    %dma_start3A_405 = tpu.memref_slice %arg4[%add3A_390, %dma_start3A_403, %dma_start3A_404] : memref<2048x4x1024xf32, #tpu.memory_space<hbm>> -> memref<4x4x1024xf32, #tpu.memory_space<hbm>>
    %dma_start3A_406 = arith.constant 0 : i32
    %dma_start3A_407 = arith.constant 0 : i32
    %dma_start3A_408 = arith.constant 0 : i32
    %dma_start3A_409 = tpu.memref_slice %arg5[%dma_start3A_391, %dma_start3A_406, %dma_start3A_407, %dma_start3A_408] : memref<6x4x4x1024xf32, #tpu.memory_space<vmem>> -> memref<1x4x4x1024xf32, #tpu.memory_space<vmem>>
    %dma_start3A_410 = tpu.memref_squeeze %dma_start3A_409 : memref<1x4x4x1024xf32, #tpu.memory_space<vmem>> -> memref<4x4x1024xf32, #tpu.memory_space<vmem>>
    tpu.enqueue_dma source(%dma_start3A_410 : memref<4x4x1024xf32, #tpu.memory_space<vmem>>) target(%dma_start3A_405 : memref<4x4x1024xf32, #tpu.memory_space<hbm>>) target_semaphore(%dma_start3A_402 : memref<!tpu.dma_semaphore, #tpu.memory_space<semaphore_mem>>)
    %dma_wait3A_411 = arith.constant 0 : i32
    %dma_wait3A_412 = arith.constant 0 : i32
    %dma_wait3A_413 = arith.constant 0 : i32
    %dma_wait3A_414 = arith.constant 0 : i32
    %dma_wait3A_415 = arith.constant 0 : i32
    %dma_wait3A_416 = tpu.memref_slice %arg5[%dma_wait3A_411, %dma_wait3A_413, %dma_wait3A_414, %dma_wait3A_415] : memref<6x4x4x1024xf32, #tpu.memory_space<vmem>> -> memref<1x4x4x1024xf32, #tpu.memory_space<vmem>>
    %dma_wait3A_417 = tpu.memref_squeeze %dma_wait3A_416 : memref<1x4x4x1024xf32, #tpu.memory_space<vmem>> -> memref<4x4x1024xf32, #tpu.memory_space<vmem>>
    %dma_wait3A_418 = arith.constant 0 : i32
    %dma_wait3A_419 = arith.constant 0 : i32
    %dma_wait3A_420 = tpu.memref_slice %arg4[%add3A_192, %dma_wait3A_418, %dma_wait3A_419] : memref<2048x4x1024xf32, #tpu.memory_space<hbm>> -> memref<4x4x1024xf32, #tpu.memory_space<hbm>>
    %dma_wait3A_421 = tpu.memref_slice %arg8[%dma_wait3A_412] : memref<6x!tpu.dma_semaphore, #tpu.memory_space<semaphore_mem>> -> memref<1x!tpu.dma_semaphore, #tpu.memory_space<semaphore_mem>>
    %dma_wait3A_422 = tpu.memref_squeeze %dma_wait3A_421 : memref<1x!tpu.dma_semaphore, #tpu.memory_space<semaphore_mem>> -> memref<!tpu.dma_semaphore, #tpu.memory_space<semaphore_mem>>
    %dma_wait3A_423 = arith.constant 0 : i32
    %dma_wait3A_424 = arith.constant 0 : i32
    %dma_wait3A_425 = tpu.memref_slice %arg4[%add3A_192, %dma_wait3A_423, %dma_wait3A_424] : memref<2048x4x1024xf32, #tpu.memory_space<hbm>> -> memref<4x4x1024xf32, #tpu.memory_space<hbm>>
    %dma_wait3A_426 = arith.constant 0 : i32
    %dma_wait3A_427 = arith.constant 0 : i32
    %dma_wait3A_428 = arith.constant 0 : i32
    %dma_wait3A_429 = tpu.memref_slice %arg5[%dma_wait3A_411, %dma_wait3A_426, %dma_wait3A_427, %dma_wait3A_428] : memref<6x4x4x1024xf32, #tpu.memory_space<vmem>> -> memref<1x4x4x1024xf32, #tpu.memory_space<vmem>>
    %dma_wait3A_430 = tpu.memref_squeeze %dma_wait3A_429 : memref<1x4x4x1024xf32, #tpu.memory_space<vmem>> -> memref<4x4x1024xf32, #tpu.memory_space<vmem>>
    tpu.wait_dma2 semaphore(%dma_wait3A_422 : memref<!tpu.dma_semaphore, #tpu.memory_space<semaphore_mem>>) src(%dma_wait3A_430 : memref<4x4x1024xf32, #tpu.memory_space<vmem>>) dst(%dma_wait3A_425 : memref<4x4x1024xf32, #tpu.memory_space<hbm>>)
    %add3A_431 = arith.constant 24 : i32
    %add3A_432 = arith.addi %mul3A_2, %add3A_431 : i32
    %dma_start3A_433 = arith.constant 0 : i32
    %dma_start3A_434 = arith.constant 0 : i32
    %dma_start3A_435 = arith.constant 0 : i32
    %dma_start3A_436 = arith.constant 0 : i32
    %dma_start3A_437 = arith.constant 0 : i32
    %dma_start3A_438 = tpu.memref_slice %arg5[%dma_start3A_433, %dma_start3A_435, %dma_start3A_436, %dma_start3A_437] : memref<6x4x4x1024xf32, #tpu.memory_space<vmem>> -> memref<1x4x4x1024xf32, #tpu.memory_space<vmem>>
    %dma_start3A_439 = tpu.memref_squeeze %dma_start3A_438 : memref<1x4x4x1024xf32, #tpu.memory_space<vmem>> -> memref<4x4x1024xf32, #tpu.memory_space<vmem>>
    %dma_start3A_440 = arith.constant 0 : i32
    %dma_start3A_441 = arith.constant 0 : i32
    %dma_start3A_442 = tpu.memref_slice %arg2[%add3A_432, %dma_start3A_440, %dma_start3A_441] : memref<2048x4x1024xf32, #tpu.memory_space<hbm>> -> memref<4x4x1024xf32, #tpu.memory_space<hbm>>
    %dma_start3A_443 = tpu.memref_slice %arg7[%dma_start3A_434] : memref<6x!tpu.dma_semaphore, #tpu.memory_space<semaphore_mem>> -> memref<1x!tpu.dma_semaphore, #tpu.memory_space<semaphore_mem>>
    %dma_start3A_444 = tpu.memref_squeeze %dma_start3A_443 : memref<1x!tpu.dma_semaphore, #tpu.memory_space<semaphore_mem>> -> memref<!tpu.dma_semaphore, #tpu.memory_space<semaphore_mem>>
    %dma_start3A_445 = arith.constant 0 : i32
    %dma_start3A_446 = arith.constant 0 : i32
    %dma_start3A_447 = arith.constant 0 : i32
    %dma_start3A_448 = tpu.memref_slice %arg5[%dma_start3A_433, %dma_start3A_445, %dma_start3A_446, %dma_start3A_447] : memref<6x4x4x1024xf32, #tpu.memory_space<vmem>> -> memref<1x4x4x1024xf32, #tpu.memory_space<vmem>>
    %dma_start3A_449 = tpu.memref_squeeze %dma_start3A_448 : memref<1x4x4x1024xf32, #tpu.memory_space<vmem>> -> memref<4x4x1024xf32, #tpu.memory_space<vmem>>
    %dma_start3A_450 = arith.constant 0 : i32
    %dma_start3A_451 = arith.constant 0 : i32
    %dma_start3A_452 = tpu.memref_slice %arg2[%add3A_432, %dma_start3A_450, %dma_start3A_451] : memref<2048x4x1024xf32, #tpu.memory_space<hbm>> -> memref<4x4x1024xf32, #tpu.memory_space<hbm>>
    tpu.enqueue_dma source(%dma_start3A_452 : memref<4x4x1024xf32, #tpu.memory_space<hbm>>) target(%dma_start3A_449 : memref<4x4x1024xf32, #tpu.memory_space<vmem>>) target_semaphore(%dma_start3A_444 : memref<!tpu.dma_semaphore, #tpu.memory_space<semaphore_mem>>)
    %dma_start3A_453 = arith.constant 0 : i32
    %dma_start3A_454 = arith.constant 0 : i32
    %dma_start3A_455 = arith.constant 0 : i32
    %dma_start3A_456 = arith.constant 0 : i32
    %dma_start3A_457 = tpu.memref_slice %arg6[%dma_start3A_453, %dma_start3A_455, %dma_start3A_456] : memref<6x4x1024xf32, #tpu.memory_space<vmem>> -> memref<1x4x1024xf32, #tpu.memory_space<vmem>>
    %dma_start3A_458 = tpu.memref_squeeze %dma_start3A_457 : memref<1x4x1024xf32, #tpu.memory_space<vmem>> -> memref<4x1024xf32, #tpu.memory_space<vmem>>
    %dma_start3A_459 = arith.constant 0 : i32
    %dma_start3A_460 = tpu.memref_slice %arg3[%add3A_432, %dma_start3A_459] : memref<2048x1024xf32, #tpu.memory_space<hbm>> -> memref<4x1024xf32, #tpu.memory_space<hbm>>
    %dma_start3A_461 = tpu.memref_slice %arg7[%dma_start3A_454] : memref<6x!tpu.dma_semaphore, #tpu.memory_space<semaphore_mem>> -> memref<1x!tpu.dma_semaphore, #tpu.memory_space<semaphore_mem>>
    %dma_start3A_462 = tpu.memref_squeeze %dma_start3A_461 : memref<1x!tpu.dma_semaphore, #tpu.memory_space<semaphore_mem>> -> memref<!tpu.dma_semaphore, #tpu.memory_space<semaphore_mem>>
    %dma_start3A_463 = arith.constant 0 : i32
    %dma_start3A_464 = arith.constant 0 : i32
    %dma_start3A_465 = tpu.memref_slice %arg6[%dma_start3A_453, %dma_start3A_463, %dma_start3A_464] : memref<6x4x1024xf32, #tpu.memory_space<vmem>> -> memref<1x4x1024xf32, #tpu.memory_space<vmem>>
    %dma_start3A_466 = tpu.memref_squeeze %dma_start3A_465 : memref<1x4x1024xf32, #tpu.memory_space<vmem>> -> memref<4x1024xf32, #tpu.memory_space<vmem>>
    %dma_start3A_467 = arith.constant 0 : i32
    %dma_start3A_468 = tpu.memref_slice %arg3[%add3A_432, %dma_start3A_467] : memref<2048x1024xf32, #tpu.memory_space<hbm>> -> memref<4x1024xf32, #tpu.memory_space<hbm>>
    tpu.enqueue_dma source(%dma_start3A_468 : memref<4x1024xf32, #tpu.memory_space<hbm>>) target(%dma_start3A_466 : memref<4x1024xf32, #tpu.memory_space<vmem>>) target_semaphore(%dma_start3A_462 : memref<!tpu.dma_semaphore, #tpu.memory_space<semaphore_mem>>)
    %dma_wait3A_469 = arith.constant 3 : i32
    %dma_wait3A_470 = arith.constant 3 : i32
    %dma_wait3A_471 = arith.constant 0 : i32
    %dma_wait3A_472 = arith.constant 0 : i32
    %dma_wait3A_473 = arith.constant 0 : i32
    %dma_wait3A_474 = tpu.memref_slice %arg5[%dma_wait3A_469, %dma_wait3A_471, %dma_wait3A_472, %dma_wait3A_473] : memref<6x4x4x1024xf32, #tpu.memory_space<vmem>> -> memref<1x4x4x1024xf32, #tpu.memory_space<vmem>>
    %dma_wait3A_475 = tpu.memref_squeeze %dma_wait3A_474 : memref<1x4x4x1024xf32, #tpu.memory_space<vmem>> -> memref<4x4x1024xf32, #tpu.memory_space<vmem>>
    %dma_wait3A_476 = arith.constant 0 : i32
    %dma_wait3A_477 = arith.constant 0 : i32
    %dma_wait3A_478 = tpu.memref_slice %arg2[%add3A_117, %dma_wait3A_476, %dma_wait3A_477] : memref<2048x4x1024xf32, #tpu.memory_space<hbm>> -> memref<4x4x1024xf32, #tpu.memory_space<hbm>>
    %dma_wait3A_479 = tpu.memref_slice %arg7[%dma_wait3A_470] : memref<6x!tpu.dma_semaphore, #tpu.memory_space<semaphore_mem>> -> memref<1x!tpu.dma_semaphore, #tpu.memory_space<semaphore_mem>>
    %dma_wait3A_480 = tpu.memref_squeeze %dma_wait3A_479 : memref<1x!tpu.dma_semaphore, #tpu.memory_space<semaphore_mem>> -> memref<!tpu.dma_semaphore, #tpu.memory_space<semaphore_mem>>
    %dma_wait3A_481 = arith.constant 0 : i32
    %dma_wait3A_482 = arith.constant 0 : i32
    %dma_wait3A_483 = arith.constant 0 : i32
    %dma_wait3A_484 = tpu.memref_slice %arg5[%dma_wait3A_469, %dma_wait3A_481, %dma_wait3A_482, %dma_wait3A_483] : memref<6x4x4x1024xf32, #tpu.memory_space<vmem>> -> memref<1x4x4x1024xf32, #tpu.memory_space<vmem>>
    %dma_wait3A_485 = tpu.memref_squeeze %dma_wait3A_484 : memref<1x4x4x1024xf32, #tpu.memory_space<vmem>> -> memref<4x4x1024xf32, #tpu.memory_space<vmem>>
    %dma_wait3A_486 = arith.constant 0 : i32
    %dma_wait3A_487 = arith.constant 0 : i32
    %dma_wait3A_488 = tpu.memref_slice %arg2[%add3A_117, %dma_wait3A_486, %dma_wait3A_487] : memref<2048x4x1024xf32, #tpu.memory_space<hbm>> -> memref<4x4x1024xf32, #tpu.memory_space<hbm>>
    tpu.wait_dma2 semaphore(%dma_wait3A_480 : memref<!tpu.dma_semaphore, #tpu.memory_space<semaphore_mem>>) src(%dma_wait3A_488 : memref<4x4x1024xf32, #tpu.memory_space<hbm>>) dst(%dma_wait3A_485 : memref<4x4x1024xf32, #tpu.memory_space<vmem>>)
    %dma_wait3A_489 = arith.constant 3 : i32
    %dma_wait3A_490 = arith.constant 3 : i32
    %dma_wait3A_491 = arith.constant 0 : i32
    %dma_wait3A_492 = arith.constant 0 : i32
    %dma_wait3A_493 = tpu.memref_slice %arg6[%dma_wait3A_489, %dma_wait3A_491, %dma_wait3A_492] : memref<6x4x1024xf32, #tpu.memory_space<vmem>> -> memref<1x4x1024xf32, #tpu.memory_space<vmem>>
    %dma_wait3A_494 = tpu.memref_squeeze %dma_wait3A_493 : memref<1x4x1024xf32, #tpu.memory_space<vmem>> -> memref<4x1024xf32, #tpu.memory_space<vmem>>
    %dma_wait3A_495 = arith.constant 0 : i32
    %dma_wait3A_496 = tpu.memref_slice %arg3[%add3A_117, %dma_wait3A_495] : memref<2048x1024xf32, #tpu.memory_space<hbm>> -> memref<4x1024xf32, #tpu.memory_space<hbm>>
    %dma_wait3A_497 = tpu.memref_slice %arg7[%dma_wait3A_490] : memref<6x!tpu.dma_semaphore, #tpu.memory_space<semaphore_mem>> -> memref<1x!tpu.dma_semaphore, #tpu.memory_space<semaphore_mem>>
    %dma_wait3A_498 = tpu.memref_squeeze %dma_wait3A_497 : memref<1x!tpu.dma_semaphore, #tpu.memory_space<semaphore_mem>> -> memref<!tpu.dma_semaphore, #tpu.memory_space<semaphore_mem>>
    %dma_wait3A_499 = arith.constant 0 : i32
    %dma_wait3A_500 = arith.constant 0 : i32
    %dma_wait3A_501 = tpu.memref_slice %arg6[%dma_wait3A_489, %dma_wait3A_499, %dma_wait3A_500] : memref<6x4x1024xf32, #tpu.memory_space<vmem>> -> memref<1x4x1024xf32, #tpu.memory_space<vmem>>
    %dma_wait3A_502 = tpu.memref_squeeze %dma_wait3A_501 : memref<1x4x1024xf32, #tpu.memory_space<vmem>> -> memref<4x1024xf32, #tpu.memory_space<vmem>>
    %dma_wait3A_503 = arith.constant 0 : i32
    %dma_wait3A_504 = tpu.memref_slice %arg3[%add3A_117, %dma_wait3A_503] : memref<2048x1024xf32, #tpu.memory_space<hbm>> -> memref<4x1024xf32, #tpu.memory_space<hbm>>
    tpu.wait_dma2 semaphore(%dma_wait3A_498 : memref<!tpu.dma_semaphore, #tpu.memory_space<semaphore_mem>>) src(%dma_wait3A_504 : memref<4x1024xf32, #tpu.memory_space<hbm>>) dst(%dma_wait3A_502 : memref<4x1024xf32, #tpu.memory_space<vmem>>)
    %parallel_loop3A_505 = arith.constant 0 : i32
    %parallel_loop3A_506 = arith.constant 256 : i32
    %parallel_loop3A_507 = arith.constant 1 : i32
    scf.for %parallel_loop3A_1904 = %parallel_loop3A_505 to %parallel_loop3A_506 step %parallel_loop3A_507  : i32 {
      %parallel_loop3A_1905 = arith.constant 6 : i32
      %parallel_loop3A_1906 = arith.shrui %parallel_loop3A_1904, %parallel_loop3A_1905 : i32
      %parallel_loop3A_1907 = arith.constant 63 : i32
      %parallel_loop3A_1908 = arith.andi %parallel_loop3A_1904, %parallel_loop3A_1907 : i32
      %parallel_loop3A_1909 = arith.constant 16 : i32
      %parallel_loop3A_1910 = arith.muli %parallel_loop3A_1908, %parallel_loop3A_1909 : i32
      %parallel_loop3A_1911 = arith.constant 3 : i32
      %parallel_loop3A_1912 = arith.index_cast %parallel_loop3A_1911 : i32 to index
      %parallel_loop3A_1913 = arith.index_cast %parallel_loop3A_1906 : i32 to index
      %parallel_loop3A_1914 = arith.index_cast %parallel_loop3A_1910 : i32 to index
      %parallel_loop3A_1915 = tpu.vector_load %arg6[%parallel_loop3A_1912, %parallel_loop3A_1913, %parallel_loop3A_1914] {strides = array<i32>} : memref<6x4x1024xf32, #tpu.memory_space<vmem>>, vector<1x1x16xf32>,
      %parallel_loop3A_1916 = vector.shape_cast %parallel_loop3A_1915 : vector<1x1x16xf32> to vector<16xf32>
      %parallel_loop3A_1917 = arith.constant 3 : i32
      %parallel_loop3A_1918 = arith.constant 0 : i32
      %parallel_loop3A_1919 = arith.index_cast %parallel_loop3A_1917 : i32 to index
      %parallel_loop3A_1920 = arith.index_cast %parallel_loop3A_1906 : i32 to index
      %parallel_loop3A_1921 = arith.index_cast %parallel_loop3A_1918 : i32 to index
      %parallel_loop3A_1922 = arith.index_cast %parallel_loop3A_1910 : i32 to index
      %parallel_loop3A_1923 = tpu.vector_load %arg5[%parallel_loop3A_1919, %parallel_loop3A_1920, %parallel_loop3A_1921, %parallel_loop3A_1922] {strides = array<i32>} : memref<6x4x4x1024xf32, #tpu.memory_space<vmem>>, vector<1x1x1x16xf32>,
      %parallel_loop3A_1924 = vector.shape_cast %parallel_loop3A_1923 : vector<1x1x1x16xf32> to vector<16xf32>
      %parallel_loop3A_1925 = arith.addf %parallel_loop3A_1924, %parallel_loop3A_1916 : vector<16xf32>
      %parallel_loop3A_1926 = arith.constant 3 : i32
      %parallel_loop3A_1927 = arith.constant 0 : i32
      %parallel_loop3A_1928 = arith.index_cast %parallel_loop3A_1926 : i32 to index
      %parallel_loop3A_1929 = arith.index_cast %parallel_loop3A_1906 : i32 to index
      %parallel_loop3A_1930 = arith.index_cast %parallel_loop3A_1927 : i32 to index
      %parallel_loop3A_1931 = arith.index_cast %parallel_loop3A_1910 : i32 to index
      %parallel_loop3A_1932 = tpu.vector_load %arg5[%parallel_loop3A_1928, %parallel_loop3A_1929, %parallel_loop3A_1930, %parallel_loop3A_1931] {strides = array<i32>} : memref<6x4x4x1024xf32, #tpu.memory_space<vmem>>, vector<1x1x1x16xf32>,
      %parallel_loop3A_1933 = vector.shape_cast %parallel_loop3A_1932 : vector<1x1x1x16xf32> to vector<16xf32>
      %parallel_loop3A_1934 = vector.shape_cast %parallel_loop3A_1925 : vector<16xf32> to vector<1x1x1x16xf32>
      tpu.vector_store %arg5[%parallel_loop3A_1928, %parallel_loop3A_1929, %parallel_loop3A_1930, %parallel_loop3A_1931], %parallel_loop3A_1934 {strides = array<i32>} : memref<6x4x4x1024xf32, #tpu.memory_space<vmem>>, vector<1x1x1x16xf32>,
      %parallel_loop3A_1935 = arith.constant 3 : i32
      %parallel_loop3A_1936 = arith.constant 1 : i32
      %parallel_loop3A_1937 = arith.index_cast %parallel_loop3A_1935 : i32 to index
      %parallel_loop3A_1938 = arith.index_cast %parallel_loop3A_1906 : i32 to index
      %parallel_loop3A_1939 = arith.index_cast %parallel_loop3A_1936 : i32 to index
      %parallel_loop3A_1940 = arith.index_cast %parallel_loop3A_1910 : i32 to index
      %parallel_loop3A_1941 = tpu.vector_load %arg5[%parallel_loop3A_1937, %parallel_loop3A_1938, %parallel_loop3A_1939, %parallel_loop3A_1940] {strides = array<i32>} : memref<6x4x4x1024xf32, #tpu.memory_space<vmem>>, vector<1x1x1x16xf32>,
      %parallel_loop3A_1942 = vector.shape_cast %parallel_loop3A_1941 : vector<1x1x1x16xf32> to vector<16xf32>
      %parallel_loop3A_1943 = arith.addf %parallel_loop3A_1942, %parallel_loop3A_1916 : vector<16xf32>
      %parallel_loop3A_1944 = arith.constant 3 : i32
      %parallel_loop3A_1945 = arith.constant 1 : i32
      %parallel_loop3A_1946 = arith.index_cast %parallel_loop3A_1944 : i32 to index
      %parallel_loop3A_1947 = arith.index_cast %parallel_loop3A_1906 : i32 to index
      %parallel_loop3A_1948 = arith.index_cast %parallel_loop3A_1945 : i32 to index
      %parallel_loop3A_1949 = arith.index_cast %parallel_loop3A_1910 : i32 to index
      %parallel_loop3A_1950 = tpu.vector_load %arg5[%parallel_loop3A_1946, %parallel_loop3A_1947, %parallel_loop3A_1948, %parallel_loop3A_1949] {strides = array<i32>} : memref<6x4x4x1024xf32, #tpu.memory_space<vmem>>, vector<1x1x1x16xf32>,
      %parallel_loop3A_1951 = vector.shape_cast %parallel_loop3A_1950 : vector<1x1x1x16xf32> to vector<16xf32>
      %parallel_loop3A_1952 = vector.shape_cast %parallel_loop3A_1943 : vector<16xf32> to vector<1x1x1x16xf32>
      tpu.vector_store %arg5[%parallel_loop3A_1946, %parallel_loop3A_1947, %parallel_loop3A_1948, %parallel_loop3A_1949], %parallel_loop3A_1952 {strides = array<i32>} : memref<6x4x4x1024xf32, #tpu.memory_space<vmem>>, vector<1x1x1x16xf32>,
      %parallel_loop3A_1953 = arith.constant 3 : i32
      %parallel_loop3A_1954 = arith.constant 2 : i32
      %parallel_loop3A_1955 = arith.index_cast %parallel_loop3A_1953 : i32 to index
      %parallel_loop3A_1956 = arith.index_cast %parallel_loop3A_1906 : i32 to index
      %parallel_loop3A_1957 = arith.index_cast %parallel_loop3A_1954 : i32 to index
      %parallel_loop3A_1958 = arith.index_cast %parallel_loop3A_1910 : i32 to index
      %parallel_loop3A_1959 = tpu.vector_load %arg5[%parallel_loop3A_1955, %parallel_loop3A_1956, %parallel_loop3A_1957, %parallel_loop3A_1958] {strides = array<i32>} : memref<6x4x4x1024xf32, #tpu.memory_space<vmem>>, vector<1x1x1x16xf32>,
      %parallel_loop3A_1960 = vector.shape_cast %parallel_loop3A_1959 : vector<1x1x1x16xf32> to vector<16xf32>
      %parallel_loop3A_1961 = arith.addf %parallel_loop3A_1960, %parallel_loop3A_1916 : vector<16xf32>
      %parallel_loop3A_1962 = arith.constant 3 : i32
      %parallel_loop3A_1963 = arith.constant 2 : i32
      %parallel_loop3A_1964 = arith.index_cast %parallel_loop3A_1962 : i32 to index
      %parallel_loop3A_1965 = arith.index_cast %parallel_loop3A_1906 : i32 to index
      %parallel_loop3A_1966 = arith.index_cast %parallel_loop3A_1963 : i32 to index
      %parallel_loop3A_1967 = arith.index_cast %parallel_loop3A_1910 : i32 to index
      %parallel_loop3A_1968 = tpu.vector_load %arg5[%parallel_loop3A_1964, %parallel_loop3A_1965, %parallel_loop3A_1966, %parallel_loop3A_1967] {strides = array<i32>} : memref<6x4x4x1024xf32, #tpu.memory_space<vmem>>, vector<1x1x1x16xf32>,
      %parallel_loop3A_1969 = vector.shape_cast %parallel_loop3A_1968 : vector<1x1x1x16xf32> to vector<16xf32>
      %parallel_loop3A_1970 = vector.shape_cast %parallel_loop3A_1961 : vector<16xf32> to vector<1x1x1x16xf32>
      tpu.vector_store %arg5[%parallel_loop3A_1964, %parallel_loop3A_1965, %parallel_loop3A_1966, %parallel_loop3A_1967], %parallel_loop3A_1970 {strides = array<i32>} : memref<6x4x4x1024xf32, #tpu.memory_space<vmem>>, vector<1x1x1x16xf32>,
      %parallel_loop3A_1971 = arith.constant 3 : i32
      %parallel_loop3A_1972 = arith.constant 3 : i32
      %parallel_loop3A_1973 = arith.index_cast %parallel_loop3A_1971 : i32 to index
      %parallel_loop3A_1974 = arith.index_cast %parallel_loop3A_1906 : i32 to index
      %parallel_loop3A_1975 = arith.index_cast %parallel_loop3A_1972 : i32 to index
      %parallel_loop3A_1976 = arith.index_cast %parallel_loop3A_1910 : i32 to index
      %parallel_loop3A_1977 = tpu.vector_load %arg5[%parallel_loop3A_1973, %parallel_loop3A_1974, %parallel_loop3A_1975, %parallel_loop3A_1976] {strides = array<i32>} : memref<6x4x4x1024xf32, #tpu.memory_space<vmem>>, vector<1x1x1x16xf32>,
      %parallel_loop3A_1978 = vector.shape_cast %parallel_loop3A_1977 : vector<1x1x1x16xf32> to vector<16xf32>
      %parallel_loop3A_1979 = arith.addf %parallel_loop3A_1978, %parallel_loop3A_1916 : vector<16xf32>
      %parallel_loop3A_1980 = arith.constant 3 : i32
      %parallel_loop3A_1981 = arith.constant 3 : i32
      %parallel_loop3A_1982 = arith.index_cast %parallel_loop3A_1980 : i32 to index
      %parallel_loop3A_1983 = arith.index_cast %parallel_loop3A_1906 : i32 to index
      %parallel_loop3A_1984 = arith.index_cast %parallel_loop3A_1981 : i32 to index
      %parallel_loop3A_1985 = arith.index_cast %parallel_loop3A_1910 : i32 to index
      %parallel_loop3A_1986 = tpu.vector_load %arg5[%parallel_loop3A_1982, %parallel_loop3A_1983, %parallel_loop3A_1984, %parallel_loop3A_1985] {strides = array<i32>} : memref<6x4x4x1024xf32, #tpu.memory_space<vmem>>, vector<1x1x1x16xf32>,
      %parallel_loop3A_1987 = vector.shape_cast %parallel_loop3A_1986 : vector<1x1x1x16xf32> to vector<16xf32>
      %parallel_loop3A_1988 = vector.shape_cast %parallel_loop3A_1979 : vector<16xf32> to vector<1x1x1x16xf32>
      tpu.vector_store %arg5[%parallel_loop3A_1982, %parallel_loop3A_1983, %parallel_loop3A_1984, %parallel_loop3A_1985], %parallel_loop3A_1988 {strides = array<i32>} : memref<6x4x4x1024xf32, #tpu.memory_space<vmem>>, vector<1x1x1x16xf32>,
    } {sc.loop_unroll_factor = 4 : i64, sc.parallel_access}
    %add3A_508 = arith.constant 12 : i32
    %add3A_509 = arith.addi %mul3A_2, %add3A_508 : i32
    %dma_start3A_510 = arith.constant 3 : i32
    %dma_start3A_511 = arith.constant 3 : i32
    %dma_start3A_512 = arith.constant 0 : i32
    %dma_start3A_513 = arith.constant 0 : i32
    %dma_start3A_514 = arith.constant 0 : i32
    %dma_start3A_515 = tpu.memref_slice %arg5[%dma_start3A_510, %dma_start3A_512, %dma_start3A_513, %dma_start3A_514] : memref<6x4x4x1024xf32, #tpu.memory_space<vmem>> -> memref<1x4x4x1024xf32, #tpu.memory_space<vmem>>
    %dma_start3A_516 = tpu.memref_squeeze %dma_start3A_515 : memref<1x4x4x1024xf32, #tpu.memory_space<vmem>> -> memref<4x4x1024xf32, #tpu.memory_space<vmem>>
    %dma_start3A_517 = arith.constant 0 : i32
    %dma_start3A_518 = arith.constant 0 : i32
    %dma_start3A_519 = tpu.memref_slice %arg4[%add3A_509, %dma_start3A_517, %dma_start3A_518] : memref<2048x4x1024xf32, #tpu.memory_space<hbm>> -> memref<4x4x1024xf32, #tpu.memory_space<hbm>>
    %dma_start3A_520 = tpu.memref_slice %arg8[%dma_start3A_511] : memref<6x!tpu.dma_semaphore, #tpu.memory_space<semaphore_mem>> -> memref<1x!tpu.dma_semaphore, #tpu.memory_space<semaphore_mem>>
    %dma_start3A_521 = tpu.memref_squeeze %dma_start3A_520 : memref<1x!tpu.dma_semaphore, #tpu.memory_space<semaphore_mem>> -> memref<!tpu.dma_semaphore, #tpu.memory_space<semaphore_mem>>
    %dma_start3A_522 = arith.constant 0 : i32
    %dma_start3A_523 = arith.constant 0 : i32
    %dma_start3A_524 = tpu.memref_slice %arg4[%add3A_509, %dma_start3A_522, %dma_start3A_523] : memref<2048x4x1024xf32, #tpu.memory_space<hbm>> -> memref<4x4x1024xf32, #tpu.memory_space<hbm>>
    %dma_start3A_525 = arith.constant 0 : i32
    %dma_start3A_526 = arith.constant 0 : i32
    %dma_start3A_527 = arith.constant 0 : i32
    %dma_start3A_528 = tpu.memref_slice %arg5[%dma_start3A_510, %dma_start3A_525, %dma_start3A_526, %dma_start3A_527] : memref<6x4x4x1024xf32, #tpu.memory_space<vmem>> -> memref<1x4x4x1024xf32, #tpu.memory_space<vmem>>
    %dma_start3A_529 = tpu.memref_squeeze %dma_start3A_528 : memref<1x4x4x1024xf32, #tpu.memory_space<vmem>> -> memref<4x4x1024xf32, #tpu.memory_space<vmem>>
    tpu.enqueue_dma source(%dma_start3A_529 : memref<4x4x1024xf32, #tpu.memory_space<vmem>>) target(%dma_start3A_524 : memref<4x4x1024xf32, #tpu.memory_space<hbm>>) target_semaphore(%dma_start3A_521 : memref<!tpu.dma_semaphore, #tpu.memory_space<semaphore_mem>>)
    %dma_wait3A_530 = arith.constant 1 : i32
    %dma_wait3A_531 = arith.constant 1 : i32
    %dma_wait3A_532 = arith.constant 0 : i32
    %dma_wait3A_533 = arith.constant 0 : i32
    %dma_wait3A_534 = arith.constant 0 : i32
    %dma_wait3A_535 = tpu.memref_slice %arg5[%dma_wait3A_530, %dma_wait3A_532, %dma_wait3A_533, %dma_wait3A_534] : memref<6x4x4x1024xf32, #tpu.memory_space<vmem>> -> memref<1x4x4x1024xf32, #tpu.memory_space<vmem>>
    %dma_wait3A_536 = tpu.memref_squeeze %dma_wait3A_535 : memref<1x4x4x1024xf32, #tpu.memory_space<vmem>> -> memref<4x4x1024xf32, #tpu.memory_space<vmem>>
    %dma_wait3A_537 = arith.constant 0 : i32
    %dma_wait3A_538 = arith.constant 0 : i32
    %dma_wait3A_539 = tpu.memref_slice %arg4[%add3A_291, %dma_wait3A_537, %dma_wait3A_538] : memref<2048x4x1024xf32, #tpu.memory_space<hbm>> -> memref<4x4x1024xf32, #tpu.memory_space<hbm>>
    %dma_wait3A_540 = tpu.memref_slice %arg8[%dma_wait3A_531] : memref<6x!tpu.dma_semaphore, #tpu.memory_space<semaphore_mem>> -> memref<1x!tpu.dma_semaphore, #tpu.memory_space<semaphore_mem>>
    %dma_wait3A_541 = tpu.memref_squeeze %dma_wait3A_540 : memref<1x!tpu.dma_semaphore, #tpu.memory_space<semaphore_mem>> -> memref<!tpu.dma_semaphore, #tpu.memory_space<semaphore_mem>>
    %dma_wait3A_542 = arith.constant 0 : i32
    %dma_wait3A_543 = arith.constant 0 : i32
    %dma_wait3A_544 = tpu.memref_slice %arg4[%add3A_291, %dma_wait3A_542, %dma_wait3A_543] : memref<2048x4x1024xf32, #tpu.memory_space<hbm>> -> memref<4x4x1024xf32, #tpu.memory_space<hbm>>
    %dma_wait3A_545 = arith.constant 0 : i32
    %dma_wait3A_546 = arith.constant 0 : i32
    %dma_wait3A_547 = arith.constant 0 : i32
    %dma_wait3A_548 = tpu.memref_slice %arg5[%dma_wait3A_530, %dma_wait3A_545, %dma_wait3A_546, %dma_wait3A_547] : memref<6x4x4x1024xf32, #tpu.memory_space<vmem>> -> memref<1x4x4x1024xf32, #tpu.memory_space<vmem>>
    %dma_wait3A_549 = tpu.memref_squeeze %dma_wait3A_548 : memref<1x4x4x1024xf32, #tpu.memory_space<vmem>> -> memref<4x4x1024xf32, #tpu.memory_space<vmem>>
    tpu.wait_dma2 semaphore(%dma_wait3A_541 : memref<!tpu.dma_semaphore, #tpu.memory_space<semaphore_mem>>) src(%dma_wait3A_549 : memref<4x4x1024xf32, #tpu.memory_space<vmem>>) dst(%dma_wait3A_544 : memref<4x4x1024xf32, #tpu.memory_space<hbm>>)
    %add3A_550 = arith.constant 28 : i32
    %add3A_551 = arith.addi %mul3A_2, %add3A_550 : i32
    %dma_start3A_552 = arith.constant 1 : i32
    %dma_start3A_553 = arith.constant 1 : i32
    %dma_start3A_554 = arith.constant 0 : i32
    %dma_start3A_555 = arith.constant 0 : i32
    %dma_start3A_556 = arith.constant 0 : i32
    %dma_start3A_557 = tpu.memref_slice %arg5[%dma_start3A_552, %dma_start3A_554, %dma_start3A_555, %dma_start3A_556] : memref<6x4x4x1024xf32, #tpu.memory_space<vmem>> -> memref<1x4x4x1024xf32, #tpu.memory_space<vmem>>
    %dma_start3A_558 = tpu.memref_squeeze %dma_start3A_557 : memref<1x4x4x1024xf32, #tpu.memory_space<vmem>> -> memref<4x4x1024xf32, #tpu.memory_space<vmem>>
    %dma_start3A_559 = arith.constant 0 : i32
    %dma_start3A_560 = arith.constant 0 : i32
    %dma_start3A_561 = tpu.memref_slice %arg2[%add3A_551, %dma_start3A_559, %dma_start3A_560] : memref<2048x4x1024xf32, #tpu.memory_space<hbm>> -> memref<4x4x1024xf32, #tpu.memory_space<hbm>>
    %dma_start3A_562 = tpu.memref_slice %arg7[%dma_start3A_553] : memref<6x!tpu.dma_semaphore, #tpu.memory_space<semaphore_mem>> -> memref<1x!tpu.dma_semaphore, #tpu.memory_space<semaphore_mem>>
    %dma_start3A_563 = tpu.memref_squeeze %dma_start3A_562 : memref<1x!tpu.dma_semaphore, #tpu.memory_space<semaphore_mem>> -> memref<!tpu.dma_semaphore, #tpu.memory_space<semaphore_mem>>
    %dma_start3A_564 = arith.constant 0 : i32
    %dma_start3A_565 = arith.constant 0 : i32
    %dma_start3A_566 = arith.constant 0 : i32
    %dma_start3A_567 = tpu.memref_slice %arg5[%dma_start3A_552, %dma_start3A_564, %dma_start3A_565, %dma_start3A_566] : memref<6x4x4x1024xf32, #tpu.memory_space<vmem>> -> memref<1x4x4x1024xf32, #tpu.memory_space<vmem>>
    %dma_start3A_568 = tpu.memref_squeeze %dma_start3A_567 : memref<1x4x4x1024xf32, #tpu.memory_space<vmem>> -> memref<4x4x1024xf32, #tpu.memory_space<vmem>>
    %dma_start3A_569 = arith.constant 0 : i32
    %dma_start3A_570 = arith.constant 0 : i32
    %dma_start3A_571 = tpu.memref_slice %arg2[%add3A_551, %dma_start3A_569, %dma_start3A_570] : memref<2048x4x1024xf32, #tpu.memory_space<hbm>> -> memref<4x4x1024xf32, #tpu.memory_space<hbm>>
    tpu.enqueue_dma source(%dma_start3A_571 : memref<4x4x1024xf32, #tpu.memory_space<hbm>>) target(%dma_start3A_568 : memref<4x4x1024xf32, #tpu.memory_space<vmem>>) target_semaphore(%dma_start3A_563 : memref<!tpu.dma_semaphore, #tpu.memory_space<semaphore_mem>>)
    %dma_start3A_572 = arith.constant 1 : i32
    %dma_start3A_573 = arith.constant 1 : i32
    %dma_start3A_574 = arith.constant 0 : i32
    %dma_start3A_575 = arith.constant 0 : i32
    %dma_start3A_576 = tpu.memref_slice %arg6[%dma_start3A_572, %dma_start3A_574, %dma_start3A_575] : memref<6x4x1024xf32, #tpu.memory_space<vmem>> -> memref<1x4x1024xf32, #tpu.memory_space<vmem>>
    %dma_start3A_577 = tpu.memref_squeeze %dma_start3A_576 : memref<1x4x1024xf32, #tpu.memory_space<vmem>> -> memref<4x1024xf32, #tpu.memory_space<vmem>>
    %dma_start3A_578 = arith.constant 0 : i32
    %dma_start3A_579 = tpu.memref_slice %arg3[%add3A_551, %dma_start3A_578] : memref<2048x1024xf32, #tpu.memory_space<hbm>> -> memref<4x1024xf32, #tpu.memory_space<hbm>>
    %dma_start3A_580 = tpu.memref_slice %arg7[%dma_start3A_573] : memref<6x!tpu.dma_semaphore, #tpu.memory_space<semaphore_mem>> -> memref<1x!tpu.dma_semaphore, #tpu.memory_space<semaphore_mem>>
    %dma_start3A_581 = tpu.memref_squeeze %dma_start3A_580 : memref<1x!tpu.dma_semaphore, #tpu.memory_space<semaphore_mem>> -> memref<!tpu.dma_semaphore, #tpu.memory_space<semaphore_mem>>
    %dma_start3A_582 = arith.constant 0 : i32
    %dma_start3A_583 = arith.constant 0 : i32
    %dma_start3A_584 = tpu.memref_slice %arg6[%dma_start3A_572, %dma_start3A_582, %dma_start3A_583] : memref<6x4x1024xf32, #tpu.memory_space<vmem>> -> memref<1x4x1024xf32, #tpu.memory_space<vmem>>
    %dma_start3A_585 = tpu.memref_squeeze %dma_start3A_584 : memref<1x4x1024xf32, #tpu.memory_space<vmem>> -> memref<4x1024xf32, #tpu.memory_space<vmem>>
    %dma_start3A_586 = arith.constant 0 : i32
    %dma_start3A_587 = tpu.memref_slice %arg3[%add3A_551, %dma_start3A_586] : memref<2048x1024xf32, #tpu.memory_space<hbm>> -> memref<4x1024xf32, #tpu.memory_space<hbm>>
    tpu.enqueue_dma source(%dma_start3A_587 : memref<4x1024xf32, #tpu.memory_space<hbm>>) target(%dma_start3A_585 : memref<4x1024xf32, #tpu.memory_space<vmem>>) target_semaphore(%dma_start3A_581 : memref<!tpu.dma_semaphore, #tpu.memory_space<semaphore_mem>>)
    %dma_wait3A_588 = arith.constant 4 : i32
    %dma_wait3A_589 = arith.constant 4 : i32
    %dma_wait3A_590 = arith.constant 0 : i32
    %dma_wait3A_591 = arith.constant 0 : i32
    %dma_wait3A_592 = arith.constant 0 : i32
    %dma_wait3A_593 = tpu.memref_slice %arg5[%dma_wait3A_588, %dma_wait3A_590, %dma_wait3A_591, %dma_wait3A_592] : memref<6x4x4x1024xf32, #tpu.memory_space<vmem>> -> memref<1x4x4x1024xf32, #tpu.memory_space<vmem>>
    %dma_wait3A_594 = tpu.memref_squeeze %dma_wait3A_593 : memref<1x4x4x1024xf32, #tpu.memory_space<vmem>> -> memref<4x4x1024xf32, #tpu.memory_space<vmem>>
    %dma_wait3A_595 = arith.constant 0 : i32
    %dma_wait3A_596 = arith.constant 0 : i32
    %dma_wait3A_597 = tpu.memref_slice %arg2[%add3A_214, %dma_wait3A_595, %dma_wait3A_596] : memref<2048x4x1024xf32, #tpu.memory_space<hbm>> -> memref<4x4x1024xf32, #tpu.memory_space<hbm>>
    %dma_wait3A_598 = tpu.memref_slice %arg7[%dma_wait3A_589] : memref<6x!tpu.dma_semaphore, #tpu.memory_space<semaphore_mem>> -> memref<1x!tpu.dma_semaphore, #tpu.memory_space<semaphore_mem>>
    %dma_wait3A_599 = tpu.memref_squeeze %dma_wait3A_598 : memref<1x!tpu.dma_semaphore, #tpu.memory_space<semaphore_mem>> -> memref<!tpu.dma_semaphore, #tpu.memory_space<semaphore_mem>>
    %dma_wait3A_600 = arith.constant 0 : i32
    %dma_wait3A_601 = arith.constant 0 : i32
    %dma_wait3A_602 = arith.constant 0 : i32
    %dma_wait3A_603 = tpu.memref_slice %arg5[%dma_wait3A_588, %dma_wait3A_600, %dma_wait3A_601, %dma_wait3A_602] : memref<6x4x4x1024xf32, #tpu.memory_space<vmem>> -> memref<1x4x4x1024xf32, #tpu.memory_space<vmem>>
    %dma_wait3A_604 = tpu.memref_squeeze %dma_wait3A_603 : memref<1x4x4x1024xf32, #tpu.memory_space<vmem>> -> memref<4x4x1024xf32, #tpu.memory_space<vmem>>
    %dma_wait3A_605 = arith.constant 0 : i32
    %dma_wait3A_606 = arith.constant 0 : i32
    %dma_wait3A_607 = tpu.memref_slice %arg2[%add3A_214, %dma_wait3A_605, %dma_wait3A_606] : memref<2048x4x1024xf32, #tpu.memory_space<hbm>> -> memref<4x4x1024xf32, #tpu.memory_space<hbm>>
    tpu.wait_dma2 semaphore(%dma_wait3A_599 : memref<!tpu.dma_semaphore, #tpu.memory_space<semaphore_mem>>) src(%dma_wait3A_607 : memref<4x4x1024xf32, #tpu.memory_space<hbm>>) dst(%dma_wait3A_604 : memref<4x4x1024xf32, #tpu.memory_space<vmem>>)
    %dma_wait3A_608 = arith.constant 4 : i32
    %dma_wait3A_609 = arith.constant 4 : i32
    %dma_wait3A_610 = arith.constant 0 : i32
    %dma_wait3A_611 = arith.constant 0 : i32
    %dma_wait3A_612 = tpu.memref_slice %arg6[%dma_wait3A_608, %dma_wait3A_610, %dma_wait3A_611] : memref<6x4x1024xf32, #tpu.memory_space<vmem>> -> memref<1x4x1024xf32, #tpu.memory_space<vmem>>
    %dma_wait3A_613 = tpu.memref_squeeze %dma_wait3A_612 : memref<1x4x1024xf32, #tpu.memory_space<vmem>> -> memref<4x1024xf32, #tpu.memory_space<vmem>>
    %dma_wait3A_614 = arith.constant 0 : i32
    %dma_wait3A_615 = tpu.memref_slice %arg3[%add3A_214, %dma_wait3A_614] : memref<2048x1024xf32, #tpu.memory_space<hbm>> -> memref<4x1024xf32, #tpu.memory_space<hbm>>
    %dma_wait3A_616 = tpu.memref_slice %arg7[%dma_wait3A_609] : memref<6x!tpu.dma_semaphore, #tpu.memory_space<semaphore_mem>> -> memref<1x!tpu.dma_semaphore, #tpu.memory_space<semaphore_mem>>
    %dma_wait3A_617 = tpu.memref_squeeze %dma_wait3A_616 : memref<1x!tpu.dma_semaphore, #tpu.memory_space<semaphore_mem>> -> memref<!tpu.dma_semaphore, #tpu.memory_space<semaphore_mem>>
    %dma_wait3A_618 = arith.constant 0 : i32
    %dma_wait3A_619 = arith.constant 0 : i32
    %dma_wait3A_620 = tpu.memref_slice %arg6[%dma_wait3A_608, %dma_wait3A_618, %dma_wait3A_619] : memref<6x4x1024xf32, #tpu.memory_space<vmem>> -> memref<1x4x1024xf32, #tpu.memory_space<vmem>>
    %dma_wait3A_621 = tpu.memref_squeeze %dma_wait3A_620 : memref<1x4x1024xf32, #tpu.memory_space<vmem>> -> memref<4x1024xf32, #tpu.memory_space<vmem>>
    %dma_wait3A_622 = arith.constant 0 : i32
    %dma_wait3A_623 = tpu.memref_slice %arg3[%add3A_214, %dma_wait3A_622] : memref<2048x1024xf32, #tpu.memory_space<hbm>> -> memref<4x1024xf32, #tpu.memory_space<hbm>>
    tpu.wait_dma2 semaphore(%dma_wait3A_617 : memref<!tpu.dma_semaphore, #tpu.memory_space<semaphore_mem>>) src(%dma_wait3A_623 : memref<4x1024xf32, #tpu.memory_space<hbm>>) dst(%dma_wait3A_621 : memref<4x1024xf32, #tpu.memory_space<vmem>>)
    %parallel_loop3A_624 = arith.constant 0 : i32
    %parallel_loop3A_625 = arith.constant 256 : i32
    %parallel_loop3A_626 = arith.constant 1 : i32
    scf.for %parallel_loop3A_1904 = %parallel_loop3A_624 to %parallel_loop3A_625 step %parallel_loop3A_626  : i32 {
      %parallel_loop3A_1905 = arith.constant 6 : i32
      %parallel_loop3A_1906 = arith.shrui %parallel_loop3A_1904, %parallel_loop3A_1905 : i32
      %parallel_loop3A_1907 = arith.constant 63 : i32
      %parallel_loop3A_1908 = arith.andi %parallel_loop3A_1904, %parallel_loop3A_1907 : i32
      %parallel_loop3A_1909 = arith.constant 16 : i32
      %parallel_loop3A_1910 = arith.muli %parallel_loop3A_1908, %parallel_loop3A_1909 : i32
      %parallel_loop3A_1911 = arith.constant 4 : i32
      %parallel_loop3A_1912 = arith.index_cast %parallel_loop3A_1911 : i32 to index
      %parallel_loop3A_1913 = arith.index_cast %parallel_loop3A_1906 : i32 to index
      %parallel_loop3A_1914 = arith.index_cast %parallel_loop3A_1910 : i32 to index
      %parallel_loop3A_1915 = tpu.vector_load %arg6[%parallel_loop3A_1912, %parallel_loop3A_1913, %parallel_loop3A_1914] {strides = array<i32>} : memref<6x4x1024xf32, #tpu.memory_space<vmem>>, vector<1x1x16xf32>,
      %parallel_loop3A_1916 = vector.shape_cast %parallel_loop3A_1915 : vector<1x1x16xf32> to vector<16xf32>
      %parallel_loop3A_1917 = arith.constant 4 : i32
      %parallel_loop3A_1918 = arith.constant 0 : i32
      %parallel_loop3A_1919 = arith.index_cast %parallel_loop3A_1917 : i32 to index
      %parallel_loop3A_1920 = arith.index_cast %parallel_loop3A_1906 : i32 to index
      %parallel_loop3A_1921 = arith.index_cast %parallel_loop3A_1918 : i32 to index
      %parallel_loop3A_1922 = arith.index_cast %parallel_loop3A_1910 : i32 to index
      %parallel_loop3A_1923 = tpu.vector_load %arg5[%parallel_loop3A_1919, %parallel_loop3A_1920, %parallel_loop3A_1921, %parallel_loop3A_1922] {strides = array<i32>} : memref<6x4x4x1024xf32, #tpu.memory_space<vmem>>, vector<1x1x1x16xf32>,
      %parallel_loop3A_1924 = vector.shape_cast %parallel_loop3A_1923 : vector<1x1x1x16xf32> to vector<16xf32>
      %parallel_loop3A_1925 = arith.addf %parallel_loop3A_1924, %parallel_loop3A_1916 : vector<16xf32>
      %parallel_loop3A_1926 = arith.constant 4 : i32
      %parallel_loop3A_1927 = arith.constant 0 : i32
      %parallel_loop3A_1928 = arith.index_cast %parallel_loop3A_1926 : i32 to index
      %parallel_loop3A_1929 = arith.index_cast %parallel_loop3A_1906 : i32 to index
      %parallel_loop3A_1930 = arith.index_cast %parallel_loop3A_1927 : i32 to index
      %parallel_loop3A_1931 = arith.index_cast %parallel_loop3A_1910 : i32 to index
      %parallel_loop3A_1932 = tpu.vector_load %arg5[%parallel_loop3A_1928, %parallel_loop3A_1929, %parallel_loop3A_1930, %parallel_loop3A_1931] {strides = array<i32>} : memref<6x4x4x1024xf32, #tpu.memory_space<vmem>>, vector<1x1x1x16xf32>,
      %parallel_loop3A_1933 = vector.shape_cast %parallel_loop3A_1932 : vector<1x1x1x16xf32> to vector<16xf32>
      %parallel_loop3A_1934 = vector.shape_cast %parallel_loop3A_1925 : vector<16xf32> to vector<1x1x1x16xf32>
      tpu.vector_store %arg5[%parallel_loop3A_1928, %parallel_loop3A_1929, %parallel_loop3A_1930, %parallel_loop3A_1931], %parallel_loop3A_1934 {strides = array<i32>} : memref<6x4x4x1024xf32, #tpu.memory_space<vmem>>, vector<1x1x1x16xf32>,
      %parallel_loop3A_1935 = arith.constant 4 : i32
      %parallel_loop3A_1936 = arith.constant 1 : i32
      %parallel_loop3A_1937 = arith.index_cast %parallel_loop3A_1935 : i32 to index
      %parallel_loop3A_1938 = arith.index_cast %parallel_loop3A_1906 : i32 to index
      %parallel_loop3A_1939 = arith.index_cast %parallel_loop3A_1936 : i32 to index
      %parallel_loop3A_1940 = arith.index_cast %parallel_loop3A_1910 : i32 to index
      %parallel_loop3A_1941 = tpu.vector_load %arg5[%parallel_loop3A_1937, %parallel_loop3A_1938, %parallel_loop3A_1939, %parallel_loop3A_1940] {strides = array<i32>} : memref<6x4x4x1024xf32, #tpu.memory_space<vmem>>, vector<1x1x1x16xf32>,
      %parallel_loop3A_1942 = vector.shape_cast %parallel_loop3A_1941 : vector<1x1x1x16xf32> to vector<16xf32>
      %parallel_loop3A_1943 = arith.addf %parallel_loop3A_1942, %parallel_loop3A_1916 : vector<16xf32>
      %parallel_loop3A_1944 = arith.constant 4 : i32
      %parallel_loop3A_1945 = arith.constant 1 : i32
      %parallel_loop3A_1946 = arith.index_cast %parallel_loop3A_1944 : i32 to index
      %parallel_loop3A_1947 = arith.index_cast %parallel_loop3A_1906 : i32 to index
      %parallel_loop3A_1948 = arith.index_cast %parallel_loop3A_1945 : i32 to index
      %parallel_loop3A_1949 = arith.index_cast %parallel_loop3A_1910 : i32 to index
      %parallel_loop3A_1950 = tpu.vector_load %arg5[%parallel_loop3A_1946, %parallel_loop3A_1947, %parallel_loop3A_1948, %parallel_loop3A_1949] {strides = array<i32>} : memref<6x4x4x1024xf32, #tpu.memory_space<vmem>>, vector<1x1x1x16xf32>,
      %parallel_loop3A_1951 = vector.shape_cast %parallel_loop3A_1950 : vector<1x1x1x16xf32> to vector<16xf32>
      %parallel_loop3A_1952 = vector.shape_cast %parallel_loop3A_1943 : vector<16xf32> to vector<1x1x1x16xf32>
      tpu.vector_store %arg5[%parallel_loop3A_1946, %parallel_loop3A_1947, %parallel_loop3A_1948, %parallel_loop3A_1949], %parallel_loop3A_1952 {strides = array<i32>} : memref<6x4x4x1024xf32, #tpu.memory_space<vmem>>, vector<1x1x1x16xf32>,
      %parallel_loop3A_1953 = arith.constant 4 : i32
      %parallel_loop3A_1954 = arith.constant 2 : i32
      %parallel_loop3A_1955 = arith.index_cast %parallel_loop3A_1953 : i32 to index
      %parallel_loop3A_1956 = arith.index_cast %parallel_loop3A_1906 : i32 to index
      %parallel_loop3A_1957 = arith.index_cast %parallel_loop3A_1954 : i32 to index
      %parallel_loop3A_1958 = arith.index_cast %parallel_loop3A_1910 : i32 to index
      %parallel_loop3A_1959 = tpu.vector_load %arg5[%parallel_loop3A_1955, %parallel_loop3A_1956, %parallel_loop3A_1957, %parallel_loop3A_1958] {strides = array<i32>} : memref<6x4x4x1024xf32, #tpu.memory_space<vmem>>, vector<1x1x1x16xf32>,
      %parallel_loop3A_1960 = vector.shape_cast %parallel_loop3A_1959 : vector<1x1x1x16xf32> to vector<16xf32>
      %parallel_loop3A_1961 = arith.addf %parallel_loop3A_1960, %parallel_loop3A_1916 : vector<16xf32>
      %parallel_loop3A_1962 = arith.constant 4 : i32
      %parallel_loop3A_1963 = arith.constant 2 : i32
      %parallel_loop3A_1964 = arith.index_cast %parallel_loop3A_1962 : i32 to index
      %parallel_loop3A_1965 = arith.index_cast %parallel_loop3A_1906 : i32 to index
      %parallel_loop3A_1966 = arith.index_cast %parallel_loop3A_1963 : i32 to index
      %parallel_loop3A_1967 = arith.index_cast %parallel_loop3A_1910 : i32 to index
      %parallel_loop3A_1968 = tpu.vector_load %arg5[%parallel_loop3A_1964, %parallel_loop3A_1965, %parallel_loop3A_1966, %parallel_loop3A_1967] {strides = array<i32>} : memref<6x4x4x1024xf32, #tpu.memory_space<vmem>>, vector<1x1x1x16xf32>,
      %parallel_loop3A_1969 = vector.shape_cast %parallel_loop3A_1968 : vector<1x1x1x16xf32> to vector<16xf32>
      %parallel_loop3A_1970 = vector.shape_cast %parallel_loop3A_1961 : vector<16xf32> to vector<1x1x1x16xf32>
      tpu.vector_store %arg5[%parallel_loop3A_1964, %parallel_loop3A_1965, %parallel_loop3A_1966, %parallel_loop3A_1967], %parallel_loop3A_1970 {strides = array<i32>} : memref<6x4x4x1024xf32, #tpu.memory_space<vmem>>, vector<1x1x1x16xf32>,
      %parallel_loop3A_1971 = arith.constant 4 : i32
      %parallel_loop3A_1972 = arith.constant 3 : i32
      %parallel_loop3A_1973 = arith.index_cast %parallel_loop3A_1971 : i32 to index
      %parallel_loop3A_1974 = arith.index_cast %parallel_loop3A_1906 : i32 to index
      %parallel_loop3A_1975 = arith.index_cast %parallel_loop3A_1972 : i32 to index
      %parallel_loop3A_1976 = arith.index_cast %parallel_loop3A_1910 : i32 to index
      %parallel_loop3A_1977 = tpu.vector_load %arg5[%parallel_loop3A_1973, %parallel_loop3A_1974, %parallel_loop3A_1975, %parallel_loop3A_1976] {strides = array<i32>} : memref<6x4x4x1024xf32, #tpu.memory_space<vmem>>, vector<1x1x1x16xf32>,
      %parallel_loop3A_1978 = vector.shape_cast %parallel_loop3A_1977 : vector<1x1x1x16xf32> to vector<16xf32>
      %parallel_loop3A_1979 = arith.addf %parallel_loop3A_1978, %parallel_loop3A_1916 : vector<16xf32>
      %parallel_loop3A_1980 = arith.constant 4 : i32
      %parallel_loop3A_1981 = arith.constant 3 : i32
      %parallel_loop3A_1982 = arith.index_cast %parallel_loop3A_1980 : i32 to index
      %parallel_loop3A_1983 = arith.index_cast %parallel_loop3A_1906 : i32 to index
      %parallel_loop3A_1984 = arith.index_cast %parallel_loop3A_1981 : i32 to index
      %parallel_loop3A_1985 = arith.index_cast %parallel_loop3A_1910 : i32 to index
      %parallel_loop3A_1986 = tpu.vector_load %arg5[%parallel_loop3A_1982, %parallel_loop3A_1983, %parallel_loop3A_1984, %parallel_loop3A_1985] {strides = array<i32>} : memref<6x4x4x1024xf32, #tpu.memory_space<vmem>>, vector<1x1x1x16xf32>,
      %parallel_loop3A_1987 = vector.shape_cast %parallel_loop3A_1986 : vector<1x1x1x16xf32> to vector<16xf32>
      %parallel_loop3A_1988 = vector.shape_cast %parallel_loop3A_1979 : vector<16xf32> to vector<1x1x1x16xf32>
      tpu.vector_store %arg5[%parallel_loop3A_1982, %parallel_loop3A_1983, %parallel_loop3A_1984, %parallel_loop3A_1985], %parallel_loop3A_1988 {strides = array<i32>} : memref<6x4x4x1024xf32, #tpu.memory_space<vmem>>, vector<1x1x1x16xf32>,
    } {sc.loop_unroll_factor = 4 : i64, sc.parallel_access}
    %add3A_627 = arith.constant 16 : i32
    %add3A_628 = arith.addi %mul3A_2, %add3A_627 : i32
    %dma_start3A_629 = arith.constant 4 : i32
    %dma_start3A_630 = arith.constant 4 : i32
    %dma_start3A_631 = arith.constant 0 : i32
    %dma_start3A_632 = arith.constant 0 : i32
    %dma_start3A_633 = arith.constant 0 : i32
    %dma_start3A_634 = tpu.memref_slice %arg5[%dma_start3A_629, %dma_start3A_631, %dma_start3A_632, %dma_start3A_633] : memref<6x4x4x1024xf32, #tpu.memory_space<vmem>> -> memref<1x4x4x1024xf32, #tpu.memory_space<vmem>>
    %dma_start3A_635 = tpu.memref_squeeze %dma_start3A_634 : memref<1x4x4x1024xf32, #tpu.memory_space<vmem>> -> memref<4x4x1024xf32, #tpu.memory_space<vmem>>
    %dma_start3A_636 = arith.constant 0 : i32
    %dma_start3A_637 = arith.constant 0 : i32
    %dma_start3A_638 = tpu.memref_slice %arg4[%add3A_628, %dma_start3A_636, %dma_start3A_637] : memref<2048x4x1024xf32, #tpu.memory_space<hbm>> -> memref<4x4x1024xf32, #tpu.memory_space<hbm>>
    %dma_start3A_639 = tpu.memref_slice %arg8[%dma_start3A_630] : memref<6x!tpu.dma_semaphore, #tpu.memory_space<semaphore_mem>> -> memref<1x!tpu.dma_semaphore, #tpu.memory_space<semaphore_mem>>
    %dma_start3A_640 = tpu.memref_squeeze %dma_start3A_639 : memref<1x!tpu.dma_semaphore, #tpu.memory_space<semaphore_mem>> -> memref<!tpu.dma_semaphore, #tpu.memory_space<semaphore_mem>>
    %dma_start3A_641 = arith.constant 0 : i32
    %dma_start3A_642 = arith.constant 0 : i32
    %dma_start3A_643 = tpu.memref_slice %arg4[%add3A_628, %dma_start3A_641, %dma_start3A_642] : memref<2048x4x1024xf32, #tpu.memory_space<hbm>> -> memref<4x4x1024xf32, #tpu.memory_space<hbm>>
    %dma_start3A_644 = arith.constant 0 : i32
    %dma_start3A_645 = arith.constant 0 : i32
    %dma_start3A_646 = arith.constant 0 : i32
    %dma_start3A_647 = tpu.memref_slice %arg5[%dma_start3A_629, %dma_start3A_644, %dma_start3A_645, %dma_start3A_646] : memref<6x4x4x1024xf32, #tpu.memory_space<vmem>> -> memref<1x4x4x1024xf32, #tpu.memory_space<vmem>>
    %dma_start3A_648 = tpu.memref_squeeze %dma_start3A_647 : memref<1x4x4x1024xf32, #tpu.memory_space<vmem>> -> memref<4x4x1024xf32, #tpu.memory_space<vmem>>
    tpu.enqueue_dma source(%dma_start3A_648 : memref<4x4x1024xf32, #tpu.memory_space<vmem>>) target(%dma_start3A_643 : memref<4x4x1024xf32, #tpu.memory_space<hbm>>) target_semaphore(%dma_start3A_640 : memref<!tpu.dma_semaphore, #tpu.memory_space<semaphore_mem>>)
    %dma_wait3A_649 = arith.constant 2 : i32
    %dma_wait3A_650 = arith.constant 2 : i32
    %dma_wait3A_651 = arith.constant 0 : i32
    %dma_wait3A_652 = arith.constant 0 : i32
    %dma_wait3A_653 = arith.constant 0 : i32
    %dma_wait3A_654 = tpu.memref_slice %arg5[%dma_wait3A_649, %dma_wait3A_651, %dma_wait3A_652, %dma_wait3A_653] : memref<6x4x4x1024xf32, #tpu.memory_space<vmem>> -> memref<1x4x4x1024xf32, #tpu.memory_space<vmem>>
    %dma_wait3A_655 = tpu.memref_squeeze %dma_wait3A_654 : memref<1x4x4x1024xf32, #tpu.memory_space<vmem>> -> memref<4x4x1024xf32, #tpu.memory_space<vmem>>
    %dma_wait3A_656 = arith.constant 0 : i32
    %dma_wait3A_657 = arith.constant 0 : i32
    %dma_wait3A_658 = tpu.memref_slice %arg4[%add3A_390, %dma_wait3A_656, %dma_wait3A_657] : memref<2048x4x1024xf32, #tpu.memory_space<hbm>> -> memref<4x4x1024xf32, #tpu.memory_space<hbm>>
    %dma_wait3A_659 = tpu.memref_slice %arg8[%dma_wait3A_650] : memref<6x!tpu.dma_semaphore, #tpu.memory_space<semaphore_mem>> -> memref<1x!tpu.dma_semaphore, #tpu.memory_space<semaphore_mem>>
    %dma_wait3A_660 = tpu.memref_squeeze %dma_wait3A_659 : memref<1x!tpu.dma_semaphore, #tpu.memory_space<semaphore_mem>> -> memref<!tpu.dma_semaphore, #tpu.memory_space<semaphore_mem>>
    %dma_wait3A_661 = arith.constant 0 : i32
    %dma_wait3A_662 = arith.constant 0 : i32
    %dma_wait3A_663 = tpu.memref_slice %arg4[%add3A_390, %dma_wait3A_661, %dma_wait3A_662] : memref<2048x4x1024xf32, #tpu.memory_space<hbm>> -> memref<4x4x1024xf32, #tpu.memory_space<hbm>>
    %dma_wait3A_664 = arith.constant 0 : i32
    %dma_wait3A_665 = arith.constant 0 : i32
    %dma_wait3A_666 = arith.constant 0 : i32
    %dma_wait3A_667 = tpu.memref_slice %arg5[%dma_wait3A_649, %dma_wait3A_664, %dma_wait3A_665, %dma_wait3A_666] : memref<6x4x4x1024xf32, #tpu.memory_space<vmem>> -> memref<1x4x4x1024xf32, #tpu.memory_space<vmem>>
    %dma_wait3A_668 = tpu.memref_squeeze %dma_wait3A_667 : memref<1x4x4x1024xf32, #tpu.memory_space<vmem>> -> memref<4x4x1024xf32, #tpu.memory_space<vmem>>
    tpu.wait_dma2 semaphore(%dma_wait3A_660 : memref<!tpu.dma_semaphore, #tpu.memory_space<semaphore_mem>>) src(%dma_wait3A_668 : memref<4x4x1024xf32, #tpu.memory_space<vmem>>) dst(%dma_wait3A_663 : memref<4x4x1024xf32, #tpu.memory_space<hbm>>)
    %add3A_669 = arith.constant 32 : i32
    %add3A_670 = arith.addi %mul3A_2, %add3A_669 : i32
    %dma_start3A_671 = arith.constant 2 : i32
    %dma_start3A_672 = arith.constant 2 : i32
    %dma_start3A_673 = arith.constant 0 : i32
    %dma_start3A_674 = arith.constant 0 : i32
    %dma_start3A_675 = arith.constant 0 : i32
    %dma_start3A_676 = tpu.memref_slice %arg5[%dma_start3A_671, %dma_start3A_673, %dma_start3A_674, %dma_start3A_675] : memref<6x4x4x1024xf32, #tpu.memory_space<vmem>> -> memref<1x4x4x1024xf32, #tpu.memory_space<vmem>>
    %dma_start3A_677 = tpu.memref_squeeze %dma_start3A_676 : memref<1x4x4x1024xf32, #tpu.memory_space<vmem>> -> memref<4x4x1024xf32, #tpu.memory_space<vmem>>
    %dma_start3A_678 = arith.constant 0 : i32
    %dma_start3A_679 = arith.constant 0 : i32
    %dma_start3A_680 = tpu.memref_slice %arg2[%add3A_670, %dma_start3A_678, %dma_start3A_679] : memref<2048x4x1024xf32, #tpu.memory_space<hbm>> -> memref<4x4x1024xf32, #tpu.memory_space<hbm>>
    %dma_start3A_681 = tpu.memref_slice %arg7[%dma_start3A_672] : memref<6x!tpu.dma_semaphore, #tpu.memory_space<semaphore_mem>> -> memref<1x!tpu.dma_semaphore, #tpu.memory_space<semaphore_mem>>
    %dma_start3A_682 = tpu.memref_squeeze %dma_start3A_681 : memref<1x!tpu.dma_semaphore, #tpu.memory_space<semaphore_mem>> -> memref<!tpu.dma_semaphore, #tpu.memory_space<semaphore_mem>>
    %dma_start3A_683 = arith.constant 0 : i32
    %dma_start3A_684 = arith.constant 0 : i32
    %dma_start3A_685 = arith.constant 0 : i32
    %dma_start3A_686 = tpu.memref_slice %arg5[%dma_start3A_671, %dma_start3A_683, %dma_start3A_684, %dma_start3A_685] : memref<6x4x4x1024xf32, #tpu.memory_space<vmem>> -> memref<1x4x4x1024xf32, #tpu.memory_space<vmem>>
    %dma_start3A_687 = tpu.memref_squeeze %dma_start3A_686 : memref<1x4x4x1024xf32, #tpu.memory_space<vmem>> -> memref<4x4x1024xf32, #tpu.memory_space<vmem>>
    %dma_start3A_688 = arith.constant 0 : i32
    %dma_start3A_689 = arith.constant 0 : i32
    %dma_start3A_690 = tpu.memref_slice %arg2[%add3A_670, %dma_start3A_688, %dma_start3A_689] : memref<2048x4x1024xf32, #tpu.memory_space<hbm>> -> memref<4x4x1024xf32, #tpu.memory_space<hbm>>
    tpu.enqueue_dma source(%dma_start3A_690 : memref<4x4x1024xf32, #tpu.memory_space<hbm>>) target(%dma_start3A_687 : memref<4x4x1024xf32, #tpu.memory_space<vmem>>) target_semaphore(%dma_start3A_682 : memref<!tpu.dma_semaphore, #tpu.memory_space<semaphore_mem>>)
    %dma_start3A_691 = arith.constant 2 : i32
    %dma_start3A_692 = arith.constant 2 : i32
    %dma_start3A_693 = arith.constant 0 : i32
    %dma_start3A_694 = arith.constant 0 : i32
    %dma_start3A_695 = tpu.memref_slice %arg6[%dma_start3A_691, %dma_start3A_693, %dma_start3A_694] : memref<6x4x1024xf32, #tpu.memory_space<vmem>> -> memref<1x4x1024xf32, #tpu.memory_space<vmem>>
    %dma_start3A_696 = tpu.memref_squeeze %dma_start3A_695 : memref<1x4x1024xf32, #tpu.memory_space<vmem>> -> memref<4x1024xf32, #tpu.memory_space<vmem>>
    %dma_start3A_697 = arith.constant 0 : i32
    %dma_start3A_698 = tpu.memref_slice %arg3[%add3A_670, %dma_start3A_697] : memref<2048x1024xf32, #tpu.memory_space<hbm>> -> memref<4x1024xf32, #tpu.memory_space<hbm>>
    %dma_start3A_699 = tpu.memref_slice %arg7[%dma_start3A_692] : memref<6x!tpu.dma_semaphore, #tpu.memory_space<semaphore_mem>> -> memref<1x!tpu.dma_semaphore, #tpu.memory_space<semaphore_mem>>
    %dma_start3A_700 = tpu.memref_squeeze %dma_start3A_699 : memref<1x!tpu.dma_semaphore, #tpu.memory_space<semaphore_mem>> -> memref<!tpu.dma_semaphore, #tpu.memory_space<semaphore_mem>>
    %dma_start3A_701 = arith.constant 0 : i32
    %dma_start3A_702 = arith.constant 0 : i32
    %dma_start3A_703 = tpu.memref_slice %arg6[%dma_start3A_691, %dma_start3A_701, %dma_start3A_702] : memref<6x4x1024xf32, #tpu.memory_space<vmem>> -> memref<1x4x1024xf32, #tpu.memory_space<vmem>>
    %dma_start3A_704 = tpu.memref_squeeze %dma_start3A_703 : memref<1x4x1024xf32, #tpu.memory_space<vmem>> -> memref<4x1024xf32, #tpu.memory_space<vmem>>
    %dma_start3A_705 = arith.constant 0 : i32
    %dma_start3A_706 = tpu.memref_slice %arg3[%add3A_670, %dma_start3A_705] : memref<2048x1024xf32, #tpu.memory_space<hbm>> -> memref<4x1024xf32, #tpu.memory_space<hbm>>
    tpu.enqueue_dma source(%dma_start3A_706 : memref<4x1024xf32, #tpu.memory_space<hbm>>) target(%dma_start3A_704 : memref<4x1024xf32, #tpu.memory_space<vmem>>) target_semaphore(%dma_start3A_700 : memref<!tpu.dma_semaphore, #tpu.memory_space<semaphore_mem>>)
    %dma_wait3A_707 = arith.constant 5 : i32
    %dma_wait3A_708 = arith.constant 5 : i32
    %dma_wait3A_709 = arith.constant 0 : i32
    %dma_wait3A_710 = arith.constant 0 : i32
    %dma_wait3A_711 = arith.constant 0 : i32
    %dma_wait3A_712 = tpu.memref_slice %arg5[%dma_wait3A_707, %dma_wait3A_709, %dma_wait3A_710, %dma_wait3A_711] : memref<6x4x4x1024xf32, #tpu.memory_space<vmem>> -> memref<1x4x4x1024xf32, #tpu.memory_space<vmem>>
    %dma_wait3A_713 = tpu.memref_squeeze %dma_wait3A_712 : memref<1x4x4x1024xf32, #tpu.memory_space<vmem>> -> memref<4x4x1024xf32, #tpu.memory_space<vmem>>
    %dma_wait3A_714 = arith.constant 0 : i32
    %dma_wait3A_715 = arith.constant 0 : i32
    %dma_wait3A_716 = tpu.memref_slice %arg2[%add3A_313, %dma_wait3A_714, %dma_wait3A_715] : memref<2048x4x1024xf32, #tpu.memory_space<hbm>> -> memref<4x4x1024xf32, #tpu.memory_space<hbm>>
    %dma_wait3A_717 = tpu.memref_slice %arg7[%dma_wait3A_708] : memref<6x!tpu.dma_semaphore, #tpu.memory_space<semaphore_mem>> -> memref<1x!tpu.dma_semaphore, #tpu.memory_space<semaphore_mem>>
    %dma_wait3A_718 = tpu.memref_squeeze %dma_wait3A_717 : memref<1x!tpu.dma_semaphore, #tpu.memory_space<semaphore_mem>> -> memref<!tpu.dma_semaphore, #tpu.memory_space<semaphore_mem>>
    %dma_wait3A_719 = arith.constant 0 : i32
    %dma_wait3A_720 = arith.constant 0 : i32
    %dma_wait3A_721 = arith.constant 0 : i32
    %dma_wait3A_722 = tpu.memref_slice %arg5[%dma_wait3A_707, %dma_wait3A_719, %dma_wait3A_720, %dma_wait3A_721] : memref<6x4x4x1024xf32, #tpu.memory_space<vmem>> -> memref<1x4x4x1024xf32, #tpu.memory_space<vmem>>
    %dma_wait3A_723 = tpu.memref_squeeze %dma_wait3A_722 : memref<1x4x4x1024xf32, #tpu.memory_space<vmem>> -> memref<4x4x1024xf32, #tpu.memory_space<vmem>>
    %dma_wait3A_724 = arith.constant 0 : i32
    %dma_wait3A_725 = arith.constant 0 : i32
    %dma_wait3A_726 = tpu.memref_slice %arg2[%add3A_313, %dma_wait3A_724, %dma_wait3A_725] : memref<2048x4x1024xf32, #tpu.memory_space<hbm>> -> memref<4x4x1024xf32, #tpu.memory_space<hbm>>
    tpu.wait_dma2 semaphore(%dma_wait3A_718 : memref<!tpu.dma_semaphore, #tpu.memory_space<semaphore_mem>>) src(%dma_wait3A_726 : memref<4x4x1024xf32, #tpu.memory_space<hbm>>) dst(%dma_wait3A_723 : memref<4x4x1024xf32, #tpu.memory_space<vmem>>)
    %dma_wait3A_727 = arith.constant 5 : i32
    %dma_wait3A_728 = arith.constant 5 : i32
    %dma_wait3A_729 = arith.constant 0 : i32
    %dma_wait3A_730 = arith.constant 0 : i32
    %dma_wait3A_731 = tpu.memref_slice %arg6[%dma_wait3A_727, %dma_wait3A_729, %dma_wait3A_730] : memref<6x4x1024xf32, #tpu.memory_space<vmem>> -> memref<1x4x1024xf32, #tpu.memory_space<vmem>>
    %dma_wait3A_732 = tpu.memref_squeeze %dma_wait3A_731 : memref<1x4x1024xf32, #tpu.memory_space<vmem>> -> memref<4x1024xf32, #tpu.memory_space<vmem>>
    %dma_wait3A_733 = arith.constant 0 : i32
    %dma_wait3A_734 = tpu.memref_slice %arg3[%add3A_313, %dma_wait3A_733] : memref<2048x1024xf32, #tpu.memory_space<hbm>> -> memref<4x1024xf32, #tpu.memory_space<hbm>>
    %dma_wait3A_735 = tpu.memref_slice %arg7[%dma_wait3A_728] : memref<6x!tpu.dma_semaphore, #tpu.memory_space<semaphore_mem>> -> memref<1x!tpu.dma_semaphore, #tpu.memory_space<semaphore_mem>>
    %dma_wait3A_736 = tpu.memref_squeeze %dma_wait3A_735 : memref<1x!tpu.dma_semaphore, #tpu.memory_space<semaphore_mem>> -> memref<!tpu.dma_semaphore, #tpu.memory_space<semaphore_mem>>
    %dma_wait3A_737 = arith.constant 0 : i32
    %dma_wait3A_738 = arith.constant 0 : i32
    %dma_wait3A_739 = tpu.memref_slice %arg6[%dma_wait3A_727, %dma_wait3A_737, %dma_wait3A_738] : memref<6x4x1024xf32, #tpu.memory_space<vmem>> -> memref<1x4x1024xf32, #tpu.memory_space<vmem>>
    %dma_wait3A_740 = tpu.memref_squeeze %dma_wait3A_739 : memref<1x4x1024xf32, #tpu.memory_space<vmem>> -> memref<4x1024xf32, #tpu.memory_space<vmem>>
    %dma_wait3A_741 = arith.constant 0 : i32
    %dma_wait3A_742 = tpu.memref_slice %arg3[%add3A_313, %dma_wait3A_741] : memref<2048x1024xf32, #tpu.memory_space<hbm>> -> memref<4x1024xf32, #tpu.memory_space<hbm>>
    tpu.wait_dma2 semaphore(%dma_wait3A_736 : memref<!tpu.dma_semaphore, #tpu.memory_space<semaphore_mem>>) src(%dma_wait3A_742 : memref<4x1024xf32, #tpu.memory_space<hbm>>) dst(%dma_wait3A_740 : memref<4x1024xf32, #tpu.memory_space<vmem>>)
    %parallel_loop3A_743 = arith.constant 0 : i32
    %parallel_loop3A_744 = arith.constant 256 : i32
    %parallel_loop3A_745 = arith.constant 1 : i32
    scf.for %parallel_loop3A_1904 = %parallel_loop3A_743 to %parallel_loop3A_744 step %parallel_loop3A_745  : i32 {
      %parallel_loop3A_1905 = arith.constant 6 : i32
      %parallel_loop3A_1906 = arith.shrui %parallel_loop3A_1904, %parallel_loop3A_1905 : i32
      %parallel_loop3A_1907 = arith.constant 63 : i32
      %parallel_loop3A_1908 = arith.andi %parallel_loop3A_1904, %parallel_loop3A_1907 : i32
      %parallel_loop3A_1909 = arith.constant 16 : i32
      %parallel_loop3A_1910 = arith.muli %parallel_loop3A_1908, %parallel_loop3A_1909 : i32
      %parallel_loop3A_1911 = arith.constant 5 : i32
      %parallel_loop3A_1912 = arith.index_cast %parallel_loop3A_1911 : i32 to index
      %parallel_loop3A_1913 = arith.index_cast %parallel_loop3A_1906 : i32 to index
      %parallel_loop3A_1914 = arith.index_cast %parallel_loop3A_1910 : i32 to index
      %parallel_loop3A_1915 = tpu.vector_load %arg6[%parallel_loop3A_1912, %parallel_loop3A_1913, %parallel_loop3A_1914] {strides = array<i32>} : memref<6x4x1024xf32, #tpu.memory_space<vmem>>, vector<1x1x16xf32>,
      %parallel_loop3A_1916 = vector.shape_cast %parallel_loop3A_1915 : vector<1x1x16xf32> to vector<16xf32>
      %parallel_loop3A_1917 = arith.constant 5 : i32
      %parallel_loop3A_1918 = arith.constant 0 : i32
      %parallel_loop3A_1919 = arith.index_cast %parallel_loop3A_1917 : i32 to index
      %parallel_loop3A_1920 = arith.index_cast %parallel_loop3A_1906 : i32 to index
      %parallel_loop3A_1921 = arith.index_cast %parallel_loop3A_1918 : i32 to index
      %parallel_loop3A_1922 = arith.index_cast %parallel_loop3A_1910 : i32 to index
      %parallel_loop3A_1923 = tpu.vector_load %arg5[%parallel_loop3A_1919, %parallel_loop3A_1920, %parallel_loop3A_1921, %parallel_loop3A_1922] {strides = array<i32>} : memref<6x4x4x1024xf32, #tpu.memory_space<vmem>>, vector<1x1x1x16xf32>,
      %parallel_loop3A_1924 = vector.shape_cast %parallel_loop3A_1923 : vector<1x1x1x16xf32> to vector<16xf32>
      %parallel_loop3A_1925 = arith.addf %parallel_loop3A_1924, %parallel_loop3A_1916 : vector<16xf32>
      %parallel_loop3A_1926 = arith.constant 5 : i32
      %parallel_loop3A_1927 = arith.constant 0 : i32
      %parallel_loop3A_1928 = arith.index_cast %parallel_loop3A_1926 : i32 to index
      %parallel_loop3A_1929 = arith.index_cast %parallel_loop3A_1906 : i32 to index
      %parallel_loop3A_1930 = arith.index_cast %parallel_loop3A_1927 : i32 to index
      %parallel_loop3A_1931 = arith.index_cast %parallel_loop3A_1910 : i32 to index
      %parallel_loop3A_1932 = tpu.vector_load %arg5[%parallel_loop3A_1928, %parallel_loop3A_1929, %parallel_loop3A_1930, %parallel_loop3A_1931] {strides = array<i32>} : memref<6x4x4x1024xf32, #tpu.memory_space<vmem>>, vector<1x1x1x16xf32>,
      %parallel_loop3A_1933 = vector.shape_cast %parallel_loop3A_1932 : vector<1x1x1x16xf32> to vector<16xf32>
      %parallel_loop3A_1934 = vector.shape_cast %parallel_loop3A_1925 : vector<16xf32> to vector<1x1x1x16xf32>
      tpu.vector_store %arg5[%parallel_loop3A_1928, %parallel_loop3A_1929, %parallel_loop3A_1930, %parallel_loop3A_1931], %parallel_loop3A_1934 {strides = array<i32>} : memref<6x4x4x1024xf32, #tpu.memory_space<vmem>>, vector<1x1x1x16xf32>,
      %parallel_loop3A_1935 = arith.constant 5 : i32
      %parallel_loop3A_1936 = arith.constant 1 : i32
      %parallel_loop3A_1937 = arith.index_cast %parallel_loop3A_1935 : i32 to index
      %parallel_loop3A_1938 = arith.index_cast %parallel_loop3A_1906 : i32 to index
      %parallel_loop3A_1939 = arith.index_cast %parallel_loop3A_1936 : i32 to index
      %parallel_loop3A_1940 = arith.index_cast %parallel_loop3A_1910 : i32 to index
      %parallel_loop3A_1941 = tpu.vector_load %arg5[%parallel_loop3A_1937, %parallel_loop3A_1938, %parallel_loop3A_1939, %parallel_loop3A_1940] {strides = array<i32>} : memref<6x4x4x1024xf32, #tpu.memory_space<vmem>>, vector<1x1x1x16xf32>,
      %parallel_loop3A_1942 = vector.shape_cast %parallel_loop3A_1941 : vector<1x1x1x16xf32> to vector<16xf32>
      %parallel_loop3A_1943 = arith.addf %parallel_loop3A_1942, %parallel_loop3A_1916 : vector<16xf32>
      %parallel_loop3A_1944 = arith.constant 5 : i32
      %parallel_loop3A_1945 = arith.constant 1 : i32
      %parallel_loop3A_1946 = arith.index_cast %parallel_loop3A_1944 : i32 to index
      %parallel_loop3A_1947 = arith.index_cast %parallel_loop3A_1906 : i32 to index
      %parallel_loop3A_1948 = arith.index_cast %parallel_loop3A_1945 : i32 to index
      %parallel_loop3A_1949 = arith.index_cast %parallel_loop3A_1910 : i32 to index
      %parallel_loop3A_1950 = tpu.vector_load %arg5[%parallel_loop3A_1946, %parallel_loop3A_1947, %parallel_loop3A_1948, %parallel_loop3A_1949] {strides = array<i32>} : memref<6x4x4x1024xf32, #tpu.memory_space<vmem>>, vector<1x1x1x16xf32>,
      %parallel_loop3A_1951 = vector.shape_cast %parallel_loop3A_1950 : vector<1x1x1x16xf32> to vector<16xf32>
      %parallel_loop3A_1952 = vector.shape_cast %parallel_loop3A_1943 : vector<16xf32> to vector<1x1x1x16xf32>
      tpu.vector_store %arg5[%parallel_loop3A_1946, %parallel_loop3A_1947, %parallel_loop3A_1948, %parallel_loop3A_1949], %parallel_loop3A_1952 {strides = array<i32>} : memref<6x4x4x1024xf32, #tpu.memory_space<vmem>>, vector<1x1x1x16xf32>,
      %parallel_loop3A_1953 = arith.constant 5 : i32
      %parallel_loop3A_1954 = arith.constant 2 : i32
      %parallel_loop3A_1955 = arith.index_cast %parallel_loop3A_1953 : i32 to index
      %parallel_loop3A_1956 = arith.index_cast %parallel_loop3A_1906 : i32 to index
      %parallel_loop3A_1957 = arith.index_cast %parallel_loop3A_1954 : i32 to index
      %parallel_loop3A_1958 = arith.index_cast %parallel_loop3A_1910 : i32 to index
      %parallel_loop3A_1959 = tpu.vector_load %arg5[%parallel_loop3A_1955, %parallel_loop3A_1956, %parallel_loop3A_1957, %parallel_loop3A_1958] {strides = array<i32>} : memref<6x4x4x1024xf32, #tpu.memory_space<vmem>>, vector<1x1x1x16xf32>,
      %parallel_loop3A_1960 = vector.shape_cast %parallel_loop3A_1959 : vector<1x1x1x16xf32> to vector<16xf32>
      %parallel_loop3A_1961 = arith.addf %parallel_loop3A_1960, %parallel_loop3A_1916 : vector<16xf32>
      %parallel_loop3A_1962 = arith.constant 5 : i32
      %parallel_loop3A_1963 = arith.constant 2 : i32
      %parallel_loop3A_1964 = arith.index_cast %parallel_loop3A_1962 : i32 to index
      %parallel_loop3A_1965 = arith.index_cast %parallel_loop3A_1906 : i32 to index
      %parallel_loop3A_1966 = arith.index_cast %parallel_loop3A_1963 : i32 to index
      %parallel_loop3A_1967 = arith.index_cast %parallel_loop3A_1910 : i32 to index
      %parallel_loop3A_1968 = tpu.vector_load %arg5[%parallel_loop3A_1964, %parallel_loop3A_1965, %parallel_loop3A_1966, %parallel_loop3A_1967] {strides = array<i32>} : memref<6x4x4x1024xf32, #tpu.memory_space<vmem>>, vector<1x1x1x16xf32>,
      %parallel_loop3A_1969 = vector.shape_cast %parallel_loop3A_1968 : vector<1x1x1x16xf32> to vector<16xf32>
      %parallel_loop3A_1970 = vector.shape_cast %parallel_loop3A_1961 : vector<16xf32> to vector<1x1x1x16xf32>
      tpu.vector_store %arg5[%parallel_loop3A_1964, %parallel_loop3A_1965, %parallel_loop3A_1966, %parallel_loop3A_1967], %parallel_loop3A_1970 {strides = array<i32>} : memref<6x4x4x1024xf32, #tpu.memory_space<vmem>>, vector<1x1x1x16xf32>,
      %parallel_loop3A_1971 = arith.constant 5 : i32
      %parallel_loop3A_1972 = arith.constant 3 : i32
      %parallel_loop3A_1973 = arith.index_cast %parallel_loop3A_1971 : i32 to index
      %parallel_loop3A_1974 = arith.index_cast %parallel_loop3A_1906 : i32 to index
      %parallel_loop3A_1975 = arith.index_cast %parallel_loop3A_1972 : i32 to index
      %parallel_loop3A_1976 = arith.index_cast %parallel_loop3A_1910 : i32 to index
      %parallel_loop3A_1977 = tpu.vector_load %arg5[%parallel_loop3A_1973, %parallel_loop3A_1974, %parallel_loop3A_1975, %parallel_loop3A_1976] {strides = array<i32>} : memref<6x4x4x1024xf32, #tpu.memory_space<vmem>>, vector<1x1x1x16xf32>,
      %parallel_loop3A_1978 = vector.shape_cast %parallel_loop3A_1977 : vector<1x1x1x16xf32> to vector<16xf32>
      %parallel_loop3A_1979 = arith.addf %parallel_loop3A_1978, %parallel_loop3A_1916 : vector<16xf32>
      %parallel_loop3A_1980 = arith.constant 5 : i32
      %parallel_loop3A_1981 = arith.constant 3 : i32
      %parallel_loop3A_1982 = arith.index_cast %parallel_loop3A_1980 : i32 to index
      %parallel_loop3A_1983 = arith.index_cast %parallel_loop3A_1906 : i32 to index
      %parallel_loop3A_1984 = arith.index_cast %parallel_loop3A_1981 : i32 to index
      %parallel_loop3A_1985 = arith.index_cast %parallel_loop3A_1910 : i32 to index
      %parallel_loop3A_1986 = tpu.vector_load %arg5[%parallel_loop3A_1982, %parallel_loop3A_1983, %parallel_loop3A_1984, %parallel_loop3A_1985] {strides = array<i32>} : memref<6x4x4x1024xf32, #tpu.memory_space<vmem>>, vector<1x1x1x16xf32>,
      %parallel_loop3A_1987 = vector.shape_cast %parallel_loop3A_1986 : vector<1x1x1x16xf32> to vector<16xf32>
      %parallel_loop3A_1988 = vector.shape_cast %parallel_loop3A_1979 : vector<16xf32> to vector<1x1x1x16xf32>
      tpu.vector_store %arg5[%parallel_loop3A_1982, %parallel_loop3A_1983, %parallel_loop3A_1984, %parallel_loop3A_1985], %parallel_loop3A_1988 {strides = array<i32>} : memref<6x4x4x1024xf32, #tpu.memory_space<vmem>>, vector<1x1x1x16xf32>,
    } {sc.loop_unroll_factor = 4 : i64, sc.parallel_access}
    %add3A_746 = arith.constant 20 : i32
    %add3A_747 = arith.addi %mul3A_2, %add3A_746 : i32
    %dma_start3A_748 = arith.constant 5 : i32
    %dma_start3A_749 = arith.constant 5 : i32
    %dma_start3A_750 = arith.constant 0 : i32
    %dma_start3A_751 = arith.constant 0 : i32
    %dma_start3A_752 = arith.constant 0 : i32
    %dma_start3A_753 = tpu.memref_slice %arg5[%dma_start3A_748, %dma_start3A_750, %dma_start3A_751, %dma_start3A_752] : memref<6x4x4x1024xf32, #tpu.memory_space<vmem>> -> memref<1x4x4x1024xf32, #tpu.memory_space<vmem>>
    %dma_start3A_754 = tpu.memref_squeeze %dma_start3A_753 : memref<1x4x4x1024xf32, #tpu.memory_space<vmem>> -> memref<4x4x1024xf32, #tpu.memory_space<vmem>>
    %dma_start3A_755 = arith.constant 0 : i32
    %dma_start3A_756 = arith.constant 0 : i32
    %dma_start3A_757 = tpu.memref_slice %arg4[%add3A_747, %dma_start3A_755, %dma_start3A_756] : memref<2048x4x1024xf32, #tpu.memory_space<hbm>> -> memref<4x4x1024xf32, #tpu.memory_space<hbm>>
    %dma_start3A_758 = tpu.memref_slice %arg8[%dma_start3A_749] : memref<6x!tpu.dma_semaphore, #tpu.memory_space<semaphore_mem>> -> memref<1x!tpu.dma_semaphore, #tpu.memory_space<semaphore_mem>>
    %dma_start3A_759 = tpu.memref_squeeze %dma_start3A_758 : memref<1x!tpu.dma_semaphore, #tpu.memory_space<semaphore_mem>> -> memref<!tpu.dma_semaphore, #tpu.memory_space<semaphore_mem>>
    %dma_start3A_760 = arith.constant 0 : i32
    %dma_start3A_761 = arith.constant 0 : i32
    %dma_start3A_762 = tpu.memref_slice %arg4[%add3A_747, %dma_start3A_760, %dma_start3A_761] : memref<2048x4x1024xf32, #tpu.memory_space<hbm>> -> memref<4x4x1024xf32, #tpu.memory_space<hbm>>
    %dma_start3A_763 = arith.constant 0 : i32
    %dma_start3A_764 = arith.constant 0 : i32
    %dma_start3A_765 = arith.constant 0 : i32
    %dma_start3A_766 = tpu.memref_slice %arg5[%dma_start3A_748, %dma_start3A_763, %dma_start3A_764, %dma_start3A_765] : memref<6x4x4x1024xf32, #tpu.memory_space<vmem>> -> memref<1x4x4x1024xf32, #tpu.memory_space<vmem>>
    %dma_start3A_767 = tpu.memref_squeeze %dma_start3A_766 : memref<1x4x4x1024xf32, #tpu.memory_space<vmem>> -> memref<4x4x1024xf32, #tpu.memory_space<vmem>>
    tpu.enqueue_dma source(%dma_start3A_767 : memref<4x4x1024xf32, #tpu.memory_space<vmem>>) target(%dma_start3A_762 : memref<4x4x1024xf32, #tpu.memory_space<hbm>>) target_semaphore(%dma_start3A_759 : memref<!tpu.dma_semaphore, #tpu.memory_space<semaphore_mem>>)
    %dma_wait3A_768 = arith.constant 3 : i32
    %dma_wait3A_769 = arith.constant 3 : i32
    %dma_wait3A_770 = arith.constant 0 : i32
    %dma_wait3A_771 = arith.constant 0 : i32
    %dma_wait3A_772 = arith.constant 0 : i32
    %dma_wait3A_773 = tpu.memref_slice %arg5[%dma_wait3A_768, %dma_wait3A_770, %dma_wait3A_771, %dma_wait3A_772] : memref<6x4x4x1024xf32, #tpu.memory_space<vmem>> -> memref<1x4x4x1024xf32, #tpu.memory_space<vmem>>
    %dma_wait3A_774 = tpu.memref_squeeze %dma_wait3A_773 : memref<1x4x4x1024xf32, #tpu.memory_space<vmem>> -> memref<4x4x1024xf32, #tpu.memory_space<vmem>>
    %dma_wait3A_775 = arith.constant 0 : i32
    %dma_wait3A_776 = arith.constant 0 : i32
    %dma_wait3A_777 = tpu.memref_slice %arg4[%add3A_509, %dma_wait3A_775, %dma_wait3A_776] : memref<2048x4x1024xf32, #tpu.memory_space<hbm>> -> memref<4x4x1024xf32, #tpu.memory_space<hbm>>
    %dma_wait3A_778 = tpu.memref_slice %arg8[%dma_wait3A_769] : memref<6x!tpu.dma_semaphore, #tpu.memory_space<semaphore_mem>> -> memref<1x!tpu.dma_semaphore, #tpu.memory_space<semaphore_mem>>
    %dma_wait3A_779 = tpu.memref_squeeze %dma_wait3A_778 : memref<1x!tpu.dma_semaphore, #tpu.memory_space<semaphore_mem>> -> memref<!tpu.dma_semaphore, #tpu.memory_space<semaphore_mem>>
    %dma_wait3A_780 = arith.constant 0 : i32
    %dma_wait3A_781 = arith.constant 0 : i32
    %dma_wait3A_782 = tpu.memref_slice %arg4[%add3A_509, %dma_wait3A_780, %dma_wait3A_781] : memref<2048x4x1024xf32, #tpu.memory_space<hbm>> -> memref<4x4x1024xf32, #tpu.memory_space<hbm>>
    %dma_wait3A_783 = arith.constant 0 : i32
    %dma_wait3A_784 = arith.constant 0 : i32
    %dma_wait3A_785 = arith.constant 0 : i32
    %dma_wait3A_786 = tpu.memref_slice %arg5[%dma_wait3A_768, %dma_wait3A_783, %dma_wait3A_784, %dma_wait3A_785] : memref<6x4x4x1024xf32, #tpu.memory_space<vmem>> -> memref<1x4x4x1024xf32, #tpu.memory_space<vmem>>
    %dma_wait3A_787 = tpu.memref_squeeze %dma_wait3A_786 : memref<1x4x4x1024xf32, #tpu.memory_space<vmem>> -> memref<4x4x1024xf32, #tpu.memory_space<vmem>>
    tpu.wait_dma2 semaphore(%dma_wait3A_779 : memref<!tpu.dma_semaphore, #tpu.memory_space<semaphore_mem>>) src(%dma_wait3A_787 : memref<4x4x1024xf32, #tpu.memory_space<vmem>>) dst(%dma_wait3A_782 : memref<4x4x1024xf32, #tpu.memory_space<hbm>>)
    %add3A_788 = arith.constant 36 : i32
    %add3A_789 = arith.addi %mul3A_2, %add3A_788 : i32
    %dma_start3A_790 = arith.constant 3 : i32
    %dma_start3A_791 = arith.constant 3 : i32
    %dma_start3A_792 = arith.constant 0 : i32
    %dma_start3A_793 = arith.constant 0 : i32
    %dma_start3A_794 = arith.constant 0 : i32
    %dma_start3A_795 = tpu.memref_slice %arg5[%dma_start3A_790, %dma_start3A_792, %dma_start3A_793, %dma_start3A_794] : memref<6x4x4x1024xf32, #tpu.memory_space<vmem>> -> memref<1x4x4x1024xf32, #tpu.memory_space<vmem>>
    %dma_start3A_796 = tpu.memref_squeeze %dma_start3A_795 : memref<1x4x4x1024xf32, #tpu.memory_space<vmem>> -> memref<4x4x1024xf32, #tpu.memory_space<vmem>>
    %dma_start3A_797 = arith.constant 0 : i32
    %dma_start3A_798 = arith.constant 0 : i32
    %dma_start3A_799 = tpu.memref_slice %arg2[%add3A_789, %dma_start3A_797, %dma_start3A_798] : memref<2048x4x1024xf32, #tpu.memory_space<hbm>> -> memref<4x4x1024xf32, #tpu.memory_space<hbm>>
    %dma_start3A_800 = tpu.memref_slice %arg7[%dma_start3A_791] : memref<6x!tpu.dma_semaphore, #tpu.memory_space<semaphore_mem>> -> memref<1x!tpu.dma_semaphore, #tpu.memory_space<semaphore_mem>>
    %dma_start3A_801 = tpu.memref_squeeze %dma_start3A_800 : memref<1x!tpu.dma_semaphore, #tpu.memory_space<semaphore_mem>> -> memref<!tpu.dma_semaphore, #tpu.memory_space<semaphore_mem>>
    %dma_start3A_802 = arith.constant 0 : i32
    %dma_start3A_803 = arith.constant 0 : i32
    %dma_start3A_804 = arith.constant 0 : i32
    %dma_start3A_805 = tpu.memref_slice %arg5[%dma_start3A_790, %dma_start3A_802, %dma_start3A_803, %dma_start3A_804] : memref<6x4x4x1024xf32, #tpu.memory_space<vmem>> -> memref<1x4x4x1024xf32, #tpu.memory_space<vmem>>
    %dma_start3A_806 = tpu.memref_squeeze %dma_start3A_805 : memref<1x4x4x1024xf32, #tpu.memory_space<vmem>> -> memref<4x4x1024xf32, #tpu.memory_space<vmem>>
    %dma_start3A_807 = arith.constant 0 : i32
    %dma_start3A_808 = arith.constant 0 : i32
    %dma_start3A_809 = tpu.memref_slice %arg2[%add3A_789, %dma_start3A_807, %dma_start3A_808] : memref<2048x4x1024xf32, #tpu.memory_space<hbm>> -> memref<4x4x1024xf32, #tpu.memory_space<hbm>>
    tpu.enqueue_dma source(%dma_start3A_809 : memref<4x4x1024xf32, #tpu.memory_space<hbm>>) target(%dma_start3A_806 : memref<4x4x1024xf32, #tpu.memory_space<vmem>>) target_semaphore(%dma_start3A_801 : memref<!tpu.dma_semaphore, #tpu.memory_space<semaphore_mem>>)
    %dma_start3A_810 = arith.constant 3 : i32
    %dma_start3A_811 = arith.constant 3 : i32
    %dma_start3A_812 = arith.constant 0 : i32
    %dma_start3A_813 = arith.constant 0 : i32
    %dma_start3A_814 = tpu.memref_slice %arg6[%dma_start3A_810, %dma_start3A_812, %dma_start3A_813] : memref<6x4x1024xf32, #tpu.memory_space<vmem>> -> memref<1x4x1024xf32, #tpu.memory_space<vmem>>
    %dma_start3A_815 = tpu.memref_squeeze %dma_start3A_814 : memref<1x4x1024xf32, #tpu.memory_space<vmem>> -> memref<4x1024xf32, #tpu.memory_space<vmem>>
    %dma_start3A_816 = arith.constant 0 : i32
    %dma_start3A_817 = tpu.memref_slice %arg3[%add3A_789, %dma_start3A_816] : memref<2048x1024xf32, #tpu.memory_space<hbm>> -> memref<4x1024xf32, #tpu.memory_space<hbm>>
    %dma_start3A_818 = tpu.memref_slice %arg7[%dma_start3A_811] : memref<6x!tpu.dma_semaphore, #tpu.memory_space<semaphore_mem>> -> memref<1x!tpu.dma_semaphore, #tpu.memory_space<semaphore_mem>>
    %dma_start3A_819 = tpu.memref_squeeze %dma_start3A_818 : memref<1x!tpu.dma_semaphore, #tpu.memory_space<semaphore_mem>> -> memref<!tpu.dma_semaphore, #tpu.memory_space<semaphore_mem>>
    %dma_start3A_820 = arith.constant 0 : i32
    %dma_start3A_821 = arith.constant 0 : i32
    %dma_start3A_822 = tpu.memref_slice %arg6[%dma_start3A_810, %dma_start3A_820, %dma_start3A_821] : memref<6x4x1024xf32, #tpu.memory_space<vmem>> -> memref<1x4x1024xf32, #tpu.memory_space<vmem>>
    %dma_start3A_823 = tpu.memref_squeeze %dma_start3A_822 : memref<1x4x1024xf32, #tpu.memory_space<vmem>> -> memref<4x1024xf32, #tpu.memory_space<vmem>>
    %dma_start3A_824 = arith.constant 0 : i32
    %dma_start3A_825 = tpu.memref_slice %arg3[%add3A_789, %dma_start3A_824] : memref<2048x1024xf32, #tpu.memory_space<hbm>> -> memref<4x1024xf32, #tpu.memory_space<hbm>>
    tpu.enqueue_dma source(%dma_start3A_825 : memref<4x1024xf32, #tpu.memory_space<hbm>>) target(%dma_start3A_823 : memref<4x1024xf32, #tpu.memory_space<vmem>>) target_semaphore(%dma_start3A_819 : memref<!tpu.dma_semaphore, #tpu.memory_space<semaphore_mem>>)
    %dma_wait3A_826 = arith.constant 0 : i32
    %dma_wait3A_827 = arith.constant 0 : i32
    %dma_wait3A_828 = arith.constant 0 : i32
    %dma_wait3A_829 = arith.constant 0 : i32
    %dma_wait3A_830 = arith.constant 0 : i32
    %dma_wait3A_831 = tpu.memref_slice %arg5[%dma_wait3A_826, %dma_wait3A_828, %dma_wait3A_829, %dma_wait3A_830] : memref<6x4x4x1024xf32, #tpu.memory_space<vmem>> -> memref<1x4x4x1024xf32, #tpu.memory_space<vmem>>
    %dma_wait3A_832 = tpu.memref_squeeze %dma_wait3A_831 : memref<1x4x4x1024xf32, #tpu.memory_space<vmem>> -> memref<4x4x1024xf32, #tpu.memory_space<vmem>>
    %dma_wait3A_833 = arith.constant 0 : i32
    %dma_wait3A_834 = arith.constant 0 : i32
    %dma_wait3A_835 = tpu.memref_slice %arg2[%add3A_432, %dma_wait3A_833, %dma_wait3A_834] : memref<2048x4x1024xf32, #tpu.memory_space<hbm>> -> memref<4x4x1024xf32, #tpu.memory_space<hbm>>
    %dma_wait3A_836 = tpu.memref_slice %arg7[%dma_wait3A_827] : memref<6x!tpu.dma_semaphore, #tpu.memory_space<semaphore_mem>> -> memref<1x!tpu.dma_semaphore, #tpu.memory_space<semaphore_mem>>
    %dma_wait3A_837 = tpu.memref_squeeze %dma_wait3A_836 : memref<1x!tpu.dma_semaphore, #tpu.memory_space<semaphore_mem>> -> memref<!tpu.dma_semaphore, #tpu.memory_space<semaphore_mem>>
    %dma_wait3A_838 = arith.constant 0 : i32
    %dma_wait3A_839 = arith.constant 0 : i32
    %dma_wait3A_840 = arith.constant 0 : i32
    %dma_wait3A_841 = tpu.memref_slice %arg5[%dma_wait3A_826, %dma_wait3A_838, %dma_wait3A_839, %dma_wait3A_840] : memref<6x4x4x1024xf32, #tpu.memory_space<vmem>> -> memref<1x4x4x1024xf32, #tpu.memory_space<vmem>>
    %dma_wait3A_842 = tpu.memref_squeeze %dma_wait3A_841 : memref<1x4x4x1024xf32, #tpu.memory_space<vmem>> -> memref<4x4x1024xf32, #tpu.memory_space<vmem>>
    %dma_wait3A_843 = arith.constant 0 : i32
    %dma_wait3A_844 = arith.constant 0 : i32
    %dma_wait3A_845 = tpu.memref_slice %arg2[%add3A_432, %dma_wait3A_843, %dma_wait3A_844] : memref<2048x4x1024xf32, #tpu.memory_space<hbm>> -> memref<4x4x1024xf32, #tpu.memory_space<hbm>>
    tpu.wait_dma2 semaphore(%dma_wait3A_837 : memref<!tpu.dma_semaphore, #tpu.memory_space<semaphore_mem>>) src(%dma_wait3A_845 : memref<4x4x1024xf32, #tpu.memory_space<hbm>>) dst(%dma_wait3A_842 : memref<4x4x1024xf32, #tpu.memory_space<vmem>>)
    %dma_wait3A_846 = arith.constant 0 : i32
    %dma_wait3A_847 = arith.constant 0 : i32
    %dma_wait3A_848 = arith.constant 0 : i32
    %dma_wait3A_849 = arith.constant 0 : i32
    %dma_wait3A_850 = tpu.memref_slice %arg6[%dma_wait3A_846, %dma_wait3A_848, %dma_wait3A_849] : memref<6x4x1024xf32, #tpu.memory_space<vmem>> -> memref<1x4x1024xf32, #tpu.memory_space<vmem>>
    %dma_wait3A_851 = tpu.memref_squeeze %dma_wait3A_850 : memref<1x4x1024xf32, #tpu.memory_space<vmem>> -> memref<4x1024xf32, #tpu.memory_space<vmem>>
    %dma_wait3A_852 = arith.constant 0 : i32
    %dma_wait3A_853 = tpu.memref_slice %arg3[%add3A_432, %dma_wait3A_852] : memref<2048x1024xf32, #tpu.memory_space<hbm>> -> memref<4x1024xf32, #tpu.memory_space<hbm>>
    %dma_wait3A_854 = tpu.memref_slice %arg7[%dma_wait3A_847] : memref<6x!tpu.dma_semaphore, #tpu.memory_space<semaphore_mem>> -> memref<1x!tpu.dma_semaphore, #tpu.memory_space<semaphore_mem>>
    %dma_wait3A_855 = tpu.memref_squeeze %dma_wait3A_854 : memref<1x!tpu.dma_semaphore, #tpu.memory_space<semaphore_mem>> -> memref<!tpu.dma_semaphore, #tpu.memory_space<semaphore_mem>>
    %dma_wait3A_856 = arith.constant 0 : i32
    %dma_wait3A_857 = arith.constant 0 : i32
    %dma_wait3A_858 = tpu.memref_slice %arg6[%dma_wait3A_846, %dma_wait3A_856, %dma_wait3A_857] : memref<6x4x1024xf32, #tpu.memory_space<vmem>> -> memref<1x4x1024xf32, #tpu.memory_space<vmem>>
    %dma_wait3A_859 = tpu.memref_squeeze %dma_wait3A_858 : memref<1x4x1024xf32, #tpu.memory_space<vmem>> -> memref<4x1024xf32, #tpu.memory_space<vmem>>
    %dma_wait3A_860 = arith.constant 0 : i32
    %dma_wait3A_861 = tpu.memref_slice %arg3[%add3A_432, %dma_wait3A_860] : memref<2048x1024xf32, #tpu.memory_space<hbm>> -> memref<4x1024xf32, #tpu.memory_space<hbm>>
    tpu.wait_dma2 semaphore(%dma_wait3A_855 : memref<!tpu.dma_semaphore, #tpu.memory_space<semaphore_mem>>) src(%dma_wait3A_861 : memref<4x1024xf32, #tpu.memory_space<hbm>>) dst(%dma_wait3A_859 : memref<4x1024xf32, #tpu.memory_space<vmem>>)
    %parallel_loop3A_862 = arith.constant 0 : i32
    %parallel_loop3A_863 = arith.constant 256 : i32
    %parallel_loop3A_864 = arith.constant 1 : i32
    scf.for %parallel_loop3A_1904 = %parallel_loop3A_862 to %parallel_loop3A_863 step %parallel_loop3A_864  : i32 {
      %parallel_loop3A_1905 = arith.constant 6 : i32
      %parallel_loop3A_1906 = arith.shrui %parallel_loop3A_1904, %parallel_loop3A_1905 : i32
      %parallel_loop3A_1907 = arith.constant 63 : i32
      %parallel_loop3A_1908 = arith.andi %parallel_loop3A_1904, %parallel_loop3A_1907 : i32
      %parallel_loop3A_1909 = arith.constant 16 : i32
      %parallel_loop3A_1910 = arith.muli %parallel_loop3A_1908, %parallel_loop3A_1909 : i32
      %parallel_loop3A_1911 = arith.constant 0 : i32
      %parallel_loop3A_1912 = arith.index_cast %parallel_loop3A_1911 : i32 to index
      %parallel_loop3A_1913 = arith.index_cast %parallel_loop3A_1906 : i32 to index
      %parallel_loop3A_1914 = arith.index_cast %parallel_loop3A_1910 : i32 to index
      %parallel_loop3A_1915 = tpu.vector_load %arg6[%parallel_loop3A_1912, %parallel_loop3A_1913, %parallel_loop3A_1914] {strides = array<i32>} : memref<6x4x1024xf32, #tpu.memory_space<vmem>>, vector<1x1x16xf32>,
      %parallel_loop3A_1916 = vector.shape_cast %parallel_loop3A_1915 : vector<1x1x16xf32> to vector<16xf32>
      %parallel_loop3A_1917 = arith.constant 0 : i32
      %parallel_loop3A_1918 = arith.constant 0 : i32
      %parallel_loop3A_1919 = arith.index_cast %parallel_loop3A_1917 : i32 to index
      %parallel_loop3A_1920 = arith.index_cast %parallel_loop3A_1906 : i32 to index
      %parallel_loop3A_1921 = arith.index_cast %parallel_loop3A_1918 : i32 to index
      %parallel_loop3A_1922 = arith.index_cast %parallel_loop3A_1910 : i32 to index
      %parallel_loop3A_1923 = tpu.vector_load %arg5[%parallel_loop3A_1919, %parallel_loop3A_1920, %parallel_loop3A_1921, %parallel_loop3A_1922] {strides = array<i32>} : memref<6x4x4x1024xf32, #tpu.memory_space<vmem>>, vector<1x1x1x16xf32>,
      %parallel_loop3A_1924 = vector.shape_cast %parallel_loop3A_1923 : vector<1x1x1x16xf32> to vector<16xf32>
      %parallel_loop3A_1925 = arith.addf %parallel_loop3A_1924, %parallel_loop3A_1916 : vector<16xf32>
      %parallel_loop3A_1926 = arith.constant 0 : i32
      %parallel_loop3A_1927 = arith.constant 0 : i32
      %parallel_loop3A_1928 = arith.index_cast %parallel_loop3A_1926 : i32 to index
      %parallel_loop3A_1929 = arith.index_cast %parallel_loop3A_1906 : i32 to index
      %parallel_loop3A_1930 = arith.index_cast %parallel_loop3A_1927 : i32 to index
      %parallel_loop3A_1931 = arith.index_cast %parallel_loop3A_1910 : i32 to index
      %parallel_loop3A_1932 = tpu.vector_load %arg5[%parallel_loop3A_1928, %parallel_loop3A_1929, %parallel_loop3A_1930, %parallel_loop3A_1931] {strides = array<i32>} : memref<6x4x4x1024xf32, #tpu.memory_space<vmem>>, vector<1x1x1x16xf32>,
      %parallel_loop3A_1933 = vector.shape_cast %parallel_loop3A_1932 : vector<1x1x1x16xf32> to vector<16xf32>
      %parallel_loop3A_1934 = vector.shape_cast %parallel_loop3A_1925 : vector<16xf32> to vector<1x1x1x16xf32>
      tpu.vector_store %arg5[%parallel_loop3A_1928, %parallel_loop3A_1929, %parallel_loop3A_1930, %parallel_loop3A_1931], %parallel_loop3A_1934 {strides = array<i32>} : memref<6x4x4x1024xf32, #tpu.memory_space<vmem>>, vector<1x1x1x16xf32>,
      %parallel_loop3A_1935 = arith.constant 0 : i32
      %parallel_loop3A_1936 = arith.constant 1 : i32
      %parallel_loop3A_1937 = arith.index_cast %parallel_loop3A_1935 : i32 to index
      %parallel_loop3A_1938 = arith.index_cast %parallel_loop3A_1906 : i32 to index
      %parallel_loop3A_1939 = arith.index_cast %parallel_loop3A_1936 : i32 to index
      %parallel_loop3A_1940 = arith.index_cast %parallel_loop3A_1910 : i32 to index
      %parallel_loop3A_1941 = tpu.vector_load %arg5[%parallel_loop3A_1937, %parallel_loop3A_1938, %parallel_loop3A_1939, %parallel_loop3A_1940] {strides = array<i32>} : memref<6x4x4x1024xf32, #tpu.memory_space<vmem>>, vector<1x1x1x16xf32>,
      %parallel_loop3A_1942 = vector.shape_cast %parallel_loop3A_1941 : vector<1x1x1x16xf32> to vector<16xf32>
      %parallel_loop3A_1943 = arith.addf %parallel_loop3A_1942, %parallel_loop3A_1916 : vector<16xf32>
      %parallel_loop3A_1944 = arith.constant 0 : i32
      %parallel_loop3A_1945 = arith.constant 1 : i32
      %parallel_loop3A_1946 = arith.index_cast %parallel_loop3A_1944 : i32 to index
      %parallel_loop3A_1947 = arith.index_cast %parallel_loop3A_1906 : i32 to index
      %parallel_loop3A_1948 = arith.index_cast %parallel_loop3A_1945 : i32 to index
      %parallel_loop3A_1949 = arith.index_cast %parallel_loop3A_1910 : i32 to index
      %parallel_loop3A_1950 = tpu.vector_load %arg5[%parallel_loop3A_1946, %parallel_loop3A_1947, %parallel_loop3A_1948, %parallel_loop3A_1949] {strides = array<i32>} : memref<6x4x4x1024xf32, #tpu.memory_space<vmem>>, vector<1x1x1x16xf32>,
      %parallel_loop3A_1951 = vector.shape_cast %parallel_loop3A_1950 : vector<1x1x1x16xf32> to vector<16xf32>
      %parallel_loop3A_1952 = vector.shape_cast %parallel_loop3A_1943 : vector<16xf32> to vector<1x1x1x16xf32>
      tpu.vector_store %arg5[%parallel_loop3A_1946, %parallel_loop3A_1947, %parallel_loop3A_1948, %parallel_loop3A_1949], %parallel_loop3A_1952 {strides = array<i32>} : memref<6x4x4x1024xf32, #tpu.memory_space<vmem>>, vector<1x1x1x16xf32>,
      %parallel_loop3A_1953 = arith.constant 0 : i32
      %parallel_loop3A_1954 = arith.constant 2 : i32
      %parallel_loop3A_1955 = arith.index_cast %parallel_loop3A_1953 : i32 to index
      %parallel_loop3A_1956 = arith.index_cast %parallel_loop3A_1906 : i32 to index
      %parallel_loop3A_1957 = arith.index_cast %parallel_loop3A_1954 : i32 to index
      %parallel_loop3A_1958 = arith.index_cast %parallel_loop3A_1910 : i32 to index
      %parallel_loop3A_1959 = tpu.vector_load %arg5[%parallel_loop3A_1955, %parallel_loop3A_1956, %parallel_loop3A_1957, %parallel_loop3A_1958] {strides = array<i32>} : memref<6x4x4x1024xf32, #tpu.memory_space<vmem>>, vector<1x1x1x16xf32>,
      %parallel_loop3A_1960 = vector.shape_cast %parallel_loop3A_1959 : vector<1x1x1x16xf32> to vector<16xf32>
      %parallel_loop3A_1961 = arith.addf %parallel_loop3A_1960, %parallel_loop3A_1916 : vector<16xf32>
      %parallel_loop3A_1962 = arith.constant 0 : i32
      %parallel_loop3A_1963 = arith.constant 2 : i32
      %parallel_loop3A_1964 = arith.index_cast %parallel_loop3A_1962 : i32 to index
      %parallel_loop3A_1965 = arith.index_cast %parallel_loop3A_1906 : i32 to index
      %parallel_loop3A_1966 = arith.index_cast %parallel_loop3A_1963 : i32 to index
      %parallel_loop3A_1967 = arith.index_cast %parallel_loop3A_1910 : i32 to index
      %parallel_loop3A_1968 = tpu.vector_load %arg5[%parallel_loop3A_1964, %parallel_loop3A_1965, %parallel_loop3A_1966, %parallel_loop3A_1967] {strides = array<i32>} : memref<6x4x4x1024xf32, #tpu.memory_space<vmem>>, vector<1x1x1x16xf32>,
      %parallel_loop3A_1969 = vector.shape_cast %parallel_loop3A_1968 : vector<1x1x1x16xf32> to vector<16xf32>
      %parallel_loop3A_1970 = vector.shape_cast %parallel_loop3A_1961 : vector<16xf32> to vector<1x1x1x16xf32>
      tpu.vector_store %arg5[%parallel_loop3A_1964, %parallel_loop3A_1965, %parallel_loop3A_1966, %parallel_loop3A_1967], %parallel_loop3A_1970 {strides = array<i32>} : memref<6x4x4x1024xf32, #tpu.memory_space<vmem>>, vector<1x1x1x16xf32>,
      %parallel_loop3A_1971 = arith.constant 0 : i32
      %parallel_loop3A_1972 = arith.constant 3 : i32
      %parallel_loop3A_1973 = arith.index_cast %parallel_loop3A_1971 : i32 to index
      %parallel_loop3A_1974 = arith.index_cast %parallel_loop3A_1906 : i32 to index
      %parallel_loop3A_1975 = arith.index_cast %parallel_loop3A_1972 : i32 to index
      %parallel_loop3A_1976 = arith.index_cast %parallel_loop3A_1910 : i32 to index
      %parallel_loop3A_1977 = tpu.vector_load %arg5[%parallel_loop3A_1973, %parallel_loop3A_1974, %parallel_loop3A_1975, %parallel_loop3A_1976] {strides = array<i32>} : memref<6x4x4x1024xf32, #tpu.memory_space<vmem>>, vector<1x1x1x16xf32>,
      %parallel_loop3A_1978 = vector.shape_cast %parallel_loop3A_1977 : vector<1x1x1x16xf32> to vector<16xf32>
      %parallel_loop3A_1979 = arith.addf %parallel_loop3A_1978, %parallel_loop3A_1916 : vector<16xf32>
      %parallel_loop3A_1980 = arith.constant 0 : i32
      %parallel_loop3A_1981 = arith.constant 3 : i32
      %parallel_loop3A_1982 = arith.index_cast %parallel_loop3A_1980 : i32 to index
      %parallel_loop3A_1983 = arith.index_cast %parallel_loop3A_1906 : i32 to index
      %parallel_loop3A_1984 = arith.index_cast %parallel_loop3A_1981 : i32 to index
      %parallel_loop3A_1985 = arith.index_cast %parallel_loop3A_1910 : i32 to index
      %parallel_loop3A_1986 = tpu.vector_load %arg5[%parallel_loop3A_1982, %parallel_loop3A_1983, %parallel_loop3A_1984, %parallel_loop3A_1985] {strides = array<i32>} : memref<6x4x4x1024xf32, #tpu.memory_space<vmem>>, vector<1x1x1x16xf32>,
      %parallel_loop3A_1987 = vector.shape_cast %parallel_loop3A_1986 : vector<1x1x1x16xf32> to vector<16xf32>
      %parallel_loop3A_1988 = vector.shape_cast %parallel_loop3A_1979 : vector<16xf32> to vector<1x1x1x16xf32>
      tpu.vector_store %arg5[%parallel_loop3A_1982, %parallel_loop3A_1983, %parallel_loop3A_1984, %parallel_loop3A_1985], %parallel_loop3A_1988 {strides = array<i32>} : memref<6x4x4x1024xf32, #tpu.memory_space<vmem>>, vector<1x1x1x16xf32>,
    } {sc.loop_unroll_factor = 4 : i64, sc.parallel_access}
    %add3A_865 = arith.constant 24 : i32
    %add3A_866 = arith.addi %mul3A_2, %add3A_865 : i32
    %dma_start3A_867 = arith.constant 0 : i32
    %dma_start3A_868 = arith.constant 0 : i32
    %dma_start3A_869 = arith.constant 0 : i32
    %dma_start3A_870 = arith.constant 0 : i32
    %dma_start3A_871 = arith.constant 0 : i32
    %dma_start3A_872 = tpu.memref_slice %arg5[%dma_start3A_867, %dma_start3A_869, %dma_start3A_870, %dma_start3A_871] : memref<6x4x4x1024xf32, #tpu.memory_space<vmem>> -> memref<1x4x4x1024xf32, #tpu.memory_space<vmem>>
    %dma_start3A_873 = tpu.memref_squeeze %dma_start3A_872 : memref<1x4x4x1024xf32, #tpu.memory_space<vmem>> -> memref<4x4x1024xf32, #tpu.memory_space<vmem>>
    %dma_start3A_874 = arith.constant 0 : i32
    %dma_start3A_875 = arith.constant 0 : i32
    %dma_start3A_876 = tpu.memref_slice %arg4[%add3A_866, %dma_start3A_874, %dma_start3A_875] : memref<2048x4x1024xf32, #tpu.memory_space<hbm>> -> memref<4x4x1024xf32, #tpu.memory_space<hbm>>
    %dma_start3A_877 = tpu.memref_slice %arg8[%dma_start3A_868] : memref<6x!tpu.dma_semaphore, #tpu.memory_space<semaphore_mem>> -> memref<1x!tpu.dma_semaphore, #tpu.memory_space<semaphore_mem>>
    %dma_start3A_878 = tpu.memref_squeeze %dma_start3A_877 : memref<1x!tpu.dma_semaphore, #tpu.memory_space<semaphore_mem>> -> memref<!tpu.dma_semaphore, #tpu.memory_space<semaphore_mem>>
    %dma_start3A_879 = arith.constant 0 : i32
    %dma_start3A_880 = arith.constant 0 : i32
    %dma_start3A_881 = tpu.memref_slice %arg4[%add3A_866, %dma_start3A_879, %dma_start3A_880] : memref<2048x4x1024xf32, #tpu.memory_space<hbm>> -> memref<4x4x1024xf32, #tpu.memory_space<hbm>>
    %dma_start3A_882 = arith.constant 0 : i32
    %dma_start3A_883 = arith.constant 0 : i32
    %dma_start3A_884 = arith.constant 0 : i32
    %dma_start3A_885 = tpu.memref_slice %arg5[%dma_start3A_867, %dma_start3A_882, %dma_start3A_883, %dma_start3A_884] : memref<6x4x4x1024xf32, #tpu.memory_space<vmem>> -> memref<1x4x4x1024xf32, #tpu.memory_space<vmem>>
    %dma_start3A_886 = tpu.memref_squeeze %dma_start3A_885 : memref<1x4x4x1024xf32, #tpu.memory_space<vmem>> -> memref<4x4x1024xf32, #tpu.memory_space<vmem>>
    tpu.enqueue_dma source(%dma_start3A_886 : memref<4x4x1024xf32, #tpu.memory_space<vmem>>) target(%dma_start3A_881 : memref<4x4x1024xf32, #tpu.memory_space<hbm>>) target_semaphore(%dma_start3A_878 : memref<!tpu.dma_semaphore, #tpu.memory_space<semaphore_mem>>)
    %dma_wait3A_887 = arith.constant 4 : i32
    %dma_wait3A_888 = arith.constant 4 : i32
    %dma_wait3A_889 = arith.constant 0 : i32
    %dma_wait3A_890 = arith.constant 0 : i32
    %dma_wait3A_891 = arith.constant 0 : i32
    %dma_wait3A_892 = tpu.memref_slice %arg5[%dma_wait3A_887, %dma_wait3A_889, %dma_wait3A_890, %dma_wait3A_891] : memref<6x4x4x1024xf32, #tpu.memory_space<vmem>> -> memref<1x4x4x1024xf32, #tpu.memory_space<vmem>>
    %dma_wait3A_893 = tpu.memref_squeeze %dma_wait3A_892 : memref<1x4x4x1024xf32, #tpu.memory_space<vmem>> -> memref<4x4x1024xf32, #tpu.memory_space<vmem>>
    %dma_wait3A_894 = arith.constant 0 : i32
    %dma_wait3A_895 = arith.constant 0 : i32
    %dma_wait3A_896 = tpu.memref_slice %arg4[%add3A_628, %dma_wait3A_894, %dma_wait3A_895] : memref<2048x4x1024xf32, #tpu.memory_space<hbm>> -> memref<4x4x1024xf32, #tpu.memory_space<hbm>>
    %dma_wait3A_897 = tpu.memref_slice %arg8[%dma_wait3A_888] : memref<6x!tpu.dma_semaphore, #tpu.memory_space<semaphore_mem>> -> memref<1x!tpu.dma_semaphore, #tpu.memory_space<semaphore_mem>>
    %dma_wait3A_898 = tpu.memref_squeeze %dma_wait3A_897 : memref<1x!tpu.dma_semaphore, #tpu.memory_space<semaphore_mem>> -> memref<!tpu.dma_semaphore, #tpu.memory_space<semaphore_mem>>
    %dma_wait3A_899 = arith.constant 0 : i32
    %dma_wait3A_900 = arith.constant 0 : i32
    %dma_wait3A_901 = tpu.memref_slice %arg4[%add3A_628, %dma_wait3A_899, %dma_wait3A_900] : memref<2048x4x1024xf32, #tpu.memory_space<hbm>> -> memref<4x4x1024xf32, #tpu.memory_space<hbm>>
    %dma_wait3A_902 = arith.constant 0 : i32
    %dma_wait3A_903 = arith.constant 0 : i32
    %dma_wait3A_904 = arith.constant 0 : i32
    %dma_wait3A_905 = tpu.memref_slice %arg5[%dma_wait3A_887, %dma_wait3A_902, %dma_wait3A_903, %dma_wait3A_904] : memref<6x4x4x1024xf32, #tpu.memory_space<vmem>> -> memref<1x4x4x1024xf32, #tpu.memory_space<vmem>>
    %dma_wait3A_906 = tpu.memref_squeeze %dma_wait3A_905 : memref<1x4x4x1024xf32, #tpu.memory_space<vmem>> -> memref<4x4x1024xf32, #tpu.memory_space<vmem>>
    tpu.wait_dma2 semaphore(%dma_wait3A_898 : memref<!tpu.dma_semaphore, #tpu.memory_space<semaphore_mem>>) src(%dma_wait3A_906 : memref<4x4x1024xf32, #tpu.memory_space<vmem>>) dst(%dma_wait3A_901 : memref<4x4x1024xf32, #tpu.memory_space<hbm>>)
    %add3A_907 = arith.constant 40 : i32
    %add3A_908 = arith.addi %mul3A_2, %add3A_907 : i32
    %dma_start3A_909 = arith.constant 4 : i32
    %dma_start3A_910 = arith.constant 4 : i32
    %dma_start3A_911 = arith.constant 0 : i32
    %dma_start3A_912 = arith.constant 0 : i32
    %dma_start3A_913 = arith.constant 0 : i32
    %dma_start3A_914 = tpu.memref_slice %arg5[%dma_start3A_909, %dma_start3A_911, %dma_start3A_912, %dma_start3A_913] : memref<6x4x4x1024xf32, #tpu.memory_space<vmem>> -> memref<1x4x4x1024xf32, #tpu.memory_space<vmem>>
    %dma_start3A_915 = tpu.memref_squeeze %dma_start3A_914 : memref<1x4x4x1024xf32, #tpu.memory_space<vmem>> -> memref<4x4x1024xf32, #tpu.memory_space<vmem>>
    %dma_start3A_916 = arith.constant 0 : i32
    %dma_start3A_917 = arith.constant 0 : i32
    %dma_start3A_918 = tpu.memref_slice %arg2[%add3A_908, %dma_start3A_916, %dma_start3A_917] : memref<2048x4x1024xf32, #tpu.memory_space<hbm>> -> memref<4x4x1024xf32, #tpu.memory_space<hbm>>
    %dma_start3A_919 = tpu.memref_slice %arg7[%dma_start3A_910] : memref<6x!tpu.dma_semaphore, #tpu.memory_space<semaphore_mem>> -> memref<1x!tpu.dma_semaphore, #tpu.memory_space<semaphore_mem>>
    %dma_start3A_920 = tpu.memref_squeeze %dma_start3A_919 : memref<1x!tpu.dma_semaphore, #tpu.memory_space<semaphore_mem>> -> memref<!tpu.dma_semaphore, #tpu.memory_space<semaphore_mem>>
    %dma_start3A_921 = arith.constant 0 : i32
    %dma_start3A_922 = arith.constant 0 : i32
    %dma_start3A_923 = arith.constant 0 : i32
    %dma_start3A_924 = tpu.memref_slice %arg5[%dma_start3A_909, %dma_start3A_921, %dma_start3A_922, %dma_start3A_923] : memref<6x4x4x1024xf32, #tpu.memory_space<vmem>> -> memref<1x4x4x1024xf32, #tpu.memory_space<vmem>>
    %dma_start3A_925 = tpu.memref_squeeze %dma_start3A_924 : memref<1x4x4x1024xf32, #tpu.memory_space<vmem>> -> memref<4x4x1024xf32, #tpu.memory_space<vmem>>
    %dma_start3A_926 = arith.constant 0 : i32
    %dma_start3A_927 = arith.constant 0 : i32
    %dma_start3A_928 = tpu.memref_slice %arg2[%add3A_908, %dma_start3A_926, %dma_start3A_927] : memref<2048x4x1024xf32, #tpu.memory_space<hbm>> -> memref<4x4x1024xf32, #tpu.memory_space<hbm>>
    tpu.enqueue_dma source(%dma_start3A_928 : memref<4x4x1024xf32, #tpu.memory_space<hbm>>) target(%dma_start3A_925 : memref<4x4x1024xf32, #tpu.memory_space<vmem>>) target_semaphore(%dma_start3A_920 : memref<!tpu.dma_semaphore, #tpu.memory_space<semaphore_mem>>)
    %dma_start3A_929 = arith.constant 4 : i32
    %dma_start3A_930 = arith.constant 4 : i32
    %dma_start3A_931 = arith.constant 0 : i32
    %dma_start3A_932 = arith.constant 0 : i32
    %dma_start3A_933 = tpu.memref_slice %arg6[%dma_start3A_929, %dma_start3A_931, %dma_start3A_932] : memref<6x4x1024xf32, #tpu.memory_space<vmem>> -> memref<1x4x1024xf32, #tpu.memory_space<vmem>>
    %dma_start3A_934 = tpu.memref_squeeze %dma_start3A_933 : memref<1x4x1024xf32, #tpu.memory_space<vmem>> -> memref<4x1024xf32, #tpu.memory_space<vmem>>
    %dma_start3A_935 = arith.constant 0 : i32
    %dma_start3A_936 = tpu.memref_slice %arg3[%add3A_908, %dma_start3A_935] : memref<2048x1024xf32, #tpu.memory_space<hbm>> -> memref<4x1024xf32, #tpu.memory_space<hbm>>
    %dma_start3A_937 = tpu.memref_slice %arg7[%dma_start3A_930] : memref<6x!tpu.dma_semaphore, #tpu.memory_space<semaphore_mem>> -> memref<1x!tpu.dma_semaphore, #tpu.memory_space<semaphore_mem>>
    %dma_start3A_938 = tpu.memref_squeeze %dma_start3A_937 : memref<1x!tpu.dma_semaphore, #tpu.memory_space<semaphore_mem>> -> memref<!tpu.dma_semaphore, #tpu.memory_space<semaphore_mem>>
    %dma_start3A_939 = arith.constant 0 : i32
    %dma_start3A_940 = arith.constant 0 : i32
    %dma_start3A_941 = tpu.memref_slice %arg6[%dma_start3A_929, %dma_start3A_939, %dma_start3A_940] : memref<6x4x1024xf32, #tpu.memory_space<vmem>> -> memref<1x4x1024xf32, #tpu.memory_space<vmem>>
    %dma_start3A_942 = tpu.memref_squeeze %dma_start3A_941 : memref<1x4x1024xf32, #tpu.memory_space<vmem>> -> memref<4x1024xf32, #tpu.memory_space<vmem>>
    %dma_start3A_943 = arith.constant 0 : i32
    %dma_start3A_944 = tpu.memref_slice %arg3[%add3A_908, %dma_start3A_943] : memref<2048x1024xf32, #tpu.memory_space<hbm>> -> memref<4x1024xf32, #tpu.memory_space<hbm>>
    tpu.enqueue_dma source(%dma_start3A_944 : memref<4x1024xf32, #tpu.memory_space<hbm>>) target(%dma_start3A_942 : memref<4x1024xf32, #tpu.memory_space<vmem>>) target_semaphore(%dma_start3A_938 : memref<!tpu.dma_semaphore, #tpu.memory_space<semaphore_mem>>)
    %dma_wait3A_945 = arith.constant 1 : i32
    %dma_wait3A_946 = arith.constant 1 : i32
    %dma_wait3A_947 = arith.constant 0 : i32
    %dma_wait3A_948 = arith.constant 0 : i32
    %dma_wait3A_949 = arith.constant 0 : i32
    %dma_wait3A_950 = tpu.memref_slice %arg5[%dma_wait3A_945, %dma_wait3A_947, %dma_wait3A_948, %dma_wait3A_949] : memref<6x4x4x1024xf32, #tpu.memory_space<vmem>> -> memref<1x4x4x1024xf32, #tpu.memory_space<vmem>>
    %dma_wait3A_951 = tpu.memref_squeeze %dma_wait3A_950 : memref<1x4x4x1024xf32, #tpu.memory_space<vmem>> -> memref<4x4x1024xf32, #tpu.memory_space<vmem>>
    %dma_wait3A_952 = arith.constant 0 : i32
    %dma_wait3A_953 = arith.constant 0 : i32
    %dma_wait3A_954 = tpu.memref_slice %arg2[%add3A_551, %dma_wait3A_952, %dma_wait3A_953] : memref<2048x4x1024xf32, #tpu.memory_space<hbm>> -> memref<4x4x1024xf32, #tpu.memory_space<hbm>>
    %dma_wait3A_955 = tpu.memref_slice %arg7[%dma_wait3A_946] : memref<6x!tpu.dma_semaphore, #tpu.memory_space<semaphore_mem>> -> memref<1x!tpu.dma_semaphore, #tpu.memory_space<semaphore_mem>>
    %dma_wait3A_956 = tpu.memref_squeeze %dma_wait3A_955 : memref<1x!tpu.dma_semaphore, #tpu.memory_space<semaphore_mem>> -> memref<!tpu.dma_semaphore, #tpu.memory_space<semaphore_mem>>
    %dma_wait3A_957 = arith.constant 0 : i32
    %dma_wait3A_958 = arith.constant 0 : i32
    %dma_wait3A_959 = arith.constant 0 : i32
    %dma_wait3A_960 = tpu.memref_slice %arg5[%dma_wait3A_945, %dma_wait3A_957, %dma_wait3A_958, %dma_wait3A_959] : memref<6x4x4x1024xf32, #tpu.memory_space<vmem>> -> memref<1x4x4x1024xf32, #tpu.memory_space<vmem>>
    %dma_wait3A_961 = tpu.memref_squeeze %dma_wait3A_960 : memref<1x4x4x1024xf32, #tpu.memory_space<vmem>> -> memref<4x4x1024xf32, #tpu.memory_space<vmem>>
    %dma_wait3A_962 = arith.constant 0 : i32
    %dma_wait3A_963 = arith.constant 0 : i32
    %dma_wait3A_964 = tpu.memref_slice %arg2[%add3A_551, %dma_wait3A_962, %dma_wait3A_963] : memref<2048x4x1024xf32, #tpu.memory_space<hbm>> -> memref<4x4x1024xf32, #tpu.memory_space<hbm>>
    tpu.wait_dma2 semaphore(%dma_wait3A_956 : memref<!tpu.dma_semaphore, #tpu.memory_space<semaphore_mem>>) src(%dma_wait3A_964 : memref<4x4x1024xf32, #tpu.memory_space<hbm>>) dst(%dma_wait3A_961 : memref<4x4x1024xf32, #tpu.memory_space<vmem>>)
    %dma_wait3A_965 = arith.constant 1 : i32
    %dma_wait3A_966 = arith.constant 1 : i32
    %dma_wait3A_967 = arith.constant 0 : i32
    %dma_wait3A_968 = arith.constant 0 : i32
    %dma_wait3A_969 = tpu.memref_slice %arg6[%dma_wait3A_965, %dma_wait3A_967, %dma_wait3A_968] : memref<6x4x1024xf32, #tpu.memory_space<vmem>> -> memref<1x4x1024xf32, #tpu.memory_space<vmem>>
    %dma_wait3A_970 = tpu.memref_squeeze %dma_wait3A_969 : memref<1x4x1024xf32, #tpu.memory_space<vmem>> -> memref<4x1024xf32, #tpu.memory_space<vmem>>
    %dma_wait3A_971 = arith.constant 0 : i32
    %dma_wait3A_972 = tpu.memref_slice %arg3[%add3A_551, %dma_wait3A_971] : memref<2048x1024xf32, #tpu.memory_space<hbm>> -> memref<4x1024xf32, #tpu.memory_space<hbm>>
    %dma_wait3A_973 = tpu.memref_slice %arg7[%dma_wait3A_966] : memref<6x!tpu.dma_semaphore, #tpu.memory_space<semaphore_mem>> -> memref<1x!tpu.dma_semaphore, #tpu.memory_space<semaphore_mem>>
    %dma_wait3A_974 = tpu.memref_squeeze %dma_wait3A_973 : memref<1x!tpu.dma_semaphore, #tpu.memory_space<semaphore_mem>> -> memref<!tpu.dma_semaphore, #tpu.memory_space<semaphore_mem>>
    %dma_wait3A_975 = arith.constant 0 : i32
    %dma_wait3A_976 = arith.constant 0 : i32
    %dma_wait3A_977 = tpu.memref_slice %arg6[%dma_wait3A_965, %dma_wait3A_975, %dma_wait3A_976] : memref<6x4x1024xf32, #tpu.memory_space<vmem>> -> memref<1x4x1024xf32, #tpu.memory_space<vmem>>
    %dma_wait3A_978 = tpu.memref_squeeze %dma_wait3A_977 : memref<1x4x1024xf32, #tpu.memory_space<vmem>> -> memref<4x1024xf32, #tpu.memory_space<vmem>>
    %dma_wait3A_979 = arith.constant 0 : i32
    %dma_wait3A_980 = tpu.memref_slice %arg3[%add3A_551, %dma_wait3A_979] : memref<2048x1024xf32, #tpu.memory_space<hbm>> -> memref<4x1024xf32, #tpu.memory_space<hbm>>
    tpu.wait_dma2 semaphore(%dma_wait3A_974 : memref<!tpu.dma_semaphore, #tpu.memory_space<semaphore_mem>>) src(%dma_wait3A_980 : memref<4x1024xf32, #tpu.memory_space<hbm>>) dst(%dma_wait3A_978 : memref<4x1024xf32, #tpu.memory_space<vmem>>)
    %parallel_loop3A_981 = arith.constant 0 : i32
    %parallel_loop3A_982 = arith.constant 256 : i32
    %parallel_loop3A_983 = arith.constant 1 : i32
    scf.for %parallel_loop3A_1904 = %parallel_loop3A_981 to %parallel_loop3A_982 step %parallel_loop3A_983  : i32 {
      %parallel_loop3A_1905 = arith.constant 6 : i32
      %parallel_loop3A_1906 = arith.shrui %parallel_loop3A_1904, %parallel_loop3A_1905 : i32
      %parallel_loop3A_1907 = arith.constant 63 : i32
      %parallel_loop3A_1908 = arith.andi %parallel_loop3A_1904, %parallel_loop3A_1907 : i32
      %parallel_loop3A_1909 = arith.constant 16 : i32
      %parallel_loop3A_1910 = arith.muli %parallel_loop3A_1908, %parallel_loop3A_1909 : i32
      %parallel_loop3A_1911 = arith.constant 1 : i32
      %parallel_loop3A_1912 = arith.index_cast %parallel_loop3A_1911 : i32 to index
      %parallel_loop3A_1913 = arith.index_cast %parallel_loop3A_1906 : i32 to index
      %parallel_loop3A_1914 = arith.index_cast %parallel_loop3A_1910 : i32 to index
      %parallel_loop3A_1915 = tpu.vector_load %arg6[%parallel_loop3A_1912, %parallel_loop3A_1913, %parallel_loop3A_1914] {strides = array<i32>} : memref<6x4x1024xf32, #tpu.memory_space<vmem>>, vector<1x1x16xf32>,
      %parallel_loop3A_1916 = vector.shape_cast %parallel_loop3A_1915 : vector<1x1x16xf32> to vector<16xf32>
      %parallel_loop3A_1917 = arith.constant 1 : i32
      %parallel_loop3A_1918 = arith.constant 0 : i32
      %parallel_loop3A_1919 = arith.index_cast %parallel_loop3A_1917 : i32 to index
      %parallel_loop3A_1920 = arith.index_cast %parallel_loop3A_1906 : i32 to index
      %parallel_loop3A_1921 = arith.index_cast %parallel_loop3A_1918 : i32 to index
      %parallel_loop3A_1922 = arith.index_cast %parallel_loop3A_1910 : i32 to index
      %parallel_loop3A_1923 = tpu.vector_load %arg5[%parallel_loop3A_1919, %parallel_loop3A_1920, %parallel_loop3A_1921, %parallel_loop3A_1922] {strides = array<i32>} : memref<6x4x4x1024xf32, #tpu.memory_space<vmem>>, vector<1x1x1x16xf32>,
      %parallel_loop3A_1924 = vector.shape_cast %parallel_loop3A_1923 : vector<1x1x1x16xf32> to vector<16xf32>
      %parallel_loop3A_1925 = arith.addf %parallel_loop3A_1924, %parallel_loop3A_1916 : vector<16xf32>
      %parallel_loop3A_1926 = arith.constant 1 : i32
      %parallel_loop3A_1927 = arith.constant 0 : i32
      %parallel_loop3A_1928 = arith.index_cast %parallel_loop3A_1926 : i32 to index
      %parallel_loop3A_1929 = arith.index_cast %parallel_loop3A_1906 : i32 to index
      %parallel_loop3A_1930 = arith.index_cast %parallel_loop3A_1927 : i32 to index
      %parallel_loop3A_1931 = arith.index_cast %parallel_loop3A_1910 : i32 to index
      %parallel_loop3A_1932 = tpu.vector_load %arg5[%parallel_loop3A_1928, %parallel_loop3A_1929, %parallel_loop3A_1930, %parallel_loop3A_1931] {strides = array<i32>} : memref<6x4x4x1024xf32, #tpu.memory_space<vmem>>, vector<1x1x1x16xf32>,
      %parallel_loop3A_1933 = vector.shape_cast %parallel_loop3A_1932 : vector<1x1x1x16xf32> to vector<16xf32>
      %parallel_loop3A_1934 = vector.shape_cast %parallel_loop3A_1925 : vector<16xf32> to vector<1x1x1x16xf32>
      tpu.vector_store %arg5[%parallel_loop3A_1928, %parallel_loop3A_1929, %parallel_loop3A_1930, %parallel_loop3A_1931], %parallel_loop3A_1934 {strides = array<i32>} : memref<6x4x4x1024xf32, #tpu.memory_space<vmem>>, vector<1x1x1x16xf32>,
      %parallel_loop3A_1935 = arith.constant 1 : i32
      %parallel_loop3A_1936 = arith.constant 1 : i32
      %parallel_loop3A_1937 = arith.index_cast %parallel_loop3A_1935 : i32 to index
      %parallel_loop3A_1938 = arith.index_cast %parallel_loop3A_1906 : i32 to index
      %parallel_loop3A_1939 = arith.index_cast %parallel_loop3A_1936 : i32 to index
      %parallel_loop3A_1940 = arith.index_cast %parallel_loop3A_1910 : i32 to index
      %parallel_loop3A_1941 = tpu.vector_load %arg5[%parallel_loop3A_1937, %parallel_loop3A_1938, %parallel_loop3A_1939, %parallel_loop3A_1940] {strides = array<i32>} : memref<6x4x4x1024xf32, #tpu.memory_space<vmem>>, vector<1x1x1x16xf32>,
      %parallel_loop3A_1942 = vector.shape_cast %parallel_loop3A_1941 : vector<1x1x1x16xf32> to vector<16xf32>
      %parallel_loop3A_1943 = arith.addf %parallel_loop3A_1942, %parallel_loop3A_1916 : vector<16xf32>
      %parallel_loop3A_1944 = arith.constant 1 : i32
      %parallel_loop3A_1945 = arith.constant 1 : i32
      %parallel_loop3A_1946 = arith.index_cast %parallel_loop3A_1944 : i32 to index
      %parallel_loop3A_1947 = arith.index_cast %parallel_loop3A_1906 : i32 to index
      %parallel_loop3A_1948 = arith.index_cast %parallel_loop3A_1945 : i32 to index
      %parallel_loop3A_1949 = arith.index_cast %parallel_loop3A_1910 : i32 to index
      %parallel_loop3A_1950 = tpu.vector_load %arg5[%parallel_loop3A_1946, %parallel_loop3A_1947, %parallel_loop3A_1948, %parallel_loop3A_1949] {strides = array<i32>} : memref<6x4x4x1024xf32, #tpu.memory_space<vmem>>, vector<1x1x1x16xf32>,
      %parallel_loop3A_1951 = vector.shape_cast %parallel_loop3A_1950 : vector<1x1x1x16xf32> to vector<16xf32>
      %parallel_loop3A_1952 = vector.shape_cast %parallel_loop3A_1943 : vector<16xf32> to vector<1x1x1x16xf32>
      tpu.vector_store %arg5[%parallel_loop3A_1946, %parallel_loop3A_1947, %parallel_loop3A_1948, %parallel_loop3A_1949], %parallel_loop3A_1952 {strides = array<i32>} : memref<6x4x4x1024xf32, #tpu.memory_space<vmem>>, vector<1x1x1x16xf32>,
      %parallel_loop3A_1953 = arith.constant 1 : i32
      %parallel_loop3A_1954 = arith.constant 2 : i32
      %parallel_loop3A_1955 = arith.index_cast %parallel_loop3A_1953 : i32 to index
      %parallel_loop3A_1956 = arith.index_cast %parallel_loop3A_1906 : i32 to index
      %parallel_loop3A_1957 = arith.index_cast %parallel_loop3A_1954 : i32 to index
      %parallel_loop3A_1958 = arith.index_cast %parallel_loop3A_1910 : i32 to index
      %parallel_loop3A_1959 = tpu.vector_load %arg5[%parallel_loop3A_1955, %parallel_loop3A_1956, %parallel_loop3A_1957, %parallel_loop3A_1958] {strides = array<i32>} : memref<6x4x4x1024xf32, #tpu.memory_space<vmem>>, vector<1x1x1x16xf32>,
      %parallel_loop3A_1960 = vector.shape_cast %parallel_loop3A_1959 : vector<1x1x1x16xf32> to vector<16xf32>
      %parallel_loop3A_1961 = arith.addf %parallel_loop3A_1960, %parallel_loop3A_1916 : vector<16xf32>
      %parallel_loop3A_1962 = arith.constant 1 : i32
      %parallel_loop3A_1963 = arith.constant 2 : i32
      %parallel_loop3A_1964 = arith.index_cast %parallel_loop3A_1962 : i32 to index
      %parallel_loop3A_1965 = arith.index_cast %parallel_loop3A_1906 : i32 to index
      %parallel_loop3A_1966 = arith.index_cast %parallel_loop3A_1963 : i32 to index
      %parallel_loop3A_1967 = arith.index_cast %parallel_loop3A_1910 : i32 to index
      %parallel_loop3A_1968 = tpu.vector_load %arg5[%parallel_loop3A_1964, %parallel_loop3A_1965, %parallel_loop3A_1966, %parallel_loop3A_1967] {strides = array<i32>} : memref<6x4x4x1024xf32, #tpu.memory_space<vmem>>, vector<1x1x1x16xf32>,
      %parallel_loop3A_1969 = vector.shape_cast %parallel_loop3A_1968 : vector<1x1x1x16xf32> to vector<16xf32>
      %parallel_loop3A_1970 = vector.shape_cast %parallel_loop3A_1961 : vector<16xf32> to vector<1x1x1x16xf32>
      tpu.vector_store %arg5[%parallel_loop3A_1964, %parallel_loop3A_1965, %parallel_loop3A_1966, %parallel_loop3A_1967], %parallel_loop3A_1970 {strides = array<i32>} : memref<6x4x4x1024xf32, #tpu.memory_space<vmem>>, vector<1x1x1x16xf32>,
      %parallel_loop3A_1971 = arith.constant 1 : i32
      %parallel_loop3A_1972 = arith.constant 3 : i32
      %parallel_loop3A_1973 = arith.index_cast %parallel_loop3A_1971 : i32 to index
      %parallel_loop3A_1974 = arith.index_cast %parallel_loop3A_1906 : i32 to index
      %parallel_loop3A_1975 = arith.index_cast %parallel_loop3A_1972 : i32 to index
      %parallel_loop3A_1976 = arith.index_cast %parallel_loop3A_1910 : i32 to index
      %parallel_loop3A_1977 = tpu.vector_load %arg5[%parallel_loop3A_1973, %parallel_loop3A_1974, %parallel_loop3A_1975, %parallel_loop3A_1976] {strides = array<i32>} : memref<6x4x4x1024xf32, #tpu.memory_space<vmem>>, vector<1x1x1x16xf32>,
      %parallel_loop3A_1978 = vector.shape_cast %parallel_loop3A_1977 : vector<1x1x1x16xf32> to vector<16xf32>
      %parallel_loop3A_1979 = arith.addf %parallel_loop3A_1978, %parallel_loop3A_1916 : vector<16xf32>
      %parallel_loop3A_1980 = arith.constant 1 : i32
      %parallel_loop3A_1981 = arith.constant 3 : i32
      %parallel_loop3A_1982 = arith.index_cast %parallel_loop3A_1980 : i32 to index
      %parallel_loop3A_1983 = arith.index_cast %parallel_loop3A_1906 : i32 to index
      %parallel_loop3A_1984 = arith.index_cast %parallel_loop3A_1981 : i32 to index
      %parallel_loop3A_1985 = arith.index_cast %parallel_loop3A_1910 : i32 to index
      %parallel_loop3A_1986 = tpu.vector_load %arg5[%parallel_loop3A_1982, %parallel_loop3A_1983, %parallel_loop3A_1984, %parallel_loop3A_1985] {strides = array<i32>} : memref<6x4x4x1024xf32, #tpu.memory_space<vmem>>, vector<1x1x1x16xf32>,
      %parallel_loop3A_1987 = vector.shape_cast %parallel_loop3A_1986 : vector<1x1x1x16xf32> to vector<16xf32>
      %parallel_loop3A_1988 = vector.shape_cast %parallel_loop3A_1979 : vector<16xf32> to vector<1x1x1x16xf32>
      tpu.vector_store %arg5[%parallel_loop3A_1982, %parallel_loop3A_1983, %parallel_loop3A_1984, %parallel_loop3A_1985], %parallel_loop3A_1988 {strides = array<i32>} : memref<6x4x4x1024xf32, #tpu.memory_space<vmem>>, vector<1x1x1x16xf32>,
    } {sc.loop_unroll_factor = 4 : i64, sc.parallel_access}
    %add3A_984 = arith.constant 28 : i32
    %add3A_985 = arith.addi %mul3A_2, %add3A_984 : i32
    %dma_start3A_986 = arith.constant 1 : i32
    %dma_start3A_987 = arith.constant 1 : i32
    %dma_start3A_988 = arith.constant 0 : i32
    %dma_start3A_989 = arith.constant 0 : i32
    %dma_start3A_990 = arith.constant 0 : i32
    %dma_start3A_991 = tpu.memref_slice %arg5[%dma_start3A_986, %dma_start3A_988, %dma_start3A_989, %dma_start3A_990] : memref<6x4x4x1024xf32, #tpu.memory_space<vmem>> -> memref<1x4x4x1024xf32, #tpu.memory_space<vmem>>
    %dma_start3A_992 = tpu.memref_squeeze %dma_start3A_991 : memref<1x4x4x1024xf32, #tpu.memory_space<vmem>> -> memref<4x4x1024xf32, #tpu.memory_space<vmem>>
    %dma_start3A_993 = arith.constant 0 : i32
    %dma_start3A_994 = arith.constant 0 : i32
    %dma_start3A_995 = tpu.memref_slice %arg4[%add3A_985, %dma_start3A_993, %dma_start3A_994] : memref<2048x4x1024xf32, #tpu.memory_space<hbm>> -> memref<4x4x1024xf32, #tpu.memory_space<hbm>>
    %dma_start3A_996 = tpu.memref_slice %arg8[%dma_start3A_987] : memref<6x!tpu.dma_semaphore, #tpu.memory_space<semaphore_mem>> -> memref<1x!tpu.dma_semaphore, #tpu.memory_space<semaphore_mem>>
    %dma_start3A_997 = tpu.memref_squeeze %dma_start3A_996 : memref<1x!tpu.dma_semaphore, #tpu.memory_space<semaphore_mem>> -> memref<!tpu.dma_semaphore, #tpu.memory_space<semaphore_mem>>
    %dma_start3A_998 = arith.constant 0 : i32
    %dma_start3A_999 = arith.constant 0 : i32
    %dma_start3A_1000 = tpu.memref_slice %arg4[%add3A_985, %dma_start3A_998, %dma_start3A_999] : memref<2048x4x1024xf32, #tpu.memory_space<hbm>> -> memref<4x4x1024xf32, #tpu.memory_space<hbm>>
    %dma_start3A_1001 = arith.constant 0 : i32
    %dma_start3A_1002 = arith.constant 0 : i32
    %dma_start3A_1003 = arith.constant 0 : i32
    %dma_start3A_1004 = tpu.memref_slice %arg5[%dma_start3A_986, %dma_start3A_1001, %dma_start3A_1002, %dma_start3A_1003] : memref<6x4x4x1024xf32, #tpu.memory_space<vmem>> -> memref<1x4x4x1024xf32, #tpu.memory_space<vmem>>
    %dma_start3A_1005 = tpu.memref_squeeze %dma_start3A_1004 : memref<1x4x4x1024xf32, #tpu.memory_space<vmem>> -> memref<4x4x1024xf32, #tpu.memory_space<vmem>>
    tpu.enqueue_dma source(%dma_start3A_1005 : memref<4x4x1024xf32, #tpu.memory_space<vmem>>) target(%dma_start3A_1000 : memref<4x4x1024xf32, #tpu.memory_space<hbm>>) target_semaphore(%dma_start3A_997 : memref<!tpu.dma_semaphore, #tpu.memory_space<semaphore_mem>>)
    %dma_wait3A_1006 = arith.constant 5 : i32
    %dma_wait3A_1007 = arith.constant 5 : i32
    %dma_wait3A_1008 = arith.constant 0 : i32
    %dma_wait3A_1009 = arith.constant 0 : i32
    %dma_wait3A_1010 = arith.constant 0 : i32
    %dma_wait3A_1011 = tpu.memref_slice %arg5[%dma_wait3A_1006, %dma_wait3A_1008, %dma_wait3A_1009, %dma_wait3A_1010] : memref<6x4x4x1024xf32, #tpu.memory_space<vmem>> -> memref<1x4x4x1024xf32, #tpu.memory_space<vmem>>
    %dma_wait3A_1012 = tpu.memref_squeeze %dma_wait3A_1011 : memref<1x4x4x1024xf32, #tpu.memory_space<vmem>> -> memref<4x4x1024xf32, #tpu.memory_space<vmem>>
    %dma_wait3A_1013 = arith.constant 0 : i32
    %dma_wait3A_1014 = arith.constant 0 : i32
    %dma_wait3A_1015 = tpu.memref_slice %arg4[%add3A_747, %dma_wait3A_1013, %dma_wait3A_1014] : memref<2048x4x1024xf32, #tpu.memory_space<hbm>> -> memref<4x4x1024xf32, #tpu.memory_space<hbm>>
    %dma_wait3A_1016 = tpu.memref_slice %arg8[%dma_wait3A_1007] : memref<6x!tpu.dma_semaphore, #tpu.memory_space<semaphore_mem>> -> memref<1x!tpu.dma_semaphore, #tpu.memory_space<semaphore_mem>>
    %dma_wait3A_1017 = tpu.memref_squeeze %dma_wait3A_1016 : memref<1x!tpu.dma_semaphore, #tpu.memory_space<semaphore_mem>> -> memref<!tpu.dma_semaphore, #tpu.memory_space<semaphore_mem>>
    %dma_wait3A_1018 = arith.constant 0 : i32
    %dma_wait3A_1019 = arith.constant 0 : i32
    %dma_wait3A_1020 = tpu.memref_slice %arg4[%add3A_747, %dma_wait3A_1018, %dma_wait3A_1019] : memref<2048x4x1024xf32, #tpu.memory_space<hbm>> -> memref<4x4x1024xf32, #tpu.memory_space<hbm>>
    %dma_wait3A_1021 = arith.constant 0 : i32
    %dma_wait3A_1022 = arith.constant 0 : i32
    %dma_wait3A_1023 = arith.constant 0 : i32
    %dma_wait3A_1024 = tpu.memref_slice %arg5[%dma_wait3A_1006, %dma_wait3A_1021, %dma_wait3A_1022, %dma_wait3A_1023] : memref<6x4x4x1024xf32, #tpu.memory_space<vmem>> -> memref<1x4x4x1024xf32, #tpu.memory_space<vmem>>
    %dma_wait3A_1025 = tpu.memref_squeeze %dma_wait3A_1024 : memref<1x4x4x1024xf32, #tpu.memory_space<vmem>> -> memref<4x4x1024xf32, #tpu.memory_space<vmem>>
    tpu.wait_dma2 semaphore(%dma_wait3A_1017 : memref<!tpu.dma_semaphore, #tpu.memory_space<semaphore_mem>>) src(%dma_wait3A_1025 : memref<4x4x1024xf32, #tpu.memory_space<vmem>>) dst(%dma_wait3A_1020 : memref<4x4x1024xf32, #tpu.memory_space<hbm>>)
    %add3A_1026 = arith.constant 44 : i32
    %add3A_1027 = arith.addi %mul3A_2, %add3A_1026 : i32
    %dma_start3A_1028 = arith.constant 5 : i32
    %dma_start3A_1029 = arith.constant 5 : i32
    %dma_start3A_1030 = arith.constant 0 : i32
    %dma_start3A_1031 = arith.constant 0 : i32
    %dma_start3A_1032 = arith.constant 0 : i32
    %dma_start3A_1033 = tpu.memref_slice %arg5[%dma_start3A_1028, %dma_start3A_1030, %dma_start3A_1031, %dma_start3A_1032] : memref<6x4x4x1024xf32, #tpu.memory_space<vmem>> -> memref<1x4x4x1024xf32, #tpu.memory_space<vmem>>
    %dma_start3A_1034 = tpu.memref_squeeze %dma_start3A_1033 : memref<1x4x4x1024xf32, #tpu.memory_space<vmem>> -> memref<4x4x1024xf32, #tpu.memory_space<vmem>>
    %dma_start3A_1035 = arith.constant 0 : i32
    %dma_start3A_1036 = arith.constant 0 : i32
    %dma_start3A_1037 = tpu.memref_slice %arg2[%add3A_1027, %dma_start3A_1035, %dma_start3A_1036] : memref<2048x4x1024xf32, #tpu.memory_space<hbm>> -> memref<4x4x1024xf32, #tpu.memory_space<hbm>>
    %dma_start3A_1038 = tpu.memref_slice %arg7[%dma_start3A_1029] : memref<6x!tpu.dma_semaphore, #tpu.memory_space<semaphore_mem>> -> memref<1x!tpu.dma_semaphore, #tpu.memory_space<semaphore_mem>>
    %dma_start3A_1039 = tpu.memref_squeeze %dma_start3A_1038 : memref<1x!tpu.dma_semaphore, #tpu.memory_space<semaphore_mem>> -> memref<!tpu.dma_semaphore, #tpu.memory_space<semaphore_mem>>
    %dma_start3A_1040 = arith.constant 0 : i32
    %dma_start3A_1041 = arith.constant 0 : i32
    %dma_start3A_1042 = arith.constant 0 : i32
    %dma_start3A_1043 = tpu.memref_slice %arg5[%dma_start3A_1028, %dma_start3A_1040, %dma_start3A_1041, %dma_start3A_1042] : memref<6x4x4x1024xf32, #tpu.memory_space<vmem>> -> memref<1x4x4x1024xf32, #tpu.memory_space<vmem>>
    %dma_start3A_1044 = tpu.memref_squeeze %dma_start3A_1043 : memref<1x4x4x1024xf32, #tpu.memory_space<vmem>> -> memref<4x4x1024xf32, #tpu.memory_space<vmem>>
    %dma_start3A_1045 = arith.constant 0 : i32
    %dma_start3A_1046 = arith.constant 0 : i32
    %dma_start3A_1047 = tpu.memref_slice %arg2[%add3A_1027, %dma_start3A_1045, %dma_start3A_1046] : memref<2048x4x1024xf32, #tpu.memory_space<hbm>> -> memref<4x4x1024xf32, #tpu.memory_space<hbm>>
    tpu.enqueue_dma source(%dma_start3A_1047 : memref<4x4x1024xf32, #tpu.memory_space<hbm>>) target(%dma_start3A_1044 : memref<4x4x1024xf32, #tpu.memory_space<vmem>>) target_semaphore(%dma_start3A_1039 : memref<!tpu.dma_semaphore, #tpu.memory_space<semaphore_mem>>)
    %dma_start3A_1048 = arith.constant 5 : i32
    %dma_start3A_1049 = arith.constant 5 : i32
    %dma_start3A_1050 = arith.constant 0 : i32
    %dma_start3A_1051 = arith.constant 0 : i32
    %dma_start3A_1052 = tpu.memref_slice %arg6[%dma_start3A_1048, %dma_start3A_1050, %dma_start3A_1051] : memref<6x4x1024xf32, #tpu.memory_space<vmem>> -> memref<1x4x1024xf32, #tpu.memory_space<vmem>>
    %dma_start3A_1053 = tpu.memref_squeeze %dma_start3A_1052 : memref<1x4x1024xf32, #tpu.memory_space<vmem>> -> memref<4x1024xf32, #tpu.memory_space<vmem>>
    %dma_start3A_1054 = arith.constant 0 : i32
    %dma_start3A_1055 = tpu.memref_slice %arg3[%add3A_1027, %dma_start3A_1054] : memref<2048x1024xf32, #tpu.memory_space<hbm>> -> memref<4x1024xf32, #tpu.memory_space<hbm>>
    %dma_start3A_1056 = tpu.memref_slice %arg7[%dma_start3A_1049] : memref<6x!tpu.dma_semaphore, #tpu.memory_space<semaphore_mem>> -> memref<1x!tpu.dma_semaphore, #tpu.memory_space<semaphore_mem>>
    %dma_start3A_1057 = tpu.memref_squeeze %dma_start3A_1056 : memref<1x!tpu.dma_semaphore, #tpu.memory_space<semaphore_mem>> -> memref<!tpu.dma_semaphore, #tpu.memory_space<semaphore_mem>>
    %dma_start3A_1058 = arith.constant 0 : i32
    %dma_start3A_1059 = arith.constant 0 : i32
    %dma_start3A_1060 = tpu.memref_slice %arg6[%dma_start3A_1048, %dma_start3A_1058, %dma_start3A_1059] : memref<6x4x1024xf32, #tpu.memory_space<vmem>> -> memref<1x4x1024xf32, #tpu.memory_space<vmem>>
    %dma_start3A_1061 = tpu.memref_squeeze %dma_start3A_1060 : memref<1x4x1024xf32, #tpu.memory_space<vmem>> -> memref<4x1024xf32, #tpu.memory_space<vmem>>
    %dma_start3A_1062 = arith.constant 0 : i32
    %dma_start3A_1063 = tpu.memref_slice %arg3[%add3A_1027, %dma_start3A_1062] : memref<2048x1024xf32, #tpu.memory_space<hbm>> -> memref<4x1024xf32, #tpu.memory_space<hbm>>
    tpu.enqueue_dma source(%dma_start3A_1063 : memref<4x1024xf32, #tpu.memory_space<hbm>>) target(%dma_start3A_1061 : memref<4x1024xf32, #tpu.memory_space<vmem>>) target_semaphore(%dma_start3A_1057 : memref<!tpu.dma_semaphore, #tpu.memory_space<semaphore_mem>>)
    %dma_wait3A_1064 = arith.constant 2 : i32
    %dma_wait3A_1065 = arith.constant 2 : i32
    %dma_wait3A_1066 = arith.constant 0 : i32
    %dma_wait3A_1067 = arith.constant 0 : i32
    %dma_wait3A_1068 = arith.constant 0 : i32
    %dma_wait3A_1069 = tpu.memref_slice %arg5[%dma_wait3A_1064, %dma_wait3A_1066, %dma_wait3A_1067, %dma_wait3A_1068] : memref<6x4x4x1024xf32, #tpu.memory_space<vmem>> -> memref<1x4x4x1024xf32, #tpu.memory_space<vmem>>
    %dma_wait3A_1070 = tpu.memref_squeeze %dma_wait3A_1069 : memref<1x4x4x1024xf32, #tpu.memory_space<vmem>> -> memref<4x4x1024xf32, #tpu.memory_space<vmem>>
    %dma_wait3A_1071 = arith.constant 0 : i32
    %dma_wait3A_1072 = arith.constant 0 : i32
    %dma_wait3A_1073 = tpu.memref_slice %arg2[%add3A_670, %dma_wait3A_1071, %dma_wait3A_1072] : memref<2048x4x1024xf32, #tpu.memory_space<hbm>> -> memref<4x4x1024xf32, #tpu.memory_space<hbm>>
    %dma_wait3A_1074 = tpu.memref_slice %arg7[%dma_wait3A_1065] : memref<6x!tpu.dma_semaphore, #tpu.memory_space<semaphore_mem>> -> memref<1x!tpu.dma_semaphore, #tpu.memory_space<semaphore_mem>>
    %dma_wait3A_1075 = tpu.memref_squeeze %dma_wait3A_1074 : memref<1x!tpu.dma_semaphore, #tpu.memory_space<semaphore_mem>> -> memref<!tpu.dma_semaphore, #tpu.memory_space<semaphore_mem>>
    %dma_wait3A_1076 = arith.constant 0 : i32
    %dma_wait3A_1077 = arith.constant 0 : i32
    %dma_wait3A_1078 = arith.constant 0 : i32
    %dma_wait3A_1079 = tpu.memref_slice %arg5[%dma_wait3A_1064, %dma_wait3A_1076, %dma_wait3A_1077, %dma_wait3A_1078] : memref<6x4x4x1024xf32, #tpu.memory_space<vmem>> -> memref<1x4x4x1024xf32, #tpu.memory_space<vmem>>
    %dma_wait3A_1080 = tpu.memref_squeeze %dma_wait3A_1079 : memref<1x4x4x1024xf32, #tpu.memory_space<vmem>> -> memref<4x4x1024xf32, #tpu.memory_space<vmem>>
    %dma_wait3A_1081 = arith.constant 0 : i32
    %dma_wait3A_1082 = arith.constant 0 : i32
    %dma_wait3A_1083 = tpu.memref_slice %arg2[%add3A_670, %dma_wait3A_1081, %dma_wait3A_1082] : memref<2048x4x1024xf32, #tpu.memory_space<hbm>> -> memref<4x4x1024xf32, #tpu.memory_space<hbm>>
    tpu.wait_dma2 semaphore(%dma_wait3A_1075 : memref<!tpu.dma_semaphore, #tpu.memory_space<semaphore_mem>>) src(%dma_wait3A_1083 : memref<4x4x1024xf32, #tpu.memory_space<hbm>>) dst(%dma_wait3A_1080 : memref<4x4x1024xf32, #tpu.memory_space<vmem>>)
    %dma_wait3A_1084 = arith.constant 2 : i32
    %dma_wait3A_1085 = arith.constant 2 : i32
    %dma_wait3A_1086 = arith.constant 0 : i32
    %dma_wait3A_1087 = arith.constant 0 : i32
    %dma_wait3A_1088 = tpu.memref_slice %arg6[%dma_wait3A_1084, %dma_wait3A_1086, %dma_wait3A_1087] : memref<6x4x1024xf32, #tpu.memory_space<vmem>> -> memref<1x4x1024xf32, #tpu.memory_space<vmem>>
    %dma_wait3A_1089 = tpu.memref_squeeze %dma_wait3A_1088 : memref<1x4x1024xf32, #tpu.memory_space<vmem>> -> memref<4x1024xf32, #tpu.memory_space<vmem>>
    %dma_wait3A_1090 = arith.constant 0 : i32
    %dma_wait3A_1091 = tpu.memref_slice %arg3[%add3A_670, %dma_wait3A_1090] : memref<2048x1024xf32, #tpu.memory_space<hbm>> -> memref<4x1024xf32, #tpu.memory_space<hbm>>
    %dma_wait3A_1092 = tpu.memref_slice %arg7[%dma_wait3A_1085] : memref<6x!tpu.dma_semaphore, #tpu.memory_space<semaphore_mem>> -> memref<1x!tpu.dma_semaphore, #tpu.memory_space<semaphore_mem>>
    %dma_wait3A_1093 = tpu.memref_squeeze %dma_wait3A_1092 : memref<1x!tpu.dma_semaphore, #tpu.memory_space<semaphore_mem>> -> memref<!tpu.dma_semaphore, #tpu.memory_space<semaphore_mem>>
    %dma_wait3A_1094 = arith.constant 0 : i32
    %dma_wait3A_1095 = arith.constant 0 : i32
    %dma_wait3A_1096 = tpu.memref_slice %arg6[%dma_wait3A_1084, %dma_wait3A_1094, %dma_wait3A_1095] : memref<6x4x1024xf32, #tpu.memory_space<vmem>> -> memref<1x4x1024xf32, #tpu.memory_space<vmem>>
    %dma_wait3A_1097 = tpu.memref_squeeze %dma_wait3A_1096 : memref<1x4x1024xf32, #tpu.memory_space<vmem>> -> memref<4x1024xf32, #tpu.memory_space<vmem>>
    %dma_wait3A_1098 = arith.constant 0 : i32
    %dma_wait3A_1099 = tpu.memref_slice %arg3[%add3A_670, %dma_wait3A_1098] : memref<2048x1024xf32, #tpu.memory_space<hbm>> -> memref<4x1024xf32, #tpu.memory_space<hbm>>
    tpu.wait_dma2 semaphore(%dma_wait3A_1093 : memref<!tpu.dma_semaphore, #tpu.memory_space<semaphore_mem>>) src(%dma_wait3A_1099 : memref<4x1024xf32, #tpu.memory_space<hbm>>) dst(%dma_wait3A_1097 : memref<4x1024xf32, #tpu.memory_space<vmem>>)
    %parallel_loop3A_1100 = arith.constant 0 : i32
    %parallel_loop3A_1101 = arith.constant 256 : i32
    %parallel_loop3A_1102 = arith.constant 1 : i32
    scf.for %parallel_loop3A_1904 = %parallel_loop3A_1100 to %parallel_loop3A_1101 step %parallel_loop3A_1102  : i32 {
      %parallel_loop3A_1905 = arith.constant 6 : i32
      %parallel_loop3A_1906 = arith.shrui %parallel_loop3A_1904, %parallel_loop3A_1905 : i32
      %parallel_loop3A_1907 = arith.constant 63 : i32
      %parallel_loop3A_1908 = arith.andi %parallel_loop3A_1904, %parallel_loop3A_1907 : i32
      %parallel_loop3A_1909 = arith.constant 16 : i32
      %parallel_loop3A_1910 = arith.muli %parallel_loop3A_1908, %parallel_loop3A_1909 : i32
      %parallel_loop3A_1911 = arith.constant 2 : i32
      %parallel_loop3A_1912 = arith.index_cast %parallel_loop3A_1911 : i32 to index
      %parallel_loop3A_1913 = arith.index_cast %parallel_loop3A_1906 : i32 to index
      %parallel_loop3A_1914 = arith.index_cast %parallel_loop3A_1910 : i32 to index
      %parallel_loop3A_1915 = tpu.vector_load %arg6[%parallel_loop3A_1912, %parallel_loop3A_1913, %parallel_loop3A_1914] {strides = array<i32>} : memref<6x4x1024xf32, #tpu.memory_space<vmem>>, vector<1x1x16xf32>,
      %parallel_loop3A_1916 = vector.shape_cast %parallel_loop3A_1915 : vector<1x1x16xf32> to vector<16xf32>
      %parallel_loop3A_1917 = arith.constant 2 : i32
      %parallel_loop3A_1918 = arith.constant 0 : i32
      %parallel_loop3A_1919 = arith.index_cast %parallel_loop3A_1917 : i32 to index
      %parallel_loop3A_1920 = arith.index_cast %parallel_loop3A_1906 : i32 to index
      %parallel_loop3A_1921 = arith.index_cast %parallel_loop3A_1918 : i32 to index
      %parallel_loop3A_1922 = arith.index_cast %parallel_loop3A_1910 : i32 to index
      %parallel_loop3A_1923 = tpu.vector_load %arg5[%parallel_loop3A_1919, %parallel_loop3A_1920, %parallel_loop3A_1921, %parallel_loop3A_1922] {strides = array<i32>} : memref<6x4x4x1024xf32, #tpu.memory_space<vmem>>, vector<1x1x1x16xf32>,
      %parallel_loop3A_1924 = vector.shape_cast %parallel_loop3A_1923 : vector<1x1x1x16xf32> to vector<16xf32>
      %parallel_loop3A_1925 = arith.addf %parallel_loop3A_1924, %parallel_loop3A_1916 : vector<16xf32>
      %parallel_loop3A_1926 = arith.constant 2 : i32
      %parallel_loop3A_1927 = arith.constant 0 : i32
      %parallel_loop3A_1928 = arith.index_cast %parallel_loop3A_1926 : i32 to index
      %parallel_loop3A_1929 = arith.index_cast %parallel_loop3A_1906 : i32 to index
      %parallel_loop3A_1930 = arith.index_cast %parallel_loop3A_1927 : i32 to index
      %parallel_loop3A_1931 = arith.index_cast %parallel_loop3A_1910 : i32 to index
      %parallel_loop3A_1932 = tpu.vector_load %arg5[%parallel_loop3A_1928, %parallel_loop3A_1929, %parallel_loop3A_1930, %parallel_loop3A_1931] {strides = array<i32>} : memref<6x4x4x1024xf32, #tpu.memory_space<vmem>>, vector<1x1x1x16xf32>,
      %parallel_loop3A_1933 = vector.shape_cast %parallel_loop3A_1932 : vector<1x1x1x16xf32> to vector<16xf32>
      %parallel_loop3A_1934 = vector.shape_cast %parallel_loop3A_1925 : vector<16xf32> to vector<1x1x1x16xf32>
      tpu.vector_store %arg5[%parallel_loop3A_1928, %parallel_loop3A_1929, %parallel_loop3A_1930, %parallel_loop3A_1931], %parallel_loop3A_1934 {strides = array<i32>} : memref<6x4x4x1024xf32, #tpu.memory_space<vmem>>, vector<1x1x1x16xf32>,
      %parallel_loop3A_1935 = arith.constant 2 : i32
      %parallel_loop3A_1936 = arith.constant 1 : i32
      %parallel_loop3A_1937 = arith.index_cast %parallel_loop3A_1935 : i32 to index
      %parallel_loop3A_1938 = arith.index_cast %parallel_loop3A_1906 : i32 to index
      %parallel_loop3A_1939 = arith.index_cast %parallel_loop3A_1936 : i32 to index
      %parallel_loop3A_1940 = arith.index_cast %parallel_loop3A_1910 : i32 to index
      %parallel_loop3A_1941 = tpu.vector_load %arg5[%parallel_loop3A_1937, %parallel_loop3A_1938, %parallel_loop3A_1939, %parallel_loop3A_1940] {strides = array<i32>} : memref<6x4x4x1024xf32, #tpu.memory_space<vmem>>, vector<1x1x1x16xf32>,
      %parallel_loop3A_1942 = vector.shape_cast %parallel_loop3A_1941 : vector<1x1x1x16xf32> to vector<16xf32>
      %parallel_loop3A_1943 = arith.addf %parallel_loop3A_1942, %parallel_loop3A_1916 : vector<16xf32>
      %parallel_loop3A_1944 = arith.constant 2 : i32
      %parallel_loop3A_1945 = arith.constant 1 : i32
      %parallel_loop3A_1946 = arith.index_cast %parallel_loop3A_1944 : i32 to index
      %parallel_loop3A_1947 = arith.index_cast %parallel_loop3A_1906 : i32 to index
      %parallel_loop3A_1948 = arith.index_cast %parallel_loop3A_1945 : i32 to index
      %parallel_loop3A_1949 = arith.index_cast %parallel_loop3A_1910 : i32 to index
      %parallel_loop3A_1950 = tpu.vector_load %arg5[%parallel_loop3A_1946, %parallel_loop3A_1947, %parallel_loop3A_1948, %parallel_loop3A_1949] {strides = array<i32>} : memref<6x4x4x1024xf32, #tpu.memory_space<vmem>>, vector<1x1x1x16xf32>,
      %parallel_loop3A_1951 = vector.shape_cast %parallel_loop3A_1950 : vector<1x1x1x16xf32> to vector<16xf32>
      %parallel_loop3A_1952 = vector.shape_cast %parallel_loop3A_1943 : vector<16xf32> to vector<1x1x1x16xf32>
      tpu.vector_store %arg5[%parallel_loop3A_1946, %parallel_loop3A_1947, %parallel_loop3A_1948, %parallel_loop3A_1949], %parallel_loop3A_1952 {strides = array<i32>} : memref<6x4x4x1024xf32, #tpu.memory_space<vmem>>, vector<1x1x1x16xf32>,
      %parallel_loop3A_1953 = arith.constant 2 : i32
      %parallel_loop3A_1954 = arith.constant 2 : i32
      %parallel_loop3A_1955 = arith.index_cast %parallel_loop3A_1953 : i32 to index
      %parallel_loop3A_1956 = arith.index_cast %parallel_loop3A_1906 : i32 to index
      %parallel_loop3A_1957 = arith.index_cast %parallel_loop3A_1954 : i32 to index
      %parallel_loop3A_1958 = arith.index_cast %parallel_loop3A_1910 : i32 to index
      %parallel_loop3A_1959 = tpu.vector_load %arg5[%parallel_loop3A_1955, %parallel_loop3A_1956, %parallel_loop3A_1957, %parallel_loop3A_1958] {strides = array<i32>} : memref<6x4x4x1024xf32, #tpu.memory_space<vmem>>, vector<1x1x1x16xf32>,
      %parallel_loop3A_1960 = vector.shape_cast %parallel_loop3A_1959 : vector<1x1x1x16xf32> to vector<16xf32>
      %parallel_loop3A_1961 = arith.addf %parallel_loop3A_1960, %parallel_loop3A_1916 : vector<16xf32>
      %parallel_loop3A_1962 = arith.constant 2 : i32
      %parallel_loop3A_1963 = arith.constant 2 : i32
      %parallel_loop3A_1964 = arith.index_cast %parallel_loop3A_1962 : i32 to index
      %parallel_loop3A_1965 = arith.index_cast %parallel_loop3A_1906 : i32 to index
      %parallel_loop3A_1966 = arith.index_cast %parallel_loop3A_1963 : i32 to index
      %parallel_loop3A_1967 = arith.index_cast %parallel_loop3A_1910 : i32 to index
      %parallel_loop3A_1968 = tpu.vector_load %arg5[%parallel_loop3A_1964, %parallel_loop3A_1965, %parallel_loop3A_1966, %parallel_loop3A_1967] {strides = array<i32>} : memref<6x4x4x1024xf32, #tpu.memory_space<vmem>>, vector<1x1x1x16xf32>,
      %parallel_loop3A_1969 = vector.shape_cast %parallel_loop3A_1968 : vector<1x1x1x16xf32> to vector<16xf32>
      %parallel_loop3A_1970 = vector.shape_cast %parallel_loop3A_1961 : vector<16xf32> to vector<1x1x1x16xf32>
      tpu.vector_store %arg5[%parallel_loop3A_1964, %parallel_loop3A_1965, %parallel_loop3A_1966, %parallel_loop3A_1967], %parallel_loop3A_1970 {strides = array<i32>} : memref<6x4x4x1024xf32, #tpu.memory_space<vmem>>, vector<1x1x1x16xf32>,
      %parallel_loop3A_1971 = arith.constant 2 : i32
      %parallel_loop3A_1972 = arith.constant 3 : i32
      %parallel_loop3A_1973 = arith.index_cast %parallel_loop3A_1971 : i32 to index
      %parallel_loop3A_1974 = arith.index_cast %parallel_loop3A_1906 : i32 to index
      %parallel_loop3A_1975 = arith.index_cast %parallel_loop3A_1972 : i32 to index
      %parallel_loop3A_1976 = arith.index_cast %parallel_loop3A_1910 : i32 to index
      %parallel_loop3A_1977 = tpu.vector_load %arg5[%parallel_loop3A_1973, %parallel_loop3A_1974, %parallel_loop3A_1975, %parallel_loop3A_1976] {strides = array<i32>} : memref<6x4x4x1024xf32, #tpu.memory_space<vmem>>, vector<1x1x1x16xf32>,
      %parallel_loop3A_1978 = vector.shape_cast %parallel_loop3A_1977 : vector<1x1x1x16xf32> to vector<16xf32>
      %parallel_loop3A_1979 = arith.addf %parallel_loop3A_1978, %parallel_loop3A_1916 : vector<16xf32>
      %parallel_loop3A_1980 = arith.constant 2 : i32
      %parallel_loop3A_1981 = arith.constant 3 : i32
      %parallel_loop3A_1982 = arith.index_cast %parallel_loop3A_1980 : i32 to index
      %parallel_loop3A_1983 = arith.index_cast %parallel_loop3A_1906 : i32 to index
      %parallel_loop3A_1984 = arith.index_cast %parallel_loop3A_1981 : i32 to index
      %parallel_loop3A_1985 = arith.index_cast %parallel_loop3A_1910 : i32 to index
      %parallel_loop3A_1986 = tpu.vector_load %arg5[%parallel_loop3A_1982, %parallel_loop3A_1983, %parallel_loop3A_1984, %parallel_loop3A_1985] {strides = array<i32>} : memref<6x4x4x1024xf32, #tpu.memory_space<vmem>>, vector<1x1x1x16xf32>,
      %parallel_loop3A_1987 = vector.shape_cast %parallel_loop3A_1986 : vector<1x1x1x16xf32> to vector<16xf32>
      %parallel_loop3A_1988 = vector.shape_cast %parallel_loop3A_1979 : vector<16xf32> to vector<1x1x1x16xf32>
      tpu.vector_store %arg5[%parallel_loop3A_1982, %parallel_loop3A_1983, %parallel_loop3A_1984, %parallel_loop3A_1985], %parallel_loop3A_1988 {strides = array<i32>} : memref<6x4x4x1024xf32, #tpu.memory_space<vmem>>, vector<1x1x1x16xf32>,
    } {sc.loop_unroll_factor = 4 : i64, sc.parallel_access}
    %add3A_1103 = arith.constant 32 : i32
    %add3A_1104 = arith.addi %mul3A_2, %add3A_1103 : i32
    %dma_start3A_1105 = arith.constant 2 : i32
    %dma_start3A_1106 = arith.constant 2 : i32
    %dma_start3A_1107 = arith.constant 0 : i32
    %dma_start3A_1108 = arith.constant 0 : i32
    %dma_start3A_1109 = arith.constant 0 : i32
    %dma_start3A_1110 = tpu.memref_slice %arg5[%dma_start3A_1105, %dma_start3A_1107, %dma_start3A_1108, %dma_start3A_1109] : memref<6x4x4x1024xf32, #tpu.memory_space<vmem>> -> memref<1x4x4x1024xf32, #tpu.memory_space<vmem>>
    %dma_start3A_1111 = tpu.memref_squeeze %dma_start3A_1110 : memref<1x4x4x1024xf32, #tpu.memory_space<vmem>> -> memref<4x4x1024xf32, #tpu.memory_space<vmem>>
    %dma_start3A_1112 = arith.constant 0 : i32
    %dma_start3A_1113 = arith.constant 0 : i32
    %dma_start3A_1114 = tpu.memref_slice %arg4[%add3A_1104, %dma_start3A_1112, %dma_start3A_1113] : memref<2048x4x1024xf32, #tpu.memory_space<hbm>> -> memref<4x4x1024xf32, #tpu.memory_space<hbm>>
    %dma_start3A_1115 = tpu.memref_slice %arg8[%dma_start3A_1106] : memref<6x!tpu.dma_semaphore, #tpu.memory_space<semaphore_mem>> -> memref<1x!tpu.dma_semaphore, #tpu.memory_space<semaphore_mem>>
    %dma_start3A_1116 = tpu.memref_squeeze %dma_start3A_1115 : memref<1x!tpu.dma_semaphore, #tpu.memory_space<semaphore_mem>> -> memref<!tpu.dma_semaphore, #tpu.memory_space<semaphore_mem>>
    %dma_start3A_1117 = arith.constant 0 : i32
    %dma_start3A_1118 = arith.constant 0 : i32
    %dma_start3A_1119 = tpu.memref_slice %arg4[%add3A_1104, %dma_start3A_1117, %dma_start3A_1118] : memref<2048x4x1024xf32, #tpu.memory_space<hbm>> -> memref<4x4x1024xf32, #tpu.memory_space<hbm>>
    %dma_start3A_1120 = arith.constant 0 : i32
    %dma_start3A_1121 = arith.constant 0 : i32
    %dma_start3A_1122 = arith.constant 0 : i32
    %dma_start3A_1123 = tpu.memref_slice %arg5[%dma_start3A_1105, %dma_start3A_1120, %dma_start3A_1121, %dma_start3A_1122] : memref<6x4x4x1024xf32, #tpu.memory_space<vmem>> -> memref<1x4x4x1024xf32, #tpu.memory_space<vmem>>
    %dma_start3A_1124 = tpu.memref_squeeze %dma_start3A_1123 : memref<1x4x4x1024xf32, #tpu.memory_space<vmem>> -> memref<4x4x1024xf32, #tpu.memory_space<vmem>>
    tpu.enqueue_dma source(%dma_start3A_1124 : memref<4x4x1024xf32, #tpu.memory_space<vmem>>) target(%dma_start3A_1119 : memref<4x4x1024xf32, #tpu.memory_space<hbm>>) target_semaphore(%dma_start3A_1116 : memref<!tpu.dma_semaphore, #tpu.memory_space<semaphore_mem>>)
    %dma_wait3A_1125 = arith.constant 0 : i32
    %dma_wait3A_1126 = arith.constant 0 : i32
    %dma_wait3A_1127 = arith.constant 0 : i32
    %dma_wait3A_1128 = arith.constant 0 : i32
    %dma_wait3A_1129 = arith.constant 0 : i32
    %dma_wait3A_1130 = tpu.memref_slice %arg5[%dma_wait3A_1125, %dma_wait3A_1127, %dma_wait3A_1128, %dma_wait3A_1129] : memref<6x4x4x1024xf32, #tpu.memory_space<vmem>> -> memref<1x4x4x1024xf32, #tpu.memory_space<vmem>>
    %dma_wait3A_1131 = tpu.memref_squeeze %dma_wait3A_1130 : memref<1x4x4x1024xf32, #tpu.memory_space<vmem>> -> memref<4x4x1024xf32, #tpu.memory_space<vmem>>
    %dma_wait3A_1132 = arith.constant 0 : i32
    %dma_wait3A_1133 = arith.constant 0 : i32
    %dma_wait3A_1134 = tpu.memref_slice %arg4[%add3A_866, %dma_wait3A_1132, %dma_wait3A_1133] : memref<2048x4x1024xf32, #tpu.memory_space<hbm>> -> memref<4x4x1024xf32, #tpu.memory_space<hbm>>
    %dma_wait3A_1135 = tpu.memref_slice %arg8[%dma_wait3A_1126] : memref<6x!tpu.dma_semaphore, #tpu.memory_space<semaphore_mem>> -> memref<1x!tpu.dma_semaphore, #tpu.memory_space<semaphore_mem>>
    %dma_wait3A_1136 = tpu.memref_squeeze %dma_wait3A_1135 : memref<1x!tpu.dma_semaphore, #tpu.memory_space<semaphore_mem>> -> memref<!tpu.dma_semaphore, #tpu.memory_space<semaphore_mem>>
    %dma_wait3A_1137 = arith.constant 0 : i32
    %dma_wait3A_1138 = arith.constant 0 : i32
    %dma_wait3A_1139 = tpu.memref_slice %arg4[%add3A_866, %dma_wait3A_1137, %dma_wait3A_1138] : memref<2048x4x1024xf32, #tpu.memory_space<hbm>> -> memref<4x4x1024xf32, #tpu.memory_space<hbm>>
    %dma_wait3A_1140 = arith.constant 0 : i32
    %dma_wait3A_1141 = arith.constant 0 : i32
    %dma_wait3A_1142 = arith.constant 0 : i32
    %dma_wait3A_1143 = tpu.memref_slice %arg5[%dma_wait3A_1125, %dma_wait3A_1140, %dma_wait3A_1141, %dma_wait3A_1142] : memref<6x4x4x1024xf32, #tpu.memory_space<vmem>> -> memref<1x4x4x1024xf32, #tpu.memory_space<vmem>>
    %dma_wait3A_1144 = tpu.memref_squeeze %dma_wait3A_1143 : memref<1x4x4x1024xf32, #tpu.memory_space<vmem>> -> memref<4x4x1024xf32, #tpu.memory_space<vmem>>
    tpu.wait_dma2 semaphore(%dma_wait3A_1136 : memref<!tpu.dma_semaphore, #tpu.memory_space<semaphore_mem>>) src(%dma_wait3A_1144 : memref<4x4x1024xf32, #tpu.memory_space<vmem>>) dst(%dma_wait3A_1139 : memref<4x4x1024xf32, #tpu.memory_space<hbm>>)
    %add3A_1145 = arith.constant 48 : i32
    %add3A_1146 = arith.addi %mul3A_2, %add3A_1145 : i32
    %dma_start3A_1147 = arith.constant 0 : i32
    %dma_start3A_1148 = arith.constant 0 : i32
    %dma_start3A_1149 = arith.constant 0 : i32
    %dma_start3A_1150 = arith.constant 0 : i32
    %dma_start3A_1151 = arith.constant 0 : i32
    %dma_start3A_1152 = tpu.memref_slice %arg5[%dma_start3A_1147, %dma_start3A_1149, %dma_start3A_1150, %dma_start3A_1151] : memref<6x4x4x1024xf32, #tpu.memory_space<vmem>> -> memref<1x4x4x1024xf32, #tpu.memory_space<vmem>>
    %dma_start3A_1153 = tpu.memref_squeeze %dma_start3A_1152 : memref<1x4x4x1024xf32, #tpu.memory_space<vmem>> -> memref<4x4x1024xf32, #tpu.memory_space<vmem>>
    %dma_start3A_1154 = arith.constant 0 : i32
    %dma_start3A_1155 = arith.constant 0 : i32
    %dma_start3A_1156 = tpu.memref_slice %arg2[%add3A_1146, %dma_start3A_1154, %dma_start3A_1155] : memref<2048x4x1024xf32, #tpu.memory_space<hbm>> -> memref<4x4x1024xf32, #tpu.memory_space<hbm>>
    %dma_start3A_1157 = tpu.memref_slice %arg7[%dma_start3A_1148] : memref<6x!tpu.dma_semaphore, #tpu.memory_space<semaphore_mem>> -> memref<1x!tpu.dma_semaphore, #tpu.memory_space<semaphore_mem>>
    %dma_start3A_1158 = tpu.memref_squeeze %dma_start3A_1157 : memref<1x!tpu.dma_semaphore, #tpu.memory_space<semaphore_mem>> -> memref<!tpu.dma_semaphore, #tpu.memory_space<semaphore_mem>>
    %dma_start3A_1159 = arith.constant 0 : i32
    %dma_start3A_1160 = arith.constant 0 : i32
    %dma_start3A_1161 = arith.constant 0 : i32
    %dma_start3A_1162 = tpu.memref_slice %arg5[%dma_start3A_1147, %dma_start3A_1159, %dma_start3A_1160, %dma_start3A_1161] : memref<6x4x4x1024xf32, #tpu.memory_space<vmem>> -> memref<1x4x4x1024xf32, #tpu.memory_space<vmem>>
    %dma_start3A_1163 = tpu.memref_squeeze %dma_start3A_1162 : memref<1x4x4x1024xf32, #tpu.memory_space<vmem>> -> memref<4x4x1024xf32, #tpu.memory_space<vmem>>
    %dma_start3A_1164 = arith.constant 0 : i32
    %dma_start3A_1165 = arith.constant 0 : i32
    %dma_start3A_1166 = tpu.memref_slice %arg2[%add3A_1146, %dma_start3A_1164, %dma_start3A_1165] : memref<2048x4x1024xf32, #tpu.memory_space<hbm>> -> memref<4x4x1024xf32, #tpu.memory_space<hbm>>
    tpu.enqueue_dma source(%dma_start3A_1166 : memref<4x4x1024xf32, #tpu.memory_space<hbm>>) target(%dma_start3A_1163 : memref<4x4x1024xf32, #tpu.memory_space<vmem>>) target_semaphore(%dma_start3A_1158 : memref<!tpu.dma_semaphore, #tpu.memory_space<semaphore_mem>>)
    %dma_start3A_1167 = arith.constant 0 : i32
    %dma_start3A_1168 = arith.constant 0 : i32
    %dma_start3A_1169 = arith.constant 0 : i32
    %dma_start3A_1170 = arith.constant 0 : i32
    %dma_start3A_1171 = tpu.memref_slice %arg6[%dma_start3A_1167, %dma_start3A_1169, %dma_start3A_1170] : memref<6x4x1024xf32, #tpu.memory_space<vmem>> -> memref<1x4x1024xf32, #tpu.memory_space<vmem>>
    %dma_start3A_1172 = tpu.memref_squeeze %dma_start3A_1171 : memref<1x4x1024xf32, #tpu.memory_space<vmem>> -> memref<4x1024xf32, #tpu.memory_space<vmem>>
    %dma_start3A_1173 = arith.constant 0 : i32
    %dma_start3A_1174 = tpu.memref_slice %arg3[%add3A_1146, %dma_start3A_1173] : memref<2048x1024xf32, #tpu.memory_space<hbm>> -> memref<4x1024xf32, #tpu.memory_space<hbm>>
    %dma_start3A_1175 = tpu.memref_slice %arg7[%dma_start3A_1168] : memref<6x!tpu.dma_semaphore, #tpu.memory_space<semaphore_mem>> -> memref<1x!tpu.dma_semaphore, #tpu.memory_space<semaphore_mem>>
    %dma_start3A_1176 = tpu.memref_squeeze %dma_start3A_1175 : memref<1x!tpu.dma_semaphore, #tpu.memory_space<semaphore_mem>> -> memref<!tpu.dma_semaphore, #tpu.memory_space<semaphore_mem>>
    %dma_start3A_1177 = arith.constant 0 : i32
    %dma_start3A_1178 = arith.constant 0 : i32
    %dma_start3A_1179 = tpu.memref_slice %arg6[%dma_start3A_1167, %dma_start3A_1177, %dma_start3A_1178] : memref<6x4x1024xf32, #tpu.memory_space<vmem>> -> memref<1x4x1024xf32, #tpu.memory_space<vmem>>
    %dma_start3A_1180 = tpu.memref_squeeze %dma_start3A_1179 : memref<1x4x1024xf32, #tpu.memory_space<vmem>> -> memref<4x1024xf32, #tpu.memory_space<vmem>>
    %dma_start3A_1181 = arith.constant 0 : i32
    %dma_start3A_1182 = tpu.memref_slice %arg3[%add3A_1146, %dma_start3A_1181] : memref<2048x1024xf32, #tpu.memory_space<hbm>> -> memref<4x1024xf32, #tpu.memory_space<hbm>>
    tpu.enqueue_dma source(%dma_start3A_1182 : memref<4x1024xf32, #tpu.memory_space<hbm>>) target(%dma_start3A_1180 : memref<4x1024xf32, #tpu.memory_space<vmem>>) target_semaphore(%dma_start3A_1176 : memref<!tpu.dma_semaphore, #tpu.memory_space<semaphore_mem>>)
    %dma_wait3A_1183 = arith.constant 3 : i32
    %dma_wait3A_1184 = arith.constant 3 : i32
    %dma_wait3A_1185 = arith.constant 0 : i32
    %dma_wait3A_1186 = arith.constant 0 : i32
    %dma_wait3A_1187 = arith.constant 0 : i32
    %dma_wait3A_1188 = tpu.memref_slice %arg5[%dma_wait3A_1183, %dma_wait3A_1185, %dma_wait3A_1186, %dma_wait3A_1187] : memref<6x4x4x1024xf32, #tpu.memory_space<vmem>> -> memref<1x4x4x1024xf32, #tpu.memory_space<vmem>>
    %dma_wait3A_1189 = tpu.memref_squeeze %dma_wait3A_1188 : memref<1x4x4x1024xf32, #tpu.memory_space<vmem>> -> memref<4x4x1024xf32, #tpu.memory_space<vmem>>
    %dma_wait3A_1190 = arith.constant 0 : i32
    %dma_wait3A_1191 = arith.constant 0 : i32
    %dma_wait3A_1192 = tpu.memref_slice %arg2[%add3A_789, %dma_wait3A_1190, %dma_wait3A_1191] : memref<2048x4x1024xf32, #tpu.memory_space<hbm>> -> memref<4x4x1024xf32, #tpu.memory_space<hbm>>
    %dma_wait3A_1193 = tpu.memref_slice %arg7[%dma_wait3A_1184] : memref<6x!tpu.dma_semaphore, #tpu.memory_space<semaphore_mem>> -> memref<1x!tpu.dma_semaphore, #tpu.memory_space<semaphore_mem>>
    %dma_wait3A_1194 = tpu.memref_squeeze %dma_wait3A_1193 : memref<1x!tpu.dma_semaphore, #tpu.memory_space<semaphore_mem>> -> memref<!tpu.dma_semaphore, #tpu.memory_space<semaphore_mem>>
    %dma_wait3A_1195 = arith.constant 0 : i32
    %dma_wait3A_1196 = arith.constant 0 : i32
    %dma_wait3A_1197 = arith.constant 0 : i32
    %dma_wait3A_1198 = tpu.memref_slice %arg5[%dma_wait3A_1183, %dma_wait3A_1195, %dma_wait3A_1196, %dma_wait3A_1197] : memref<6x4x4x1024xf32, #tpu.memory_space<vmem>> -> memref<1x4x4x1024xf32, #tpu.memory_space<vmem>>
    %dma_wait3A_1199 = tpu.memref_squeeze %dma_wait3A_1198 : memref<1x4x4x1024xf32, #tpu.memory_space<vmem>> -> memref<4x4x1024xf32, #tpu.memory_space<vmem>>
    %dma_wait3A_1200 = arith.constant 0 : i32
    %dma_wait3A_1201 = arith.constant 0 : i32
    %dma_wait3A_1202 = tpu.memref_slice %arg2[%add3A_789, %dma_wait3A_1200, %dma_wait3A_1201] : memref<2048x4x1024xf32, #tpu.memory_space<hbm>> -> memref<4x4x1024xf32, #tpu.memory_space<hbm>>
    tpu.wait_dma2 semaphore(%dma_wait3A_1194 : memref<!tpu.dma_semaphore, #tpu.memory_space<semaphore_mem>>) src(%dma_wait3A_1202 : memref<4x4x1024xf32, #tpu.memory_space<hbm>>) dst(%dma_wait3A_1199 : memref<4x4x1024xf32, #tpu.memory_space<vmem>>)
    %dma_wait3A_1203 = arith.constant 3 : i32
    %dma_wait3A_1204 = arith.constant 3 : i32
    %dma_wait3A_1205 = arith.constant 0 : i32
    %dma_wait3A_1206 = arith.constant 0 : i32
    %dma_wait3A_1207 = tpu.memref_slice %arg6[%dma_wait3A_1203, %dma_wait3A_1205, %dma_wait3A_1206] : memref<6x4x1024xf32, #tpu.memory_space<vmem>> -> memref<1x4x1024xf32, #tpu.memory_space<vmem>>
    %dma_wait3A_1208 = tpu.memref_squeeze %dma_wait3A_1207 : memref<1x4x1024xf32, #tpu.memory_space<vmem>> -> memref<4x1024xf32, #tpu.memory_space<vmem>>
    %dma_wait3A_1209 = arith.constant 0 : i32
    %dma_wait3A_1210 = tpu.memref_slice %arg3[%add3A_789, %dma_wait3A_1209] : memref<2048x1024xf32, #tpu.memory_space<hbm>> -> memref<4x1024xf32, #tpu.memory_space<hbm>>
    %dma_wait3A_1211 = tpu.memref_slice %arg7[%dma_wait3A_1204] : memref<6x!tpu.dma_semaphore, #tpu.memory_space<semaphore_mem>> -> memref<1x!tpu.dma_semaphore, #tpu.memory_space<semaphore_mem>>
    %dma_wait3A_1212 = tpu.memref_squeeze %dma_wait3A_1211 : memref<1x!tpu.dma_semaphore, #tpu.memory_space<semaphore_mem>> -> memref<!tpu.dma_semaphore, #tpu.memory_space<semaphore_mem>>
    %dma_wait3A_1213 = arith.constant 0 : i32
    %dma_wait3A_1214 = arith.constant 0 : i32
    %dma_wait3A_1215 = tpu.memref_slice %arg6[%dma_wait3A_1203, %dma_wait3A_1213, %dma_wait3A_1214] : memref<6x4x1024xf32, #tpu.memory_space<vmem>> -> memref<1x4x1024xf32, #tpu.memory_space<vmem>>
    %dma_wait3A_1216 = tpu.memref_squeeze %dma_wait3A_1215 : memref<1x4x1024xf32, #tpu.memory_space<vmem>> -> memref<4x1024xf32, #tpu.memory_space<vmem>>
    %dma_wait3A_1217 = arith.constant 0 : i32
    %dma_wait3A_1218 = tpu.memref_slice %arg3[%add3A_789, %dma_wait3A_1217] : memref<2048x1024xf32, #tpu.memory_space<hbm>> -> memref<4x1024xf32, #tpu.memory_space<hbm>>
    tpu.wait_dma2 semaphore(%dma_wait3A_1212 : memref<!tpu.dma_semaphore, #tpu.memory_space<semaphore_mem>>) src(%dma_wait3A_1218 : memref<4x1024xf32, #tpu.memory_space<hbm>>) dst(%dma_wait3A_1216 : memref<4x1024xf32, #tpu.memory_space<vmem>>)
    %parallel_loop3A_1219 = arith.constant 0 : i32
    %parallel_loop3A_1220 = arith.constant 256 : i32
    %parallel_loop3A_1221 = arith.constant 1 : i32
    scf.for %parallel_loop3A_1904 = %parallel_loop3A_1219 to %parallel_loop3A_1220 step %parallel_loop3A_1221  : i32 {
      %parallel_loop3A_1905 = arith.constant 6 : i32
      %parallel_loop3A_1906 = arith.shrui %parallel_loop3A_1904, %parallel_loop3A_1905 : i32
      %parallel_loop3A_1907 = arith.constant 63 : i32
      %parallel_loop3A_1908 = arith.andi %parallel_loop3A_1904, %parallel_loop3A_1907 : i32
      %parallel_loop3A_1909 = arith.constant 16 : i32
      %parallel_loop3A_1910 = arith.muli %parallel_loop3A_1908, %parallel_loop3A_1909 : i32
      %parallel_loop3A_1911 = arith.constant 3 : i32
      %parallel_loop3A_1912 = arith.index_cast %parallel_loop3A_1911 : i32 to index
      %parallel_loop3A_1913 = arith.index_cast %parallel_loop3A_1906 : i32 to index
      %parallel_loop3A_1914 = arith.index_cast %parallel_loop3A_1910 : i32 to index
      %parallel_loop3A_1915 = tpu.vector_load %arg6[%parallel_loop3A_1912, %parallel_loop3A_1913, %parallel_loop3A_1914] {strides = array<i32>} : memref<6x4x1024xf32, #tpu.memory_space<vmem>>, vector<1x1x16xf32>,
      %parallel_loop3A_1916 = vector.shape_cast %parallel_loop3A_1915 : vector<1x1x16xf32> to vector<16xf32>
      %parallel_loop3A_1917 = arith.constant 3 : i32
      %parallel_loop3A_1918 = arith.constant 0 : i32
      %parallel_loop3A_1919 = arith.index_cast %parallel_loop3A_1917 : i32 to index
      %parallel_loop3A_1920 = arith.index_cast %parallel_loop3A_1906 : i32 to index
      %parallel_loop3A_1921 = arith.index_cast %parallel_loop3A_1918 : i32 to index
      %parallel_loop3A_1922 = arith.index_cast %parallel_loop3A_1910 : i32 to index
      %parallel_loop3A_1923 = tpu.vector_load %arg5[%parallel_loop3A_1919, %parallel_loop3A_1920, %parallel_loop3A_1921, %parallel_loop3A_1922] {strides = array<i32>} : memref<6x4x4x1024xf32, #tpu.memory_space<vmem>>, vector<1x1x1x16xf32>,
      %parallel_loop3A_1924 = vector.shape_cast %parallel_loop3A_1923 : vector<1x1x1x16xf32> to vector<16xf32>
      %parallel_loop3A_1925 = arith.addf %parallel_loop3A_1924, %parallel_loop3A_1916 : vector<16xf32>
      %parallel_loop3A_1926 = arith.constant 3 : i32
      %parallel_loop3A_1927 = arith.constant 0 : i32
      %parallel_loop3A_1928 = arith.index_cast %parallel_loop3A_1926 : i32 to index
      %parallel_loop3A_1929 = arith.index_cast %parallel_loop3A_1906 : i32 to index
      %parallel_loop3A_1930 = arith.index_cast %parallel_loop3A_1927 : i32 to index
      %parallel_loop3A_1931 = arith.index_cast %parallel_loop3A_1910 : i32 to index
      %parallel_loop3A_1932 = tpu.vector_load %arg5[%parallel_loop3A_1928, %parallel_loop3A_1929, %parallel_loop3A_1930, %parallel_loop3A_1931] {strides = array<i32>} : memref<6x4x4x1024xf32, #tpu.memory_space<vmem>>, vector<1x1x1x16xf32>,
      %parallel_loop3A_1933 = vector.shape_cast %parallel_loop3A_1932 : vector<1x1x1x16xf32> to vector<16xf32>
      %parallel_loop3A_1934 = vector.shape_cast %parallel_loop3A_1925 : vector<16xf32> to vector<1x1x1x16xf32>
      tpu.vector_store %arg5[%parallel_loop3A_1928, %parallel_loop3A_1929, %parallel_loop3A_1930, %parallel_loop3A_1931], %parallel_loop3A_1934 {strides = array<i32>} : memref<6x4x4x1024xf32, #tpu.memory_space<vmem>>, vector<1x1x1x16xf32>,
      %parallel_loop3A_1935 = arith.constant 3 : i32
      %parallel_loop3A_1936 = arith.constant 1 : i32
      %parallel_loop3A_1937 = arith.index_cast %parallel_loop3A_1935 : i32 to index
      %parallel_loop3A_1938 = arith.index_cast %parallel_loop3A_1906 : i32 to index
      %parallel_loop3A_1939 = arith.index_cast %parallel_loop3A_1936 : i32 to index
      %parallel_loop3A_1940 = arith.index_cast %parallel_loop3A_1910 : i32 to index
      %parallel_loop3A_1941 = tpu.vector_load %arg5[%parallel_loop3A_1937, %parallel_loop3A_1938, %parallel_loop3A_1939, %parallel_loop3A_1940] {strides = array<i32>} : memref<6x4x4x1024xf32, #tpu.memory_space<vmem>>, vector<1x1x1x16xf32>,
      %parallel_loop3A_1942 = vector.shape_cast %parallel_loop3A_1941 : vector<1x1x1x16xf32> to vector<16xf32>
      %parallel_loop3A_1943 = arith.addf %parallel_loop3A_1942, %parallel_loop3A_1916 : vector<16xf32>
      %parallel_loop3A_1944 = arith.constant 3 : i32
      %parallel_loop3A_1945 = arith.constant 1 : i32
      %parallel_loop3A_1946 = arith.index_cast %parallel_loop3A_1944 : i32 to index
      %parallel_loop3A_1947 = arith.index_cast %parallel_loop3A_1906 : i32 to index
      %parallel_loop3A_1948 = arith.index_cast %parallel_loop3A_1945 : i32 to index
      %parallel_loop3A_1949 = arith.index_cast %parallel_loop3A_1910 : i32 to index
      %parallel_loop3A_1950 = tpu.vector_load %arg5[%parallel_loop3A_1946, %parallel_loop3A_1947, %parallel_loop3A_1948, %parallel_loop3A_1949] {strides = array<i32>} : memref<6x4x4x1024xf32, #tpu.memory_space<vmem>>, vector<1x1x1x16xf32>,
      %parallel_loop3A_1951 = vector.shape_cast %parallel_loop3A_1950 : vector<1x1x1x16xf32> to vector<16xf32>
      %parallel_loop3A_1952 = vector.shape_cast %parallel_loop3A_1943 : vector<16xf32> to vector<1x1x1x16xf32>
      tpu.vector_store %arg5[%parallel_loop3A_1946, %parallel_loop3A_1947, %parallel_loop3A_1948, %parallel_loop3A_1949], %parallel_loop3A_1952 {strides = array<i32>} : memref<6x4x4x1024xf32, #tpu.memory_space<vmem>>, vector<1x1x1x16xf32>,
      %parallel_loop3A_1953 = arith.constant 3 : i32
      %parallel_loop3A_1954 = arith.constant 2 : i32
      %parallel_loop3A_1955 = arith.index_cast %parallel_loop3A_1953 : i32 to index
      %parallel_loop3A_1956 = arith.index_cast %parallel_loop3A_1906 : i32 to index
      %parallel_loop3A_1957 = arith.index_cast %parallel_loop3A_1954 : i32 to index
      %parallel_loop3A_1958 = arith.index_cast %parallel_loop3A_1910 : i32 to index
      %parallel_loop3A_1959 = tpu.vector_load %arg5[%parallel_loop3A_1955, %parallel_loop3A_1956, %parallel_loop3A_1957, %parallel_loop3A_1958] {strides = array<i32>} : memref<6x4x4x1024xf32, #tpu.memory_space<vmem>>, vector<1x1x1x16xf32>,
      %parallel_loop3A_1960 = vector.shape_cast %parallel_loop3A_1959 : vector<1x1x1x16xf32> to vector<16xf32>
      %parallel_loop3A_1961 = arith.addf %parallel_loop3A_1960, %parallel_loop3A_1916 : vector<16xf32>
      %parallel_loop3A_1962 = arith.constant 3 : i32
      %parallel_loop3A_1963 = arith.constant 2 : i32
      %parallel_loop3A_1964 = arith.index_cast %parallel_loop3A_1962 : i32 to index
      %parallel_loop3A_1965 = arith.index_cast %parallel_loop3A_1906 : i32 to index
      %parallel_loop3A_1966 = arith.index_cast %parallel_loop3A_1963 : i32 to index
      %parallel_loop3A_1967 = arith.index_cast %parallel_loop3A_1910 : i32 to index
      %parallel_loop3A_1968 = tpu.vector_load %arg5[%parallel_loop3A_1964, %parallel_loop3A_1965, %parallel_loop3A_1966, %parallel_loop3A_1967] {strides = array<i32>} : memref<6x4x4x1024xf32, #tpu.memory_space<vmem>>, vector<1x1x1x16xf32>,
      %parallel_loop3A_1969 = vector.shape_cast %parallel_loop3A_1968 : vector<1x1x1x16xf32> to vector<16xf32>
      %parallel_loop3A_1970 = vector.shape_cast %parallel_loop3A_1961 : vector<16xf32> to vector<1x1x1x16xf32>
      tpu.vector_store %arg5[%parallel_loop3A_1964, %parallel_loop3A_1965, %parallel_loop3A_1966, %parallel_loop3A_1967], %parallel_loop3A_1970 {strides = array<i32>} : memref<6x4x4x1024xf32, #tpu.memory_space<vmem>>, vector<1x1x1x16xf32>,
      %parallel_loop3A_1971 = arith.constant 3 : i32
      %parallel_loop3A_1972 = arith.constant 3 : i32
      %parallel_loop3A_1973 = arith.index_cast %parallel_loop3A_1971 : i32 to index
      %parallel_loop3A_1974 = arith.index_cast %parallel_loop3A_1906 : i32 to index
      %parallel_loop3A_1975 = arith.index_cast %parallel_loop3A_1972 : i32 to index
      %parallel_loop3A_1976 = arith.index_cast %parallel_loop3A_1910 : i32 to index
      %parallel_loop3A_1977 = tpu.vector_load %arg5[%parallel_loop3A_1973, %parallel_loop3A_1974, %parallel_loop3A_1975, %parallel_loop3A_1976] {strides = array<i32>} : memref<6x4x4x1024xf32, #tpu.memory_space<vmem>>, vector<1x1x1x16xf32>,
      %parallel_loop3A_1978 = vector.shape_cast %parallel_loop3A_1977 : vector<1x1x1x16xf32> to vector<16xf32>
      %parallel_loop3A_1979 = arith.addf %parallel_loop3A_1978, %parallel_loop3A_1916 : vector<16xf32>
      %parallel_loop3A_1980 = arith.constant 3 : i32
      %parallel_loop3A_1981 = arith.constant 3 : i32
      %parallel_loop3A_1982 = arith.index_cast %parallel_loop3A_1980 : i32 to index
      %parallel_loop3A_1983 = arith.index_cast %parallel_loop3A_1906 : i32 to index
      %parallel_loop3A_1984 = arith.index_cast %parallel_loop3A_1981 : i32 to index
      %parallel_loop3A_1985 = arith.index_cast %parallel_loop3A_1910 : i32 to index
      %parallel_loop3A_1986 = tpu.vector_load %arg5[%parallel_loop3A_1982, %parallel_loop3A_1983, %parallel_loop3A_1984, %parallel_loop3A_1985] {strides = array<i32>} : memref<6x4x4x1024xf32, #tpu.memory_space<vmem>>, vector<1x1x1x16xf32>,
      %parallel_loop3A_1987 = vector.shape_cast %parallel_loop3A_1986 : vector<1x1x1x16xf32> to vector<16xf32>
      %parallel_loop3A_1988 = vector.shape_cast %parallel_loop3A_1979 : vector<16xf32> to vector<1x1x1x16xf32>
      tpu.vector_store %arg5[%parallel_loop3A_1982, %parallel_loop3A_1983, %parallel_loop3A_1984, %parallel_loop3A_1985], %parallel_loop3A_1988 {strides = array<i32>} : memref<6x4x4x1024xf32, #tpu.memory_space<vmem>>, vector<1x1x1x16xf32>,
    } {sc.loop_unroll_factor = 4 : i64, sc.parallel_access}
    %add3A_1222 = arith.constant 36 : i32
    %add3A_1223 = arith.addi %mul3A_2, %add3A_1222 : i32
    %dma_start3A_1224 = arith.constant 3 : i32
    %dma_start3A_1225 = arith.constant 3 : i32
    %dma_start3A_1226 = arith.constant 0 : i32
    %dma_start3A_1227 = arith.constant 0 : i32
    %dma_start3A_1228 = arith.constant 0 : i32
    %dma_start3A_1229 = tpu.memref_slice %arg5[%dma_start3A_1224, %dma_start3A_1226, %dma_start3A_1227, %dma_start3A_1228] : memref<6x4x4x1024xf32, #tpu.memory_space<vmem>> -> memref<1x4x4x1024xf32, #tpu.memory_space<vmem>>
    %dma_start3A_1230 = tpu.memref_squeeze %dma_start3A_1229 : memref<1x4x4x1024xf32, #tpu.memory_space<vmem>> -> memref<4x4x1024xf32, #tpu.memory_space<vmem>>
    %dma_start3A_1231 = arith.constant 0 : i32
    %dma_start3A_1232 = arith.constant 0 : i32
    %dma_start3A_1233 = tpu.memref_slice %arg4[%add3A_1223, %dma_start3A_1231, %dma_start3A_1232] : memref<2048x4x1024xf32, #tpu.memory_space<hbm>> -> memref<4x4x1024xf32, #tpu.memory_space<hbm>>
    %dma_start3A_1234 = tpu.memref_slice %arg8[%dma_start3A_1225] : memref<6x!tpu.dma_semaphore, #tpu.memory_space<semaphore_mem>> -> memref<1x!tpu.dma_semaphore, #tpu.memory_space<semaphore_mem>>
    %dma_start3A_1235 = tpu.memref_squeeze %dma_start3A_1234 : memref<1x!tpu.dma_semaphore, #tpu.memory_space<semaphore_mem>> -> memref<!tpu.dma_semaphore, #tpu.memory_space<semaphore_mem>>
    %dma_start3A_1236 = arith.constant 0 : i32
    %dma_start3A_1237 = arith.constant 0 : i32
    %dma_start3A_1238 = tpu.memref_slice %arg4[%add3A_1223, %dma_start3A_1236, %dma_start3A_1237] : memref<2048x4x1024xf32, #tpu.memory_space<hbm>> -> memref<4x4x1024xf32, #tpu.memory_space<hbm>>
    %dma_start3A_1239 = arith.constant 0 : i32
    %dma_start3A_1240 = arith.constant 0 : i32
    %dma_start3A_1241 = arith.constant 0 : i32
    %dma_start3A_1242 = tpu.memref_slice %arg5[%dma_start3A_1224, %dma_start3A_1239, %dma_start3A_1240, %dma_start3A_1241] : memref<6x4x4x1024xf32, #tpu.memory_space<vmem>> -> memref<1x4x4x1024xf32, #tpu.memory_space<vmem>>
    %dma_start3A_1243 = tpu.memref_squeeze %dma_start3A_1242 : memref<1x4x4x1024xf32, #tpu.memory_space<vmem>> -> memref<4x4x1024xf32, #tpu.memory_space<vmem>>
    tpu.enqueue_dma source(%dma_start3A_1243 : memref<4x4x1024xf32, #tpu.memory_space<vmem>>) target(%dma_start3A_1238 : memref<4x4x1024xf32, #tpu.memory_space<hbm>>) target_semaphore(%dma_start3A_1235 : memref<!tpu.dma_semaphore, #tpu.memory_space<semaphore_mem>>)
    %dma_wait3A_1244 = arith.constant 1 : i32
    %dma_wait3A_1245 = arith.constant 1 : i32
    %dma_wait3A_1246 = arith.constant 0 : i32
    %dma_wait3A_1247 = arith.constant 0 : i32
    %dma_wait3A_1248 = arith.constant 0 : i32
    %dma_wait3A_1249 = tpu.memref_slice %arg5[%dma_wait3A_1244, %dma_wait3A_1246, %dma_wait3A_1247, %dma_wait3A_1248] : memref<6x4x4x1024xf32, #tpu.memory_space<vmem>> -> memref<1x4x4x1024xf32, #tpu.memory_space<vmem>>
    %dma_wait3A_1250 = tpu.memref_squeeze %dma_wait3A_1249 : memref<1x4x4x1024xf32, #tpu.memory_space<vmem>> -> memref<4x4x1024xf32, #tpu.memory_space<vmem>>
    %dma_wait3A_1251 = arith.constant 0 : i32
    %dma_wait3A_1252 = arith.constant 0 : i32
    %dma_wait3A_1253 = tpu.memref_slice %arg4[%add3A_985, %dma_wait3A_1251, %dma_wait3A_1252] : memref<2048x4x1024xf32, #tpu.memory_space<hbm>> -> memref<4x4x1024xf32, #tpu.memory_space<hbm>>
    %dma_wait3A_1254 = tpu.memref_slice %arg8[%dma_wait3A_1245] : memref<6x!tpu.dma_semaphore, #tpu.memory_space<semaphore_mem>> -> memref<1x!tpu.dma_semaphore, #tpu.memory_space<semaphore_mem>>
    %dma_wait3A_1255 = tpu.memref_squeeze %dma_wait3A_1254 : memref<1x!tpu.dma_semaphore, #tpu.memory_space<semaphore_mem>> -> memref<!tpu.dma_semaphore, #tpu.memory_space<semaphore_mem>>
    %dma_wait3A_1256 = arith.constant 0 : i32
    %dma_wait3A_1257 = arith.constant 0 : i32
    %dma_wait3A_1258 = tpu.memref_slice %arg4[%add3A_985, %dma_wait3A_1256, %dma_wait3A_1257] : memref<2048x4x1024xf32, #tpu.memory_space<hbm>> -> memref<4x4x1024xf32, #tpu.memory_space<hbm>>
    %dma_wait3A_1259 = arith.constant 0 : i32
    %dma_wait3A_1260 = arith.constant 0 : i32
    %dma_wait3A_1261 = arith.constant 0 : i32
    %dma_wait3A_1262 = tpu.memref_slice %arg5[%dma_wait3A_1244, %dma_wait3A_1259, %dma_wait3A_1260, %dma_wait3A_1261] : memref<6x4x4x1024xf32, #tpu.memory_space<vmem>> -> memref<1x4x4x1024xf32, #tpu.memory_space<vmem>>
    %dma_wait3A_1263 = tpu.memref_squeeze %dma_wait3A_1262 : memref<1x4x4x1024xf32, #tpu.memory_space<vmem>> -> memref<4x4x1024xf32, #tpu.memory_space<vmem>>
    tpu.wait_dma2 semaphore(%dma_wait3A_1255 : memref<!tpu.dma_semaphore, #tpu.memory_space<semaphore_mem>>) src(%dma_wait3A_1263 : memref<4x4x1024xf32, #tpu.memory_space<vmem>>) dst(%dma_wait3A_1258 : memref<4x4x1024xf32, #tpu.memory_space<hbm>>)
    %add3A_1264 = arith.constant 52 : i32
    %add3A_1265 = arith.addi %mul3A_2, %add3A_1264 : i32
    %dma_start3A_1266 = arith.constant 1 : i32
    %dma_start3A_1267 = arith.constant 1 : i32
    %dma_start3A_1268 = arith.constant 0 : i32
    %dma_start3A_1269 = arith.constant 0 : i32
    %dma_start3A_1270 = arith.constant 0 : i32
    %dma_start3A_1271 = tpu.memref_slice %arg5[%dma_start3A_1266, %dma_start3A_1268, %dma_start3A_1269, %dma_start3A_1270] : memref<6x4x4x1024xf32, #tpu.memory_space<vmem>> -> memref<1x4x4x1024xf32, #tpu.memory_space<vmem>>
    %dma_start3A_1272 = tpu.memref_squeeze %dma_start3A_1271 : memref<1x4x4x1024xf32, #tpu.memory_space<vmem>> -> memref<4x4x1024xf32, #tpu.memory_space<vmem>>
    %dma_start3A_1273 = arith.constant 0 : i32
    %dma_start3A_1274 = arith.constant 0 : i32
    %dma_start3A_1275 = tpu.memref_slice %arg2[%add3A_1265, %dma_start3A_1273, %dma_start3A_1274] : memref<2048x4x1024xf32, #tpu.memory_space<hbm>> -> memref<4x4x1024xf32, #tpu.memory_space<hbm>>
    %dma_start3A_1276 = tpu.memref_slice %arg7[%dma_start3A_1267] : memref<6x!tpu.dma_semaphore, #tpu.memory_space<semaphore_mem>> -> memref<1x!tpu.dma_semaphore, #tpu.memory_space<semaphore_mem>>
    %dma_start3A_1277 = tpu.memref_squeeze %dma_start3A_1276 : memref<1x!tpu.dma_semaphore, #tpu.memory_space<semaphore_mem>> -> memref<!tpu.dma_semaphore, #tpu.memory_space<semaphore_mem>>
    %dma_start3A_1278 = arith.constant 0 : i32
    %dma_start3A_1279 = arith.constant 0 : i32
    %dma_start3A_1280 = arith.constant 0 : i32
    %dma_start3A_1281 = tpu.memref_slice %arg5[%dma_start3A_1266, %dma_start3A_1278, %dma_start3A_1279, %dma_start3A_1280] : memref<6x4x4x1024xf32, #tpu.memory_space<vmem>> -> memref<1x4x4x1024xf32, #tpu.memory_space<vmem>>
    %dma_start3A_1282 = tpu.memref_squeeze %dma_start3A_1281 : memref<1x4x4x1024xf32, #tpu.memory_space<vmem>> -> memref<4x4x1024xf32, #tpu.memory_space<vmem>>
    %dma_start3A_1283 = arith.constant 0 : i32
    %dma_start3A_1284 = arith.constant 0 : i32
    %dma_start3A_1285 = tpu.memref_slice %arg2[%add3A_1265, %dma_start3A_1283, %dma_start3A_1284] : memref<2048x4x1024xf32, #tpu.memory_space<hbm>> -> memref<4x4x1024xf32, #tpu.memory_space<hbm>>
    tpu.enqueue_dma source(%dma_start3A_1285 : memref<4x4x1024xf32, #tpu.memory_space<hbm>>) target(%dma_start3A_1282 : memref<4x4x1024xf32, #tpu.memory_space<vmem>>) target_semaphore(%dma_start3A_1277 : memref<!tpu.dma_semaphore, #tpu.memory_space<semaphore_mem>>)
    %dma_start3A_1286 = arith.constant 1 : i32
    %dma_start3A_1287 = arith.constant 1 : i32
    %dma_start3A_1288 = arith.constant 0 : i32
    %dma_start3A_1289 = arith.constant 0 : i32
    %dma_start3A_1290 = tpu.memref_slice %arg6[%dma_start3A_1286, %dma_start3A_1288, %dma_start3A_1289] : memref<6x4x1024xf32, #tpu.memory_space<vmem>> -> memref<1x4x1024xf32, #tpu.memory_space<vmem>>
    %dma_start3A_1291 = tpu.memref_squeeze %dma_start3A_1290 : memref<1x4x1024xf32, #tpu.memory_space<vmem>> -> memref<4x1024xf32, #tpu.memory_space<vmem>>
    %dma_start3A_1292 = arith.constant 0 : i32
    %dma_start3A_1293 = tpu.memref_slice %arg3[%add3A_1265, %dma_start3A_1292] : memref<2048x1024xf32, #tpu.memory_space<hbm>> -> memref<4x1024xf32, #tpu.memory_space<hbm>>
    %dma_start3A_1294 = tpu.memref_slice %arg7[%dma_start3A_1287] : memref<6x!tpu.dma_semaphore, #tpu.memory_space<semaphore_mem>> -> memref<1x!tpu.dma_semaphore, #tpu.memory_space<semaphore_mem>>
    %dma_start3A_1295 = tpu.memref_squeeze %dma_start3A_1294 : memref<1x!tpu.dma_semaphore, #tpu.memory_space<semaphore_mem>> -> memref<!tpu.dma_semaphore, #tpu.memory_space<semaphore_mem>>
    %dma_start3A_1296 = arith.constant 0 : i32
    %dma_start3A_1297 = arith.constant 0 : i32
    %dma_start3A_1298 = tpu.memref_slice %arg6[%dma_start3A_1286, %dma_start3A_1296, %dma_start3A_1297] : memref<6x4x1024xf32, #tpu.memory_space<vmem>> -> memref<1x4x1024xf32, #tpu.memory_space<vmem>>
    %dma_start3A_1299 = tpu.memref_squeeze %dma_start3A_1298 : memref<1x4x1024xf32, #tpu.memory_space<vmem>> -> memref<4x1024xf32, #tpu.memory_space<vmem>>
    %dma_start3A_1300 = arith.constant 0 : i32
    %dma_start3A_1301 = tpu.memref_slice %arg3[%add3A_1265, %dma_start3A_1300] : memref<2048x1024xf32, #tpu.memory_space<hbm>> -> memref<4x1024xf32, #tpu.memory_space<hbm>>
    tpu.enqueue_dma source(%dma_start3A_1301 : memref<4x1024xf32, #tpu.memory_space<hbm>>) target(%dma_start3A_1299 : memref<4x1024xf32, #tpu.memory_space<vmem>>) target_semaphore(%dma_start3A_1295 : memref<!tpu.dma_semaphore, #tpu.memory_space<semaphore_mem>>)
    %dma_wait3A_1302 = arith.constant 4 : i32
    %dma_wait3A_1303 = arith.constant 4 : i32
    %dma_wait3A_1304 = arith.constant 0 : i32
    %dma_wait3A_1305 = arith.constant 0 : i32
    %dma_wait3A_1306 = arith.constant 0 : i32
    %dma_wait3A_1307 = tpu.memref_slice %arg5[%dma_wait3A_1302, %dma_wait3A_1304, %dma_wait3A_1305, %dma_wait3A_1306] : memref<6x4x4x1024xf32, #tpu.memory_space<vmem>> -> memref<1x4x4x1024xf32, #tpu.memory_space<vmem>>
    %dma_wait3A_1308 = tpu.memref_squeeze %dma_wait3A_1307 : memref<1x4x4x1024xf32, #tpu.memory_space<vmem>> -> memref<4x4x1024xf32, #tpu.memory_space<vmem>>
    %dma_wait3A_1309 = arith.constant 0 : i32
    %dma_wait3A_1310 = arith.constant 0 : i32
    %dma_wait3A_1311 = tpu.memref_slice %arg2[%add3A_908, %dma_wait3A_1309, %dma_wait3A_1310] : memref<2048x4x1024xf32, #tpu.memory_space<hbm>> -> memref<4x4x1024xf32, #tpu.memory_space<hbm>>
    %dma_wait3A_1312 = tpu.memref_slice %arg7[%dma_wait3A_1303] : memref<6x!tpu.dma_semaphore, #tpu.memory_space<semaphore_mem>> -> memref<1x!tpu.dma_semaphore, #tpu.memory_space<semaphore_mem>>
    %dma_wait3A_1313 = tpu.memref_squeeze %dma_wait3A_1312 : memref<1x!tpu.dma_semaphore, #tpu.memory_space<semaphore_mem>> -> memref<!tpu.dma_semaphore, #tpu.memory_space<semaphore_mem>>
    %dma_wait3A_1314 = arith.constant 0 : i32
    %dma_wait3A_1315 = arith.constant 0 : i32
    %dma_wait3A_1316 = arith.constant 0 : i32
    %dma_wait3A_1317 = tpu.memref_slice %arg5[%dma_wait3A_1302, %dma_wait3A_1314, %dma_wait3A_1315, %dma_wait3A_1316] : memref<6x4x4x1024xf32, #tpu.memory_space<vmem>> -> memref<1x4x4x1024xf32, #tpu.memory_space<vmem>>
    %dma_wait3A_1318 = tpu.memref_squeeze %dma_wait3A_1317 : memref<1x4x4x1024xf32, #tpu.memory_space<vmem>> -> memref<4x4x1024xf32, #tpu.memory_space<vmem>>
    %dma_wait3A_1319 = arith.constant 0 : i32
    %dma_wait3A_1320 = arith.constant 0 : i32
    %dma_wait3A_1321 = tpu.memref_slice %arg2[%add3A_908, %dma_wait3A_1319, %dma_wait3A_1320] : memref<2048x4x1024xf32, #tpu.memory_space<hbm>> -> memref<4x4x1024xf32, #tpu.memory_space<hbm>>
    tpu.wait_dma2 semaphore(%dma_wait3A_1313 : memref<!tpu.dma_semaphore, #tpu.memory_space<semaphore_mem>>) src(%dma_wait3A_1321 : memref<4x4x1024xf32, #tpu.memory_space<hbm>>) dst(%dma_wait3A_1318 : memref<4x4x1024xf32, #tpu.memory_space<vmem>>)
    %dma_wait3A_1322 = arith.constant 4 : i32
    %dma_wait3A_1323 = arith.constant 4 : i32
    %dma_wait3A_1324 = arith.constant 0 : i32
    %dma_wait3A_1325 = arith.constant 0 : i32
    %dma_wait3A_1326 = tpu.memref_slice %arg6[%dma_wait3A_1322, %dma_wait3A_1324, %dma_wait3A_1325] : memref<6x4x1024xf32, #tpu.memory_space<vmem>> -> memref<1x4x1024xf32, #tpu.memory_space<vmem>>
    %dma_wait3A_1327 = tpu.memref_squeeze %dma_wait3A_1326 : memref<1x4x1024xf32, #tpu.memory_space<vmem>> -> memref<4x1024xf32, #tpu.memory_space<vmem>>
    %dma_wait3A_1328 = arith.constant 0 : i32
    %dma_wait3A_1329 = tpu.memref_slice %arg3[%add3A_908, %dma_wait3A_1328] : memref<2048x1024xf32, #tpu.memory_space<hbm>> -> memref<4x1024xf32, #tpu.memory_space<hbm>>
    %dma_wait3A_1330 = tpu.memref_slice %arg7[%dma_wait3A_1323] : memref<6x!tpu.dma_semaphore, #tpu.memory_space<semaphore_mem>> -> memref<1x!tpu.dma_semaphore, #tpu.memory_space<semaphore_mem>>
    %dma_wait3A_1331 = tpu.memref_squeeze %dma_wait3A_1330 : memref<1x!tpu.dma_semaphore, #tpu.memory_space<semaphore_mem>> -> memref<!tpu.dma_semaphore, #tpu.memory_space<semaphore_mem>>
    %dma_wait3A_1332 = arith.constant 0 : i32
    %dma_wait3A_1333 = arith.constant 0 : i32
    %dma_wait3A_1334 = tpu.memref_slice %arg6[%dma_wait3A_1322, %dma_wait3A_1332, %dma_wait3A_1333] : memref<6x4x1024xf32, #tpu.memory_space<vmem>> -> memref<1x4x1024xf32, #tpu.memory_space<vmem>>
    %dma_wait3A_1335 = tpu.memref_squeeze %dma_wait3A_1334 : memref<1x4x1024xf32, #tpu.memory_space<vmem>> -> memref<4x1024xf32, #tpu.memory_space<vmem>>
    %dma_wait3A_1336 = arith.constant 0 : i32
    %dma_wait3A_1337 = tpu.memref_slice %arg3[%add3A_908, %dma_wait3A_1336] : memref<2048x1024xf32, #tpu.memory_space<hbm>> -> memref<4x1024xf32, #tpu.memory_space<hbm>>
    tpu.wait_dma2 semaphore(%dma_wait3A_1331 : memref<!tpu.dma_semaphore, #tpu.memory_space<semaphore_mem>>) src(%dma_wait3A_1337 : memref<4x1024xf32, #tpu.memory_space<hbm>>) dst(%dma_wait3A_1335 : memref<4x1024xf32, #tpu.memory_space<vmem>>)
    %parallel_loop3A_1338 = arith.constant 0 : i32
    %parallel_loop3A_1339 = arith.constant 256 : i32
    %parallel_loop3A_1340 = arith.constant 1 : i32
    scf.for %parallel_loop3A_1904 = %parallel_loop3A_1338 to %parallel_loop3A_1339 step %parallel_loop3A_1340  : i32 {
      %parallel_loop3A_1905 = arith.constant 6 : i32
      %parallel_loop3A_1906 = arith.shrui %parallel_loop3A_1904, %parallel_loop3A_1905 : i32
      %parallel_loop3A_1907 = arith.constant 63 : i32
      %parallel_loop3A_1908 = arith.andi %parallel_loop3A_1904, %parallel_loop3A_1907 : i32
      %parallel_loop3A_1909 = arith.constant 16 : i32
      %parallel_loop3A_1910 = arith.muli %parallel_loop3A_1908, %parallel_loop3A_1909 : i32
      %parallel_loop3A_1911 = arith.constant 4 : i32
      %parallel_loop3A_1912 = arith.index_cast %parallel_loop3A_1911 : i32 to index
      %parallel_loop3A_1913 = arith.index_cast %parallel_loop3A_1906 : i32 to index
      %parallel_loop3A_1914 = arith.index_cast %parallel_loop3A_1910 : i32 to index
      %parallel_loop3A_1915 = tpu.vector_load %arg6[%parallel_loop3A_1912, %parallel_loop3A_1913, %parallel_loop3A_1914] {strides = array<i32>} : memref<6x4x1024xf32, #tpu.memory_space<vmem>>, vector<1x1x16xf32>,
      %parallel_loop3A_1916 = vector.shape_cast %parallel_loop3A_1915 : vector<1x1x16xf32> to vector<16xf32>
      %parallel_loop3A_1917 = arith.constant 4 : i32
      %parallel_loop3A_1918 = arith.constant 0 : i32
      %parallel_loop3A_1919 = arith.index_cast %parallel_loop3A_1917 : i32 to index
      %parallel_loop3A_1920 = arith.index_cast %parallel_loop3A_1906 : i32 to index
      %parallel_loop3A_1921 = arith.index_cast %parallel_loop3A_1918 : i32 to index
      %parallel_loop3A_1922 = arith.index_cast %parallel_loop3A_1910 : i32 to index
      %parallel_loop3A_1923 = tpu.vector_load %arg5[%parallel_loop3A_1919, %parallel_loop3A_1920, %parallel_loop3A_1921, %parallel_loop3A_1922] {strides = array<i32>} : memref<6x4x4x1024xf32, #tpu.memory_space<vmem>>, vector<1x1x1x16xf32>,
      %parallel_loop3A_1924 = vector.shape_cast %parallel_loop3A_1923 : vector<1x1x1x16xf32> to vector<16xf32>
      %parallel_loop3A_1925 = arith.addf %parallel_loop3A_1924, %parallel_loop3A_1916 : vector<16xf32>
      %parallel_loop3A_1926 = arith.constant 4 : i32
      %parallel_loop3A_1927 = arith.constant 0 : i32
      %parallel_loop3A_1928 = arith.index_cast %parallel_loop3A_1926 : i32 to index
      %parallel_loop3A_1929 = arith.index_cast %parallel_loop3A_1906 : i32 to index
      %parallel_loop3A_1930 = arith.index_cast %parallel_loop3A_1927 : i32 to index
      %parallel_loop3A_1931 = arith.index_cast %parallel_loop3A_1910 : i32 to index
      %parallel_loop3A_1932 = tpu.vector_load %arg5[%parallel_loop3A_1928, %parallel_loop3A_1929, %parallel_loop3A_1930, %parallel_loop3A_1931] {strides = array<i32>} : memref<6x4x4x1024xf32, #tpu.memory_space<vmem>>, vector<1x1x1x16xf32>,
      %parallel_loop3A_1933 = vector.shape_cast %parallel_loop3A_1932 : vector<1x1x1x16xf32> to vector<16xf32>
      %parallel_loop3A_1934 = vector.shape_cast %parallel_loop3A_1925 : vector<16xf32> to vector<1x1x1x16xf32>
      tpu.vector_store %arg5[%parallel_loop3A_1928, %parallel_loop3A_1929, %parallel_loop3A_1930, %parallel_loop3A_1931], %parallel_loop3A_1934 {strides = array<i32>} : memref<6x4x4x1024xf32, #tpu.memory_space<vmem>>, vector<1x1x1x16xf32>,
      %parallel_loop3A_1935 = arith.constant 4 : i32
      %parallel_loop3A_1936 = arith.constant 1 : i32
      %parallel_loop3A_1937 = arith.index_cast %parallel_loop3A_1935 : i32 to index
      %parallel_loop3A_1938 = arith.index_cast %parallel_loop3A_1906 : i32 to index
      %parallel_loop3A_1939 = arith.index_cast %parallel_loop3A_1936 : i32 to index
      %parallel_loop3A_1940 = arith.index_cast %parallel_loop3A_1910 : i32 to index
      %parallel_loop3A_1941 = tpu.vector_load %arg5[%parallel_loop3A_1937, %parallel_loop3A_1938, %parallel_loop3A_1939, %parallel_loop3A_1940] {strides = array<i32>} : memref<6x4x4x1024xf32, #tpu.memory_space<vmem>>, vector<1x1x1x16xf32>,
      %parallel_loop3A_1942 = vector.shape_cast %parallel_loop3A_1941 : vector<1x1x1x16xf32> to vector<16xf32>
      %parallel_loop3A_1943 = arith.addf %parallel_loop3A_1942, %parallel_loop3A_1916 : vector<16xf32>
      %parallel_loop3A_1944 = arith.constant 4 : i32
      %parallel_loop3A_1945 = arith.constant 1 : i32
      %parallel_loop3A_1946 = arith.index_cast %parallel_loop3A_1944 : i32 to index
      %parallel_loop3A_1947 = arith.index_cast %parallel_loop3A_1906 : i32 to index
      %parallel_loop3A_1948 = arith.index_cast %parallel_loop3A_1945 : i32 to index
      %parallel_loop3A_1949 = arith.index_cast %parallel_loop3A_1910 : i32 to index
      %parallel_loop3A_1950 = tpu.vector_load %arg5[%parallel_loop3A_1946, %parallel_loop3A_1947, %parallel_loop3A_1948, %parallel_loop3A_1949] {strides = array<i32>} : memref<6x4x4x1024xf32, #tpu.memory_space<vmem>>, vector<1x1x1x16xf32>,
      %parallel_loop3A_1951 = vector.shape_cast %parallel_loop3A_1950 : vector<1x1x1x16xf32> to vector<16xf32>
      %parallel_loop3A_1952 = vector.shape_cast %parallel_loop3A_1943 : vector<16xf32> to vector<1x1x1x16xf32>
      tpu.vector_store %arg5[%parallel_loop3A_1946, %parallel_loop3A_1947, %parallel_loop3A_1948, %parallel_loop3A_1949], %parallel_loop3A_1952 {strides = array<i32>} : memref<6x4x4x1024xf32, #tpu.memory_space<vmem>>, vector<1x1x1x16xf32>,
      %parallel_loop3A_1953 = arith.constant 4 : i32
      %parallel_loop3A_1954 = arith.constant 2 : i32
      %parallel_loop3A_1955 = arith.index_cast %parallel_loop3A_1953 : i32 to index
      %parallel_loop3A_1956 = arith.index_cast %parallel_loop3A_1906 : i32 to index
      %parallel_loop3A_1957 = arith.index_cast %parallel_loop3A_1954 : i32 to index
      %parallel_loop3A_1958 = arith.index_cast %parallel_loop3A_1910 : i32 to index
      %parallel_loop3A_1959 = tpu.vector_load %arg5[%parallel_loop3A_1955, %parallel_loop3A_1956, %parallel_loop3A_1957, %parallel_loop3A_1958] {strides = array<i32>} : memref<6x4x4x1024xf32, #tpu.memory_space<vmem>>, vector<1x1x1x16xf32>,
      %parallel_loop3A_1960 = vector.shape_cast %parallel_loop3A_1959 : vector<1x1x1x16xf32> to vector<16xf32>
      %parallel_loop3A_1961 = arith.addf %parallel_loop3A_1960, %parallel_loop3A_1916 : vector<16xf32>
      %parallel_loop3A_1962 = arith.constant 4 : i32
      %parallel_loop3A_1963 = arith.constant 2 : i32
      %parallel_loop3A_1964 = arith.index_cast %parallel_loop3A_1962 : i32 to index
      %parallel_loop3A_1965 = arith.index_cast %parallel_loop3A_1906 : i32 to index
      %parallel_loop3A_1966 = arith.index_cast %parallel_loop3A_1963 : i32 to index
      %parallel_loop3A_1967 = arith.index_cast %parallel_loop3A_1910 : i32 to index
      %parallel_loop3A_1968 = tpu.vector_load %arg5[%parallel_loop3A_1964, %parallel_loop3A_1965, %parallel_loop3A_1966, %parallel_loop3A_1967] {strides = array<i32>} : memref<6x4x4x1024xf32, #tpu.memory_space<vmem>>, vector<1x1x1x16xf32>,
      %parallel_loop3A_1969 = vector.shape_cast %parallel_loop3A_1968 : vector<1x1x1x16xf32> to vector<16xf32>
      %parallel_loop3A_1970 = vector.shape_cast %parallel_loop3A_1961 : vector<16xf32> to vector<1x1x1x16xf32>
      tpu.vector_store %arg5[%parallel_loop3A_1964, %parallel_loop3A_1965, %parallel_loop3A_1966, %parallel_loop3A_1967], %parallel_loop3A_1970 {strides = array<i32>} : memref<6x4x4x1024xf32, #tpu.memory_space<vmem>>, vector<1x1x1x16xf32>,
      %parallel_loop3A_1971 = arith.constant 4 : i32
      %parallel_loop3A_1972 = arith.constant 3 : i32
      %parallel_loop3A_1973 = arith.index_cast %parallel_loop3A_1971 : i32 to index
      %parallel_loop3A_1974 = arith.index_cast %parallel_loop3A_1906 : i32 to index
      %parallel_loop3A_1975 = arith.index_cast %parallel_loop3A_1972 : i32 to index
      %parallel_loop3A_1976 = arith.index_cast %parallel_loop3A_1910 : i32 to index
      %parallel_loop3A_1977 = tpu.vector_load %arg5[%parallel_loop3A_1973, %parallel_loop3A_1974, %parallel_loop3A_1975, %parallel_loop3A_1976] {strides = array<i32>} : memref<6x4x4x1024xf32, #tpu.memory_space<vmem>>, vector<1x1x1x16xf32>,
      %parallel_loop3A_1978 = vector.shape_cast %parallel_loop3A_1977 : vector<1x1x1x16xf32> to vector<16xf32>
      %parallel_loop3A_1979 = arith.addf %parallel_loop3A_1978, %parallel_loop3A_1916 : vector<16xf32>
      %parallel_loop3A_1980 = arith.constant 4 : i32
      %parallel_loop3A_1981 = arith.constant 3 : i32
      %parallel_loop3A_1982 = arith.index_cast %parallel_loop3A_1980 : i32 to index
      %parallel_loop3A_1983 = arith.index_cast %parallel_loop3A_1906 : i32 to index
      %parallel_loop3A_1984 = arith.index_cast %parallel_loop3A_1981 : i32 to index
      %parallel_loop3A_1985 = arith.index_cast %parallel_loop3A_1910 : i32 to index
      %parallel_loop3A_1986 = tpu.vector_load %arg5[%parallel_loop3A_1982, %parallel_loop3A_1983, %parallel_loop3A_1984, %parallel_loop3A_1985] {strides = array<i32>} : memref<6x4x4x1024xf32, #tpu.memory_space<vmem>>, vector<1x1x1x16xf32>,
      %parallel_loop3A_1987 = vector.shape_cast %parallel_loop3A_1986 : vector<1x1x1x16xf32> to vector<16xf32>
      %parallel_loop3A_1988 = vector.shape_cast %parallel_loop3A_1979 : vector<16xf32> to vector<1x1x1x16xf32>
      tpu.vector_store %arg5[%parallel_loop3A_1982, %parallel_loop3A_1983, %parallel_loop3A_1984, %parallel_loop3A_1985], %parallel_loop3A_1988 {strides = array<i32>} : memref<6x4x4x1024xf32, #tpu.memory_space<vmem>>, vector<1x1x1x16xf32>,
    } {sc.loop_unroll_factor = 4 : i64, sc.parallel_access}
    %add3A_1341 = arith.constant 40 : i32
    %add3A_1342 = arith.addi %mul3A_2, %add3A_1341 : i32
    %dma_start3A_1343 = arith.constant 4 : i32
    %dma_start3A_1344 = arith.constant 4 : i32
    %dma_start3A_1345 = arith.constant 0 : i32
    %dma_start3A_1346 = arith.constant 0 : i32
    %dma_start3A_1347 = arith.constant 0 : i32
    %dma_start3A_1348 = tpu.memref_slice %arg5[%dma_start3A_1343, %dma_start3A_1345, %dma_start3A_1346, %dma_start3A_1347] : memref<6x4x4x1024xf32, #tpu.memory_space<vmem>> -> memref<1x4x4x1024xf32, #tpu.memory_space<vmem>>
    %dma_start3A_1349 = tpu.memref_squeeze %dma_start3A_1348 : memref<1x4x4x1024xf32, #tpu.memory_space<vmem>> -> memref<4x4x1024xf32, #tpu.memory_space<vmem>>
    %dma_start3A_1350 = arith.constant 0 : i32
    %dma_start3A_1351 = arith.constant 0 : i32
    %dma_start3A_1352 = tpu.memref_slice %arg4[%add3A_1342, %dma_start3A_1350, %dma_start3A_1351] : memref<2048x4x1024xf32, #tpu.memory_space<hbm>> -> memref<4x4x1024xf32, #tpu.memory_space<hbm>>
    %dma_start3A_1353 = tpu.memref_slice %arg8[%dma_start3A_1344] : memref<6x!tpu.dma_semaphore, #tpu.memory_space<semaphore_mem>> -> memref<1x!tpu.dma_semaphore, #tpu.memory_space<semaphore_mem>>
    %dma_start3A_1354 = tpu.memref_squeeze %dma_start3A_1353 : memref<1x!tpu.dma_semaphore, #tpu.memory_space<semaphore_mem>> -> memref<!tpu.dma_semaphore, #tpu.memory_space<semaphore_mem>>
    %dma_start3A_1355 = arith.constant 0 : i32
    %dma_start3A_1356 = arith.constant 0 : i32
    %dma_start3A_1357 = tpu.memref_slice %arg4[%add3A_1342, %dma_start3A_1355, %dma_start3A_1356] : memref<2048x4x1024xf32, #tpu.memory_space<hbm>> -> memref<4x4x1024xf32, #tpu.memory_space<hbm>>
    %dma_start3A_1358 = arith.constant 0 : i32
    %dma_start3A_1359 = arith.constant 0 : i32
    %dma_start3A_1360 = arith.constant 0 : i32
    %dma_start3A_1361 = tpu.memref_slice %arg5[%dma_start3A_1343, %dma_start3A_1358, %dma_start3A_1359, %dma_start3A_1360] : memref<6x4x4x1024xf32, #tpu.memory_space<vmem>> -> memref<1x4x4x1024xf32, #tpu.memory_space<vmem>>
    %dma_start3A_1362 = tpu.memref_squeeze %dma_start3A_1361 : memref<1x4x4x1024xf32, #tpu.memory_space<vmem>> -> memref<4x4x1024xf32, #tpu.memory_space<vmem>>
    tpu.enqueue_dma source(%dma_start3A_1362 : memref<4x4x1024xf32, #tpu.memory_space<vmem>>) target(%dma_start3A_1357 : memref<4x4x1024xf32, #tpu.memory_space<hbm>>) target_semaphore(%dma_start3A_1354 : memref<!tpu.dma_semaphore, #tpu.memory_space<semaphore_mem>>)
    %dma_wait3A_1363 = arith.constant 2 : i32
    %dma_wait3A_1364 = arith.constant 2 : i32
    %dma_wait3A_1365 = arith.constant 0 : i32
    %dma_wait3A_1366 = arith.constant 0 : i32
    %dma_wait3A_1367 = arith.constant 0 : i32
    %dma_wait3A_1368 = tpu.memref_slice %arg5[%dma_wait3A_1363, %dma_wait3A_1365, %dma_wait3A_1366, %dma_wait3A_1367] : memref<6x4x4x1024xf32, #tpu.memory_space<vmem>> -> memref<1x4x4x1024xf32, #tpu.memory_space<vmem>>
    %dma_wait3A_1369 = tpu.memref_squeeze %dma_wait3A_1368 : memref<1x4x4x1024xf32, #tpu.memory_space<vmem>> -> memref<4x4x1024xf32, #tpu.memory_space<vmem>>
    %dma_wait3A_1370 = arith.constant 0 : i32
    %dma_wait3A_1371 = arith.constant 0 : i32
    %dma_wait3A_1372 = tpu.memref_slice %arg4[%add3A_1104, %dma_wait3A_1370, %dma_wait3A_1371] : memref<2048x4x1024xf32, #tpu.memory_space<hbm>> -> memref<4x4x1024xf32, #tpu.memory_space<hbm>>
    %dma_wait3A_1373 = tpu.memref_slice %arg8[%dma_wait3A_1364] : memref<6x!tpu.dma_semaphore, #tpu.memory_space<semaphore_mem>> -> memref<1x!tpu.dma_semaphore, #tpu.memory_space<semaphore_mem>>
    %dma_wait3A_1374 = tpu.memref_squeeze %dma_wait3A_1373 : memref<1x!tpu.dma_semaphore, #tpu.memory_space<semaphore_mem>> -> memref<!tpu.dma_semaphore, #tpu.memory_space<semaphore_mem>>
    %dma_wait3A_1375 = arith.constant 0 : i32
    %dma_wait3A_1376 = arith.constant 0 : i32
    %dma_wait3A_1377 = tpu.memref_slice %arg4[%add3A_1104, %dma_wait3A_1375, %dma_wait3A_1376] : memref<2048x4x1024xf32, #tpu.memory_space<hbm>> -> memref<4x4x1024xf32, #tpu.memory_space<hbm>>
    %dma_wait3A_1378 = arith.constant 0 : i32
    %dma_wait3A_1379 = arith.constant 0 : i32
    %dma_wait3A_1380 = arith.constant 0 : i32
    %dma_wait3A_1381 = tpu.memref_slice %arg5[%dma_wait3A_1363, %dma_wait3A_1378, %dma_wait3A_1379, %dma_wait3A_1380] : memref<6x4x4x1024xf32, #tpu.memory_space<vmem>> -> memref<1x4x4x1024xf32, #tpu.memory_space<vmem>>
    %dma_wait3A_1382 = tpu.memref_squeeze %dma_wait3A_1381 : memref<1x4x4x1024xf32, #tpu.memory_space<vmem>> -> memref<4x4x1024xf32, #tpu.memory_space<vmem>>
    tpu.wait_dma2 semaphore(%dma_wait3A_1374 : memref<!tpu.dma_semaphore, #tpu.memory_space<semaphore_mem>>) src(%dma_wait3A_1382 : memref<4x4x1024xf32, #tpu.memory_space<vmem>>) dst(%dma_wait3A_1377 : memref<4x4x1024xf32, #tpu.memory_space<hbm>>)
    %add3A_1383 = arith.constant 56 : i32
    %add3A_1384 = arith.addi %mul3A_2, %add3A_1383 : i32
    %dma_start3A_1385 = arith.constant 2 : i32
    %dma_start3A_1386 = arith.constant 2 : i32
    %dma_start3A_1387 = arith.constant 0 : i32
    %dma_start3A_1388 = arith.constant 0 : i32
    %dma_start3A_1389 = arith.constant 0 : i32
    %dma_start3A_1390 = tpu.memref_slice %arg5[%dma_start3A_1385, %dma_start3A_1387, %dma_start3A_1388, %dma_start3A_1389] : memref<6x4x4x1024xf32, #tpu.memory_space<vmem>> -> memref<1x4x4x1024xf32, #tpu.memory_space<vmem>>
    %dma_start3A_1391 = tpu.memref_squeeze %dma_start3A_1390 : memref<1x4x4x1024xf32, #tpu.memory_space<vmem>> -> memref<4x4x1024xf32, #tpu.memory_space<vmem>>
    %dma_start3A_1392 = arith.constant 0 : i32
    %dma_start3A_1393 = arith.constant 0 : i32
    %dma_start3A_1394 = tpu.memref_slice %arg2[%add3A_1384, %dma_start3A_1392, %dma_start3A_1393] : memref<2048x4x1024xf32, #tpu.memory_space<hbm>> -> memref<4x4x1024xf32, #tpu.memory_space<hbm>>
    %dma_start3A_1395 = tpu.memref_slice %arg7[%dma_start3A_1386] : memref<6x!tpu.dma_semaphore, #tpu.memory_space<semaphore_mem>> -> memref<1x!tpu.dma_semaphore, #tpu.memory_space<semaphore_mem>>
    %dma_start3A_1396 = tpu.memref_squeeze %dma_start3A_1395 : memref<1x!tpu.dma_semaphore, #tpu.memory_space<semaphore_mem>> -> memref<!tpu.dma_semaphore, #tpu.memory_space<semaphore_mem>>
    %dma_start3A_1397 = arith.constant 0 : i32
    %dma_start3A_1398 = arith.constant 0 : i32
    %dma_start3A_1399 = arith.constant 0 : i32
    %dma_start3A_1400 = tpu.memref_slice %arg5[%dma_start3A_1385, %dma_start3A_1397, %dma_start3A_1398, %dma_start3A_1399] : memref<6x4x4x1024xf32, #tpu.memory_space<vmem>> -> memref<1x4x4x1024xf32, #tpu.memory_space<vmem>>
    %dma_start3A_1401 = tpu.memref_squeeze %dma_start3A_1400 : memref<1x4x4x1024xf32, #tpu.memory_space<vmem>> -> memref<4x4x1024xf32, #tpu.memory_space<vmem>>
    %dma_start3A_1402 = arith.constant 0 : i32
    %dma_start3A_1403 = arith.constant 0 : i32
    %dma_start3A_1404 = tpu.memref_slice %arg2[%add3A_1384, %dma_start3A_1402, %dma_start3A_1403] : memref<2048x4x1024xf32, #tpu.memory_space<hbm>> -> memref<4x4x1024xf32, #tpu.memory_space<hbm>>
    tpu.enqueue_dma source(%dma_start3A_1404 : memref<4x4x1024xf32, #tpu.memory_space<hbm>>) target(%dma_start3A_1401 : memref<4x4x1024xf32, #tpu.memory_space<vmem>>) target_semaphore(%dma_start3A_1396 : memref<!tpu.dma_semaphore, #tpu.memory_space<semaphore_mem>>)
    %dma_start3A_1405 = arith.constant 2 : i32
    %dma_start3A_1406 = arith.constant 2 : i32
    %dma_start3A_1407 = arith.constant 0 : i32
    %dma_start3A_1408 = arith.constant 0 : i32
    %dma_start3A_1409 = tpu.memref_slice %arg6[%dma_start3A_1405, %dma_start3A_1407, %dma_start3A_1408] : memref<6x4x1024xf32, #tpu.memory_space<vmem>> -> memref<1x4x1024xf32, #tpu.memory_space<vmem>>
    %dma_start3A_1410 = tpu.memref_squeeze %dma_start3A_1409 : memref<1x4x1024xf32, #tpu.memory_space<vmem>> -> memref<4x1024xf32, #tpu.memory_space<vmem>>
    %dma_start3A_1411 = arith.constant 0 : i32
    %dma_start3A_1412 = tpu.memref_slice %arg3[%add3A_1384, %dma_start3A_1411] : memref<2048x1024xf32, #tpu.memory_space<hbm>> -> memref<4x1024xf32, #tpu.memory_space<hbm>>
    %dma_start3A_1413 = tpu.memref_slice %arg7[%dma_start3A_1406] : memref<6x!tpu.dma_semaphore, #tpu.memory_space<semaphore_mem>> -> memref<1x!tpu.dma_semaphore, #tpu.memory_space<semaphore_mem>>
    %dma_start3A_1414 = tpu.memref_squeeze %dma_start3A_1413 : memref<1x!tpu.dma_semaphore, #tpu.memory_space<semaphore_mem>> -> memref<!tpu.dma_semaphore, #tpu.memory_space<semaphore_mem>>
    %dma_start3A_1415 = arith.constant 0 : i32
    %dma_start3A_1416 = arith.constant 0 : i32
    %dma_start3A_1417 = tpu.memref_slice %arg6[%dma_start3A_1405, %dma_start3A_1415, %dma_start3A_1416] : memref<6x4x1024xf32, #tpu.memory_space<vmem>> -> memref<1x4x1024xf32, #tpu.memory_space<vmem>>
    %dma_start3A_1418 = tpu.memref_squeeze %dma_start3A_1417 : memref<1x4x1024xf32, #tpu.memory_space<vmem>> -> memref<4x1024xf32, #tpu.memory_space<vmem>>
    %dma_start3A_1419 = arith.constant 0 : i32
    %dma_start3A_1420 = tpu.memref_slice %arg3[%add3A_1384, %dma_start3A_1419] : memref<2048x1024xf32, #tpu.memory_space<hbm>> -> memref<4x1024xf32, #tpu.memory_space<hbm>>
    tpu.enqueue_dma source(%dma_start3A_1420 : memref<4x1024xf32, #tpu.memory_space<hbm>>) target(%dma_start3A_1418 : memref<4x1024xf32, #tpu.memory_space<vmem>>) target_semaphore(%dma_start3A_1414 : memref<!tpu.dma_semaphore, #tpu.memory_space<semaphore_mem>>)
    %dma_wait3A_1421 = arith.constant 5 : i32
    %dma_wait3A_1422 = arith.constant 5 : i32
    %dma_wait3A_1423 = arith.constant 0 : i32
    %dma_wait3A_1424 = arith.constant 0 : i32
    %dma_wait3A_1425 = arith.constant 0 : i32
    %dma_wait3A_1426 = tpu.memref_slice %arg5[%dma_wait3A_1421, %dma_wait3A_1423, %dma_wait3A_1424, %dma_wait3A_1425] : memref<6x4x4x1024xf32, #tpu.memory_space<vmem>> -> memref<1x4x4x1024xf32, #tpu.memory_space<vmem>>
    %dma_wait3A_1427 = tpu.memref_squeeze %dma_wait3A_1426 : memref<1x4x4x1024xf32, #tpu.memory_space<vmem>> -> memref<4x4x1024xf32, #tpu.memory_space<vmem>>
    %dma_wait3A_1428 = arith.constant 0 : i32
    %dma_wait3A_1429 = arith.constant 0 : i32
    %dma_wait3A_1430 = tpu.memref_slice %arg2[%add3A_1027, %dma_wait3A_1428, %dma_wait3A_1429] : memref<2048x4x1024xf32, #tpu.memory_space<hbm>> -> memref<4x4x1024xf32, #tpu.memory_space<hbm>>
    %dma_wait3A_1431 = tpu.memref_slice %arg7[%dma_wait3A_1422] : memref<6x!tpu.dma_semaphore, #tpu.memory_space<semaphore_mem>> -> memref<1x!tpu.dma_semaphore, #tpu.memory_space<semaphore_mem>>
    %dma_wait3A_1432 = tpu.memref_squeeze %dma_wait3A_1431 : memref<1x!tpu.dma_semaphore, #tpu.memory_space<semaphore_mem>> -> memref<!tpu.dma_semaphore, #tpu.memory_space<semaphore_mem>>
    %dma_wait3A_1433 = arith.constant 0 : i32
    %dma_wait3A_1434 = arith.constant 0 : i32
    %dma_wait3A_1435 = arith.constant 0 : i32
    %dma_wait3A_1436 = tpu.memref_slice %arg5[%dma_wait3A_1421, %dma_wait3A_1433, %dma_wait3A_1434, %dma_wait3A_1435] : memref<6x4x4x1024xf32, #tpu.memory_space<vmem>> -> memref<1x4x4x1024xf32, #tpu.memory_space<vmem>>
    %dma_wait3A_1437 = tpu.memref_squeeze %dma_wait3A_1436 : memref<1x4x4x1024xf32, #tpu.memory_space<vmem>> -> memref<4x4x1024xf32, #tpu.memory_space<vmem>>
    %dma_wait3A_1438 = arith.constant 0 : i32
    %dma_wait3A_1439 = arith.constant 0 : i32
    %dma_wait3A_1440 = tpu.memref_slice %arg2[%add3A_1027, %dma_wait3A_1438, %dma_wait3A_1439] : memref<2048x4x1024xf32, #tpu.memory_space<hbm>> -> memref<4x4x1024xf32, #tpu.memory_space<hbm>>
    tpu.wait_dma2 semaphore(%dma_wait3A_1432 : memref<!tpu.dma_semaphore, #tpu.memory_space<semaphore_mem>>) src(%dma_wait3A_1440 : memref<4x4x1024xf32, #tpu.memory_space<hbm>>) dst(%dma_wait3A_1437 : memref<4x4x1024xf32, #tpu.memory_space<vmem>>)
    %dma_wait3A_1441 = arith.constant 5 : i32
    %dma_wait3A_1442 = arith.constant 5 : i32
    %dma_wait3A_1443 = arith.constant 0 : i32
    %dma_wait3A_1444 = arith.constant 0 : i32
    %dma_wait3A_1445 = tpu.memref_slice %arg6[%dma_wait3A_1441, %dma_wait3A_1443, %dma_wait3A_1444] : memref<6x4x1024xf32, #tpu.memory_space<vmem>> -> memref<1x4x1024xf32, #tpu.memory_space<vmem>>
    %dma_wait3A_1446 = tpu.memref_squeeze %dma_wait3A_1445 : memref<1x4x1024xf32, #tpu.memory_space<vmem>> -> memref<4x1024xf32, #tpu.memory_space<vmem>>
    %dma_wait3A_1447 = arith.constant 0 : i32
    %dma_wait3A_1448 = tpu.memref_slice %arg3[%add3A_1027, %dma_wait3A_1447] : memref<2048x1024xf32, #tpu.memory_space<hbm>> -> memref<4x1024xf32, #tpu.memory_space<hbm>>
    %dma_wait3A_1449 = tpu.memref_slice %arg7[%dma_wait3A_1442] : memref<6x!tpu.dma_semaphore, #tpu.memory_space<semaphore_mem>> -> memref<1x!tpu.dma_semaphore, #tpu.memory_space<semaphore_mem>>
    %dma_wait3A_1450 = tpu.memref_squeeze %dma_wait3A_1449 : memref<1x!tpu.dma_semaphore, #tpu.memory_space<semaphore_mem>> -> memref<!tpu.dma_semaphore, #tpu.memory_space<semaphore_mem>>
    %dma_wait3A_1451 = arith.constant 0 : i32
    %dma_wait3A_1452 = arith.constant 0 : i32
    %dma_wait3A_1453 = tpu.memref_slice %arg6[%dma_wait3A_1441, %dma_wait3A_1451, %dma_wait3A_1452] : memref<6x4x1024xf32, #tpu.memory_space<vmem>> -> memref<1x4x1024xf32, #tpu.memory_space<vmem>>
    %dma_wait3A_1454 = tpu.memref_squeeze %dma_wait3A_1453 : memref<1x4x1024xf32, #tpu.memory_space<vmem>> -> memref<4x1024xf32, #tpu.memory_space<vmem>>
    %dma_wait3A_1455 = arith.constant 0 : i32
    %dma_wait3A_1456 = tpu.memref_slice %arg3[%add3A_1027, %dma_wait3A_1455] : memref<2048x1024xf32, #tpu.memory_space<hbm>> -> memref<4x1024xf32, #tpu.memory_space<hbm>>
    tpu.wait_dma2 semaphore(%dma_wait3A_1450 : memref<!tpu.dma_semaphore, #tpu.memory_space<semaphore_mem>>) src(%dma_wait3A_1456 : memref<4x1024xf32, #tpu.memory_space<hbm>>) dst(%dma_wait3A_1454 : memref<4x1024xf32, #tpu.memory_space<vmem>>)
    %parallel_loop3A_1457 = arith.constant 0 : i32
    %parallel_loop3A_1458 = arith.constant 256 : i32
    %parallel_loop3A_1459 = arith.constant 1 : i32
    scf.for %parallel_loop3A_1904 = %parallel_loop3A_1457 to %parallel_loop3A_1458 step %parallel_loop3A_1459  : i32 {
      %parallel_loop3A_1905 = arith.constant 6 : i32
      %parallel_loop3A_1906 = arith.shrui %parallel_loop3A_1904, %parallel_loop3A_1905 : i32
      %parallel_loop3A_1907 = arith.constant 63 : i32
      %parallel_loop3A_1908 = arith.andi %parallel_loop3A_1904, %parallel_loop3A_1907 : i32
      %parallel_loop3A_1909 = arith.constant 16 : i32
      %parallel_loop3A_1910 = arith.muli %parallel_loop3A_1908, %parallel_loop3A_1909 : i32
      %parallel_loop3A_1911 = arith.constant 5 : i32
      %parallel_loop3A_1912 = arith.index_cast %parallel_loop3A_1911 : i32 to index
      %parallel_loop3A_1913 = arith.index_cast %parallel_loop3A_1906 : i32 to index
      %parallel_loop3A_1914 = arith.index_cast %parallel_loop3A_1910 : i32 to index
      %parallel_loop3A_1915 = tpu.vector_load %arg6[%parallel_loop3A_1912, %parallel_loop3A_1913, %parallel_loop3A_1914] {strides = array<i32>} : memref<6x4x1024xf32, #tpu.memory_space<vmem>>, vector<1x1x16xf32>,
      %parallel_loop3A_1916 = vector.shape_cast %parallel_loop3A_1915 : vector<1x1x16xf32> to vector<16xf32>
      %parallel_loop3A_1917 = arith.constant 5 : i32
      %parallel_loop3A_1918 = arith.constant 0 : i32
      %parallel_loop3A_1919 = arith.index_cast %parallel_loop3A_1917 : i32 to index
      %parallel_loop3A_1920 = arith.index_cast %parallel_loop3A_1906 : i32 to index
      %parallel_loop3A_1921 = arith.index_cast %parallel_loop3A_1918 : i32 to index
      %parallel_loop3A_1922 = arith.index_cast %parallel_loop3A_1910 : i32 to index
      %parallel_loop3A_1923 = tpu.vector_load %arg5[%parallel_loop3A_1919, %parallel_loop3A_1920, %parallel_loop3A_1921, %parallel_loop3A_1922] {strides = array<i32>} : memref<6x4x4x1024xf32, #tpu.memory_space<vmem>>, vector<1x1x1x16xf32>,
      %parallel_loop3A_1924 = vector.shape_cast %parallel_loop3A_1923 : vector<1x1x1x16xf32> to vector<16xf32>
      %parallel_loop3A_1925 = arith.addf %parallel_loop3A_1924, %parallel_loop3A_1916 : vector<16xf32>
      %parallel_loop3A_1926 = arith.constant 5 : i32
      %parallel_loop3A_1927 = arith.constant 0 : i32
      %parallel_loop3A_1928 = arith.index_cast %parallel_loop3A_1926 : i32 to index
      %parallel_loop3A_1929 = arith.index_cast %parallel_loop3A_1906 : i32 to index
      %parallel_loop3A_1930 = arith.index_cast %parallel_loop3A_1927 : i32 to index
      %parallel_loop3A_1931 = arith.index_cast %parallel_loop3A_1910 : i32 to index
      %parallel_loop3A_1932 = tpu.vector_load %arg5[%parallel_loop3A_1928, %parallel_loop3A_1929, %parallel_loop3A_1930, %parallel_loop3A_1931] {strides = array<i32>} : memref<6x4x4x1024xf32, #tpu.memory_space<vmem>>, vector<1x1x1x16xf32>,
      %parallel_loop3A_1933 = vector.shape_cast %parallel_loop3A_1932 : vector<1x1x1x16xf32> to vector<16xf32>
      %parallel_loop3A_1934 = vector.shape_cast %parallel_loop3A_1925 : vector<16xf32> to vector<1x1x1x16xf32>
      tpu.vector_store %arg5[%parallel_loop3A_1928, %parallel_loop3A_1929, %parallel_loop3A_1930, %parallel_loop3A_1931], %parallel_loop3A_1934 {strides = array<i32>} : memref<6x4x4x1024xf32, #tpu.memory_space<vmem>>, vector<1x1x1x16xf32>,
      %parallel_loop3A_1935 = arith.constant 5 : i32
      %parallel_loop3A_1936 = arith.constant 1 : i32
      %parallel_loop3A_1937 = arith.index_cast %parallel_loop3A_1935 : i32 to index
      %parallel_loop3A_1938 = arith.index_cast %parallel_loop3A_1906 : i32 to index
      %parallel_loop3A_1939 = arith.index_cast %parallel_loop3A_1936 : i32 to index
      %parallel_loop3A_1940 = arith.index_cast %parallel_loop3A_1910 : i32 to index
      %parallel_loop3A_1941 = tpu.vector_load %arg5[%parallel_loop3A_1937, %parallel_loop3A_1938, %parallel_loop3A_1939, %parallel_loop3A_1940] {strides = array<i32>} : memref<6x4x4x1024xf32, #tpu.memory_space<vmem>>, vector<1x1x1x16xf32>,
      %parallel_loop3A_1942 = vector.shape_cast %parallel_loop3A_1941 : vector<1x1x1x16xf32> to vector<16xf32>
      %parallel_loop3A_1943 = arith.addf %parallel_loop3A_1942, %parallel_loop3A_1916 : vector<16xf32>
      %parallel_loop3A_1944 = arith.constant 5 : i32
      %parallel_loop3A_1945 = arith.constant 1 : i32
      %parallel_loop3A_1946 = arith.index_cast %parallel_loop3A_1944 : i32 to index
      %parallel_loop3A_1947 = arith.index_cast %parallel_loop3A_1906 : i32 to index
      %parallel_loop3A_1948 = arith.index_cast %parallel_loop3A_1945 : i32 to index
      %parallel_loop3A_1949 = arith.index_cast %parallel_loop3A_1910 : i32 to index
      %parallel_loop3A_1950 = tpu.vector_load %arg5[%parallel_loop3A_1946, %parallel_loop3A_1947, %parallel_loop3A_1948, %parallel_loop3A_1949] {strides = array<i32>} : memref<6x4x4x1024xf32, #tpu.memory_space<vmem>>, vector<1x1x1x16xf32>,
      %parallel_loop3A_1951 = vector.shape_cast %parallel_loop3A_1950 : vector<1x1x1x16xf32> to vector<16xf32>
      %parallel_loop3A_1952 = vector.shape_cast %parallel_loop3A_1943 : vector<16xf32> to vector<1x1x1x16xf32>
      tpu.vector_store %arg5[%parallel_loop3A_1946, %parallel_loop3A_1947, %parallel_loop3A_1948, %parallel_loop3A_1949], %parallel_loop3A_1952 {strides = array<i32>} : memref<6x4x4x1024xf32, #tpu.memory_space<vmem>>, vector<1x1x1x16xf32>,
      %parallel_loop3A_1953 = arith.constant 5 : i32
      %parallel_loop3A_1954 = arith.constant 2 : i32
      %parallel_loop3A_1955 = arith.index_cast %parallel_loop3A_1953 : i32 to index
      %parallel_loop3A_1956 = arith.index_cast %parallel_loop3A_1906 : i32 to index
      %parallel_loop3A_1957 = arith.index_cast %parallel_loop3A_1954 : i32 to index
      %parallel_loop3A_1958 = arith.index_cast %parallel_loop3A_1910 : i32 to index
      %parallel_loop3A_1959 = tpu.vector_load %arg5[%parallel_loop3A_1955, %parallel_loop3A_1956, %parallel_loop3A_1957, %parallel_loop3A_1958] {strides = array<i32>} : memref<6x4x4x1024xf32, #tpu.memory_space<vmem>>, vector<1x1x1x16xf32>,
      %parallel_loop3A_1960 = vector.shape_cast %parallel_loop3A_1959 : vector<1x1x1x16xf32> to vector<16xf32>
      %parallel_loop3A_1961 = arith.addf %parallel_loop3A_1960, %parallel_loop3A_1916 : vector<16xf32>
      %parallel_loop3A_1962 = arith.constant 5 : i32
      %parallel_loop3A_1963 = arith.constant 2 : i32
      %parallel_loop3A_1964 = arith.index_cast %parallel_loop3A_1962 : i32 to index
      %parallel_loop3A_1965 = arith.index_cast %parallel_loop3A_1906 : i32 to index
      %parallel_loop3A_1966 = arith.index_cast %parallel_loop3A_1963 : i32 to index
      %parallel_loop3A_1967 = arith.index_cast %parallel_loop3A_1910 : i32 to index
      %parallel_loop3A_1968 = tpu.vector_load %arg5[%parallel_loop3A_1964, %parallel_loop3A_1965, %parallel_loop3A_1966, %parallel_loop3A_1967] {strides = array<i32>} : memref<6x4x4x1024xf32, #tpu.memory_space<vmem>>, vector<1x1x1x16xf32>,
      %parallel_loop3A_1969 = vector.shape_cast %parallel_loop3A_1968 : vector<1x1x1x16xf32> to vector<16xf32>
      %parallel_loop3A_1970 = vector.shape_cast %parallel_loop3A_1961 : vector<16xf32> to vector<1x1x1x16xf32>
      tpu.vector_store %arg5[%parallel_loop3A_1964, %parallel_loop3A_1965, %parallel_loop3A_1966, %parallel_loop3A_1967], %parallel_loop3A_1970 {strides = array<i32>} : memref<6x4x4x1024xf32, #tpu.memory_space<vmem>>, vector<1x1x1x16xf32>,
      %parallel_loop3A_1971 = arith.constant 5 : i32
      %parallel_loop3A_1972 = arith.constant 3 : i32
      %parallel_loop3A_1973 = arith.index_cast %parallel_loop3A_1971 : i32 to index
      %parallel_loop3A_1974 = arith.index_cast %parallel_loop3A_1906 : i32 to index
      %parallel_loop3A_1975 = arith.index_cast %parallel_loop3A_1972 : i32 to index
      %parallel_loop3A_1976 = arith.index_cast %parallel_loop3A_1910 : i32 to index
      %parallel_loop3A_1977 = tpu.vector_load %arg5[%parallel_loop3A_1973, %parallel_loop3A_1974, %parallel_loop3A_1975, %parallel_loop3A_1976] {strides = array<i32>} : memref<6x4x4x1024xf32, #tpu.memory_space<vmem>>, vector<1x1x1x16xf32>,
      %parallel_loop3A_1978 = vector.shape_cast %parallel_loop3A_1977 : vector<1x1x1x16xf32> to vector<16xf32>
      %parallel_loop3A_1979 = arith.addf %parallel_loop3A_1978, %parallel_loop3A_1916 : vector<16xf32>
      %parallel_loop3A_1980 = arith.constant 5 : i32
      %parallel_loop3A_1981 = arith.constant 3 : i32
      %parallel_loop3A_1982 = arith.index_cast %parallel_loop3A_1980 : i32 to index
      %parallel_loop3A_1983 = arith.index_cast %parallel_loop3A_1906 : i32 to index
      %parallel_loop3A_1984 = arith.index_cast %parallel_loop3A_1981 : i32 to index
      %parallel_loop3A_1985 = arith.index_cast %parallel_loop3A_1910 : i32 to index
      %parallel_loop3A_1986 = tpu.vector_load %arg5[%parallel_loop3A_1982, %parallel_loop3A_1983, %parallel_loop3A_1984, %parallel_loop3A_1985] {strides = array<i32>} : memref<6x4x4x1024xf32, #tpu.memory_space<vmem>>, vector<1x1x1x16xf32>,
      %parallel_loop3A_1987 = vector.shape_cast %parallel_loop3A_1986 : vector<1x1x1x16xf32> to vector<16xf32>
      %parallel_loop3A_1988 = vector.shape_cast %parallel_loop3A_1979 : vector<16xf32> to vector<1x1x1x16xf32>
      tpu.vector_store %arg5[%parallel_loop3A_1982, %parallel_loop3A_1983, %parallel_loop3A_1984, %parallel_loop3A_1985], %parallel_loop3A_1988 {strides = array<i32>} : memref<6x4x4x1024xf32, #tpu.memory_space<vmem>>, vector<1x1x1x16xf32>,
    } {sc.loop_unroll_factor = 4 : i64, sc.parallel_access}
    %add3A_1460 = arith.constant 44 : i32
    %add3A_1461 = arith.addi %mul3A_2, %add3A_1460 : i32
    %dma_start3A_1462 = arith.constant 5 : i32
    %dma_start3A_1463 = arith.constant 5 : i32
    %dma_start3A_1464 = arith.constant 0 : i32
    %dma_start3A_1465 = arith.constant 0 : i32
    %dma_start3A_1466 = arith.constant 0 : i32
    %dma_start3A_1467 = tpu.memref_slice %arg5[%dma_start3A_1462, %dma_start3A_1464, %dma_start3A_1465, %dma_start3A_1466] : memref<6x4x4x1024xf32, #tpu.memory_space<vmem>> -> memref<1x4x4x1024xf32, #tpu.memory_space<vmem>>
    %dma_start3A_1468 = tpu.memref_squeeze %dma_start3A_1467 : memref<1x4x4x1024xf32, #tpu.memory_space<vmem>> -> memref<4x4x1024xf32, #tpu.memory_space<vmem>>
    %dma_start3A_1469 = arith.constant 0 : i32
    %dma_start3A_1470 = arith.constant 0 : i32
    %dma_start3A_1471 = tpu.memref_slice %arg4[%add3A_1461, %dma_start3A_1469, %dma_start3A_1470] : memref<2048x4x1024xf32, #tpu.memory_space<hbm>> -> memref<4x4x1024xf32, #tpu.memory_space<hbm>>
    %dma_start3A_1472 = tpu.memref_slice %arg8[%dma_start3A_1463] : memref<6x!tpu.dma_semaphore, #tpu.memory_space<semaphore_mem>> -> memref<1x!tpu.dma_semaphore, #tpu.memory_space<semaphore_mem>>
    %dma_start3A_1473 = tpu.memref_squeeze %dma_start3A_1472 : memref<1x!tpu.dma_semaphore, #tpu.memory_space<semaphore_mem>> -> memref<!tpu.dma_semaphore, #tpu.memory_space<semaphore_mem>>
    %dma_start3A_1474 = arith.constant 0 : i32
    %dma_start3A_1475 = arith.constant 0 : i32
    %dma_start3A_1476 = tpu.memref_slice %arg4[%add3A_1461, %dma_start3A_1474, %dma_start3A_1475] : memref<2048x4x1024xf32, #tpu.memory_space<hbm>> -> memref<4x4x1024xf32, #tpu.memory_space<hbm>>
    %dma_start3A_1477 = arith.constant 0 : i32
    %dma_start3A_1478 = arith.constant 0 : i32
    %dma_start3A_1479 = arith.constant 0 : i32
    %dma_start3A_1480 = tpu.memref_slice %arg5[%dma_start3A_1462, %dma_start3A_1477, %dma_start3A_1478, %dma_start3A_1479] : memref<6x4x4x1024xf32, #tpu.memory_space<vmem>> -> memref<1x4x4x1024xf32, #tpu.memory_space<vmem>>
    %dma_start3A_1481 = tpu.memref_squeeze %dma_start3A_1480 : memref<1x4x4x1024xf32, #tpu.memory_space<vmem>> -> memref<4x4x1024xf32, #tpu.memory_space<vmem>>
    tpu.enqueue_dma source(%dma_start3A_1481 : memref<4x4x1024xf32, #tpu.memory_space<vmem>>) target(%dma_start3A_1476 : memref<4x4x1024xf32, #tpu.memory_space<hbm>>) target_semaphore(%dma_start3A_1473 : memref<!tpu.dma_semaphore, #tpu.memory_space<semaphore_mem>>)
    %dma_wait3A_1482 = arith.constant 3 : i32
    %dma_wait3A_1483 = arith.constant 3 : i32
    %dma_wait3A_1484 = arith.constant 0 : i32
    %dma_wait3A_1485 = arith.constant 0 : i32
    %dma_wait3A_1486 = arith.constant 0 : i32
    %dma_wait3A_1487 = tpu.memref_slice %arg5[%dma_wait3A_1482, %dma_wait3A_1484, %dma_wait3A_1485, %dma_wait3A_1486] : memref<6x4x4x1024xf32, #tpu.memory_space<vmem>> -> memref<1x4x4x1024xf32, #tpu.memory_space<vmem>>
    %dma_wait3A_1488 = tpu.memref_squeeze %dma_wait3A_1487 : memref<1x4x4x1024xf32, #tpu.memory_space<vmem>> -> memref<4x4x1024xf32, #tpu.memory_space<vmem>>
    %dma_wait3A_1489 = arith.constant 0 : i32
    %dma_wait3A_1490 = arith.constant 0 : i32
    %dma_wait3A_1491 = tpu.memref_slice %arg4[%add3A_1223, %dma_wait3A_1489, %dma_wait3A_1490] : memref<2048x4x1024xf32, #tpu.memory_space<hbm>> -> memref<4x4x1024xf32, #tpu.memory_space<hbm>>
    %dma_wait3A_1492 = tpu.memref_slice %arg8[%dma_wait3A_1483] : memref<6x!tpu.dma_semaphore, #tpu.memory_space<semaphore_mem>> -> memref<1x!tpu.dma_semaphore, #tpu.memory_space<semaphore_mem>>
    %dma_wait3A_1493 = tpu.memref_squeeze %dma_wait3A_1492 : memref<1x!tpu.dma_semaphore, #tpu.memory_space<semaphore_mem>> -> memref<!tpu.dma_semaphore, #tpu.memory_space<semaphore_mem>>
    %dma_wait3A_1494 = arith.constant 0 : i32
    %dma_wait3A_1495 = arith.constant 0 : i32
    %dma_wait3A_1496 = tpu.memref_slice %arg4[%add3A_1223, %dma_wait3A_1494, %dma_wait3A_1495] : memref<2048x4x1024xf32, #tpu.memory_space<hbm>> -> memref<4x4x1024xf32, #tpu.memory_space<hbm>>
    %dma_wait3A_1497 = arith.constant 0 : i32
    %dma_wait3A_1498 = arith.constant 0 : i32
    %dma_wait3A_1499 = arith.constant 0 : i32
    %dma_wait3A_1500 = tpu.memref_slice %arg5[%dma_wait3A_1482, %dma_wait3A_1497, %dma_wait3A_1498, %dma_wait3A_1499] : memref<6x4x4x1024xf32, #tpu.memory_space<vmem>> -> memref<1x4x4x1024xf32, #tpu.memory_space<vmem>>
    %dma_wait3A_1501 = tpu.memref_squeeze %dma_wait3A_1500 : memref<1x4x4x1024xf32, #tpu.memory_space<vmem>> -> memref<4x4x1024xf32, #tpu.memory_space<vmem>>
    tpu.wait_dma2 semaphore(%dma_wait3A_1493 : memref<!tpu.dma_semaphore, #tpu.memory_space<semaphore_mem>>) src(%dma_wait3A_1501 : memref<4x4x1024xf32, #tpu.memory_space<vmem>>) dst(%dma_wait3A_1496 : memref<4x4x1024xf32, #tpu.memory_space<hbm>>)
    %add3A_1502 = arith.constant 60 : i32
    %add3A_1503 = arith.addi %mul3A_2, %add3A_1502 : i32
    %dma_start3A_1504 = arith.constant 3 : i32
    %dma_start3A_1505 = arith.constant 3 : i32
    %dma_start3A_1506 = arith.constant 0 : i32
    %dma_start3A_1507 = arith.constant 0 : i32
    %dma_start3A_1508 = arith.constant 0 : i32
    %dma_start3A_1509 = tpu.memref_slice %arg5[%dma_start3A_1504, %dma_start3A_1506, %dma_start3A_1507, %dma_start3A_1508] : memref<6x4x4x1024xf32, #tpu.memory_space<vmem>> -> memref<1x4x4x1024xf32, #tpu.memory_space<vmem>>
    %dma_start3A_1510 = tpu.memref_squeeze %dma_start3A_1509 : memref<1x4x4x1024xf32, #tpu.memory_space<vmem>> -> memref<4x4x1024xf32, #tpu.memory_space<vmem>>
    %dma_start3A_1511 = arith.constant 0 : i32
    %dma_start3A_1512 = arith.constant 0 : i32
    %dma_start3A_1513 = tpu.memref_slice %arg2[%add3A_1503, %dma_start3A_1511, %dma_start3A_1512] : memref<2048x4x1024xf32, #tpu.memory_space<hbm>> -> memref<4x4x1024xf32, #tpu.memory_space<hbm>>
    %dma_start3A_1514 = tpu.memref_slice %arg7[%dma_start3A_1505] : memref<6x!tpu.dma_semaphore, #tpu.memory_space<semaphore_mem>> -> memref<1x!tpu.dma_semaphore, #tpu.memory_space<semaphore_mem>>
    %dma_start3A_1515 = tpu.memref_squeeze %dma_start3A_1514 : memref<1x!tpu.dma_semaphore, #tpu.memory_space<semaphore_mem>> -> memref<!tpu.dma_semaphore, #tpu.memory_space<semaphore_mem>>
    %dma_start3A_1516 = arith.constant 0 : i32
    %dma_start3A_1517 = arith.constant 0 : i32
    %dma_start3A_1518 = arith.constant 0 : i32
    %dma_start3A_1519 = tpu.memref_slice %arg5[%dma_start3A_1504, %dma_start3A_1516, %dma_start3A_1517, %dma_start3A_1518] : memref<6x4x4x1024xf32, #tpu.memory_space<vmem>> -> memref<1x4x4x1024xf32, #tpu.memory_space<vmem>>
    %dma_start3A_1520 = tpu.memref_squeeze %dma_start3A_1519 : memref<1x4x4x1024xf32, #tpu.memory_space<vmem>> -> memref<4x4x1024xf32, #tpu.memory_space<vmem>>
    %dma_start3A_1521 = arith.constant 0 : i32
    %dma_start3A_1522 = arith.constant 0 : i32
    %dma_start3A_1523 = tpu.memref_slice %arg2[%add3A_1503, %dma_start3A_1521, %dma_start3A_1522] : memref<2048x4x1024xf32, #tpu.memory_space<hbm>> -> memref<4x4x1024xf32, #tpu.memory_space<hbm>>
    tpu.enqueue_dma source(%dma_start3A_1523 : memref<4x4x1024xf32, #tpu.memory_space<hbm>>) target(%dma_start3A_1520 : memref<4x4x1024xf32, #tpu.memory_space<vmem>>) target_semaphore(%dma_start3A_1515 : memref<!tpu.dma_semaphore, #tpu.memory_space<semaphore_mem>>)
    %dma_start3A_1524 = arith.constant 3 : i32
    %dma_start3A_1525 = arith.constant 3 : i32
    %dma_start3A_1526 = arith.constant 0 : i32
    %dma_start3A_1527 = arith.constant 0 : i32
    %dma_start3A_1528 = tpu.memref_slice %arg6[%dma_start3A_1524, %dma_start3A_1526, %dma_start3A_1527] : memref<6x4x1024xf32, #tpu.memory_space<vmem>> -> memref<1x4x1024xf32, #tpu.memory_space<vmem>>
    %dma_start3A_1529 = tpu.memref_squeeze %dma_start3A_1528 : memref<1x4x1024xf32, #tpu.memory_space<vmem>> -> memref<4x1024xf32, #tpu.memory_space<vmem>>
    %dma_start3A_1530 = arith.constant 0 : i32
    %dma_start3A_1531 = tpu.memref_slice %arg3[%add3A_1503, %dma_start3A_1530] : memref<2048x1024xf32, #tpu.memory_space<hbm>> -> memref<4x1024xf32, #tpu.memory_space<hbm>>
    %dma_start3A_1532 = tpu.memref_slice %arg7[%dma_start3A_1525] : memref<6x!tpu.dma_semaphore, #tpu.memory_space<semaphore_mem>> -> memref<1x!tpu.dma_semaphore, #tpu.memory_space<semaphore_mem>>
    %dma_start3A_1533 = tpu.memref_squeeze %dma_start3A_1532 : memref<1x!tpu.dma_semaphore, #tpu.memory_space<semaphore_mem>> -> memref<!tpu.dma_semaphore, #tpu.memory_space<semaphore_mem>>
    %dma_start3A_1534 = arith.constant 0 : i32
    %dma_start3A_1535 = arith.constant 0 : i32
    %dma_start3A_1536 = tpu.memref_slice %arg6[%dma_start3A_1524, %dma_start3A_1534, %dma_start3A_1535] : memref<6x4x1024xf32, #tpu.memory_space<vmem>> -> memref<1x4x1024xf32, #tpu.memory_space<vmem>>
    %dma_start3A_1537 = tpu.memref_squeeze %dma_start3A_1536 : memref<1x4x1024xf32, #tpu.memory_space<vmem>> -> memref<4x1024xf32, #tpu.memory_space<vmem>>
    %dma_start3A_1538 = arith.constant 0 : i32
    %dma_start3A_1539 = tpu.memref_slice %arg3[%add3A_1503, %dma_start3A_1538] : memref<2048x1024xf32, #tpu.memory_space<hbm>> -> memref<4x1024xf32, #tpu.memory_space<hbm>>
    tpu.enqueue_dma source(%dma_start3A_1539 : memref<4x1024xf32, #tpu.memory_space<hbm>>) target(%dma_start3A_1537 : memref<4x1024xf32, #tpu.memory_space<vmem>>) target_semaphore(%dma_start3A_1533 : memref<!tpu.dma_semaphore, #tpu.memory_space<semaphore_mem>>)
    %dma_wait3A_1540 = arith.constant 0 : i32
    %dma_wait3A_1541 = arith.constant 0 : i32
    %dma_wait3A_1542 = arith.constant 0 : i32
    %dma_wait3A_1543 = arith.constant 0 : i32
    %dma_wait3A_1544 = arith.constant 0 : i32
    %dma_wait3A_1545 = tpu.memref_slice %arg5[%dma_wait3A_1540, %dma_wait3A_1542, %dma_wait3A_1543, %dma_wait3A_1544] : memref<6x4x4x1024xf32, #tpu.memory_space<vmem>> -> memref<1x4x4x1024xf32, #tpu.memory_space<vmem>>
    %dma_wait3A_1546 = tpu.memref_squeeze %dma_wait3A_1545 : memref<1x4x4x1024xf32, #tpu.memory_space<vmem>> -> memref<4x4x1024xf32, #tpu.memory_space<vmem>>
    %dma_wait3A_1547 = arith.constant 0 : i32
    %dma_wait3A_1548 = arith.constant 0 : i32
    %dma_wait3A_1549 = tpu.memref_slice %arg2[%add3A_1146, %dma_wait3A_1547, %dma_wait3A_1548] : memref<2048x4x1024xf32, #tpu.memory_space<hbm>> -> memref<4x4x1024xf32, #tpu.memory_space<hbm>>
    %dma_wait3A_1550 = tpu.memref_slice %arg7[%dma_wait3A_1541] : memref<6x!tpu.dma_semaphore, #tpu.memory_space<semaphore_mem>> -> memref<1x!tpu.dma_semaphore, #tpu.memory_space<semaphore_mem>>
    %dma_wait3A_1551 = tpu.memref_squeeze %dma_wait3A_1550 : memref<1x!tpu.dma_semaphore, #tpu.memory_space<semaphore_mem>> -> memref<!tpu.dma_semaphore, #tpu.memory_space<semaphore_mem>>
    %dma_wait3A_1552 = arith.constant 0 : i32
    %dma_wait3A_1553 = arith.constant 0 : i32
    %dma_wait3A_1554 = arith.constant 0 : i32
    %dma_wait3A_1555 = tpu.memref_slice %arg5[%dma_wait3A_1540, %dma_wait3A_1552, %dma_wait3A_1553, %dma_wait3A_1554] : memref<6x4x4x1024xf32, #tpu.memory_space<vmem>> -> memref<1x4x4x1024xf32, #tpu.memory_space<vmem>>
    %dma_wait3A_1556 = tpu.memref_squeeze %dma_wait3A_1555 : memref<1x4x4x1024xf32, #tpu.memory_space<vmem>> -> memref<4x4x1024xf32, #tpu.memory_space<vmem>>
    %dma_wait3A_1557 = arith.constant 0 : i32
    %dma_wait3A_1558 = arith.constant 0 : i32
    %dma_wait3A_1559 = tpu.memref_slice %arg2[%add3A_1146, %dma_wait3A_1557, %dma_wait3A_1558] : memref<2048x4x1024xf32, #tpu.memory_space<hbm>> -> memref<4x4x1024xf32, #tpu.memory_space<hbm>>
    tpu.wait_dma2 semaphore(%dma_wait3A_1551 : memref<!tpu.dma_semaphore, #tpu.memory_space<semaphore_mem>>) src(%dma_wait3A_1559 : memref<4x4x1024xf32, #tpu.memory_space<hbm>>) dst(%dma_wait3A_1556 : memref<4x4x1024xf32, #tpu.memory_space<vmem>>)
    %dma_wait3A_1560 = arith.constant 0 : i32
    %dma_wait3A_1561 = arith.constant 0 : i32
    %dma_wait3A_1562 = arith.constant 0 : i32
    %dma_wait3A_1563 = arith.constant 0 : i32
    %dma_wait3A_1564 = tpu.memref_slice %arg6[%dma_wait3A_1560, %dma_wait3A_1562, %dma_wait3A_1563] : memref<6x4x1024xf32, #tpu.memory_space<vmem>> -> memref<1x4x1024xf32, #tpu.memory_space<vmem>>
    %dma_wait3A_1565 = tpu.memref_squeeze %dma_wait3A_1564 : memref<1x4x1024xf32, #tpu.memory_space<vmem>> -> memref<4x1024xf32, #tpu.memory_space<vmem>>
    %dma_wait3A_1566 = arith.constant 0 : i32
    %dma_wait3A_1567 = tpu.memref_slice %arg3[%add3A_1146, %dma_wait3A_1566] : memref<2048x1024xf32, #tpu.memory_space<hbm>> -> memref<4x1024xf32, #tpu.memory_space<hbm>>
    %dma_wait3A_1568 = tpu.memref_slice %arg7[%dma_wait3A_1561] : memref<6x!tpu.dma_semaphore, #tpu.memory_space<semaphore_mem>> -> memref<1x!tpu.dma_semaphore, #tpu.memory_space<semaphore_mem>>
    %dma_wait3A_1569 = tpu.memref_squeeze %dma_wait3A_1568 : memref<1x!tpu.dma_semaphore, #tpu.memory_space<semaphore_mem>> -> memref<!tpu.dma_semaphore, #tpu.memory_space<semaphore_mem>>
    %dma_wait3A_1570 = arith.constant 0 : i32
    %dma_wait3A_1571 = arith.constant 0 : i32
    %dma_wait3A_1572 = tpu.memref_slice %arg6[%dma_wait3A_1560, %dma_wait3A_1570, %dma_wait3A_1571] : memref<6x4x1024xf32, #tpu.memory_space<vmem>> -> memref<1x4x1024xf32, #tpu.memory_space<vmem>>
    %dma_wait3A_1573 = tpu.memref_squeeze %dma_wait3A_1572 : memref<1x4x1024xf32, #tpu.memory_space<vmem>> -> memref<4x1024xf32, #tpu.memory_space<vmem>>
    %dma_wait3A_1574 = arith.constant 0 : i32
    %dma_wait3A_1575 = tpu.memref_slice %arg3[%add3A_1146, %dma_wait3A_1574] : memref<2048x1024xf32, #tpu.memory_space<hbm>> -> memref<4x1024xf32, #tpu.memory_space<hbm>>
    tpu.wait_dma2 semaphore(%dma_wait3A_1569 : memref<!tpu.dma_semaphore, #tpu.memory_space<semaphore_mem>>) src(%dma_wait3A_1575 : memref<4x1024xf32, #tpu.memory_space<hbm>>) dst(%dma_wait3A_1573 : memref<4x1024xf32, #tpu.memory_space<vmem>>)
    %parallel_loop3A_1576 = arith.constant 0 : i32
    %parallel_loop3A_1577 = arith.constant 256 : i32
    %parallel_loop3A_1578 = arith.constant 1 : i32
    scf.for %parallel_loop3A_1904 = %parallel_loop3A_1576 to %parallel_loop3A_1577 step %parallel_loop3A_1578  : i32 {
      %parallel_loop3A_1905 = arith.constant 6 : i32
      %parallel_loop3A_1906 = arith.shrui %parallel_loop3A_1904, %parallel_loop3A_1905 : i32
      %parallel_loop3A_1907 = arith.constant 63 : i32
      %parallel_loop3A_1908 = arith.andi %parallel_loop3A_1904, %parallel_loop3A_1907 : i32
      %parallel_loop3A_1909 = arith.constant 16 : i32
      %parallel_loop3A_1910 = arith.muli %parallel_loop3A_1908, %parallel_loop3A_1909 : i32
      %parallel_loop3A_1911 = arith.constant 0 : i32
      %parallel_loop3A_1912 = arith.index_cast %parallel_loop3A_1911 : i32 to index
      %parallel_loop3A_1913 = arith.index_cast %parallel_loop3A_1906 : i32 to index
      %parallel_loop3A_1914 = arith.index_cast %parallel_loop3A_1910 : i32 to index
      %parallel_loop3A_1915 = tpu.vector_load %arg6[%parallel_loop3A_1912, %parallel_loop3A_1913, %parallel_loop3A_1914] {strides = array<i32>} : memref<6x4x1024xf32, #tpu.memory_space<vmem>>, vector<1x1x16xf32>,
      %parallel_loop3A_1916 = vector.shape_cast %parallel_loop3A_1915 : vector<1x1x16xf32> to vector<16xf32>
      %parallel_loop3A_1917 = arith.constant 0 : i32
      %parallel_loop3A_1918 = arith.constant 0 : i32
      %parallel_loop3A_1919 = arith.index_cast %parallel_loop3A_1917 : i32 to index
      %parallel_loop3A_1920 = arith.index_cast %parallel_loop3A_1906 : i32 to index
      %parallel_loop3A_1921 = arith.index_cast %parallel_loop3A_1918 : i32 to index
      %parallel_loop3A_1922 = arith.index_cast %parallel_loop3A_1910 : i32 to index
      %parallel_loop3A_1923 = tpu.vector_load %arg5[%parallel_loop3A_1919, %parallel_loop3A_1920, %parallel_loop3A_1921, %parallel_loop3A_1922] {strides = array<i32>} : memref<6x4x4x1024xf32, #tpu.memory_space<vmem>>, vector<1x1x1x16xf32>,
      %parallel_loop3A_1924 = vector.shape_cast %parallel_loop3A_1923 : vector<1x1x1x16xf32> to vector<16xf32>
      %parallel_loop3A_1925 = arith.addf %parallel_loop3A_1924, %parallel_loop3A_1916 : vector<16xf32>
      %parallel_loop3A_1926 = arith.constant 0 : i32
      %parallel_loop3A_1927 = arith.constant 0 : i32
      %parallel_loop3A_1928 = arith.index_cast %parallel_loop3A_1926 : i32 to index
      %parallel_loop3A_1929 = arith.index_cast %parallel_loop3A_1906 : i32 to index
      %parallel_loop3A_1930 = arith.index_cast %parallel_loop3A_1927 : i32 to index
      %parallel_loop3A_1931 = arith.index_cast %parallel_loop3A_1910 : i32 to index
      %parallel_loop3A_1932 = tpu.vector_load %arg5[%parallel_loop3A_1928, %parallel_loop3A_1929, %parallel_loop3A_1930, %parallel_loop3A_1931] {strides = array<i32>} : memref<6x4x4x1024xf32, #tpu.memory_space<vmem>>, vector<1x1x1x16xf32>,
      %parallel_loop3A_1933 = vector.shape_cast %parallel_loop3A_1932 : vector<1x1x1x16xf32> to vector<16xf32>
      %parallel_loop3A_1934 = vector.shape_cast %parallel_loop3A_1925 : vector<16xf32> to vector<1x1x1x16xf32>
      tpu.vector_store %arg5[%parallel_loop3A_1928, %parallel_loop3A_1929, %parallel_loop3A_1930, %parallel_loop3A_1931], %parallel_loop3A_1934 {strides = array<i32>} : memref<6x4x4x1024xf32, #tpu.memory_space<vmem>>, vector<1x1x1x16xf32>,
      %parallel_loop3A_1935 = arith.constant 0 : i32
      %parallel_loop3A_1936 = arith.constant 1 : i32
      %parallel_loop3A_1937 = arith.index_cast %parallel_loop3A_1935 : i32 to index
      %parallel_loop3A_1938 = arith.index_cast %parallel_loop3A_1906 : i32 to index
      %parallel_loop3A_1939 = arith.index_cast %parallel_loop3A_1936 : i32 to index
      %parallel_loop3A_1940 = arith.index_cast %parallel_loop3A_1910 : i32 to index
      %parallel_loop3A_1941 = tpu.vector_load %arg5[%parallel_loop3A_1937, %parallel_loop3A_1938, %parallel_loop3A_1939, %parallel_loop3A_1940] {strides = array<i32>} : memref<6x4x4x1024xf32, #tpu.memory_space<vmem>>, vector<1x1x1x16xf32>,
      %parallel_loop3A_1942 = vector.shape_cast %parallel_loop3A_1941 : vector<1x1x1x16xf32> to vector<16xf32>
      %parallel_loop3A_1943 = arith.addf %parallel_loop3A_1942, %parallel_loop3A_1916 : vector<16xf32>
      %parallel_loop3A_1944 = arith.constant 0 : i32
      %parallel_loop3A_1945 = arith.constant 1 : i32
      %parallel_loop3A_1946 = arith.index_cast %parallel_loop3A_1944 : i32 to index
      %parallel_loop3A_1947 = arith.index_cast %parallel_loop3A_1906 : i32 to index
      %parallel_loop3A_1948 = arith.index_cast %parallel_loop3A_1945 : i32 to index
      %parallel_loop3A_1949 = arith.index_cast %parallel_loop3A_1910 : i32 to index
      %parallel_loop3A_1950 = tpu.vector_load %arg5[%parallel_loop3A_1946, %parallel_loop3A_1947, %parallel_loop3A_1948, %parallel_loop3A_1949] {strides = array<i32>} : memref<6x4x4x1024xf32, #tpu.memory_space<vmem>>, vector<1x1x1x16xf32>,
      %parallel_loop3A_1951 = vector.shape_cast %parallel_loop3A_1950 : vector<1x1x1x16xf32> to vector<16xf32>
      %parallel_loop3A_1952 = vector.shape_cast %parallel_loop3A_1943 : vector<16xf32> to vector<1x1x1x16xf32>
      tpu.vector_store %arg5[%parallel_loop3A_1946, %parallel_loop3A_1947, %parallel_loop3A_1948, %parallel_loop3A_1949], %parallel_loop3A_1952 {strides = array<i32>} : memref<6x4x4x1024xf32, #tpu.memory_space<vmem>>, vector<1x1x1x16xf32>,
      %parallel_loop3A_1953 = arith.constant 0 : i32
      %parallel_loop3A_1954 = arith.constant 2 : i32
      %parallel_loop3A_1955 = arith.index_cast %parallel_loop3A_1953 : i32 to index
      %parallel_loop3A_1956 = arith.index_cast %parallel_loop3A_1906 : i32 to index
      %parallel_loop3A_1957 = arith.index_cast %parallel_loop3A_1954 : i32 to index
      %parallel_loop3A_1958 = arith.index_cast %parallel_loop3A_1910 : i32 to index
      %parallel_loop3A_1959 = tpu.vector_load %arg5[%parallel_loop3A_1955, %parallel_loop3A_1956, %parallel_loop3A_1957, %parallel_loop3A_1958] {strides = array<i32>} : memref<6x4x4x1024xf32, #tpu.memory_space<vmem>>, vector<1x1x1x16xf32>,
      %parallel_loop3A_1960 = vector.shape_cast %parallel_loop3A_1959 : vector<1x1x1x16xf32> to vector<16xf32>
      %parallel_loop3A_1961 = arith.addf %parallel_loop3A_1960, %parallel_loop3A_1916 : vector<16xf32>
      %parallel_loop3A_1962 = arith.constant 0 : i32
      %parallel_loop3A_1963 = arith.constant 2 : i32
      %parallel_loop3A_1964 = arith.index_cast %parallel_loop3A_1962 : i32 to index
      %parallel_loop3A_1965 = arith.index_cast %parallel_loop3A_1906 : i32 to index
      %parallel_loop3A_1966 = arith.index_cast %parallel_loop3A_1963 : i32 to index
      %parallel_loop3A_1967 = arith.index_cast %parallel_loop3A_1910 : i32 to index
      %parallel_loop3A_1968 = tpu.vector_load %arg5[%parallel_loop3A_1964, %parallel_loop3A_1965, %parallel_loop3A_1966, %parallel_loop3A_1967] {strides = array<i32>} : memref<6x4x4x1024xf32, #tpu.memory_space<vmem>>, vector<1x1x1x16xf32>,
      %parallel_loop3A_1969 = vector.shape_cast %parallel_loop3A_1968 : vector<1x1x1x16xf32> to vector<16xf32>
      %parallel_loop3A_1970 = vector.shape_cast %parallel_loop3A_1961 : vector<16xf32> to vector<1x1x1x16xf32>
      tpu.vector_store %arg5[%parallel_loop3A_1964, %parallel_loop3A_1965, %parallel_loop3A_1966, %parallel_loop3A_1967], %parallel_loop3A_1970 {strides = array<i32>} : memref<6x4x4x1024xf32, #tpu.memory_space<vmem>>, vector<1x1x1x16xf32>,
      %parallel_loop3A_1971 = arith.constant 0 : i32
      %parallel_loop3A_1972 = arith.constant 3 : i32
      %parallel_loop3A_1973 = arith.index_cast %parallel_loop3A_1971 : i32 to index
      %parallel_loop3A_1974 = arith.index_cast %parallel_loop3A_1906 : i32 to index
      %parallel_loop3A_1975 = arith.index_cast %parallel_loop3A_1972 : i32 to index
      %parallel_loop3A_1976 = arith.index_cast %parallel_loop3A_1910 : i32 to index
      %parallel_loop3A_1977 = tpu.vector_load %arg5[%parallel_loop3A_1973, %parallel_loop3A_1974, %parallel_loop3A_1975, %parallel_loop3A_1976] {strides = array<i32>} : memref<6x4x4x1024xf32, #tpu.memory_space<vmem>>, vector<1x1x1x16xf32>,
      %parallel_loop3A_1978 = vector.shape_cast %parallel_loop3A_1977 : vector<1x1x1x16xf32> to vector<16xf32>
      %parallel_loop3A_1979 = arith.addf %parallel_loop3A_1978, %parallel_loop3A_1916 : vector<16xf32>
      %parallel_loop3A_1980 = arith.constant 0 : i32
      %parallel_loop3A_1981 = arith.constant 3 : i32
      %parallel_loop3A_1982 = arith.index_cast %parallel_loop3A_1980 : i32 to index
      %parallel_loop3A_1983 = arith.index_cast %parallel_loop3A_1906 : i32 to index
      %parallel_loop3A_1984 = arith.index_cast %parallel_loop3A_1981 : i32 to index
      %parallel_loop3A_1985 = arith.index_cast %parallel_loop3A_1910 : i32 to index
      %parallel_loop3A_1986 = tpu.vector_load %arg5[%parallel_loop3A_1982, %parallel_loop3A_1983, %parallel_loop3A_1984, %parallel_loop3A_1985] {strides = array<i32>} : memref<6x4x4x1024xf32, #tpu.memory_space<vmem>>, vector<1x1x1x16xf32>,
      %parallel_loop3A_1987 = vector.shape_cast %parallel_loop3A_1986 : vector<1x1x1x16xf32> to vector<16xf32>
      %parallel_loop3A_1988 = vector.shape_cast %parallel_loop3A_1979 : vector<16xf32> to vector<1x1x1x16xf32>
      tpu.vector_store %arg5[%parallel_loop3A_1982, %parallel_loop3A_1983, %parallel_loop3A_1984, %parallel_loop3A_1985], %parallel_loop3A_1988 {strides = array<i32>} : memref<6x4x4x1024xf32, #tpu.memory_space<vmem>>, vector<1x1x1x16xf32>,
    } {sc.loop_unroll_factor = 4 : i64, sc.parallel_access}
    %add3A_1579 = arith.constant 48 : i32
    %add3A_1580 = arith.addi %mul3A_2, %add3A_1579 : i32
    %dma_start3A_1581 = arith.constant 0 : i32
    %dma_start3A_1582 = arith.constant 0 : i32
    %dma_start3A_1583 = arith.constant 0 : i32
    %dma_start3A_1584 = arith.constant 0 : i32
    %dma_start3A_1585 = arith.constant 0 : i32
    %dma_start3A_1586 = tpu.memref_slice %arg5[%dma_start3A_1581, %dma_start3A_1583, %dma_start3A_1584, %dma_start3A_1585] : memref<6x4x4x1024xf32, #tpu.memory_space<vmem>> -> memref<1x4x4x1024xf32, #tpu.memory_space<vmem>>
    %dma_start3A_1587 = tpu.memref_squeeze %dma_start3A_1586 : memref<1x4x4x1024xf32, #tpu.memory_space<vmem>> -> memref<4x4x1024xf32, #tpu.memory_space<vmem>>
    %dma_start3A_1588 = arith.constant 0 : i32
    %dma_start3A_1589 = arith.constant 0 : i32
    %dma_start3A_1590 = tpu.memref_slice %arg4[%add3A_1580, %dma_start3A_1588, %dma_start3A_1589] : memref<2048x4x1024xf32, #tpu.memory_space<hbm>> -> memref<4x4x1024xf32, #tpu.memory_space<hbm>>
    %dma_start3A_1591 = tpu.memref_slice %arg8[%dma_start3A_1582] : memref<6x!tpu.dma_semaphore, #tpu.memory_space<semaphore_mem>> -> memref<1x!tpu.dma_semaphore, #tpu.memory_space<semaphore_mem>>
    %dma_start3A_1592 = tpu.memref_squeeze %dma_start3A_1591 : memref<1x!tpu.dma_semaphore, #tpu.memory_space<semaphore_mem>> -> memref<!tpu.dma_semaphore, #tpu.memory_space<semaphore_mem>>
    %dma_start3A_1593 = arith.constant 0 : i32
    %dma_start3A_1594 = arith.constant 0 : i32
    %dma_start3A_1595 = tpu.memref_slice %arg4[%add3A_1580, %dma_start3A_1593, %dma_start3A_1594] : memref<2048x4x1024xf32, #tpu.memory_space<hbm>> -> memref<4x4x1024xf32, #tpu.memory_space<hbm>>
    %dma_start3A_1596 = arith.constant 0 : i32
    %dma_start3A_1597 = arith.constant 0 : i32
    %dma_start3A_1598 = arith.constant 0 : i32
    %dma_start3A_1599 = tpu.memref_slice %arg5[%dma_start3A_1581, %dma_start3A_1596, %dma_start3A_1597, %dma_start3A_1598] : memref<6x4x4x1024xf32, #tpu.memory_space<vmem>> -> memref<1x4x4x1024xf32, #tpu.memory_space<vmem>>
    %dma_start3A_1600 = tpu.memref_squeeze %dma_start3A_1599 : memref<1x4x4x1024xf32, #tpu.memory_space<vmem>> -> memref<4x4x1024xf32, #tpu.memory_space<vmem>>
    tpu.enqueue_dma source(%dma_start3A_1600 : memref<4x4x1024xf32, #tpu.memory_space<vmem>>) target(%dma_start3A_1595 : memref<4x4x1024xf32, #tpu.memory_space<hbm>>) target_semaphore(%dma_start3A_1592 : memref<!tpu.dma_semaphore, #tpu.memory_space<semaphore_mem>>)
    %dma_wait3A_1601 = arith.constant 1 : i32
    %dma_wait3A_1602 = arith.constant 1 : i32
    %dma_wait3A_1603 = arith.constant 0 : i32
    %dma_wait3A_1604 = arith.constant 0 : i32
    %dma_wait3A_1605 = arith.constant 0 : i32
    %dma_wait3A_1606 = tpu.memref_slice %arg5[%dma_wait3A_1601, %dma_wait3A_1603, %dma_wait3A_1604, %dma_wait3A_1605] : memref<6x4x4x1024xf32, #tpu.memory_space<vmem>> -> memref<1x4x4x1024xf32, #tpu.memory_space<vmem>>
    %dma_wait3A_1607 = tpu.memref_squeeze %dma_wait3A_1606 : memref<1x4x4x1024xf32, #tpu.memory_space<vmem>> -> memref<4x4x1024xf32, #tpu.memory_space<vmem>>
    %dma_wait3A_1608 = arith.constant 0 : i32
    %dma_wait3A_1609 = arith.constant 0 : i32
    %dma_wait3A_1610 = tpu.memref_slice %arg2[%add3A_1265, %dma_wait3A_1608, %dma_wait3A_1609] : memref<2048x4x1024xf32, #tpu.memory_space<hbm>> -> memref<4x4x1024xf32, #tpu.memory_space<hbm>>
    %dma_wait3A_1611 = tpu.memref_slice %arg7[%dma_wait3A_1602] : memref<6x!tpu.dma_semaphore, #tpu.memory_space<semaphore_mem>> -> memref<1x!tpu.dma_semaphore, #tpu.memory_space<semaphore_mem>>
    %dma_wait3A_1612 = tpu.memref_squeeze %dma_wait3A_1611 : memref<1x!tpu.dma_semaphore, #tpu.memory_space<semaphore_mem>> -> memref<!tpu.dma_semaphore, #tpu.memory_space<semaphore_mem>>
    %dma_wait3A_1613 = arith.constant 0 : i32
    %dma_wait3A_1614 = arith.constant 0 : i32
    %dma_wait3A_1615 = arith.constant 0 : i32
    %dma_wait3A_1616 = tpu.memref_slice %arg5[%dma_wait3A_1601, %dma_wait3A_1613, %dma_wait3A_1614, %dma_wait3A_1615] : memref<6x4x4x1024xf32, #tpu.memory_space<vmem>> -> memref<1x4x4x1024xf32, #tpu.memory_space<vmem>>
    %dma_wait3A_1617 = tpu.memref_squeeze %dma_wait3A_1616 : memref<1x4x4x1024xf32, #tpu.memory_space<vmem>> -> memref<4x4x1024xf32, #tpu.memory_space<vmem>>
    %dma_wait3A_1618 = arith.constant 0 : i32
    %dma_wait3A_1619 = arith.constant 0 : i32
    %dma_wait3A_1620 = tpu.memref_slice %arg2[%add3A_1265, %dma_wait3A_1618, %dma_wait3A_1619] : memref<2048x4x1024xf32, #tpu.memory_space<hbm>> -> memref<4x4x1024xf32, #tpu.memory_space<hbm>>
    tpu.wait_dma2 semaphore(%dma_wait3A_1612 : memref<!tpu.dma_semaphore, #tpu.memory_space<semaphore_mem>>) src(%dma_wait3A_1620 : memref<4x4x1024xf32, #tpu.memory_space<hbm>>) dst(%dma_wait3A_1617 : memref<4x4x1024xf32, #tpu.memory_space<vmem>>)
    %dma_wait3A_1621 = arith.constant 1 : i32
    %dma_wait3A_1622 = arith.constant 1 : i32
    %dma_wait3A_1623 = arith.constant 0 : i32
    %dma_wait3A_1624 = arith.constant 0 : i32
    %dma_wait3A_1625 = tpu.memref_slice %arg6[%dma_wait3A_1621, %dma_wait3A_1623, %dma_wait3A_1624] : memref<6x4x1024xf32, #tpu.memory_space<vmem>> -> memref<1x4x1024xf32, #tpu.memory_space<vmem>>
    %dma_wait3A_1626 = tpu.memref_squeeze %dma_wait3A_1625 : memref<1x4x1024xf32, #tpu.memory_space<vmem>> -> memref<4x1024xf32, #tpu.memory_space<vmem>>
    %dma_wait3A_1627 = arith.constant 0 : i32
    %dma_wait3A_1628 = tpu.memref_slice %arg3[%add3A_1265, %dma_wait3A_1627] : memref<2048x1024xf32, #tpu.memory_space<hbm>> -> memref<4x1024xf32, #tpu.memory_space<hbm>>
    %dma_wait3A_1629 = tpu.memref_slice %arg7[%dma_wait3A_1622] : memref<6x!tpu.dma_semaphore, #tpu.memory_space<semaphore_mem>> -> memref<1x!tpu.dma_semaphore, #tpu.memory_space<semaphore_mem>>
    %dma_wait3A_1630 = tpu.memref_squeeze %dma_wait3A_1629 : memref<1x!tpu.dma_semaphore, #tpu.memory_space<semaphore_mem>> -> memref<!tpu.dma_semaphore, #tpu.memory_space<semaphore_mem>>
    %dma_wait3A_1631 = arith.constant 0 : i32
    %dma_wait3A_1632 = arith.constant 0 : i32
    %dma_wait3A_1633 = tpu.memref_slice %arg6[%dma_wait3A_1621, %dma_wait3A_1631, %dma_wait3A_1632] : memref<6x4x1024xf32, #tpu.memory_space<vmem>> -> memref<1x4x1024xf32, #tpu.memory_space<vmem>>
    %dma_wait3A_1634 = tpu.memref_squeeze %dma_wait3A_1633 : memref<1x4x1024xf32, #tpu.memory_space<vmem>> -> memref<4x1024xf32, #tpu.memory_space<vmem>>
    %dma_wait3A_1635 = arith.constant 0 : i32
    %dma_wait3A_1636 = tpu.memref_slice %arg3[%add3A_1265, %dma_wait3A_1635] : memref<2048x1024xf32, #tpu.memory_space<hbm>> -> memref<4x1024xf32, #tpu.memory_space<hbm>>
    tpu.wait_dma2 semaphore(%dma_wait3A_1630 : memref<!tpu.dma_semaphore, #tpu.memory_space<semaphore_mem>>) src(%dma_wait3A_1636 : memref<4x1024xf32, #tpu.memory_space<hbm>>) dst(%dma_wait3A_1634 : memref<4x1024xf32, #tpu.memory_space<vmem>>)
    %parallel_loop3A_1637 = arith.constant 0 : i32
    %parallel_loop3A_1638 = arith.constant 256 : i32
    %parallel_loop3A_1639 = arith.constant 1 : i32
    scf.for %parallel_loop3A_1904 = %parallel_loop3A_1637 to %parallel_loop3A_1638 step %parallel_loop3A_1639  : i32 {
      %parallel_loop3A_1905 = arith.constant 6 : i32
      %parallel_loop3A_1906 = arith.shrui %parallel_loop3A_1904, %parallel_loop3A_1905 : i32
      %parallel_loop3A_1907 = arith.constant 63 : i32
      %parallel_loop3A_1908 = arith.andi %parallel_loop3A_1904, %parallel_loop3A_1907 : i32
      %parallel_loop3A_1909 = arith.constant 16 : i32
      %parallel_loop3A_1910 = arith.muli %parallel_loop3A_1908, %parallel_loop3A_1909 : i32
      %parallel_loop3A_1911 = arith.constant 1 : i32
      %parallel_loop3A_1912 = arith.index_cast %parallel_loop3A_1911 : i32 to index
      %parallel_loop3A_1913 = arith.index_cast %parallel_loop3A_1906 : i32 to index
      %parallel_loop3A_1914 = arith.index_cast %parallel_loop3A_1910 : i32 to index
      %parallel_loop3A_1915 = tpu.vector_load %arg6[%parallel_loop3A_1912, %parallel_loop3A_1913, %parallel_loop3A_1914] {strides = array<i32>} : memref<6x4x1024xf32, #tpu.memory_space<vmem>>, vector<1x1x16xf32>,
      %parallel_loop3A_1916 = vector.shape_cast %parallel_loop3A_1915 : vector<1x1x16xf32> to vector<16xf32>
      %parallel_loop3A_1917 = arith.constant 1 : i32
      %parallel_loop3A_1918 = arith.constant 0 : i32
      %parallel_loop3A_1919 = arith.index_cast %parallel_loop3A_1917 : i32 to index
      %parallel_loop3A_1920 = arith.index_cast %parallel_loop3A_1906 : i32 to index
      %parallel_loop3A_1921 = arith.index_cast %parallel_loop3A_1918 : i32 to index
      %parallel_loop3A_1922 = arith.index_cast %parallel_loop3A_1910 : i32 to index
      %parallel_loop3A_1923 = tpu.vector_load %arg5[%parallel_loop3A_1919, %parallel_loop3A_1920, %parallel_loop3A_1921, %parallel_loop3A_1922] {strides = array<i32>} : memref<6x4x4x1024xf32, #tpu.memory_space<vmem>>, vector<1x1x1x16xf32>,
      %parallel_loop3A_1924 = vector.shape_cast %parallel_loop3A_1923 : vector<1x1x1x16xf32> to vector<16xf32>
      %parallel_loop3A_1925 = arith.addf %parallel_loop3A_1924, %parallel_loop3A_1916 : vector<16xf32>
      %parallel_loop3A_1926 = arith.constant 1 : i32
      %parallel_loop3A_1927 = arith.constant 0 : i32
      %parallel_loop3A_1928 = arith.index_cast %parallel_loop3A_1926 : i32 to index
      %parallel_loop3A_1929 = arith.index_cast %parallel_loop3A_1906 : i32 to index
      %parallel_loop3A_1930 = arith.index_cast %parallel_loop3A_1927 : i32 to index
      %parallel_loop3A_1931 = arith.index_cast %parallel_loop3A_1910 : i32 to index
      %parallel_loop3A_1932 = tpu.vector_load %arg5[%parallel_loop3A_1928, %parallel_loop3A_1929, %parallel_loop3A_1930, %parallel_loop3A_1931] {strides = array<i32>} : memref<6x4x4x1024xf32, #tpu.memory_space<vmem>>, vector<1x1x1x16xf32>,
      %parallel_loop3A_1933 = vector.shape_cast %parallel_loop3A_1932 : vector<1x1x1x16xf32> to vector<16xf32>
      %parallel_loop3A_1934 = vector.shape_cast %parallel_loop3A_1925 : vector<16xf32> to vector<1x1x1x16xf32>
      tpu.vector_store %arg5[%parallel_loop3A_1928, %parallel_loop3A_1929, %parallel_loop3A_1930, %parallel_loop3A_1931], %parallel_loop3A_1934 {strides = array<i32>} : memref<6x4x4x1024xf32, #tpu.memory_space<vmem>>, vector<1x1x1x16xf32>,
      %parallel_loop3A_1935 = arith.constant 1 : i32
      %parallel_loop3A_1936 = arith.constant 1 : i32
      %parallel_loop3A_1937 = arith.index_cast %parallel_loop3A_1935 : i32 to index
      %parallel_loop3A_1938 = arith.index_cast %parallel_loop3A_1906 : i32 to index
      %parallel_loop3A_1939 = arith.index_cast %parallel_loop3A_1936 : i32 to index
      %parallel_loop3A_1940 = arith.index_cast %parallel_loop3A_1910 : i32 to index
      %parallel_loop3A_1941 = tpu.vector_load %arg5[%parallel_loop3A_1937, %parallel_loop3A_1938, %parallel_loop3A_1939, %parallel_loop3A_1940] {strides = array<i32>} : memref<6x4x4x1024xf32, #tpu.memory_space<vmem>>, vector<1x1x1x16xf32>,
      %parallel_loop3A_1942 = vector.shape_cast %parallel_loop3A_1941 : vector<1x1x1x16xf32> to vector<16xf32>
      %parallel_loop3A_1943 = arith.addf %parallel_loop3A_1942, %parallel_loop3A_1916 : vector<16xf32>
      %parallel_loop3A_1944 = arith.constant 1 : i32
      %parallel_loop3A_1945 = arith.constant 1 : i32
      %parallel_loop3A_1946 = arith.index_cast %parallel_loop3A_1944 : i32 to index
      %parallel_loop3A_1947 = arith.index_cast %parallel_loop3A_1906 : i32 to index
      %parallel_loop3A_1948 = arith.index_cast %parallel_loop3A_1945 : i32 to index
      %parallel_loop3A_1949 = arith.index_cast %parallel_loop3A_1910 : i32 to index
      %parallel_loop3A_1950 = tpu.vector_load %arg5[%parallel_loop3A_1946, %parallel_loop3A_1947, %parallel_loop3A_1948, %parallel_loop3A_1949] {strides = array<i32>} : memref<6x4x4x1024xf32, #tpu.memory_space<vmem>>, vector<1x1x1x16xf32>,
      %parallel_loop3A_1951 = vector.shape_cast %parallel_loop3A_1950 : vector<1x1x1x16xf32> to vector<16xf32>
      %parallel_loop3A_1952 = vector.shape_cast %parallel_loop3A_1943 : vector<16xf32> to vector<1x1x1x16xf32>
      tpu.vector_store %arg5[%parallel_loop3A_1946, %parallel_loop3A_1947, %parallel_loop3A_1948, %parallel_loop3A_1949], %parallel_loop3A_1952 {strides = array<i32>} : memref<6x4x4x1024xf32, #tpu.memory_space<vmem>>, vector<1x1x1x16xf32>,
      %parallel_loop3A_1953 = arith.constant 1 : i32
      %parallel_loop3A_1954 = arith.constant 2 : i32
      %parallel_loop3A_1955 = arith.index_cast %parallel_loop3A_1953 : i32 to index
      %parallel_loop3A_1956 = arith.index_cast %parallel_loop3A_1906 : i32 to index
      %parallel_loop3A_1957 = arith.index_cast %parallel_loop3A_1954 : i32 to index
      %parallel_loop3A_1958 = arith.index_cast %parallel_loop3A_1910 : i32 to index
      %parallel_loop3A_1959 = tpu.vector_load %arg5[%parallel_loop3A_1955, %parallel_loop3A_1956, %parallel_loop3A_1957, %parallel_loop3A_1958] {strides = array<i32>} : memref<6x4x4x1024xf32, #tpu.memory_space<vmem>>, vector<1x1x1x16xf32>,
      %parallel_loop3A_1960 = vector.shape_cast %parallel_loop3A_1959 : vector<1x1x1x16xf32> to vector<16xf32>
      %parallel_loop3A_1961 = arith.addf %parallel_loop3A_1960, %parallel_loop3A_1916 : vector<16xf32>
      %parallel_loop3A_1962 = arith.constant 1 : i32
      %parallel_loop3A_1963 = arith.constant 2 : i32
      %parallel_loop3A_1964 = arith.index_cast %parallel_loop3A_1962 : i32 to index
      %parallel_loop3A_1965 = arith.index_cast %parallel_loop3A_1906 : i32 to index
      %parallel_loop3A_1966 = arith.index_cast %parallel_loop3A_1963 : i32 to index
      %parallel_loop3A_1967 = arith.index_cast %parallel_loop3A_1910 : i32 to index
      %parallel_loop3A_1968 = tpu.vector_load %arg5[%parallel_loop3A_1964, %parallel_loop3A_1965, %parallel_loop3A_1966, %parallel_loop3A_1967] {strides = array<i32>} : memref<6x4x4x1024xf32, #tpu.memory_space<vmem>>, vector<1x1x1x16xf32>,
      %parallel_loop3A_1969 = vector.shape_cast %parallel_loop3A_1968 : vector<1x1x1x16xf32> to vector<16xf32>
      %parallel_loop3A_1970 = vector.shape_cast %parallel_loop3A_1961 : vector<16xf32> to vector<1x1x1x16xf32>
      tpu.vector_store %arg5[%parallel_loop3A_1964, %parallel_loop3A_1965, %parallel_loop3A_1966, %parallel_loop3A_1967], %parallel_loop3A_1970 {strides = array<i32>} : memref<6x4x4x1024xf32, #tpu.memory_space<vmem>>, vector<1x1x1x16xf32>,
      %parallel_loop3A_1971 = arith.constant 1 : i32
      %parallel_loop3A_1972 = arith.constant 3 : i32
      %parallel_loop3A_1973 = arith.index_cast %parallel_loop3A_1971 : i32 to index
      %parallel_loop3A_1974 = arith.index_cast %parallel_loop3A_1906 : i32 to index
      %parallel_loop3A_1975 = arith.index_cast %parallel_loop3A_1972 : i32 to index
      %parallel_loop3A_1976 = arith.index_cast %parallel_loop3A_1910 : i32 to index
      %parallel_loop3A_1977 = tpu.vector_load %arg5[%parallel_loop3A_1973, %parallel_loop3A_1974, %parallel_loop3A_1975, %parallel_loop3A_1976] {strides = array<i32>} : memref<6x4x4x1024xf32, #tpu.memory_space<vmem>>, vector<1x1x1x16xf32>,
      %parallel_loop3A_1978 = vector.shape_cast %parallel_loop3A_1977 : vector<1x1x1x16xf32> to vector<16xf32>
      %parallel_loop3A_1979 = arith.addf %parallel_loop3A_1978, %parallel_loop3A_1916 : vector<16xf32>
      %parallel_loop3A_1980 = arith.constant 1 : i32
      %parallel_loop3A_1981 = arith.constant 3 : i32
      %parallel_loop3A_1982 = arith.index_cast %parallel_loop3A_1980 : i32 to index
      %parallel_loop3A_1983 = arith.index_cast %parallel_loop3A_1906 : i32 to index
      %parallel_loop3A_1984 = arith.index_cast %parallel_loop3A_1981 : i32 to index
      %parallel_loop3A_1985 = arith.index_cast %parallel_loop3A_1910 : i32 to index
      %parallel_loop3A_1986 = tpu.vector_load %arg5[%parallel_loop3A_1982, %parallel_loop3A_1983, %parallel_loop3A_1984, %parallel_loop3A_1985] {strides = array<i32>} : memref<6x4x4x1024xf32, #tpu.memory_space<vmem>>, vector<1x1x1x16xf32>,
      %parallel_loop3A_1987 = vector.shape_cast %parallel_loop3A_1986 : vector<1x1x1x16xf32> to vector<16xf32>
      %parallel_loop3A_1988 = vector.shape_cast %parallel_loop3A_1979 : vector<16xf32> to vector<1x1x1x16xf32>
      tpu.vector_store %arg5[%parallel_loop3A_1982, %parallel_loop3A_1983, %parallel_loop3A_1984, %parallel_loop3A_1985], %parallel_loop3A_1988 {strides = array<i32>} : memref<6x4x4x1024xf32, #tpu.memory_space<vmem>>, vector<1x1x1x16xf32>,
    } {sc.loop_unroll_factor = 4 : i64, sc.parallel_access}
    %add3A_1640 = arith.constant 52 : i32
    %add3A_1641 = arith.addi %mul3A_2, %add3A_1640 : i32
    %dma_start3A_1642 = arith.constant 1 : i32
    %dma_start3A_1643 = arith.constant 1 : i32
    %dma_start3A_1644 = arith.constant 0 : i32
    %dma_start3A_1645 = arith.constant 0 : i32
    %dma_start3A_1646 = arith.constant 0 : i32
    %dma_start3A_1647 = tpu.memref_slice %arg5[%dma_start3A_1642, %dma_start3A_1644, %dma_start3A_1645, %dma_start3A_1646] : memref<6x4x4x1024xf32, #tpu.memory_space<vmem>> -> memref<1x4x4x1024xf32, #tpu.memory_space<vmem>>
    %dma_start3A_1648 = tpu.memref_squeeze %dma_start3A_1647 : memref<1x4x4x1024xf32, #tpu.memory_space<vmem>> -> memref<4x4x1024xf32, #tpu.memory_space<vmem>>
    %dma_start3A_1649 = arith.constant 0 : i32
    %dma_start3A_1650 = arith.constant 0 : i32
    %dma_start3A_1651 = tpu.memref_slice %arg4[%add3A_1641, %dma_start3A_1649, %dma_start3A_1650] : memref<2048x4x1024xf32, #tpu.memory_space<hbm>> -> memref<4x4x1024xf32, #tpu.memory_space<hbm>>
    %dma_start3A_1652 = tpu.memref_slice %arg8[%dma_start3A_1643] : memref<6x!tpu.dma_semaphore, #tpu.memory_space<semaphore_mem>> -> memref<1x!tpu.dma_semaphore, #tpu.memory_space<semaphore_mem>>
    %dma_start3A_1653 = tpu.memref_squeeze %dma_start3A_1652 : memref<1x!tpu.dma_semaphore, #tpu.memory_space<semaphore_mem>> -> memref<!tpu.dma_semaphore, #tpu.memory_space<semaphore_mem>>
    %dma_start3A_1654 = arith.constant 0 : i32
    %dma_start3A_1655 = arith.constant 0 : i32
    %dma_start3A_1656 = tpu.memref_slice %arg4[%add3A_1641, %dma_start3A_1654, %dma_start3A_1655] : memref<2048x4x1024xf32, #tpu.memory_space<hbm>> -> memref<4x4x1024xf32, #tpu.memory_space<hbm>>
    %dma_start3A_1657 = arith.constant 0 : i32
    %dma_start3A_1658 = arith.constant 0 : i32
    %dma_start3A_1659 = arith.constant 0 : i32
    %dma_start3A_1660 = tpu.memref_slice %arg5[%dma_start3A_1642, %dma_start3A_1657, %dma_start3A_1658, %dma_start3A_1659] : memref<6x4x4x1024xf32, #tpu.memory_space<vmem>> -> memref<1x4x4x1024xf32, #tpu.memory_space<vmem>>
    %dma_start3A_1661 = tpu.memref_squeeze %dma_start3A_1660 : memref<1x4x4x1024xf32, #tpu.memory_space<vmem>> -> memref<4x4x1024xf32, #tpu.memory_space<vmem>>
    tpu.enqueue_dma source(%dma_start3A_1661 : memref<4x4x1024xf32, #tpu.memory_space<vmem>>) target(%dma_start3A_1656 : memref<4x4x1024xf32, #tpu.memory_space<hbm>>) target_semaphore(%dma_start3A_1653 : memref<!tpu.dma_semaphore, #tpu.memory_space<semaphore_mem>>)
    %dma_wait3A_1662 = arith.constant 2 : i32
    %dma_wait3A_1663 = arith.constant 2 : i32
    %dma_wait3A_1664 = arith.constant 0 : i32
    %dma_wait3A_1665 = arith.constant 0 : i32
    %dma_wait3A_1666 = arith.constant 0 : i32
    %dma_wait3A_1667 = tpu.memref_slice %arg5[%dma_wait3A_1662, %dma_wait3A_1664, %dma_wait3A_1665, %dma_wait3A_1666] : memref<6x4x4x1024xf32, #tpu.memory_space<vmem>> -> memref<1x4x4x1024xf32, #tpu.memory_space<vmem>>
    %dma_wait3A_1668 = tpu.memref_squeeze %dma_wait3A_1667 : memref<1x4x4x1024xf32, #tpu.memory_space<vmem>> -> memref<4x4x1024xf32, #tpu.memory_space<vmem>>
    %dma_wait3A_1669 = arith.constant 0 : i32
    %dma_wait3A_1670 = arith.constant 0 : i32
    %dma_wait3A_1671 = tpu.memref_slice %arg2[%add3A_1384, %dma_wait3A_1669, %dma_wait3A_1670] : memref<2048x4x1024xf32, #tpu.memory_space<hbm>> -> memref<4x4x1024xf32, #tpu.memory_space<hbm>>
    %dma_wait3A_1672 = tpu.memref_slice %arg7[%dma_wait3A_1663] : memref<6x!tpu.dma_semaphore, #tpu.memory_space<semaphore_mem>> -> memref<1x!tpu.dma_semaphore, #tpu.memory_space<semaphore_mem>>
    %dma_wait3A_1673 = tpu.memref_squeeze %dma_wait3A_1672 : memref<1x!tpu.dma_semaphore, #tpu.memory_space<semaphore_mem>> -> memref<!tpu.dma_semaphore, #tpu.memory_space<semaphore_mem>>
    %dma_wait3A_1674 = arith.constant 0 : i32
    %dma_wait3A_1675 = arith.constant 0 : i32
    %dma_wait3A_1676 = arith.constant 0 : i32
    %dma_wait3A_1677 = tpu.memref_slice %arg5[%dma_wait3A_1662, %dma_wait3A_1674, %dma_wait3A_1675, %dma_wait3A_1676] : memref<6x4x4x1024xf32, #tpu.memory_space<vmem>> -> memref<1x4x4x1024xf32, #tpu.memory_space<vmem>>
    %dma_wait3A_1678 = tpu.memref_squeeze %dma_wait3A_1677 : memref<1x4x4x1024xf32, #tpu.memory_space<vmem>> -> memref<4x4x1024xf32, #tpu.memory_space<vmem>>
    %dma_wait3A_1679 = arith.constant 0 : i32
    %dma_wait3A_1680 = arith.constant 0 : i32
    %dma_wait3A_1681 = tpu.memref_slice %arg2[%add3A_1384, %dma_wait3A_1679, %dma_wait3A_1680] : memref<2048x4x1024xf32, #tpu.memory_space<hbm>> -> memref<4x4x1024xf32, #tpu.memory_space<hbm>>
    tpu.wait_dma2 semaphore(%dma_wait3A_1673 : memref<!tpu.dma_semaphore, #tpu.memory_space<semaphore_mem>>) src(%dma_wait3A_1681 : memref<4x4x1024xf32, #tpu.memory_space<hbm>>) dst(%dma_wait3A_1678 : memref<4x4x1024xf32, #tpu.memory_space<vmem>>)
    %dma_wait3A_1682 = arith.constant 2 : i32
    %dma_wait3A_1683 = arith.constant 2 : i32
    %dma_wait3A_1684 = arith.constant 0 : i32
    %dma_wait3A_1685 = arith.constant 0 : i32
    %dma_wait3A_1686 = tpu.memref_slice %arg6[%dma_wait3A_1682, %dma_wait3A_1684, %dma_wait3A_1685] : memref<6x4x1024xf32, #tpu.memory_space<vmem>> -> memref<1x4x1024xf32, #tpu.memory_space<vmem>>
    %dma_wait3A_1687 = tpu.memref_squeeze %dma_wait3A_1686 : memref<1x4x1024xf32, #tpu.memory_space<vmem>> -> memref<4x1024xf32, #tpu.memory_space<vmem>>
    %dma_wait3A_1688 = arith.constant 0 : i32
    %dma_wait3A_1689 = tpu.memref_slice %arg3[%add3A_1384, %dma_wait3A_1688] : memref<2048x1024xf32, #tpu.memory_space<hbm>> -> memref<4x1024xf32, #tpu.memory_space<hbm>>
    %dma_wait3A_1690 = tpu.memref_slice %arg7[%dma_wait3A_1683] : memref<6x!tpu.dma_semaphore, #tpu.memory_space<semaphore_mem>> -> memref<1x!tpu.dma_semaphore, #tpu.memory_space<semaphore_mem>>
    %dma_wait3A_1691 = tpu.memref_squeeze %dma_wait3A_1690 : memref<1x!tpu.dma_semaphore, #tpu.memory_space<semaphore_mem>> -> memref<!tpu.dma_semaphore, #tpu.memory_space<semaphore_mem>>
    %dma_wait3A_1692 = arith.constant 0 : i32
    %dma_wait3A_1693 = arith.constant 0 : i32
    %dma_wait3A_1694 = tpu.memref_slice %arg6[%dma_wait3A_1682, %dma_wait3A_1692, %dma_wait3A_1693] : memref<6x4x1024xf32, #tpu.memory_space<vmem>> -> memref<1x4x1024xf32, #tpu.memory_space<vmem>>
    %dma_wait3A_1695 = tpu.memref_squeeze %dma_wait3A_1694 : memref<1x4x1024xf32, #tpu.memory_space<vmem>> -> memref<4x1024xf32, #tpu.memory_space<vmem>>
    %dma_wait3A_1696 = arith.constant 0 : i32
    %dma_wait3A_1697 = tpu.memref_slice %arg3[%add3A_1384, %dma_wait3A_1696] : memref<2048x1024xf32, #tpu.memory_space<hbm>> -> memref<4x1024xf32, #tpu.memory_space<hbm>>
    tpu.wait_dma2 semaphore(%dma_wait3A_1691 : memref<!tpu.dma_semaphore, #tpu.memory_space<semaphore_mem>>) src(%dma_wait3A_1697 : memref<4x1024xf32, #tpu.memory_space<hbm>>) dst(%dma_wait3A_1695 : memref<4x1024xf32, #tpu.memory_space<vmem>>)
    %parallel_loop3A_1698 = arith.constant 0 : i32
    %parallel_loop3A_1699 = arith.constant 256 : i32
    %parallel_loop3A_1700 = arith.constant 1 : i32
    scf.for %parallel_loop3A_1904 = %parallel_loop3A_1698 to %parallel_loop3A_1699 step %parallel_loop3A_1700  : i32 {
      %parallel_loop3A_1905 = arith.constant 6 : i32
      %parallel_loop3A_1906 = arith.shrui %parallel_loop3A_1904, %parallel_loop3A_1905 : i32
      %parallel_loop3A_1907 = arith.constant 63 : i32
      %parallel_loop3A_1908 = arith.andi %parallel_loop3A_1904, %parallel_loop3A_1907 : i32
      %parallel_loop3A_1909 = arith.constant 16 : i32
      %parallel_loop3A_1910 = arith.muli %parallel_loop3A_1908, %parallel_loop3A_1909 : i32
      %parallel_loop3A_1911 = arith.constant 2 : i32
      %parallel_loop3A_1912 = arith.index_cast %parallel_loop3A_1911 : i32 to index
      %parallel_loop3A_1913 = arith.index_cast %parallel_loop3A_1906 : i32 to index
      %parallel_loop3A_1914 = arith.index_cast %parallel_loop3A_1910 : i32 to index
      %parallel_loop3A_1915 = tpu.vector_load %arg6[%parallel_loop3A_1912, %parallel_loop3A_1913, %parallel_loop3A_1914] {strides = array<i32>} : memref<6x4x1024xf32, #tpu.memory_space<vmem>>, vector<1x1x16xf32>,
      %parallel_loop3A_1916 = vector.shape_cast %parallel_loop3A_1915 : vector<1x1x16xf32> to vector<16xf32>
      %parallel_loop3A_1917 = arith.constant 2 : i32
      %parallel_loop3A_1918 = arith.constant 0 : i32
      %parallel_loop3A_1919 = arith.index_cast %parallel_loop3A_1917 : i32 to index
      %parallel_loop3A_1920 = arith.index_cast %parallel_loop3A_1906 : i32 to index
      %parallel_loop3A_1921 = arith.index_cast %parallel_loop3A_1918 : i32 to index
      %parallel_loop3A_1922 = arith.index_cast %parallel_loop3A_1910 : i32 to index
      %parallel_loop3A_1923 = tpu.vector_load %arg5[%parallel_loop3A_1919, %parallel_loop3A_1920, %parallel_loop3A_1921, %parallel_loop3A_1922] {strides = array<i32>} : memref<6x4x4x1024xf32, #tpu.memory_space<vmem>>, vector<1x1x1x16xf32>,
      %parallel_loop3A_1924 = vector.shape_cast %parallel_loop3A_1923 : vector<1x1x1x16xf32> to vector<16xf32>
      %parallel_loop3A_1925 = arith.addf %parallel_loop3A_1924, %parallel_loop3A_1916 : vector<16xf32>
      %parallel_loop3A_1926 = arith.constant 2 : i32
      %parallel_loop3A_1927 = arith.constant 0 : i32
      %parallel_loop3A_1928 = arith.index_cast %parallel_loop3A_1926 : i32 to index
      %parallel_loop3A_1929 = arith.index_cast %parallel_loop3A_1906 : i32 to index
      %parallel_loop3A_1930 = arith.index_cast %parallel_loop3A_1927 : i32 to index
      %parallel_loop3A_1931 = arith.index_cast %parallel_loop3A_1910 : i32 to index
      %parallel_loop3A_1932 = tpu.vector_load %arg5[%parallel_loop3A_1928, %parallel_loop3A_1929, %parallel_loop3A_1930, %parallel_loop3A_1931] {strides = array<i32>} : memref<6x4x4x1024xf32, #tpu.memory_space<vmem>>, vector<1x1x1x16xf32>,
      %parallel_loop3A_1933 = vector.shape_cast %parallel_loop3A_1932 : vector<1x1x1x16xf32> to vector<16xf32>
      %parallel_loop3A_1934 = vector.shape_cast %parallel_loop3A_1925 : vector<16xf32> to vector<1x1x1x16xf32>
      tpu.vector_store %arg5[%parallel_loop3A_1928, %parallel_loop3A_1929, %parallel_loop3A_1930, %parallel_loop3A_1931], %parallel_loop3A_1934 {strides = array<i32>} : memref<6x4x4x1024xf32, #tpu.memory_space<vmem>>, vector<1x1x1x16xf32>,
      %parallel_loop3A_1935 = arith.constant 2 : i32
      %parallel_loop3A_1936 = arith.constant 1 : i32
      %parallel_loop3A_1937 = arith.index_cast %parallel_loop3A_1935 : i32 to index
      %parallel_loop3A_1938 = arith.index_cast %parallel_loop3A_1906 : i32 to index
      %parallel_loop3A_1939 = arith.index_cast %parallel_loop3A_1936 : i32 to index
      %parallel_loop3A_1940 = arith.index_cast %parallel_loop3A_1910 : i32 to index
      %parallel_loop3A_1941 = tpu.vector_load %arg5[%parallel_loop3A_1937, %parallel_loop3A_1938, %parallel_loop3A_1939, %parallel_loop3A_1940] {strides = array<i32>} : memref<6x4x4x1024xf32, #tpu.memory_space<vmem>>, vector<1x1x1x16xf32>,
      %parallel_loop3A_1942 = vector.shape_cast %parallel_loop3A_1941 : vector<1x1x1x16xf32> to vector<16xf32>
      %parallel_loop3A_1943 = arith.addf %parallel_loop3A_1942, %parallel_loop3A_1916 : vector<16xf32>
      %parallel_loop3A_1944 = arith.constant 2 : i32
      %parallel_loop3A_1945 = arith.constant 1 : i32
      %parallel_loop3A_1946 = arith.index_cast %parallel_loop3A_1944 : i32 to index
      %parallel_loop3A_1947 = arith.index_cast %parallel_loop3A_1906 : i32 to index
      %parallel_loop3A_1948 = arith.index_cast %parallel_loop3A_1945 : i32 to index
      %parallel_loop3A_1949 = arith.index_cast %parallel_loop3A_1910 : i32 to index
      %parallel_loop3A_1950 = tpu.vector_load %arg5[%parallel_loop3A_1946, %parallel_loop3A_1947, %parallel_loop3A_1948, %parallel_loop3A_1949] {strides = array<i32>} : memref<6x4x4x1024xf32, #tpu.memory_space<vmem>>, vector<1x1x1x16xf32>,
      %parallel_loop3A_1951 = vector.shape_cast %parallel_loop3A_1950 : vector<1x1x1x16xf32> to vector<16xf32>
      %parallel_loop3A_1952 = vector.shape_cast %parallel_loop3A_1943 : vector<16xf32> to vector<1x1x1x16xf32>
      tpu.vector_store %arg5[%parallel_loop3A_1946, %parallel_loop3A_1947, %parallel_loop3A_1948, %parallel_loop3A_1949], %parallel_loop3A_1952 {strides = array<i32>} : memref<6x4x4x1024xf32, #tpu.memory_space<vmem>>, vector<1x1x1x16xf32>,
      %parallel_loop3A_1953 = arith.constant 2 : i32
      %parallel_loop3A_1954 = arith.constant 2 : i32
      %parallel_loop3A_1955 = arith.index_cast %parallel_loop3A_1953 : i32 to index
      %parallel_loop3A_1956 = arith.index_cast %parallel_loop3A_1906 : i32 to index
      %parallel_loop3A_1957 = arith.index_cast %parallel_loop3A_1954 : i32 to index
      %parallel_loop3A_1958 = arith.index_cast %parallel_loop3A_1910 : i32 to index
      %parallel_loop3A_1959 = tpu.vector_load %arg5[%parallel_loop3A_1955, %parallel_loop3A_1956, %parallel_loop3A_1957, %parallel_loop3A_1958] {strides = array<i32>} : memref<6x4x4x1024xf32, #tpu.memory_space<vmem>>, vector<1x1x1x16xf32>,
      %parallel_loop3A_1960 = vector.shape_cast %parallel_loop3A_1959 : vector<1x1x1x16xf32> to vector<16xf32>
      %parallel_loop3A_1961 = arith.addf %parallel_loop3A_1960, %parallel_loop3A_1916 : vector<16xf32>
      %parallel_loop3A_1962 = arith.constant 2 : i32
      %parallel_loop3A_1963 = arith.constant 2 : i32
      %parallel_loop3A_1964 = arith.index_cast %parallel_loop3A_1962 : i32 to index
      %parallel_loop3A_1965 = arith.index_cast %parallel_loop3A_1906 : i32 to index
      %parallel_loop3A_1966 = arith.index_cast %parallel_loop3A_1963 : i32 to index
      %parallel_loop3A_1967 = arith.index_cast %parallel_loop3A_1910 : i32 to index
      %parallel_loop3A_1968 = tpu.vector_load %arg5[%parallel_loop3A_1964, %parallel_loop3A_1965, %parallel_loop3A_1966, %parallel_loop3A_1967] {strides = array<i32>} : memref<6x4x4x1024xf32, #tpu.memory_space<vmem>>, vector<1x1x1x16xf32>,
      %parallel_loop3A_1969 = vector.shape_cast %parallel_loop3A_1968 : vector<1x1x1x16xf32> to vector<16xf32>
      %parallel_loop3A_1970 = vector.shape_cast %parallel_loop3A_1961 : vector<16xf32> to vector<1x1x1x16xf32>
      tpu.vector_store %arg5[%parallel_loop3A_1964, %parallel_loop3A_1965, %parallel_loop3A_1966, %parallel_loop3A_1967], %parallel_loop3A_1970 {strides = array<i32>} : memref<6x4x4x1024xf32, #tpu.memory_space<vmem>>, vector<1x1x1x16xf32>,
      %parallel_loop3A_1971 = arith.constant 2 : i32
      %parallel_loop3A_1972 = arith.constant 3 : i32
      %parallel_loop3A_1973 = arith.index_cast %parallel_loop3A_1971 : i32 to index
      %parallel_loop3A_1974 = arith.index_cast %parallel_loop3A_1906 : i32 to index
      %parallel_loop3A_1975 = arith.index_cast %parallel_loop3A_1972 : i32 to index
      %parallel_loop3A_1976 = arith.index_cast %parallel_loop3A_1910 : i32 to index
      %parallel_loop3A_1977 = tpu.vector_load %arg5[%parallel_loop3A_1973, %parallel_loop3A_1974, %parallel_loop3A_1975, %parallel_loop3A_1976] {strides = array<i32>} : memref<6x4x4x1024xf32, #tpu.memory_space<vmem>>, vector<1x1x1x16xf32>,
      %parallel_loop3A_1978 = vector.shape_cast %parallel_loop3A_1977 : vector<1x1x1x16xf32> to vector<16xf32>
      %parallel_loop3A_1979 = arith.addf %parallel_loop3A_1978, %parallel_loop3A_1916 : vector<16xf32>
      %parallel_loop3A_1980 = arith.constant 2 : i32
      %parallel_loop3A_1981 = arith.constant 3 : i32
      %parallel_loop3A_1982 = arith.index_cast %parallel_loop3A_1980 : i32 to index
      %parallel_loop3A_1983 = arith.index_cast %parallel_loop3A_1906 : i32 to index
      %parallel_loop3A_1984 = arith.index_cast %parallel_loop3A_1981 : i32 to index
      %parallel_loop3A_1985 = arith.index_cast %parallel_loop3A_1910 : i32 to index
      %parallel_loop3A_1986 = tpu.vector_load %arg5[%parallel_loop3A_1982, %parallel_loop3A_1983, %parallel_loop3A_1984, %parallel_loop3A_1985] {strides = array<i32>} : memref<6x4x4x1024xf32, #tpu.memory_space<vmem>>, vector<1x1x1x16xf32>,
      %parallel_loop3A_1987 = vector.shape_cast %parallel_loop3A_1986 : vector<1x1x1x16xf32> to vector<16xf32>
      %parallel_loop3A_1988 = vector.shape_cast %parallel_loop3A_1979 : vector<16xf32> to vector<1x1x1x16xf32>
      tpu.vector_store %arg5[%parallel_loop3A_1982, %parallel_loop3A_1983, %parallel_loop3A_1984, %parallel_loop3A_1985], %parallel_loop3A_1988 {strides = array<i32>} : memref<6x4x4x1024xf32, #tpu.memory_space<vmem>>, vector<1x1x1x16xf32>,
    } {sc.loop_unroll_factor = 4 : i64, sc.parallel_access}
    %add3A_1701 = arith.constant 56 : i32
    %add3A_1702 = arith.addi %mul3A_2, %add3A_1701 : i32
    %dma_start3A_1703 = arith.constant 2 : i32
    %dma_start3A_1704 = arith.constant 2 : i32
    %dma_start3A_1705 = arith.constant 0 : i32
    %dma_start3A_1706 = arith.constant 0 : i32
    %dma_start3A_1707 = arith.constant 0 : i32
    %dma_start3A_1708 = tpu.memref_slice %arg5[%dma_start3A_1703, %dma_start3A_1705, %dma_start3A_1706, %dma_start3A_1707] : memref<6x4x4x1024xf32, #tpu.memory_space<vmem>> -> memref<1x4x4x1024xf32, #tpu.memory_space<vmem>>
    %dma_start3A_1709 = tpu.memref_squeeze %dma_start3A_1708 : memref<1x4x4x1024xf32, #tpu.memory_space<vmem>> -> memref<4x4x1024xf32, #tpu.memory_space<vmem>>
    %dma_start3A_1710 = arith.constant 0 : i32
    %dma_start3A_1711 = arith.constant 0 : i32
    %dma_start3A_1712 = tpu.memref_slice %arg4[%add3A_1702, %dma_start3A_1710, %dma_start3A_1711] : memref<2048x4x1024xf32, #tpu.memory_space<hbm>> -> memref<4x4x1024xf32, #tpu.memory_space<hbm>>
    %dma_start3A_1713 = tpu.memref_slice %arg8[%dma_start3A_1704] : memref<6x!tpu.dma_semaphore, #tpu.memory_space<semaphore_mem>> -> memref<1x!tpu.dma_semaphore, #tpu.memory_space<semaphore_mem>>
    %dma_start3A_1714 = tpu.memref_squeeze %dma_start3A_1713 : memref<1x!tpu.dma_semaphore, #tpu.memory_space<semaphore_mem>> -> memref<!tpu.dma_semaphore, #tpu.memory_space<semaphore_mem>>
    %dma_start3A_1715 = arith.constant 0 : i32
    %dma_start3A_1716 = arith.constant 0 : i32
    %dma_start3A_1717 = tpu.memref_slice %arg4[%add3A_1702, %dma_start3A_1715, %dma_start3A_1716] : memref<2048x4x1024xf32, #tpu.memory_space<hbm>> -> memref<4x4x1024xf32, #tpu.memory_space<hbm>>
    %dma_start3A_1718 = arith.constant 0 : i32
    %dma_start3A_1719 = arith.constant 0 : i32
    %dma_start3A_1720 = arith.constant 0 : i32
    %dma_start3A_1721 = tpu.memref_slice %arg5[%dma_start3A_1703, %dma_start3A_1718, %dma_start3A_1719, %dma_start3A_1720] : memref<6x4x4x1024xf32, #tpu.memory_space<vmem>> -> memref<1x4x4x1024xf32, #tpu.memory_space<vmem>>
    %dma_start3A_1722 = tpu.memref_squeeze %dma_start3A_1721 : memref<1x4x4x1024xf32, #tpu.memory_space<vmem>> -> memref<4x4x1024xf32, #tpu.memory_space<vmem>>
    tpu.enqueue_dma source(%dma_start3A_1722 : memref<4x4x1024xf32, #tpu.memory_space<vmem>>) target(%dma_start3A_1717 : memref<4x4x1024xf32, #tpu.memory_space<hbm>>) target_semaphore(%dma_start3A_1714 : memref<!tpu.dma_semaphore, #tpu.memory_space<semaphore_mem>>)
    %dma_wait3A_1723 = arith.constant 3 : i32
    %dma_wait3A_1724 = arith.constant 3 : i32
    %dma_wait3A_1725 = arith.constant 0 : i32
    %dma_wait3A_1726 = arith.constant 0 : i32
    %dma_wait3A_1727 = arith.constant 0 : i32
    %dma_wait3A_1728 = tpu.memref_slice %arg5[%dma_wait3A_1723, %dma_wait3A_1725, %dma_wait3A_1726, %dma_wait3A_1727] : memref<6x4x4x1024xf32, #tpu.memory_space<vmem>> -> memref<1x4x4x1024xf32, #tpu.memory_space<vmem>>
    %dma_wait3A_1729 = tpu.memref_squeeze %dma_wait3A_1728 : memref<1x4x4x1024xf32, #tpu.memory_space<vmem>> -> memref<4x4x1024xf32, #tpu.memory_space<vmem>>
    %dma_wait3A_1730 = arith.constant 0 : i32
    %dma_wait3A_1731 = arith.constant 0 : i32
    %dma_wait3A_1732 = tpu.memref_slice %arg2[%add3A_1503, %dma_wait3A_1730, %dma_wait3A_1731] : memref<2048x4x1024xf32, #tpu.memory_space<hbm>> -> memref<4x4x1024xf32, #tpu.memory_space<hbm>>
    %dma_wait3A_1733 = tpu.memref_slice %arg7[%dma_wait3A_1724] : memref<6x!tpu.dma_semaphore, #tpu.memory_space<semaphore_mem>> -> memref<1x!tpu.dma_semaphore, #tpu.memory_space<semaphore_mem>>
    %dma_wait3A_1734 = tpu.memref_squeeze %dma_wait3A_1733 : memref<1x!tpu.dma_semaphore, #tpu.memory_space<semaphore_mem>> -> memref<!tpu.dma_semaphore, #tpu.memory_space<semaphore_mem>>
    %dma_wait3A_1735 = arith.constant 0 : i32
    %dma_wait3A_1736 = arith.constant 0 : i32
    %dma_wait3A_1737 = arith.constant 0 : i32
    %dma_wait3A_1738 = tpu.memref_slice %arg5[%dma_wait3A_1723, %dma_wait3A_1735, %dma_wait3A_1736, %dma_wait3A_1737] : memref<6x4x4x1024xf32, #tpu.memory_space<vmem>> -> memref<1x4x4x1024xf32, #tpu.memory_space<vmem>>
    %dma_wait3A_1739 = tpu.memref_squeeze %dma_wait3A_1738 : memref<1x4x4x1024xf32, #tpu.memory_space<vmem>> -> memref<4x4x1024xf32, #tpu.memory_space<vmem>>
    %dma_wait3A_1740 = arith.constant 0 : i32
    %dma_wait3A_1741 = arith.constant 0 : i32
    %dma_wait3A_1742 = tpu.memref_slice %arg2[%add3A_1503, %dma_wait3A_1740, %dma_wait3A_1741] : memref<2048x4x1024xf32, #tpu.memory_space<hbm>> -> memref<4x4x1024xf32, #tpu.memory_space<hbm>>
    tpu.wait_dma2 semaphore(%dma_wait3A_1734 : memref<!tpu.dma_semaphore, #tpu.memory_space<semaphore_mem>>) src(%dma_wait3A_1742 : memref<4x4x1024xf32, #tpu.memory_space<hbm>>) dst(%dma_wait3A_1739 : memref<4x4x1024xf32, #tpu.memory_space<vmem>>)
    %dma_wait3A_1743 = arith.constant 3 : i32
    %dma_wait3A_1744 = arith.constant 3 : i32
    %dma_wait3A_1745 = arith.constant 0 : i32
    %dma_wait3A_1746 = arith.constant 0 : i32
    %dma_wait3A_1747 = tpu.memref_slice %arg6[%dma_wait3A_1743, %dma_wait3A_1745, %dma_wait3A_1746] : memref<6x4x1024xf32, #tpu.memory_space<vmem>> -> memref<1x4x1024xf32, #tpu.memory_space<vmem>>
    %dma_wait3A_1748 = tpu.memref_squeeze %dma_wait3A_1747 : memref<1x4x1024xf32, #tpu.memory_space<vmem>> -> memref<4x1024xf32, #tpu.memory_space<vmem>>
    %dma_wait3A_1749 = arith.constant 0 : i32
    %dma_wait3A_1750 = tpu.memref_slice %arg3[%add3A_1503, %dma_wait3A_1749] : memref<2048x1024xf32, #tpu.memory_space<hbm>> -> memref<4x1024xf32, #tpu.memory_space<hbm>>
    %dma_wait3A_1751 = tpu.memref_slice %arg7[%dma_wait3A_1744] : memref<6x!tpu.dma_semaphore, #tpu.memory_space<semaphore_mem>> -> memref<1x!tpu.dma_semaphore, #tpu.memory_space<semaphore_mem>>
    %dma_wait3A_1752 = tpu.memref_squeeze %dma_wait3A_1751 : memref<1x!tpu.dma_semaphore, #tpu.memory_space<semaphore_mem>> -> memref<!tpu.dma_semaphore, #tpu.memory_space<semaphore_mem>>
    %dma_wait3A_1753 = arith.constant 0 : i32
    %dma_wait3A_1754 = arith.constant 0 : i32
    %dma_wait3A_1755 = tpu.memref_slice %arg6[%dma_wait3A_1743, %dma_wait3A_1753, %dma_wait3A_1754] : memref<6x4x1024xf32, #tpu.memory_space<vmem>> -> memref<1x4x1024xf32, #tpu.memory_space<vmem>>
    %dma_wait3A_1756 = tpu.memref_squeeze %dma_wait3A_1755 : memref<1x4x1024xf32, #tpu.memory_space<vmem>> -> memref<4x1024xf32, #tpu.memory_space<vmem>>
    %dma_wait3A_1757 = arith.constant 0 : i32
    %dma_wait3A_1758 = tpu.memref_slice %arg3[%add3A_1503, %dma_wait3A_1757] : memref<2048x1024xf32, #tpu.memory_space<hbm>> -> memref<4x1024xf32, #tpu.memory_space<hbm>>
    tpu.wait_dma2 semaphore(%dma_wait3A_1752 : memref<!tpu.dma_semaphore, #tpu.memory_space<semaphore_mem>>) src(%dma_wait3A_1758 : memref<4x1024xf32, #tpu.memory_space<hbm>>) dst(%dma_wait3A_1756 : memref<4x1024xf32, #tpu.memory_space<vmem>>)
    %parallel_loop3A_1759 = arith.constant 0 : i32
    %parallel_loop3A_1760 = arith.constant 256 : i32
    %parallel_loop3A_1761 = arith.constant 1 : i32
    scf.for %parallel_loop3A_1904 = %parallel_loop3A_1759 to %parallel_loop3A_1760 step %parallel_loop3A_1761  : i32 {
      %parallel_loop3A_1905 = arith.constant 6 : i32
      %parallel_loop3A_1906 = arith.shrui %parallel_loop3A_1904, %parallel_loop3A_1905 : i32
      %parallel_loop3A_1907 = arith.constant 63 : i32
      %parallel_loop3A_1908 = arith.andi %parallel_loop3A_1904, %parallel_loop3A_1907 : i32
      %parallel_loop3A_1909 = arith.constant 16 : i32
      %parallel_loop3A_1910 = arith.muli %parallel_loop3A_1908, %parallel_loop3A_1909 : i32
      %parallel_loop3A_1911 = arith.constant 3 : i32
      %parallel_loop3A_1912 = arith.index_cast %parallel_loop3A_1911 : i32 to index
      %parallel_loop3A_1913 = arith.index_cast %parallel_loop3A_1906 : i32 to index
      %parallel_loop3A_1914 = arith.index_cast %parallel_loop3A_1910 : i32 to index
      %parallel_loop3A_1915 = tpu.vector_load %arg6[%parallel_loop3A_1912, %parallel_loop3A_1913, %parallel_loop3A_1914] {strides = array<i32>} : memref<6x4x1024xf32, #tpu.memory_space<vmem>>, vector<1x1x16xf32>,
      %parallel_loop3A_1916 = vector.shape_cast %parallel_loop3A_1915 : vector<1x1x16xf32> to vector<16xf32>
      %parallel_loop3A_1917 = arith.constant 3 : i32
      %parallel_loop3A_1918 = arith.constant 0 : i32
      %parallel_loop3A_1919 = arith.index_cast %parallel_loop3A_1917 : i32 to index
      %parallel_loop3A_1920 = arith.index_cast %parallel_loop3A_1906 : i32 to index
      %parallel_loop3A_1921 = arith.index_cast %parallel_loop3A_1918 : i32 to index
      %parallel_loop3A_1922 = arith.index_cast %parallel_loop3A_1910 : i32 to index
      %parallel_loop3A_1923 = tpu.vector_load %arg5[%parallel_loop3A_1919, %parallel_loop3A_1920, %parallel_loop3A_1921, %parallel_loop3A_1922] {strides = array<i32>} : memref<6x4x4x1024xf32, #tpu.memory_space<vmem>>, vector<1x1x1x16xf32>,
      %parallel_loop3A_1924 = vector.shape_cast %parallel_loop3A_1923 : vector<1x1x1x16xf32> to vector<16xf32>
      %parallel_loop3A_1925 = arith.addf %parallel_loop3A_1924, %parallel_loop3A_1916 : vector<16xf32>
      %parallel_loop3A_1926 = arith.constant 3 : i32
      %parallel_loop3A_1927 = arith.constant 0 : i32
      %parallel_loop3A_1928 = arith.index_cast %parallel_loop3A_1926 : i32 to index
      %parallel_loop3A_1929 = arith.index_cast %parallel_loop3A_1906 : i32 to index
      %parallel_loop3A_1930 = arith.index_cast %parallel_loop3A_1927 : i32 to index
      %parallel_loop3A_1931 = arith.index_cast %parallel_loop3A_1910 : i32 to index
      %parallel_loop3A_1932 = tpu.vector_load %arg5[%parallel_loop3A_1928, %parallel_loop3A_1929, %parallel_loop3A_1930, %parallel_loop3A_1931] {strides = array<i32>} : memref<6x4x4x1024xf32, #tpu.memory_space<vmem>>, vector<1x1x1x16xf32>,
      %parallel_loop3A_1933 = vector.shape_cast %parallel_loop3A_1932 : vector<1x1x1x16xf32> to vector<16xf32>
      %parallel_loop3A_1934 = vector.shape_cast %parallel_loop3A_1925 : vector<16xf32> to vector<1x1x1x16xf32>
      tpu.vector_store %arg5[%parallel_loop3A_1928, %parallel_loop3A_1929, %parallel_loop3A_1930, %parallel_loop3A_1931], %parallel_loop3A_1934 {strides = array<i32>} : memref<6x4x4x1024xf32, #tpu.memory_space<vmem>>, vector<1x1x1x16xf32>,
      %parallel_loop3A_1935 = arith.constant 3 : i32
      %parallel_loop3A_1936 = arith.constant 1 : i32
      %parallel_loop3A_1937 = arith.index_cast %parallel_loop3A_1935 : i32 to index
      %parallel_loop3A_1938 = arith.index_cast %parallel_loop3A_1906 : i32 to index
      %parallel_loop3A_1939 = arith.index_cast %parallel_loop3A_1936 : i32 to index
      %parallel_loop3A_1940 = arith.index_cast %parallel_loop3A_1910 : i32 to index
      %parallel_loop3A_1941 = tpu.vector_load %arg5[%parallel_loop3A_1937, %parallel_loop3A_1938, %parallel_loop3A_1939, %parallel_loop3A_1940] {strides = array<i32>} : memref<6x4x4x1024xf32, #tpu.memory_space<vmem>>, vector<1x1x1x16xf32>,
      %parallel_loop3A_1942 = vector.shape_cast %parallel_loop3A_1941 : vector<1x1x1x16xf32> to vector<16xf32>
      %parallel_loop3A_1943 = arith.addf %parallel_loop3A_1942, %parallel_loop3A_1916 : vector<16xf32>
      %parallel_loop3A_1944 = arith.constant 3 : i32
      %parallel_loop3A_1945 = arith.constant 1 : i32
      %parallel_loop3A_1946 = arith.index_cast %parallel_loop3A_1944 : i32 to index
      %parallel_loop3A_1947 = arith.index_cast %parallel_loop3A_1906 : i32 to index
      %parallel_loop3A_1948 = arith.index_cast %parallel_loop3A_1945 : i32 to index
      %parallel_loop3A_1949 = arith.index_cast %parallel_loop3A_1910 : i32 to index
      %parallel_loop3A_1950 = tpu.vector_load %arg5[%parallel_loop3A_1946, %parallel_loop3A_1947, %parallel_loop3A_1948, %parallel_loop3A_1949] {strides = array<i32>} : memref<6x4x4x1024xf32, #tpu.memory_space<vmem>>, vector<1x1x1x16xf32>,
      %parallel_loop3A_1951 = vector.shape_cast %parallel_loop3A_1950 : vector<1x1x1x16xf32> to vector<16xf32>
      %parallel_loop3A_1952 = vector.shape_cast %parallel_loop3A_1943 : vector<16xf32> to vector<1x1x1x16xf32>
      tpu.vector_store %arg5[%parallel_loop3A_1946, %parallel_loop3A_1947, %parallel_loop3A_1948, %parallel_loop3A_1949], %parallel_loop3A_1952 {strides = array<i32>} : memref<6x4x4x1024xf32, #tpu.memory_space<vmem>>, vector<1x1x1x16xf32>,
      %parallel_loop3A_1953 = arith.constant 3 : i32
      %parallel_loop3A_1954 = arith.constant 2 : i32
      %parallel_loop3A_1955 = arith.index_cast %parallel_loop3A_1953 : i32 to index
      %parallel_loop3A_1956 = arith.index_cast %parallel_loop3A_1906 : i32 to index
      %parallel_loop3A_1957 = arith.index_cast %parallel_loop3A_1954 : i32 to index
      %parallel_loop3A_1958 = arith.index_cast %parallel_loop3A_1910 : i32 to index
      %parallel_loop3A_1959 = tpu.vector_load %arg5[%parallel_loop3A_1955, %parallel_loop3A_1956, %parallel_loop3A_1957, %parallel_loop3A_1958] {strides = array<i32>} : memref<6x4x4x1024xf32, #tpu.memory_space<vmem>>, vector<1x1x1x16xf32>,
      %parallel_loop3A_1960 = vector.shape_cast %parallel_loop3A_1959 : vector<1x1x1x16xf32> to vector<16xf32>
      %parallel_loop3A_1961 = arith.addf %parallel_loop3A_1960, %parallel_loop3A_1916 : vector<16xf32>
      %parallel_loop3A_1962 = arith.constant 3 : i32
      %parallel_loop3A_1963 = arith.constant 2 : i32
      %parallel_loop3A_1964 = arith.index_cast %parallel_loop3A_1962 : i32 to index
      %parallel_loop3A_1965 = arith.index_cast %parallel_loop3A_1906 : i32 to index
      %parallel_loop3A_1966 = arith.index_cast %parallel_loop3A_1963 : i32 to index
      %parallel_loop3A_1967 = arith.index_cast %parallel_loop3A_1910 : i32 to index
      %parallel_loop3A_1968 = tpu.vector_load %arg5[%parallel_loop3A_1964, %parallel_loop3A_1965, %parallel_loop3A_1966, %parallel_loop3A_1967] {strides = array<i32>} : memref<6x4x4x1024xf32, #tpu.memory_space<vmem>>, vector<1x1x1x16xf32>,
      %parallel_loop3A_1969 = vector.shape_cast %parallel_loop3A_1968 : vector<1x1x1x16xf32> to vector<16xf32>
      %parallel_loop3A_1970 = vector.shape_cast %parallel_loop3A_1961 : vector<16xf32> to vector<1x1x1x16xf32>
      tpu.vector_store %arg5[%parallel_loop3A_1964, %parallel_loop3A_1965, %parallel_loop3A_1966, %parallel_loop3A_1967], %parallel_loop3A_1970 {strides = array<i32>} : memref<6x4x4x1024xf32, #tpu.memory_space<vmem>>, vector<1x1x1x16xf32>,
      %parallel_loop3A_1971 = arith.constant 3 : i32
      %parallel_loop3A_1972 = arith.constant 3 : i32
      %parallel_loop3A_1973 = arith.index_cast %parallel_loop3A_1971 : i32 to index
      %parallel_loop3A_1974 = arith.index_cast %parallel_loop3A_1906 : i32 to index
      %parallel_loop3A_1975 = arith.index_cast %parallel_loop3A_1972 : i32 to index
      %parallel_loop3A_1976 = arith.index_cast %parallel_loop3A_1910 : i32 to index
      %parallel_loop3A_1977 = tpu.vector_load %arg5[%parallel_loop3A_1973, %parallel_loop3A_1974, %parallel_loop3A_1975, %parallel_loop3A_1976] {strides = array<i32>} : memref<6x4x4x1024xf32, #tpu.memory_space<vmem>>, vector<1x1x1x16xf32>,
      %parallel_loop3A_1978 = vector.shape_cast %parallel_loop3A_1977 : vector<1x1x1x16xf32> to vector<16xf32>
      %parallel_loop3A_1979 = arith.addf %parallel_loop3A_1978, %parallel_loop3A_1916 : vector<16xf32>
      %parallel_loop3A_1980 = arith.constant 3 : i32
      %parallel_loop3A_1981 = arith.constant 3 : i32
      %parallel_loop3A_1982 = arith.index_cast %parallel_loop3A_1980 : i32 to index
      %parallel_loop3A_1983 = arith.index_cast %parallel_loop3A_1906 : i32 to index
      %parallel_loop3A_1984 = arith.index_cast %parallel_loop3A_1981 : i32 to index
      %parallel_loop3A_1985 = arith.index_cast %parallel_loop3A_1910 : i32 to index
      %parallel_loop3A_1986 = tpu.vector_load %arg5[%parallel_loop3A_1982, %parallel_loop3A_1983, %parallel_loop3A_1984, %parallel_loop3A_1985] {strides = array<i32>} : memref<6x4x4x1024xf32, #tpu.memory_space<vmem>>, vector<1x1x1x16xf32>,
      %parallel_loop3A_1987 = vector.shape_cast %parallel_loop3A_1986 : vector<1x1x1x16xf32> to vector<16xf32>
      %parallel_loop3A_1988 = vector.shape_cast %parallel_loop3A_1979 : vector<16xf32> to vector<1x1x1x16xf32>
      tpu.vector_store %arg5[%parallel_loop3A_1982, %parallel_loop3A_1983, %parallel_loop3A_1984, %parallel_loop3A_1985], %parallel_loop3A_1988 {strides = array<i32>} : memref<6x4x4x1024xf32, #tpu.memory_space<vmem>>, vector<1x1x1x16xf32>,
    } {sc.loop_unroll_factor = 4 : i64, sc.parallel_access}
    %add3A_1762 = arith.constant 60 : i32
    %add3A_1763 = arith.addi %mul3A_2, %add3A_1762 : i32
    %dma_start3A_1764 = arith.constant 3 : i32
    %dma_start3A_1765 = arith.constant 3 : i32
    %dma_start3A_1766 = arith.constant 0 : i32
    %dma_start3A_1767 = arith.constant 0 : i32
    %dma_start3A_1768 = arith.constant 0 : i32
    %dma_start3A_1769 = tpu.memref_slice %arg5[%dma_start3A_1764, %dma_start3A_1766, %dma_start3A_1767, %dma_start3A_1768] : memref<6x4x4x1024xf32, #tpu.memory_space<vmem>> -> memref<1x4x4x1024xf32, #tpu.memory_space<vmem>>
    %dma_start3A_1770 = tpu.memref_squeeze %dma_start3A_1769 : memref<1x4x4x1024xf32, #tpu.memory_space<vmem>> -> memref<4x4x1024xf32, #tpu.memory_space<vmem>>
    %dma_start3A_1771 = arith.constant 0 : i32
    %dma_start3A_1772 = arith.constant 0 : i32
    %dma_start3A_1773 = tpu.memref_slice %arg4[%add3A_1763, %dma_start3A_1771, %dma_start3A_1772] : memref<2048x4x1024xf32, #tpu.memory_space<hbm>> -> memref<4x4x1024xf32, #tpu.memory_space<hbm>>
    %dma_start3A_1774 = tpu.memref_slice %arg8[%dma_start3A_1765] : memref<6x!tpu.dma_semaphore, #tpu.memory_space<semaphore_mem>> -> memref<1x!tpu.dma_semaphore, #tpu.memory_space<semaphore_mem>>
    %dma_start3A_1775 = tpu.memref_squeeze %dma_start3A_1774 : memref<1x!tpu.dma_semaphore, #tpu.memory_space<semaphore_mem>> -> memref<!tpu.dma_semaphore, #tpu.memory_space<semaphore_mem>>
    %dma_start3A_1776 = arith.constant 0 : i32
    %dma_start3A_1777 = arith.constant 0 : i32
    %dma_start3A_1778 = tpu.memref_slice %arg4[%add3A_1763, %dma_start3A_1776, %dma_start3A_1777] : memref<2048x4x1024xf32, #tpu.memory_space<hbm>> -> memref<4x4x1024xf32, #tpu.memory_space<hbm>>
    %dma_start3A_1779 = arith.constant 0 : i32
    %dma_start3A_1780 = arith.constant 0 : i32
    %dma_start3A_1781 = arith.constant 0 : i32
    %dma_start3A_1782 = tpu.memref_slice %arg5[%dma_start3A_1764, %dma_start3A_1779, %dma_start3A_1780, %dma_start3A_1781] : memref<6x4x4x1024xf32, #tpu.memory_space<vmem>> -> memref<1x4x4x1024xf32, #tpu.memory_space<vmem>>
    %dma_start3A_1783 = tpu.memref_squeeze %dma_start3A_1782 : memref<1x4x4x1024xf32, #tpu.memory_space<vmem>> -> memref<4x4x1024xf32, #tpu.memory_space<vmem>>
    tpu.enqueue_dma source(%dma_start3A_1783 : memref<4x4x1024xf32, #tpu.memory_space<vmem>>) target(%dma_start3A_1778 : memref<4x4x1024xf32, #tpu.memory_space<hbm>>) target_semaphore(%dma_start3A_1775 : memref<!tpu.dma_semaphore, #tpu.memory_space<semaphore_mem>>)
    %dma_wait3A_1784 = arith.constant 4 : i32
    %dma_wait3A_1785 = arith.constant 4 : i32
    %dma_wait3A_1786 = arith.constant 0 : i32
    %dma_wait3A_1787 = arith.constant 0 : i32
    %dma_wait3A_1788 = arith.constant 0 : i32
    %dma_wait3A_1789 = tpu.memref_slice %arg5[%dma_wait3A_1784, %dma_wait3A_1786, %dma_wait3A_1787, %dma_wait3A_1788] : memref<6x4x4x1024xf32, #tpu.memory_space<vmem>> -> memref<1x4x4x1024xf32, #tpu.memory_space<vmem>>
    %dma_wait3A_1790 = tpu.memref_squeeze %dma_wait3A_1789 : memref<1x4x4x1024xf32, #tpu.memory_space<vmem>> -> memref<4x4x1024xf32, #tpu.memory_space<vmem>>
    %dma_wait3A_1791 = arith.constant 0 : i32
    %dma_wait3A_1792 = arith.constant 0 : i32
    %dma_wait3A_1793 = tpu.memref_slice %arg4[%add3A_1342, %dma_wait3A_1791, %dma_wait3A_1792] : memref<2048x4x1024xf32, #tpu.memory_space<hbm>> -> memref<4x4x1024xf32, #tpu.memory_space<hbm>>
    %dma_wait3A_1794 = tpu.memref_slice %arg8[%dma_wait3A_1785] : memref<6x!tpu.dma_semaphore, #tpu.memory_space<semaphore_mem>> -> memref<1x!tpu.dma_semaphore, #tpu.memory_space<semaphore_mem>>
    %dma_wait3A_1795 = tpu.memref_squeeze %dma_wait3A_1794 : memref<1x!tpu.dma_semaphore, #tpu.memory_space<semaphore_mem>> -> memref<!tpu.dma_semaphore, #tpu.memory_space<semaphore_mem>>
    %dma_wait3A_1796 = arith.constant 0 : i32
    %dma_wait3A_1797 = arith.constant 0 : i32
    %dma_wait3A_1798 = tpu.memref_slice %arg4[%add3A_1342, %dma_wait3A_1796, %dma_wait3A_1797] : memref<2048x4x1024xf32, #tpu.memory_space<hbm>> -> memref<4x4x1024xf32, #tpu.memory_space<hbm>>
    %dma_wait3A_1799 = arith.constant 0 : i32
    %dma_wait3A_1800 = arith.constant 0 : i32
    %dma_wait3A_1801 = arith.constant 0 : i32
    %dma_wait3A_1802 = tpu.memref_slice %arg5[%dma_wait3A_1784, %dma_wait3A_1799, %dma_wait3A_1800, %dma_wait3A_1801] : memref<6x4x4x1024xf32, #tpu.memory_space<vmem>> -> memref<1x4x4x1024xf32, #tpu.memory_space<vmem>>
    %dma_wait3A_1803 = tpu.memref_squeeze %dma_wait3A_1802 : memref<1x4x4x1024xf32, #tpu.memory_space<vmem>> -> memref<4x4x1024xf32, #tpu.memory_space<vmem>>
    tpu.wait_dma2 semaphore(%dma_wait3A_1795 : memref<!tpu.dma_semaphore, #tpu.memory_space<semaphore_mem>>) src(%dma_wait3A_1803 : memref<4x4x1024xf32, #tpu.memory_space<vmem>>) dst(%dma_wait3A_1798 : memref<4x4x1024xf32, #tpu.memory_space<hbm>>)
    %dma_wait3A_1804 = arith.constant 5 : i32
    %dma_wait3A_1805 = arith.constant 5 : i32
    %dma_wait3A_1806 = arith.constant 0 : i32
    %dma_wait3A_1807 = arith.constant 0 : i32
    %dma_wait3A_1808 = arith.constant 0 : i32
    %dma_wait3A_1809 = tpu.memref_slice %arg5[%dma_wait3A_1804, %dma_wait3A_1806, %dma_wait3A_1807, %dma_wait3A_1808] : memref<6x4x4x1024xf32, #tpu.memory_space<vmem>> -> memref<1x4x4x1024xf32, #tpu.memory_space<vmem>>
    %dma_wait3A_1810 = tpu.memref_squeeze %dma_wait3A_1809 : memref<1x4x4x1024xf32, #tpu.memory_space<vmem>> -> memref<4x4x1024xf32, #tpu.memory_space<vmem>>
    %dma_wait3A_1811 = arith.constant 0 : i32
    %dma_wait3A_1812 = arith.constant 0 : i32
    %dma_wait3A_1813 = tpu.memref_slice %arg4[%add3A_1461, %dma_wait3A_1811, %dma_wait3A_1812] : memref<2048x4x1024xf32, #tpu.memory_space<hbm>> -> memref<4x4x1024xf32, #tpu.memory_space<hbm>>
    %dma_wait3A_1814 = tpu.memref_slice %arg8[%dma_wait3A_1805] : memref<6x!tpu.dma_semaphore, #tpu.memory_space<semaphore_mem>> -> memref<1x!tpu.dma_semaphore, #tpu.memory_space<semaphore_mem>>
    %dma_wait3A_1815 = tpu.memref_squeeze %dma_wait3A_1814 : memref<1x!tpu.dma_semaphore, #tpu.memory_space<semaphore_mem>> -> memref<!tpu.dma_semaphore, #tpu.memory_space<semaphore_mem>>
    %dma_wait3A_1816 = arith.constant 0 : i32
    %dma_wait3A_1817 = arith.constant 0 : i32
    %dma_wait3A_1818 = tpu.memref_slice %arg4[%add3A_1461, %dma_wait3A_1816, %dma_wait3A_1817] : memref<2048x4x1024xf32, #tpu.memory_space<hbm>> -> memref<4x4x1024xf32, #tpu.memory_space<hbm>>
    %dma_wait3A_1819 = arith.constant 0 : i32
    %dma_wait3A_1820 = arith.constant 0 : i32
    %dma_wait3A_1821 = arith.constant 0 : i32
    %dma_wait3A_1822 = tpu.memref_slice %arg5[%dma_wait3A_1804, %dma_wait3A_1819, %dma_wait3A_1820, %dma_wait3A_1821] : memref<6x4x4x1024xf32, #tpu.memory_space<vmem>> -> memref<1x4x4x1024xf32, #tpu.memory_space<vmem>>
    %dma_wait3A_1823 = tpu.memref_squeeze %dma_wait3A_1822 : memref<1x4x4x1024xf32, #tpu.memory_space<vmem>> -> memref<4x4x1024xf32, #tpu.memory_space<vmem>>
    tpu.wait_dma2 semaphore(%dma_wait3A_1815 : memref<!tpu.dma_semaphore, #tpu.memory_space<semaphore_mem>>) src(%dma_wait3A_1823 : memref<4x4x1024xf32, #tpu.memory_space<vmem>>) dst(%dma_wait3A_1818 : memref<4x4x1024xf32, #tpu.memory_space<hbm>>)
    %dma_wait3A_1824 = arith.constant 0 : i32
    %dma_wait3A_1825 = arith.constant 0 : i32
    %dma_wait3A_1826 = arith.constant 0 : i32
    %dma_wait3A_1827 = arith.constant 0 : i32
    %dma_wait3A_1828 = arith.constant 0 : i32
    %dma_wait3A_1829 = tpu.memref_slice %arg5[%dma_wait3A_1824, %dma_wait3A_1826, %dma_wait3A_1827, %dma_wait3A_1828] : memref<6x4x4x1024xf32, #tpu.memory_space<vmem>> -> memref<1x4x4x1024xf32, #tpu.memory_space<vmem>>
    %dma_wait3A_1830 = tpu.memref_squeeze %dma_wait3A_1829 : memref<1x4x4x1024xf32, #tpu.memory_space<vmem>> -> memref<4x4x1024xf32, #tpu.memory_space<vmem>>
    %dma_wait3A_1831 = arith.constant 0 : i32
    %dma_wait3A_1832 = arith.constant 0 : i32
    %dma_wait3A_1833 = tpu.memref_slice %arg4[%add3A_1580, %dma_wait3A_1831, %dma_wait3A_1832] : memref<2048x4x1024xf32, #tpu.memory_space<hbm>> -> memref<4x4x1024xf32, #tpu.memory_space<hbm>>
    %dma_wait3A_1834 = tpu.memref_slice %arg8[%dma_wait3A_1825] : memref<6x!tpu.dma_semaphore, #tpu.memory_space<semaphore_mem>> -> memref<1x!tpu.dma_semaphore, #tpu.memory_space<semaphore_mem>>
    %dma_wait3A_1835 = tpu.memref_squeeze %dma_wait3A_1834 : memref<1x!tpu.dma_semaphore, #tpu.memory_space<semaphore_mem>> -> memref<!tpu.dma_semaphore, #tpu.memory_space<semaphore_mem>>
    %dma_wait3A_1836 = arith.constant 0 : i32
    %dma_wait3A_1837 = arith.constant 0 : i32
    %dma_wait3A_1838 = tpu.memref_slice %arg4[%add3A_1580, %dma_wait3A_1836, %dma_wait3A_1837] : memref<2048x4x1024xf32, #tpu.memory_space<hbm>> -> memref<4x4x1024xf32, #tpu.memory_space<hbm>>
    %dma_wait3A_1839 = arith.constant 0 : i32
    %dma_wait3A_1840 = arith.constant 0 : i32
    %dma_wait3A_1841 = arith.constant 0 : i32
    %dma_wait3A_1842 = tpu.memref_slice %arg5[%dma_wait3A_1824, %dma_wait3A_1839, %dma_wait3A_1840, %dma_wait3A_1841] : memref<6x4x4x1024xf32, #tpu.memory_space<vmem>> -> memref<1x4x4x1024xf32, #tpu.memory_space<vmem>>
    %dma_wait3A_1843 = tpu.memref_squeeze %dma_wait3A_1842 : memref<1x4x4x1024xf32, #tpu.memory_space<vmem>> -> memref<4x4x1024xf32, #tpu.memory_space<vmem>>
    tpu.wait_dma2 semaphore(%dma_wait3A_1835 : memref<!tpu.dma_semaphore, #tpu.memory_space<semaphore_mem>>) src(%dma_wait3A_1843 : memref<4x4x1024xf32, #tpu.memory_space<vmem>>) dst(%dma_wait3A_1838 : memref<4x4x1024xf32, #tpu.memory_space<hbm>>)
    %dma_wait3A_1844 = arith.constant 1 : i32
    %dma_wait3A_1845 = arith.constant 1 : i32
    %dma_wait3A_1846 = arith.constant 0 : i32
    %dma_wait3A_1847 = arith.constant 0 : i32
    %dma_wait3A_1848 = arith.constant 0 : i32
    %dma_wait3A_1849 = tpu.memref_slice %arg5[%dma_wait3A_1844, %dma_wait3A_1846, %dma_wait3A_1847, %dma_wait3A_1848] : memref<6x4x4x1024xf32, #tpu.memory_space<vmem>> -> memref<1x4x4x1024xf32, #tpu.memory_space<vmem>>
    %dma_wait3A_1850 = tpu.memref_squeeze %dma_wait3A_1849 : memref<1x4x4x1024xf32, #tpu.memory_space<vmem>> -> memref<4x4x1024xf32, #tpu.memory_space<vmem>>
    %dma_wait3A_1851 = arith.constant 0 : i32
    %dma_wait3A_1852 = arith.constant 0 : i32
    %dma_wait3A_1853 = tpu.memref_slice %arg4[%add3A_1641, %dma_wait3A_1851, %dma_wait3A_1852] : memref<2048x4x1024xf32, #tpu.memory_space<hbm>> -> memref<4x4x1024xf32, #tpu.memory_space<hbm>>
    %dma_wait3A_1854 = tpu.memref_slice %arg8[%dma_wait3A_1845] : memref<6x!tpu.dma_semaphore, #tpu.memory_space<semaphore_mem>> -> memref<1x!tpu.dma_semaphore, #tpu.memory_space<semaphore_mem>>
    %dma_wait3A_1855 = tpu.memref_squeeze %dma_wait3A_1854 : memref<1x!tpu.dma_semaphore, #tpu.memory_space<semaphore_mem>> -> memref<!tpu.dma_semaphore, #tpu.memory_space<semaphore_mem>>
    %dma_wait3A_1856 = arith.constant 0 : i32
    %dma_wait3A_1857 = arith.constant 0 : i32
    %dma_wait3A_1858 = tpu.memref_slice %arg4[%add3A_1641, %dma_wait3A_1856, %dma_wait3A_1857] : memref<2048x4x1024xf32, #tpu.memory_space<hbm>> -> memref<4x4x1024xf32, #tpu.memory_space<hbm>>
    %dma_wait3A_1859 = arith.constant 0 : i32
    %dma_wait3A_1860 = arith.constant 0 : i32
    %dma_wait3A_1861 = arith.constant 0 : i32
    %dma_wait3A_1862 = tpu.memref_slice %arg5[%dma_wait3A_1844, %dma_wait3A_1859, %dma_wait3A_1860, %dma_wait3A_1861] : memref<6x4x4x1024xf32, #tpu.memory_space<vmem>> -> memref<1x4x4x1024xf32, #tpu.memory_space<vmem>>
    %dma_wait3A_1863 = tpu.memref_squeeze %dma_wait3A_1862 : memref<1x4x4x1024xf32, #tpu.memory_space<vmem>> -> memref<4x4x1024xf32, #tpu.memory_space<vmem>>
    tpu.wait_dma2 semaphore(%dma_wait3A_1855 : memref<!tpu.dma_semaphore, #tpu.memory_space<semaphore_mem>>) src(%dma_wait3A_1863 : memref<4x4x1024xf32, #tpu.memory_space<vmem>>) dst(%dma_wait3A_1858 : memref<4x4x1024xf32, #tpu.memory_space<hbm>>)
    %dma_wait3A_1864 = arith.constant 2 : i32
    %dma_wait3A_1865 = arith.constant 2 : i32
    %dma_wait3A_1866 = arith.constant 0 : i32
    %dma_wait3A_1867 = arith.constant 0 : i32
    %dma_wait3A_1868 = arith.constant 0 : i32
    %dma_wait3A_1869 = tpu.memref_slice %arg5[%dma_wait3A_1864, %dma_wait3A_1866, %dma_wait3A_1867, %dma_wait3A_1868] : memref<6x4x4x1024xf32, #tpu.memory_space<vmem>> -> memref<1x4x4x1024xf32, #tpu.memory_space<vmem>>
    %dma_wait3A_1870 = tpu.memref_squeeze %dma_wait3A_1869 : memref<1x4x4x1024xf32, #tpu.memory_space<vmem>> -> memref<4x4x1024xf32, #tpu.memory_space<vmem>>
    %dma_wait3A_1871 = arith.constant 0 : i32
    %dma_wait3A_1872 = arith.constant 0 : i32
    %dma_wait3A_1873 = tpu.memref_slice %arg4[%add3A_1702, %dma_wait3A_1871, %dma_wait3A_1872] : memref<2048x4x1024xf32, #tpu.memory_space<hbm>> -> memref<4x4x1024xf32, #tpu.memory_space<hbm>>
    %dma_wait3A_1874 = tpu.memref_slice %arg8[%dma_wait3A_1865] : memref<6x!tpu.dma_semaphore, #tpu.memory_space<semaphore_mem>> -> memref<1x!tpu.dma_semaphore, #tpu.memory_space<semaphore_mem>>
    %dma_wait3A_1875 = tpu.memref_squeeze %dma_wait3A_1874 : memref<1x!tpu.dma_semaphore, #tpu.memory_space<semaphore_mem>> -> memref<!tpu.dma_semaphore, #tpu.memory_space<semaphore_mem>>
    %dma_wait3A_1876 = arith.constant 0 : i32
    %dma_wait3A_1877 = arith.constant 0 : i32
    %dma_wait3A_1878 = tpu.memref_slice %arg4[%add3A_1702, %dma_wait3A_1876, %dma_wait3A_1877] : memref<2048x4x1024xf32, #tpu.memory_space<hbm>> -> memref<4x4x1024xf32, #tpu.memory_space<hbm>>
    %dma_wait3A_1879 = arith.constant 0 : i32
    %dma_wait3A_1880 = arith.constant 0 : i32
    %dma_wait3A_1881 = arith.constant 0 : i32
    %dma_wait3A_1882 = tpu.memref_slice %arg5[%dma_wait3A_1864, %dma_wait3A_1879, %dma_wait3A_1880, %dma_wait3A_1881] : memref<6x4x4x1024xf32, #tpu.memory_space<vmem>> -> memref<1x4x4x1024xf32, #tpu.memory_space<vmem>>
    %dma_wait3A_1883 = tpu.memref_squeeze %dma_wait3A_1882 : memref<1x4x4x1024xf32, #tpu.memory_space<vmem>> -> memref<4x4x1024xf32, #tpu.memory_space<vmem>>
    tpu.wait_dma2 semaphore(%dma_wait3A_1875 : memref<!tpu.dma_semaphore, #tpu.memory_space<semaphore_mem>>) src(%dma_wait3A_1883 : memref<4x4x1024xf32, #tpu.memory_space<vmem>>) dst(%dma_wait3A_1878 : memref<4x4x1024xf32, #tpu.memory_space<hbm>>)
    %dma_wait3A_1884 = arith.constant 3 : i32
    %dma_wait3A_1885 = arith.constant 3 : i32
    %dma_wait3A_1886 = arith.constant 0 : i32
    %dma_wait3A_1887 = arith.constant 0 : i32
    %dma_wait3A_1888 = arith.constant 0 : i32
    %dma_wait3A_1889 = tpu.memref_slice %arg5[%dma_wait3A_1884, %dma_wait3A_1886, %dma_wait3A_1887, %dma_wait3A_1888] : memref<6x4x4x1024xf32, #tpu.memory_space<vmem>> -> memref<1x4x4x1024xf32, #tpu.memory_space<vmem>>
    %dma_wait3A_1890 = tpu.memref_squeeze %dma_wait3A_1889 : memref<1x4x4x1024xf32, #tpu.memory_space<vmem>> -> memref<4x4x1024xf32, #tpu.memory_space<vmem>>
    %dma_wait3A_1891 = arith.constant 0 : i32
    %dma_wait3A_1892 = arith.constant 0 : i32
    %dma_wait3A_1893 = tpu.memref_slice %arg4[%add3A_1763, %dma_wait3A_1891, %dma_wait3A_1892] : memref<2048x4x1024xf32, #tpu.memory_space<hbm>> -> memref<4x4x1024xf32, #tpu.memory_space<hbm>>
    %dma_wait3A_1894 = tpu.memref_slice %arg8[%dma_wait3A_1885] : memref<6x!tpu.dma_semaphore, #tpu.memory_space<semaphore_mem>> -> memref<1x!tpu.dma_semaphore, #tpu.memory_space<semaphore_mem>>
    %dma_wait3A_1895 = tpu.memref_squeeze %dma_wait3A_1894 : memref<1x!tpu.dma_semaphore, #tpu.memory_space<semaphore_mem>> -> memref<!tpu.dma_semaphore, #tpu.memory_space<semaphore_mem>>
    %dma_wait3A_1896 = arith.constant 0 : i32
    %dma_wait3A_1897 = arith.constant 0 : i32
    %dma_wait3A_1898 = tpu.memref_slice %arg4[%add3A_1763, %dma_wait3A_1896, %dma_wait3A_1897] : memref<2048x4x1024xf32, #tpu.memory_space<hbm>> -> memref<4x4x1024xf32, #tpu.memory_space<hbm>>
    %dma_wait3A_1899 = arith.constant 0 : i32
    %dma_wait3A_1900 = arith.constant 0 : i32
    %dma_wait3A_1901 = arith.constant 0 : i32
    %dma_wait3A_1902 = tpu.memref_slice %arg5[%dma_wait3A_1884, %dma_wait3A_1899, %dma_wait3A_1900, %dma_wait3A_1901] : memref<6x4x4x1024xf32, #tpu.memory_space<vmem>> -> memref<1x4x4x1024xf32, #tpu.memory_space<vmem>>
    %dma_wait3A_1903 = tpu.memref_squeeze %dma_wait3A_1902 : memref<1x4x4x1024xf32, #tpu.memory_space<vmem>> -> memref<4x4x1024xf32, #tpu.memory_space<vmem>>
    tpu.wait_dma2 semaphore(%dma_wait3A_1895 : memref<!tpu.dma_semaphore, #tpu.memory_space<semaphore_mem>>) src(%dma_wait3A_1903 : memref<4x4x1024xf32, #tpu.memory_space<vmem>>) dst(%dma_wait3A_1898 : memref<4x4x1024xf32, #tpu.memory_space<hbm>>)
    return
  }
}

</mosaic_0001>

<sc_bundles>
// kernel: kernel.3.cloned.1.call-start
scs
__scs_entry_jumppad:
0x0: {  	(pc) =	sbr.rel $0x88, $3  }
0x1: {  	(tag) =	ssettag $0x0;
	lr =	simm.s32 $0x1  }
0x2: {  	[smem:$0x3F9F] =	sst lr;
	_ =	strace $0xD0000000  }
0x3: {  	_ = 	snop  }
0x4: {  	_ = 	snop  }
0x5: {  	_ = 	snop  }
0x6: {  	_ = 	snop  }
0x7: {  	_ = 	snop  }
__scs_overlays_trampoline_lowered:
0x8: {  	[smem:$0x3FAE] =	sst s0  }
0x9: {  	[smem:$0x3FAF] =	sst s1  }
0xa: {  	[smem:$0x3FB0] =	sst s2  }
0xb: {  	[smem:$0x3FB1] =	sst s3  }
0xc: {  	[smem:$0x3FB2] =	sst s4  }
0xd: {  	[smem:$0x3FB3] =	sst s5  }
0xe: {  	[smem:$0x3FB4] =	sst s6  }
0xf: {  	[smem:$0x3FB5] =	sst s7  }
0x10: {  	[smem:$0x3FB6] =	sst s8  }
0x11: {  	[smem:$0x3FB7] =	sst s9;
	s0 =	simm.s32 @!p0 $0x0  }
0x12: {  	s1 =	sld [smem:$0x3F9D];
	s0 =	simm.s32 @p0 $0x1  }
0x13: {  	[smem:$0x3FB8] =	sst s0;
	s0 =	simm.s32 @!p1 $0x0  }
0x14: {  	s2 =	sld [smem:$0x3F9C];
	s0 =	simm.s32 @p1 $0x1  }
0x15: {  	[smem:$0x3FB9] =	sst s0;
	s0 =	simm.s32 @!p2 $0x0  }
0x16: {  	s3 =	sld [smem:$0x3FDB];
	s0 =	simm.s32 @p2 $0x1  }
0x17: {  	s4 =	simm.s32 $0x1BF5;
	[smem:$0x3FBB] =	sst s0  }
0x18: {  	s0 =	sld [smem:$0x3F9E];
	_ =	swait.ge [sflag:s4], $0x0  }
0x19: {  	s7 =	sld [smem:$0x3F9F]  }
0x1a: {  	s8 =	sadd.s32 $0xFFFFE003, lr  }
0x1b: {  	s9 =	sadd.s32 $0xFFFFFEF7, lr;
	s5 =	simm.s32 $0xFFFFFFFF;
	p2 =	slt.u32 s8, $0xFFFFF086  }
0x1c: {  	p1 =	slt.u32 s9, $0xF7A;
	s5 =	simm.s32 @!p2 $0x0  }
0x1d: {  	s5 =	simm.s32 @p1 $0x1;
	p0 =	seq.s32 s7, s2  }
0x1e: {  	s7 =	smul.u32 @!p0 $0xF7A, s2;
	p2 =	seq.s32 @!p0 s5, $0x0  }
0x1f: {  	s9 =	smul.u32 $0xF7A, s1;
	s8 =	simm.s32 @!p0 $0x1BF5;
	p2 =	por !p2, p0  }
0x20: {  	[sflag:s8] =	ssyncset.s32 @!p0 $0xFFFFF086;
	s6 =	sadd.s32 @!p0 s3, s7;
	s7 =	simm.s32 @!p0 $0x108  }
0x21: {  	s3 =	sadd.s32 s3, s9;
	s6 =	sadd.s32 @!p0 $0x88, s6;
	s7 =	simm.s32 @p2 $0x1082  }
0x22: {  	[simem:s7], [sflag:s8] =	dma.local @!p0 [hbm:s6], $0xF7A  }
0x23: {  	s9 =	sor.u32 $0xD0000000, s2;
	s6 =	simm.s32 $0x108;
	_ =	swait.ge @!p0 [sflag:s8], $0x0  }
0x24: {  	s3 =	sadd.s32 $0x88, s3;
	s6 =	simm.s32 @!p1 $0x1082;
	[sflag:s4] =	ssyncset.s32 $0xFFFFF086  }
0x25: {  	[simem:s6], [sflag:s4] =	dma.local [hbm:s3], $0xF7A  }
0x26: {  	[smem:$0x3F9F] =	sst s1;
	(tag) =	ssettag s2;
	_ =	strace s9  }
0x27: {  	s1 =	sld [smem:$0x3FAF]  }
0x28: {  	s2 =	sld [smem:$0x3FB0]  }
0x29: {  	s4 =	sld [smem:$0x3FB2]  }
0x2a: {  	p0 =	seq.s32 s5, $0x0;
	s5 =	sld [smem:$0x3FB3]  }
0x2b: {  	s6 =	sld [smem:$0x3FB4]  }
0x2c: {  	s7 =	sld [smem:$0x3FB5]  }
0x2d: {  	s3 =	simm.s32 $0x108;
	s8 =	sld [smem:$0x3FB6]  }
0x2e: {  	s3 =	simm.s32 @!p0 $0x1082;
	s9 =	sld [smem:$0x3FB7]  }
0x2f: {  	lr =	sadd.s32 s0, s3;
	s0 =	sld [smem:$0x3FAE]  }
0x30: {  	s3 =	sld [smem:$0x3FB1]  }
0x31: {  	[smem:$0x3FBA] =	sst s10  }
0x32: {  	s10 =	sld [smem:$0x3FB8];
	_ =	sdelay $0x3  }
0x33: {  	p0 =	seq.s32 s10, $0x1;
	s10 =	sld [smem:$0x3FBA];
	_ =	sdelay $0x3  }
0x34: {  	[smem:$0x3FBA] =	sst s10  }
0x35: {  	s10 =	sld [smem:$0x3FB9];
	_ =	sdelay $0x3  }
0x36: {  	p1 =	seq.s32 s10, $0x1;
	s10 =	sld [smem:$0x3FBA];
	_ =	sdelay $0x3  }
0x37: {  	[smem:$0x3FBA] =	sst s10  }
0x38: {  	s10 =	sld [smem:$0x3FBB]  }
0x39: {  	_ = 	snop;
	(pc) =	sbr.ind lr, $3  }
0x3a: {  	_ = 	snop  }
0x3b: {  	_ = 	snop  }
0x3c: {  	p2 =	seq.s32 s10, $0x1;
	s10 =	sld [smem:$0x3FBA]  }
0x3d: {  	_ =	shalt  }
0x3e: {  	_ =	shalt  }
0x3f: {  	_ =	shalt  }
0x40: {  	_ =	shalt  }
0x41: {  	_ =	shalt  }
0x42: {  	_ =	shalt  }
0x43: {  	_ =	shalt  }
0x44: {  	_ =	shalt  }
0x45: {  	_ =	shalt  }
0x46: {  	_ =	shalt  }
0x47: {  	_ =	shalt  }
0x48: {  	_ =	shalt  }
0x49: {  	_ =	shalt  }
0x4a: {  	_ =	shalt  }
0x4b: {  	_ =	shalt  }
0x4c: {  	_ =	shalt  }
0x4d: {  	_ =	shalt  }
0x4e: {  	_ =	shalt  }
0x4f: {  	_ =	shalt  }
0x50: {  	_ =	shalt  }
0x51: {  	_ =	shalt  }
0x52: {  	_ =	shalt  }
0x53: {  	_ =	shalt  }
0x54: {  	_ =	shalt  }
0x55: {  	_ =	shalt  }
0x56: {  	_ =	shalt  }
0x57: {  	_ =	shalt  }
0x58: {  	_ =	shalt  }
0x59: {  	_ =	shalt  }
0x5a: {  	_ =	shalt  }
0x5b: {  	_ =	shalt  }
0x5c: {  	_ =	shalt  }
0x5d: {  	_ =	shalt  }
0x5e: {  	_ =	shalt  }
0x5f: {  	_ =	shalt  }
0x60: {  	_ =	shalt  }
0x61: {  	_ =	shalt  }
0x62: {  	_ =	shalt  }
0x63: {  	_ =	shalt  }
0x64: {  	_ =	shalt  }
0x65: {  	_ =	shalt  }
0x66: {  	_ =	shalt  }
0x67: {  	_ =	shalt  }
0x68: {  	_ =	shalt  }
0x69: {  	_ =	shalt  }
0x6a: {  	_ =	shalt  }
0x6b: {  	_ =	shalt  }
0x6c: {  	_ =	shalt  }
0x6d: {  	_ =	shalt  }
0x6e: {  	_ =	shalt  }
0x6f: {  	_ =	shalt  }
0x70: {  	_ =	shalt  }
0x71: {  	_ =	shalt  }
0x72: {  	_ =	shalt  }
0x73: {  	_ =	shalt  }
0x74: {  	_ =	shalt  }
0x75: {  	_ =	shalt  }
0x76: {  	_ =	shalt  }
0x77: {  	_ =	shalt  }
0x78: {  	_ =	shalt  }
0x79: {  	_ =	shalt  }
0x7a: {  	_ =	shalt  }
0x7b: {  	_ =	shalt  }
0x7c: {  	_ =	shalt  }
0x7d: {  	_ =	shalt  }
0x7e: {  	_ =	shalt  }
0x7f: {  	_ =	shalt  }
0x80: {  	_ =	shalt  }
0x81: {  	_ =	shalt  }
0x82: {  	_ =	shalt  }
0x83: {  	_ =	shalt  }
0x84: {  	_ =	shalt  }
0x85: {  	_ =	shalt  }
0x86: {  	_ =	shalt  }
0x87: {  	_ =	shalt  }
.Lfunc_end0:
.L_simem_size_0:
called_computation_lowered:
.L_overlay_start_0:
0x88: {  	s2 =	sld [smem:$0x3FD9]  }
0x89: {  	s3 =	sld [smem:$0x3FFE];
	_ =	sdelay $0x1  }
0x8a: {  	s1 =	srdreg.scid  }
0x8b: {  	s0 =	sand.u32 $0x1, s1  }
0x8c: {  	s18 =	sshll.u32 s0, $0xA;
	s2 =	sadd.s32 s3, s2  }
0x8d: {  	s2 =	sadd.s32 s2, s18  }
0x8e: {  	[smem:$0x3FC6] =	sst s2  }
0x8f: {  	_ = 	snop  }
0x90: {  	s2 =	sld [smem:$0x3FC9]  }
0x91: {  	s19 =	sld [smem:$0x3FC8]  }
0x92: {  	s4 =	sld [smem:$0x3FD0];
	(tm) =	ssettm $0x1  }
0x93: {  	s5 =	sld [smem:$0x3FFB];
	_ =	sdelay $0x3  }
0x94: {  	_ =	strace s5  }
0x95: {  	s5 =	sld [smem:$0x3FFC];
	_ =	sdelay $0x3  }
0x96: {  	_ =	strace s5  }
0x97: {  	s5 =	sld [smem:$0x3FFD];
	_ =	sdelay $0x3  }
0x98: {  	_ =	strace s5  }
0x99: {  	_ =	strace $0x8FFFFFFF  }
0x9a: {  	s20 =	sld [smem:$0x3FDB];
	_ =	sdelay $0x1  }
0x9b: {  	s6 =	simm.s32 $_scs_section_size  }
0x9c: {  	s7 =	simm.s32 $_size__tile_overlayer_lowered;
	s8 =	simm.s32 $_tile_overlayer_lowered  }
0x9d: {  	s23 =	simm.s32 $0x1BFF;
	s22 =	sshll.u32 s8, $0x1;
	s5 =	sadd.s32 s6, s20  }
0x9e: {  	s9 =	simm.s32 $0x0;
	s21 =	sshll.u32 s7, $0x1;
	s7 =	sadd.s32 s22, s5  }
0x9f: {  	[timem:s9], [sflag:s23] =	dma.local [hbm:s7], s21  }
0xa0: {  	_ =	swait.ge [sflag:s23], s21  }
0xa1: {  	s6 =	ssub.s32 $0x0, s21;
	[sflag:s23] =	ssyncset.done $0x0  }
0xa2: {  	[sflag:s23] =	ssyncadd.s32 s6;
	_ =	sdelay $0x1  }
0xa3: {  	s24 =	simm.s32 $0x1B8B  }
0xa4: {  	_ =	swait.ge [sflag:s24], $0x1  }
0xa5: {  	[sflag:s24] =	ssyncset.done $0x0  }
0xa6: {  	s25 =	simm.s32 $0x1B8E;
	[sflag:s24] =	ssyncadd.s32 $0xFFFFFFFF  }
0xa7: {  	s26 =	simm.s32 $execute0_lowered;
	[smem:$0x3FD2] =	sst s25  }
0xa8: {  	s6 =	sshll.u32 s26, $0x1;
	_ =	strace $0x80000046;
	[dreg:$0x1] =	wrdreg $0xFFFFFFFF  }
0xa9: {  	s28 =	simm.s32 $_size_execute0_lowered;
	s5 =	sadd.s32 s5, s6;
	[dreg:$0x0] =	wrdreg $0x0  }
0xaa: {  	s6 =	sshll.u32 s28, $0x1;
	[dreg:$0x2] =	wrdreg s5  }
0xab: {  	[dreg:$0x3] =	wrdreg s6  }
0xac: {  	[dreg:$0x4] =	wrdreg $0xC0  }
0xad: {  	_ =	task [dreg:s9], $0x5FFFF  }
0xae: {  	[dreg:$0x1] =	wrdreg $0xFFFFFFFF  }
0xaf: {  	[dreg:$0x0] =	wrdreg $0x60  }
0xb0: {  	[dreg:$0x2] =	wrdreg s2  }
0xb1: {  	[dreg:$0x3] =	wrdreg s19  }
0xb2: {  	[dreg:$0x4] =	wrdreg s4  }
0xb3: {  	[dreg:$0x5] =	wrdreg $0x9  }
0xb4: {  	_ =	task.clear_ibuf [dreg:s9], $0x6FFFF;
	_ =	strace $0x90000046  }
0xb5: {  	s29 =	simm.s32 $0x9;
	_ =	strace $0x80000048  }
0xb6: {  	_ =	swait.ge [sflag:s29], $0x1  }
0xb7: {  	[sflag:s29] =	ssyncadd.s32 $0xFFFFFFFF  }
0xb8: {  	_ =	strace $0x90000048  }
0xb9: {  	_ =	sfence  }
0xba: {  	s30 =	sld [smem:$0x0];
	_ =	sdelay $0x2  }
0xbb: {  	s31 =	sshll.u32 s1, $0xD;
	s1 =	sshrl.u32 s1, $0x2  }
0xbc: {  	s3 =	sand.u32 $0x4000, s31;
	s1 =	sadd.s32 s1, s30  }
0xbd: {  	s0 =	sor.u32 s3, s0;
	s1 =	sshll.u32 s1, $0x11  }
0xbe: {  	s0 =	sor.u32 s1, s0  }
0xbf: {  	s0 =	sadd.s32 $0x8F2B, s0  }
0xc0: {  	[sflag:s0] =	ssyncadd.remote.s32 $0x1  }
0xc1: {  	_ =	sfence.sel $0xFFFF  }
0xc2: {  	[dreg:$0x0] =	wrdreg $0xFFFFFFFF;
	(pc) =	sbr.abs _section_cstart, $3  }
0xc3: {  	[dreg:$0x1] =	wrdreg $0xFFFFFFFF  }
0xc4: {  	_ =	task.clear_ibuf [dreg:s9], $0x2FFFF;
	_ =	strace $0x9FFFFFFF  }
0xc5: {  	(tm) =	ssettm $0x7FFFFFFF  }
tec
execute0_lowered:
.L_overlay_start_1:
0x0: {  	(tag) =	ssettag $0x1  }
0x1: {  	s0 =	srdreg.scid  }
0x2: {  	s1 =	stileid.u32;
	s0 =	sand.u32 $0x1, s0  }
0x3: {  	s1 =	sshll.u32 s1, $0x7;
	s2 =	sshll.u32 s0, $0x6  }
0x4: {  	s3 =	rddreg [dreg:$0x1];
	s0 =	ssub.s32 $0x2, s0;
	s2 =	sor.u32 s2, s1  }
0x5: {  	s5 =	sadd.s32 $0x40, s3;
	s9 =	sshrl.u32 s0, $0x1;
	s4 =	sshll.u32 s2, $0x7  }
0x6: {  	s0 =	ssub.s32 s0, s9;
	s6 =	sor.u32 $0x8, s2;
	s7 =	sor.u32 $0xC, s2  }
0x7: {  	s8 =	sor.u32 $0x14, s2;
	s9 =	sor.u32 $0x18, s2;
	s10 =	sadd.s32 s3, s4  }
0x8: {  	s11 =	sadd.s32 s4, s5;
	s12 =	sshll.u32 s6, $0x7;
	s13 =	sshll.u32 s7, $0x7  }
0x9: {  	s4 =	sor.u32 $0x10, s2;
	s16 =	sshll.u32 s8, $0x7;
	[dreg:$0x4] =	wrdreg s10  }
0xa: {  	s17 =	sshll.u32 s9, $0x7;
	[dreg:$0x5] =	wrdreg s11;
	s1 =	sadd.s32 s3, s12  }
0xb: {  	s14 =	sand.u32 $0x3E400, s13;
	s15 =	sshll.u32 s4, $0x7;
	s10 =	sand.u32 $0x3E800, s16  }
0xc: {  	s11 =	sor.u32 $0x20, s2;
	s12 =	sor.u32 $0x1C, s2;
	s13 =	sor.u32 $0x28, s2  }
0xd: {  	[dreg:$0x6] =	wrdreg s1;
	s1 =	sadd.s32 s14, s5;
	s18 =	sshll.u32 s11, $0x7  }
0xe: {  	s14 =	sor.u32 $0x30, s2;
	s21 =	sshll.u32 s12, $0x7;
	s10 =	sadd.s32 s10, s5  }
0xf: {  	[dreg:$0x7] =	wrdreg s1;
	s1 =	sadd.s32 s3, s15;
	s15 =	sshll.u32 s13, $0x7  }
0x10: {  	s16 =	sshll.u32 s14, $0x7;
	[dreg:$0xe] =	wrdreg s10;
	s10 =	sor.u32 $0x2C, s2  }
0x11: {  	[dreg:$0x8] =	wrdreg s1;
	s1 =	sadd.s32 s3, s17;
	s15 =	sadd.s32 s3, s15  }
0x12: {  	s19 =	sadd.s32 s3, s16;
	s24 =	sshll.u32 s10, $0x7;
	[dreg:$0x9] =	wrdreg s1  }
0x13: {  	s17 =	sor.u32 $0x34, s2;
	s16 =	simm.s32 $0x0;
	[dreg:$0xb] =	wrdreg s15  }
0x14: {  	s1 =	sadd.s32 s3, s18;
	[dreg:$0xc] =	wrdreg s19;
	s15 =	sor.u32 $0x24, s2  }
0x15: {  	s25 =	sshll.u32 s17, $0x7;
	s18 =	sor.u32 $0x3C, s2;
	[smem:$0x7FF] =	sst s16  }
0x16: {  	[dreg:$0xa] =	wrdreg s1;
	s1 =	sor.u32 $0x38, s2;
	s22 =	sshll.u32 s15, $0x7  }
0x17: {  	s26 =	sand.u32 $0x3F800, s25;
	s28 =	sshll.u32 s18, $0x7;
	s2 =	sshll.u32 s2, $0x9  }
0x18: {  	s20 =	sshll.u32 s1, $0x7;
	s23 =	sand.u32 $0x3F000, s22;
	s19 =	sand.u32 $0x3FC00, s28  }
0x19: {  	s3 =	sadd.s32 s3, s20;
	s20 =	sshll.u32 s6, $0x9;
	s6 =	rddreg [dreg:$0x0]  }
0x1a: {  	s22 =	sor.u32 $0x800, s2;
	[dreg:$0xd] =	wrdreg s3;
	s3 =	sand.u32 $0x3EC00, s21  }
0x1b: {  	s21 =	sshll.u32 s7, $0x9;
	s7 =	rddreg [dreg:$0x2];
	s28 =	sadd.s32 s6, s20  }
0x1c: {  	s3 =	sadd.s32 s3, s5;
	s25 =	sadd.s32 s7, s22;
	[dreg:$0x18] =	wrdreg s28  }
0x1d: {  	s28 =	sshll.u32 s13, $0x9;
	[dreg:$0xf] =	wrdreg s3;
	s3 =	sadd.s32 s23, s5  }
0x1e: {  	s23 =	sshll.u32 s4, $0x9;
	[dreg:$0x17] =	wrdreg s25;
	s25 =	sshll.u32 s15, $0x9  }
0x1f: {  	s15 =	sshll.u32 s17, $0x9;
	s17 =	sadd.s32 s6, s28;
	[dreg:$0x10] =	wrdreg s3  }
0x20: {  	s3 =	sand.u32 $0x3F400, s24;
	s24 =	sadd.s32 s6, s22;
	[smem:$0x7F1] =	sst s17  }
0x21: {  	s22 =	sadd.s32 s6, s23;
	[dreg:$0x16] =	wrdreg s24  }
0x22: {  	s13 =	sshll.u32 s14, $0x9;
	s14 =	sadd.s32 s6, s25;
	[dreg:$0x1c] =	wrdreg s22  }
0x23: {  	s3 =	sadd.s32 s3, s5;
	[smem:$0x7EF] =	sst s14  }
0x24: {  	s22 =	sadd.s32 s6, s13;
	[dreg:$0x11] =	wrdreg s3  }
0x25: {  	s3 =	sadd.s32 s26, s5;
	[smem:$0x7F5] =	sst s22  }
0x26: {  	[dreg:$0x12] =	wrdreg s3;
	s3 =	sadd.s32 s19, s5  }
0x27: {  	s19 =	sadd.s32 s6, s2;
	[dreg:$0x13] =	wrdreg s3  }
0x28: {  	s2 =	sadd.s32 s7, s2;
	[dreg:$0x14] =	wrdreg s19  }
0x29: {  	s26 =	sshll.u32 s8, $0x9;
	s5 =	sadd.s32 s7, s21;
	[dreg:$0x15] =	wrdreg s2  }
0x2a: {  	s24 =	sadd.s32 s6, s26;
	[dreg:$0x1b] =	wrdreg s5  }
0x2b: {  	s30 =	simm.s32 $0x4000;
	s4 =	sadd.s32 s7, s26;
	[dreg:$0x1e] =	wrdreg s24  }
0x2c: {  	s29 =	simm.s32 $0xC000;
	s3 =	sadd.s32 s7, s20;
	[dreg:$0x1f] =	wrdreg s4  }
0x2d: {  	s31 =	simm.s32 $0x1;
	s20 =	sadd.s32 s6, s21;
	[dreg:$0x19] =	wrdreg s3  }
0x2e: {  	s0 =	smax.u32 s0, $0x1;
	s2 =	sadd.s32 s7, s23;
	[dreg:$0x1a] =	wrdreg s20  }
0x2f: {  	s1 =	sshll.u32 s1, $0x9;
	s4 =	sadd.s32 s7, s25;
	[dreg:$0x1d] =	wrdreg s2  }
0x30: {  	s22 =	simm.s32 $0x400;
	s24 =	sadd.s32 s6, s1;
	[smem:$0x7F0] =	sst s4  }
0x31: {  	s19 =	sshll.u32 s9, $0x9;
	s1 =	sadd.s32 s7, s1;
	[smem:$0x7F7] =	sst s24  }
0x32: {  	s8 =	simm.s32 $0x9;
	s26 =	sadd.s32 s6, s19;
	[smem:$0x7FB] =	sst s1  }
0x33: {  	s21 =	sshll.u32 s12, $0x9;
	s3 =	sadd.s32 s7, s19;
	[smem:$0x7E9] =	sst s26  }
0x34: {  	s23 =	sshll.u32 s11, $0x9;
	s9 =	sadd.s32 s6, s21;
	[smem:$0x7EA] =	sst s3  }
0x35: {  	s11 =	sshll.u32 s10, $0x9;
	s5 =	sadd.s32 s7, s21;
	[smem:$0x7EB] =	sst s9  }
0x36: {  	s10 =	simm.s32 $0xA;
	s12 =	sadd.s32 s6, s23;
	[smem:$0x7EC] =	sst s5  }
0x37: {  	s2 =	sadd.s32 s7, s23;
	s19 =	sadd.s32 s6, s11;
	[smem:$0x7ED] =	sst s12  }
0x38: {  	s20 =	sadd.s32 s7, s11;
	s21 =	sshll.u32 s18, $0x9;
	[smem:$0x7EE] =	sst s2  }
0x39: {  	s23 =	sadd.s32 s6, s15;
	s1 =	simm.s32 $0x2;
	[smem:$0x7F3] =	sst s19  }
0x3a: {  	s4 =	simm.s32 $0x7;
	s11 =	simm.s32 $0xB;
	[smem:$0x7F4] =	sst s20  }
0x3b: {  	s3 =	sadd.s32 s7, s28;
	[smem:$0x7F6] =	sst s23;
	s25 =	sadd.s32 s6, s21  }
0x3c: {  	s2 =	sadd.s32 s7, s13;
	s26 =	sadd.s32 s7, s15;
	[smem:$0x7F2] =	sst s3  }
0x3d: {  	s28 =	sadd.s32 s7, s21;
	s21 =	simm.s32 $0x200;
	[smem:$0x7F8] =	sst s25  }
0x3e: {  	s5 =	simm.s32 $0x4;
	s6 =	simm.s32 $0x8;
	[smem:$0x7F9] =	sst s2  }
0x3f: {  	s7 =	simm.s32 $0x5;
	s9 =	simm.s32 $0x6;
	[smem:$0x7FA] =	sst s26  }
0x40: {  	s12 =	simm.s32 $0xC;
	s13 =	simm.s32 $0x0;
	[smem:$0x7FC] =	sst s28  }
0x41: {  	s3 =	simm.s32 $0x3;
	_ =	strace $0x80000047;
	[smem:$0x7FD] =	sst s0  }
.LBB2_1:
0x42: {  	s0 =	rddreg [dreg:$0x14]  }
0x43: {  	[tilespmem:s16], [sflag:$0x1] =	stream.linear.gather [hbm4b:s0+s16], $0x4000, $0x38;
	[tilespmem:$0x1E000] =	vst v63  }
0x44: {  	s28 =	rddreg [dreg:$0x4];
	s2 =	simm.s32 $0x18000  }
0x45: {  	[tilespmem:s2], [sflag:$0x1] =	stream.strided.gather [hbm4b:s28+s21], $0x1000, s22, s21, $0x38;
	[tilespmem:$0x1E000] =	vst v63  }
0x46: {  	s14 =	rddreg [dreg:$0x16]  }
0x47: {  	[tilespmem:s30], [sflag:$0x2] =	stream.linear.gather [hbm4b:s14+s16], $0x4000, $0x38;
	[tilespmem:$0x1E000] =	vst v63  }
0x48: {  	s15 =	rddreg [dreg:$0x5];
	s17 =	simm.s32 $0x19000  }
0x49: {  	[tilespmem:s17], [sflag:$0x2] =	stream.strided.gather [hbm4b:s15+s21], $0x1000, s22, s21, $0x38;
	[tilespmem:$0x1E000] =	vst v63  }
0x4a: {  	s18 =	rddreg [dreg:$0x18];
	s19 =	simm.s32 $0x8000  }
0x4b: {  	[tilespmem:s19], [sflag:$0x3] =	stream.linear.gather [hbm4b:s18+s16], $0x4000, $0x38;
	[tilespmem:$0x1E000] =	vst v63  }
0x4c: {  	s20 =	rddreg [dreg:$0x6];
	s23 =	simm.s32 $0x1A000  }
0x4d: {  	[tilespmem:s23], [sflag:$0x3] =	stream.strided.gather [hbm4b:s20+s21], $0x1000, s22, s21, $0x38;
	[tilespmem:$0x1E000] =	vst v63  }
0x4e: {  	s24 =	rddreg [dreg:$0x1a]  }
0x4f: {  	[tilespmem:s29], [sflag:$0x4] =	stream.linear.gather [hbm4b:s24+s16], $0x4000, $0x38;
	[tilespmem:$0x1E000] =	vst v63  }
0x50: {  	s25 =	rddreg [dreg:$0x7];
	s26 =	simm.s32 $0x1B000  }
0x51: {  	[tilespmem:s26], [sflag:$0x4] =	stream.strided.gather [hbm4b:s25+s21], $0x1000, s22, s21, $0x38;
	[tilespmem:$0x1E000] =	vst v63  }
0x52: {  	s14 =	simm.s32 $0x0;
	_ =	swait.ge [sflag:s31], $0x4000  }
0x53: {  	s14 =	sand.u32 $0x3FFFFF80, s14;
	s17 =	simm.s32 $0x0;
	[sflag:s31] =	ssyncset.done $0x0  }
0x54: {  	s15 =	sand.u32 $0x40, s16;
	s17 =	sand.u32 $0x3FFFF000, s17;
	[sflag:s31] =	ssyncadd.s32 $0xFFFFC000  }
0x55: {  	s28 =	sor.u32 $0x30, s15;
	s18 =	sand.u32 $0xE00, s16;
	_ =	swait.ge [sflag:s31], $0x1000  }
0x56: {  	s14 =	sadd.s32 s18, s14;
	s18 =	sor.u32 s18, s17;
	[sflag:s31] =	ssyncset.done $0x0  }
0x57: {  	s19 =	sadd.s32 $0x18000, s14;
	s14 =	sor.u32 s28, s18;
	[sflag:s31] =	ssyncadd.s32 $0xFFFFF000  }
0x58: {  	s17 =	sor.u32 s28, s19;
	v3 =	vld [tilespmem:s14+$0x180]  }
0x59: {  	s20 =	sor.u32 $0x10, s15;
	s23 =	sor.u32 s15, s19;
	v0 =	vld [tilespmem:s17+$0x0]  }
0x5a: {  	s30 =	sor.u32 s20, s19;
	s25 =	sor.u32 $0x20, s15;
	v8 =	vld [tilespmem:s23+$0x0]  }
0x5b: {  	s19 =	sor.u32 s25, s19;
	v2 =	vld [tilespmem:s30+$0x0]  }
0x5c: {  	s23 =	sor.u32 s15, s18;
	v1 =	vld [tilespmem:s19+$0x0]  }
0x5d: {  	v4 =	vld [tilespmem:s23+$0x0]  }
0x5e: {  	v9 =	vld [tilespmem:s23+$0x100]  }
0x5f: {  	v5 =	vld [tilespmem:s23+$0x80]  }
0x60: {  	s17 =	sor.u32 s20, s18;
	v10 =	vld [tilespmem:s23+$0x180]  }
0x61: {  	v11 =	vld [tilespmem:s17+$0x0];
	v3 =	vadd.f32 v3, v0  }
0x62: {  	v7 =	vld [tilespmem:s17+$0x80];
	v4 =	vadd.f32 v4, v8  }
0x63: {  	v6 =	vld [tilespmem:s17+$0x100];
	v12 =	vadd.f32 v9, v8;
	[tilespmem:s14+$0x180] =	vst v3  }
0x64: {  	s15 =	sor.u32 s25, s18;
	v3 =	vadd.f32 v5, v8;
	v5 =	vld [tilespmem:s17+$0x180];
	[tilespmem:s23+$0x0] =	vst v4  }
0x65: {  	v9 =	vadd.f32 v10, v8;
	v4 =	vld [tilespmem:s15+$0x0];
	[tilespmem:s23+$0x100] =	vst v12  }
0x66: {  	s18 =	simm.s32 $0x0;
	s19 =	simm.s32 $0x0;
	s20 =	simm.s32 $0x0;
	v8 =	vadd.f32 v11, v2;
	[tilespmem:s23+$0x80] =	vst v3;
	v3 =	vld [tilespmem:s15+$0x80]  }
.LBB2_2:
0x67: {  	s18 =	sadd.s32 $0x4, s18;
	[tilespmem:s23+$0x180] =	vst v9;
	v7 =	vadd.f32 v7, v2;
	v9 =	vld [tilespmem:s15+$0x100];
	s19 =	sadd.s32 $0x100, s19;
	s20 =	sadd.s32 $0x40, s20  }
0x68: {  	s23 =	sand.u32 $0x40, s20;
	s25 =	sshll.u32 s18, $0x1;
	s28 =	sshll.u32 s18, $0x6;
	[tilespmem:s17+$0x0] =	vst v8;
	v6 =	vadd.f32 v6, v2;
	v8 =	vld [tilespmem:s15+$0x180]  }
0x69: {  	s30 =	sand.u32 $0xE00, s19;
	s25 =	sand.u32 $0x3FFFFF80, s25;
	s28 =	sand.u32 $0x3FFFF000, s28;
	[tilespmem:s17+$0x80] =	vst v7;
	v2 =	vadd.f32 v5, v2;
	v5 =	vld [tilespmem:s14+$0x0]  }
0x6a: {  	s25 =	sadd.s32 s30, s25;
	s28 =	sor.u32 s30, s28;
	s30 =	sor.u32 $0x30, s23;
	[tilespmem:s17+$0x100] =	vst v6;
	v4 =	vadd.f32 v4, v1;
	v6 =	vld [tilespmem:s14+$0x80]  }
0x6b: {  	s0 =	sor.u32 $0x10, s23;
	s25 =	sadd.s32 $0x18000, s25;
	s2 =	sor.u32 s30, s28;
	[tilespmem:s17+$0x180] =	vst v2;
	v2 =	vadd.f32 v3, v1;
	v3 =	vld [tilespmem:s14+$0x100]  }
0x6c: {  	s24 =	sor.u32 $0x20, s23;
	s17 =	sor.u32 s23, s25;
	s30 =	sor.u32 s30, s25;
	v7 =	vld [tilespmem:s2+$0x180];
	[tilespmem:s15+$0x0] =	vst v4;
	v4 =	vadd.f32 v9, v1  }
0x6d: {  	s23 =	sor.u32 s23, s28;
	s26 =	sor.u32 s0, s25;
	s25 =	sor.u32 s24, s25;
	v9 =	vld [tilespmem:s30+$0x0];
	[tilespmem:s15+$0x80] =	vst v2;
	v1 =	vadd.f32 v8, v1  }
0x6e: {  	p0 =	slt.u32 s18, $0xFC;
	v8 =	vld [tilespmem:s17+$0x0];
	s17 =	sor.u32 s0, s28;
	s0 =	sor.u32 s24, s28;
	[tilespmem:s15+$0x100] =	vst v4;
	v4 =	vadd.f32 v5, v0  }
0x6f: {  	v2 =	vld [tilespmem:s26+$0x0];
	[tilespmem:s15+$0x180] =	vst v1;
	v5 =	vadd.f32 v6, v0;
	s15 =	smov.u32 s0  }
0x70: {  	v1 =	vld [tilespmem:s25+$0x0];
	[tilespmem:s14+$0x0] =	vst v4;
	v6 =	vadd.f32 v3, v0  }
0x71: {  	v3 =	vld [tilespmem:s23+$0x0];
	[tilespmem:s14+$0x80] =	vst v5  }
0x72: {  	v4 =	vld [tilespmem:s23+$0x80];
	v5 =	vadd.f32 v7, v9;
	[tilespmem:s14+$0x100] =	vst v6;
	v0 =	vmov v9;
	s14 =	smov.u32 s2  }
0x73: {  	v9 =	vld [tilespmem:s23+$0x100]  }
0x74: {  	v10 =	vld [tilespmem:s23+$0x180];
	[tilespmem:s14+$0x180] =	vst v5  }
0x75: {  	v11 =	vld [tilespmem:s17+$0x0]  }
.Ltmp0:
0x76: {  	v3 =	vadd.f32 v3, v8;
	v7 =	vld [tilespmem:s17+$0x80];
	(pc) =	sbr.rel @p0 .LBB2_2-.Ltmp0, $4  }
0x77: {  	v4 =	vadd.f32 v4, v8;
	v6 =	vld [tilespmem:s17+$0x100]  }
0x78: {  	[tilespmem:s23+$0x0] =	vst v3;
	v3 =	vadd.f32 v9, v8;
	v5 =	vld [tilespmem:s17+$0x180]  }
0x79: {  	[tilespmem:s23+$0x80] =	vst v4;
	v9 =	vadd.f32 v10, v8;
	v4 =	vld [tilespmem:s15+$0x0]  }
0x7a: {  	[tilespmem:s23+$0x100] =	vst v3;
	v8 =	vadd.f32 v11, v2;
	v3 =	vld [tilespmem:s15+$0x80]  }
0x7b: {  	[tilespmem:s23+$0x180] =	vst v9;
	v7 =	vadd.f32 v7, v2;
	v62 =	vld [tilespmem:s15+$0x100]  }
0x7c: {  	[tilespmem:s17+$0x0] =	vst v8;
	v6 =	vadd.f32 v6, v2;
	v8 =	vld [tilespmem:s15+$0x180]  }
0x7d: {  	[tilespmem:s17+$0x80] =	vst v7;
	v2 =	vadd.f32 v5, v2;
	v5 =	vld [tilespmem:s14+$0x0]  }
0x7e: {  	[tilespmem:s17+$0x100] =	vst v6;
	v4 =	vadd.f32 v4, v1;
	v6 =	vld [tilespmem:s14+$0x80]  }
0x7f: {  	[tilespmem:s17+$0x180] =	vst v2;
	v2 =	vadd.f32 v3, v1;
	v3 =	vld [tilespmem:s14+$0x100]  }
0x80: {  	[tilespmem:s15+$0x0] =	vst v4;
	v4 =	vadd.f32 v62, v1  }
0x81: {  	[tilespmem:s15+$0x80] =	vst v2;
	v1 =	vadd.f32 v8, v1  }
0x82: {  	[tilespmem:s15+$0x100] =	vst v4;
	v2 =	vadd.f32 v5, v0  }
0x83: {  	[tilespmem:s15+$0x180] =	vst v1;
	v1 =	vadd.f32 v6, v0  }
0x84: {  	[tilespmem:s14+$0x0] =	vst v2;
	v0 =	vadd.f32 v3, v0  }
0x85: {  	[tilespmem:s14+$0x80] =	vst v1  }
0x86: {  	[tilespmem:s14+$0x100] =	vst v0  }
0x87: {  	s15 =	simm.s32 $0x0;
	s0 =	rddreg [dreg:$0x15]  }
0x88: {  	[hbm4b:s0+s15] =	stream.linear.scatter [tilespmem:s15], [sflag:$0x7], $0x4000, $0x38;
	[tilespmem:$0x1E000] =	vst v63  }
0x89: {  	s2 =	simm.s32 $0x10000;
	s17 =	rddreg [dreg:$0x1c]  }
0x8a: {  	[tilespmem:s2], [sflag:$0x5] =	stream.linear.gather [hbm4b:s17+s15], $0x4000, $0x38;
	[tilespmem:$0x1E000] =	vst v63  }
0x8b: {  	s19 =	simm.s32 $0x1C000;
	s18 =	rddreg [dreg:$0x8]  }
0x8c: {  	[tilespmem:s19], [sflag:$0x5] =	stream.strided.gather [hbm4b:s18+s21], $0x1000, s22, s21, $0x38;
	[tilespmem:$0x1E000] =	vst v63  }
0x8d: {  	s20 =	simm.s32 $0x0;
	s24 =	simm.s32 $0x0;
	_ =	swait.ge [sflag:s1], $0x4000  }
0x8e: {  	s23 =	sand.u32 $0xE00, s15;
	s25 =	sand.u32 $0x40, s15;
	[sflag:s1] =	ssyncset.done $0x0  }
0x8f: {  	s26 =	sor.u32 $0x30, s25;
	s0 =	sand.u32 $0x3FFFFF80, s20;
	[sflag:s1] =	ssyncadd.s32 $0xFFFFC000  }
0x90: {  	s14 =	sand.u32 $0x3FFFF000, s24;
	s0 =	sadd.s32 s23, s0;
	_ =	swait.ge [sflag:s1], $0x1000  }
0x91: {  	s0 =	sadd.s32 $0x19000, s0;
	s2 =	sor.u32 s23, s14;
	[sflag:s1] =	ssyncset.done $0x0  }
0x92: {  	s2 =	sadd.s32 $0x4000, s2;
	s18 =	sor.u32 s26, s0;
	[sflag:s1] =	ssyncadd.s32 $0xFFFFF000  }
0x93: {  	s14 =	sor.u32 s26, s2;
	v0 =	vld [tilespmem:s18+$0x0]  }
0x94: {  	s28 =	sor.u32 s25, s0;
	v1 =	vld [tilespmem:s14+$0x180]  }
0x95: {  	s20 =	sor.u32 s25, s2;
	v3 =	vld [tilespmem:s28+$0x0]  }
0x96: {  	v4 =	vld [tilespmem:s20+$0x0]  }
0x97: {  	v5 =	vld [tilespmem:s20+$0x80]  }
0x98: {  	v6 =	vld [tilespmem:s20+$0x100]  }
0x99: {  	s30 =	sor.u32 $0x10, s25  }
0x9a: {  	s19 =	sor.u32 s30, s0;
	v7 =	vld [tilespmem:s20+$0x180]  }
0x9b: {  	s18 =	sor.u32 s30, s2;
	v2 =	vld [tilespmem:s19+$0x0];
	v1 =	vadd.f32 v1, v0  }
0x9c: {  	v8 =	vld [tilespmem:s18+$0x0];
	v4 =	vadd.f32 v4, v3  }
0x9d: {  	v63 =	vadd.f32 v6, v3;
	[tilespmem:s14+$0x180] =	vst v1;
	v1 =	vadd.f32 v5, v3;
	v5 =	vld [tilespmem:s18+$0x80]  }
0x9e: {  	s17 =	sor.u32 $0x20, s25;
	v6 =	vld [tilespmem:s18+$0x100];
	[tilespmem:s20+$0x0] =	vst v4  }
0x9f: {  	s0 =	sor.u32 s17, s0;
	v3 =	vadd.f32 v7, v3;
	v4 =	vld [tilespmem:s18+$0x180];
	[tilespmem:s20+$0x100] =	vst v63  }
0xa0: {  	s17 =	sor.u32 s17, s2;
	[tilespmem:s20+$0x80] =	vst v1;
	v1 =	vld [tilespmem:s0+$0x0]  }
0xa1: {  	s19 =	simm.s32 $0x0;
	v7 =	vadd.f32 v8, v2;
	[tilespmem:s20+$0x180] =	vst v3;
	v3 =	vld [tilespmem:s17+$0x0];
	s20 =	simm.s32 $0x0  }
.LBB2_4:
0xa2: {  	s19 =	sadd.s32 $0x4, s19;
	v5 =	vadd.f32 v5, v2;
	v8 =	vld [tilespmem:s17+$0x80]  }
0xa3: {  	s15 =	sadd.s32 $0x100, s15;
	s20 =	sadd.s32 $0x40, s20;
	s0 =	sshll.u32 s19, $0x1;
	[tilespmem:s18+$0x0] =	vst v7;
	v6 =	vadd.f32 v6, v2;
	v7 =	vld [tilespmem:s17+$0x100]  }
0xa4: {  	s2 =	sand.u32 $0xE00, s15;
	s23 =	sshll.u32 s19, $0x6;
	s0 =	sand.u32 $0x3FFFFF80, s0;
	[tilespmem:s18+$0x80] =	vst v5;
	v2 =	vadd.f32 v4, v2;
	v4 =	vld [tilespmem:s17+$0x180]  }
0xa5: {  	s24 =	sand.u32 $0x40, s20;
	s23 =	sand.u32 $0x3FFFF000, s23;
	s0 =	sadd.s32 s2, s0;
	[tilespmem:s18+$0x100] =	vst v6;
	v5 =	vld [tilespmem:s14+$0x0]  }
0xa6: {  	s2 =	sor.u32 s2, s23;
	s23 =	sor.u32 $0x30, s24;
	s0 =	sadd.s32 $0x19000, s0;
	[tilespmem:s18+$0x180] =	vst v2;
	v2 =	vadd.f32 v3, v1;
	v3 =	vld [tilespmem:s14+$0x80]  }
0xa7: {  	s2 =	sadd.s32 $0x4000, s2;
	s18 =	sor.u32 $0x10, s24;
	s25 =	sor.u32 s23, s0;
	v6 =	vadd.f32 v8, v1;
	v8 =	vld [tilespmem:s14+$0x100]  }
0xa8: {  	s28 =	sor.u32 $0x20, s24;
	s26 =	sor.u32 s24, s0;
	s23 =	sor.u32 s23, s2;
	v9 =	vld [tilespmem:s25+$0x0];
	[tilespmem:s17+$0x0] =	vst v2;
	v2 =	vadd.f32 v7, v1  }
0xa9: {  	s24 =	sor.u32 s24, s2;
	s25 =	sor.u32 s18, s0;
	s18 =	sor.u32 s18, s2;
	v7 =	vld [tilespmem:s23+$0x180];
	[tilespmem:s17+$0x80] =	vst v6;
	v1 =	vadd.f32 v4, v1  }
0xaa: {  	p0 =	slt.u32 s19, $0xFC;
	s0 =	sor.u32 s28, s0;
	s2 =	sor.u32 s28, s2;
	v4 =	vld [tilespmem:s26+$0x0];
	[tilespmem:s17+$0x100] =	vst v2;
	v2 =	vadd.f32 v5, v0  }
0xab: {  	v5 =	vld [tilespmem:s24+$0x0];
	[tilespmem:s17+$0x180] =	vst v1;
	v1 =	vadd.f32 v3, v0;
	s17 =	smov.u32 s2  }
0xac: {  	v3 =	vld [tilespmem:s24+$0x80];
	[tilespmem:s14+$0x0] =	vst v2;
	v2 =	vadd.f32 v8, v0  }
0xad: {  	v6 =	vld [tilespmem:s24+$0x100];
	[tilespmem:s14+$0x80] =	vst v1;
	v0 =	vmov v9  }
0xae: {  	v1 =	vld [tilespmem:s24+$0x180];
	v7 =	vadd.f32 v7, v0;
	[tilespmem:s14+$0x100] =	vst v2;
	s14 =	smov.u32 s23  }
0xaf: {  	v2 =	vld [tilespmem:s25+$0x0]  }
0xb0: {  	v8 =	vadd.f32 v5, v4;
	v9 =	vld [tilespmem:s18+$0x0];
	[tilespmem:s14+$0x180] =	vst v7  }
.Ltmp1:
0xb1: {  	v3 =	vadd.f32 v3, v4;
	v5 =	vld [tilespmem:s18+$0x80];
	(pc) =	sbr.rel @p0 .LBB2_4-.Ltmp1, $4  }
0xb2: {  	[tilespmem:s24+$0x0] =	vst v8;
	v7 =	vadd.f32 v6, v4;
	v6 =	vld [tilespmem:s18+$0x100]  }
0xb3: {  	[tilespmem:s24+$0x80] =	vst v3;
	v3 =	vadd.f32 v1, v4;
	v4 =	vld [tilespmem:s18+$0x180]  }
0xb4: {  	[tilespmem:s24+$0x100] =	vst v7;
	v1 =	vld [tilespmem:s0+$0x0]  }
0xb5: {  	[tilespmem:s24+$0x180] =	vst v3;
	v7 =	vadd.f32 v9, v2;
	v3 =	vld [tilespmem:s17+$0x0]  }
0xb6: {  	v8 =	vld [tilespmem:s17+$0x80]  }
0xb7: {  	v5 =	vadd.f32 v5, v2;
	v9 =	vld [tilespmem:s17+$0x100]  }
0xb8: {  	[tilespmem:s18+$0x0] =	vst v7;
	v6 =	vadd.f32 v6, v2;
	v7 =	vld [tilespmem:s17+$0x180]  }
0xb9: {  	[tilespmem:s18+$0x80] =	vst v5;
	v2 =	vadd.f32 v4, v2;
	v4 =	vld [tilespmem:s14+$0x0]  }
0xba: {  	v5 =	vld [tilespmem:s14+$0x80];
	[tilespmem:s18+$0x100] =	vst v6;
	v3 =	vadd.f32 v3, v1  }
0xbb: {  	v6 =	vld [tilespmem:s14+$0x100];
	[tilespmem:s18+$0x180] =	vst v2;
	v2 =	vadd.f32 v8, v1  }
0xbc: {  	[tilespmem:s17+$0x0] =	vst v3;
	v3 =	vadd.f32 v9, v1  }
0xbd: {  	v1 =	vadd.f32 v7, v1;
	[tilespmem:s17+$0x80] =	vst v2  }
0xbe: {  	v2 =	vadd.f32 v4, v0;
	[tilespmem:s17+$0x100] =	vst v3  }
0xbf: {  	[tilespmem:s17+$0x180] =	vst v1;
	v1 =	vadd.f32 v5, v0  }
0xc0: {  	v0 =	vadd.f32 v6, v0;
	[tilespmem:s14+$0x0] =	vst v2  }
0xc1: {  	[tilespmem:s14+$0x80] =	vst v1  }
0xc2: {  	[tilespmem:s14+$0x100] =	vst v0  }
0xc3: {  	s15 =	simm.s32 $0x0;
	s30 =	simm.s32 $0x4000;
	s0 =	rddreg [dreg:$0x17]  }
0xc4: {  	[hbm4b:s0+s15] =	stream.linear.scatter [tilespmem:s30], [sflag:$0x8], $0x4000, $0x38;
	[tilespmem:$0x1E000] =	vst v63  }
0xc5: {  	s2 =	simm.s32 $0x14000;
	s28 =	rddreg [dreg:$0x1e]  }
0xc6: {  	[tilespmem:s2], [sflag:$0x6] =	stream.linear.gather [hbm4b:s28+s15], $0x4000, $0x38;
	[tilespmem:$0x1E000] =	vst v63  }
0xc7: {  	s17 =	simm.s32 $0x1D000;
	s14 =	rddreg [dreg:$0xe]  }
0xc8: {  	[tilespmem:s17], [sflag:$0x6] =	stream.strided.gather [hbm4b:s14+s21], $0x1000, s22, s21, $0x38;
	[tilespmem:$0x1E000] =	vst v63  }
0xc9: {  	s20 =	simm.s32 $0x0;
	s19 =	sand.u32 $0xE00, s15;
	_ =	swait.ge [sflag:s3], $0x4000  }
0xca: {  	s23 =	sand.u32 $0x40, s15;
	s18 =	simm.s32 $0x0;
	[sflag:s3] =	ssyncset.done $0x0  }
0xcb: {  	s24 =	sor.u32 $0x30, s23;
	s0 =	sand.u32 $0x3FFFFF80, s18;
	[sflag:s3] =	ssyncadd.s32 $0xFFFFC000  }
0xcc: {  	s0 =	sadd.s32 s19, s0;
	s14 =	sand.u32 $0x3FFFF000, s20;
	_ =	swait.ge [sflag:s3], $0x1000  }
0xcd: {  	s0 =	sadd.s32 $0x1A000, s0;
	s2 =	sor.u32 s19, s14;
	[sflag:s3] =	ssyncset.done $0x0  }
0xce: {  	s25 =	sor.u32 s24, s0;
	s2 =	sadd.s32 $0x8000, s2;
	[sflag:s3] =	ssyncadd.s32 $0xFFFFF000  }
0xcf: {  	s14 =	sor.u32 s24, s2;
	v0 =	vld [tilespmem:s25+$0x0]  }
0xd0: {  	s26 =	sor.u32 s23, s0;
	v1 =	vld [tilespmem:s14+$0x180]  }
0xd1: {  	s20 =	sor.u32 s23, s2;
	v3 =	vld [tilespmem:s26+$0x0]  }
0xd2: {  	v4 =	vld [tilespmem:s20+$0x0]  }
0xd3: {  	v5 =	vld [tilespmem:s20+$0x80]  }
0xd4: {  	v6 =	vld [tilespmem:s20+$0x100]  }
0xd5: {  	s28 =	sor.u32 $0x10, s23  }
0xd6: {  	s19 =	sor.u32 s28, s0;
	v7 =	vld [tilespmem:s20+$0x180]  }
0xd7: {  	s18 =	sor.u32 s28, s2;
	v2 =	vld [tilespmem:s19+$0x0];
	v1 =	vadd.f32 v1, v0  }
0xd8: {  	v8 =	vld [tilespmem:s18+$0x0];
	v4 =	vadd.f32 v4, v3  }
0xd9: {  	v63 =	vadd.f32 v6, v3;
	[tilespmem:s14+$0x180] =	vst v1;
	v1 =	vadd.f32 v5, v3;
	v5 =	vld [tilespmem:s18+$0x80]  }
0xda: {  	s17 =	sor.u32 $0x20, s23;
	v6 =	vld [tilespmem:s18+$0x100];
	[tilespmem:s20+$0x0] =	vst v4  }
0xdb: {  	s0 =	sor.u32 s17, s0;
	v3 =	vadd.f32 v7, v3;
	v4 =	vld [tilespmem:s18+$0x180];
	[tilespmem:s20+$0x100] =	vst v63  }
0xdc: {  	s17 =	sor.u32 s17, s2;
	[tilespmem:s20+$0x80] =	vst v1;
	v1 =	vld [tilespmem:s0+$0x0]  }
0xdd: {  	s19 =	simm.s32 $0x0;
	v7 =	vadd.f32 v8, v2;
	[tilespmem:s20+$0x180] =	vst v3;
	v3 =	vld [tilespmem:s17+$0x0];
	s20 =	simm.s32 $0x0  }
.LBB2_6:
0xde: {  	s19 =	sadd.s32 $0x4, s19;
	v5 =	vadd.f32 v5, v2;
	v8 =	vld [tilespmem:s17+$0x80]  }
0xdf: {  	s15 =	sadd.s32 $0x100, s15;
	s20 =	sadd.s32 $0x40, s20;
	s0 =	sshll.u32 s19, $0x1;
	[tilespmem:s18+$0x0] =	vst v7;
	v6 =	vadd.f32 v6, v2;
	v7 =	vld [tilespmem:s17+$0x100]  }
0xe0: {  	s2 =	sand.u32 $0xE00, s15;
	s23 =	sshll.u32 s19, $0x6;
	s0 =	sand.u32 $0x3FFFFF80, s0;
	[tilespmem:s18+$0x80] =	vst v5;
	v2 =	vadd.f32 v4, v2;
	v4 =	vld [tilespmem:s17+$0x180]  }
0xe1: {  	s24 =	sand.u32 $0x40, s20;
	s23 =	sand.u32 $0x3FFFF000, s23;
	s0 =	sadd.s32 s2, s0;
	[tilespmem:s18+$0x100] =	vst v6;
	v5 =	vld [tilespmem:s14+$0x0]  }
0xe2: {  	s2 =	sor.u32 s2, s23;
	s23 =	sor.u32 $0x30, s24;
	s0 =	sadd.s32 $0x1A000, s0;
	[tilespmem:s18+$0x180] =	vst v2;
	v2 =	vadd.f32 v3, v1;
	v3 =	vld [tilespmem:s14+$0x80]  }
0xe3: {  	s2 =	sadd.s32 $0x8000, s2;
	s18 =	sor.u32 $0x10, s24;
	s25 =	sor.u32 s23, s0;
	v6 =	vadd.f32 v8, v1;
	v8 =	vld [tilespmem:s14+$0x100]  }
0xe4: {  	s28 =	sor.u32 $0x20, s24;
	s26 =	sor.u32 s24, s0;
	s23 =	sor.u32 s23, s2;
	v9 =	vld [tilespmem:s25+$0x0];
	[tilespmem:s17+$0x0] =	vst v2;
	v2 =	vadd.f32 v7, v1  }
0xe5: {  	s24 =	sor.u32 s24, s2;
	s25 =	sor.u32 s18, s0;
	s18 =	sor.u32 s18, s2;
	v7 =	vld [tilespmem:s23+$0x180];
	[tilespmem:s17+$0x80] =	vst v6;
	v1 =	vadd.f32 v4, v1  }
0xe6: {  	p0 =	slt.u32 s19, $0xFC;
	s0 =	sor.u32 s28, s0;
	s2 =	sor.u32 s28, s2;
	v4 =	vld [tilespmem:s26+$0x0];
	[tilespmem:s17+$0x100] =	vst v2;
	v2 =	vadd.f32 v5, v0  }
0xe7: {  	v5 =	vld [tilespmem:s24+$0x0];
	[tilespmem:s17+$0x180] =	vst v1;
	v1 =	vadd.f32 v3, v0;
	s17 =	smov.u32 s2  }
0xe8: {  	v3 =	vld [tilespmem:s24+$0x80];
	[tilespmem:s14+$0x0] =	vst v2;
	v2 =	vadd.f32 v8, v0  }
0xe9: {  	v6 =	vld [tilespmem:s24+$0x100];
	[tilespmem:s14+$0x80] =	vst v1;
	v0 =	vmov v9  }
0xea: {  	v1 =	vld [tilespmem:s24+$0x180];
	v7 =	vadd.f32 v7, v0;
	[tilespmem:s14+$0x100] =	vst v2;
	s14 =	smov.u32 s23  }
0xeb: {  	v2 =	vld [tilespmem:s25+$0x0]  }
0xec: {  	v8 =	vadd.f32 v5, v4;
	v9 =	vld [tilespmem:s18+$0x0];
	[tilespmem:s14+$0x180] =	vst v7  }
.Ltmp2:
0xed: {  	v3 =	vadd.f32 v3, v4;
	v5 =	vld [tilespmem:s18+$0x80];
	(pc) =	sbr.rel @p0 .LBB2_6-.Ltmp2, $4  }
0xee: {  	[tilespmem:s24+$0x0] =	vst v8;
	v7 =	vadd.f32 v6, v4;
	v6 =	vld [tilespmem:s18+$0x100]  }
0xef: {  	[tilespmem:s24+$0x80] =	vst v3;
	v3 =	vadd.f32 v1, v4;
	v4 =	vld [tilespmem:s18+$0x180]  }
0xf0: {  	[tilespmem:s24+$0x100] =	vst v7;
	v1 =	vld [tilespmem:s0+$0x0]  }
0xf1: {  	[tilespmem:s24+$0x180] =	vst v3;
	v7 =	vadd.f32 v9, v2;
	v3 =	vld [tilespmem:s17+$0x0]  }
0xf2: {  	v8 =	vld [tilespmem:s17+$0x80]  }
0xf3: {  	v5 =	vadd.f32 v5, v2;
	v9 =	vld [tilespmem:s17+$0x100]  }
0xf4: {  	[tilespmem:s18+$0x0] =	vst v7;
	v6 =	vadd.f32 v6, v2;
	v7 =	vld [tilespmem:s17+$0x180]  }
0xf5: {  	[tilespmem:s18+$0x80] =	vst v5;
	v2 =	vadd.f32 v4, v2;
	v4 =	vld [tilespmem:s14+$0x0]  }
0xf6: {  	v5 =	vld [tilespmem:s14+$0x80];
	[tilespmem:s18+$0x100] =	vst v6;
	v3 =	vadd.f32 v3, v1  }
0xf7: {  	v6 =	vld [tilespmem:s14+$0x100];
	[tilespmem:s18+$0x180] =	vst v2;
	v2 =	vadd.f32 v8, v1  }
0xf8: {  	[tilespmem:s17+$0x0] =	vst v3;
	v3 =	vadd.f32 v9, v1  }
0xf9: {  	v1 =	vadd.f32 v7, v1;
	[tilespmem:s17+$0x80] =	vst v2  }
0xfa: {  	v2 =	vadd.f32 v4, v0;
	[tilespmem:s17+$0x100] =	vst v3  }
0xfb: {  	[tilespmem:s17+$0x180] =	vst v1;
	v1 =	vadd.f32 v5, v0  }
0xfc: {  	v0 =	vadd.f32 v6, v0;
	[tilespmem:s14+$0x0] =	vst v2  }
0xfd: {  	[tilespmem:s14+$0x80] =	vst v1  }
0xfe: {  	[tilespmem:s14+$0x100] =	vst v0  }
0xff: {  	s15 =	simm.s32 $0x0;
	s2 =	simm.s32 $0x8000;
	s0 =	rddreg [dreg:$0x19]  }
0x100: {  	[hbm4b:s0+s15] =	stream.linear.scatter [tilespmem:s2], [sflag:$0x9], $0x4000, $0x38;
	[tilespmem:$0x1E000] =	vst v63  }
0x101: {  	_ =	swait.ge [sflag:s4], $0x4000  }
0x102: {  	s2 =	sld [smem:$0x7E9]  }
0x103: {  	[sflag:s4] =	ssyncset.done $0x0  }
0x104: {  	[sflag:s4] =	ssyncadd.s32 $0xFFFFC000  }
0x105: {  	[tilespmem:s15], [sflag:$0x1] =	stream.linear.gather [hbm4b:s2+s15], $0x4000, $0x38;
	[tilespmem:$0x1E000] =	vst v63  }
0x106: {  	s17 =	simm.s32 $0x18000;
	s14 =	rddreg [dreg:$0x9]  }
0x107: {  	[tilespmem:s17], [sflag:$0x1] =	stream.strided.gather [hbm4b:s14+s21], $0x1000, s22, s21, $0x38;
	[tilespmem:$0x1E000] =	vst v63  }
0x108: {  	s20 =	simm.s32 $0x0;
	s19 =	sand.u32 $0xE00, s15;
	_ =	swait.ge [sflag:s5], $0x4000  }
0x109: {  	s23 =	sand.u32 $0x40, s15;
	s18 =	simm.s32 $0x0;
	[sflag:s5] =	ssyncset.done $0x0  }
0x10a: {  	s24 =	sor.u32 $0x30, s23;
	s0 =	sand.u32 $0x3FFFFF80, s18;
	[sflag:s5] =	ssyncadd.s32 $0xFFFFC000  }
0x10b: {  	s0 =	sadd.s32 s19, s0;
	s14 =	sand.u32 $0x3FFFF000, s20;
	_ =	swait.ge [sflag:s5], $0x1000  }
0x10c: {  	s0 =	sadd.s32 $0x1B000, s0;
	s2 =	sor.u32 s19, s14;
	[sflag:s5] =	ssyncset.done $0x0  }
0x10d: {  	s25 =	sor.u32 s24, s0;
	s2 =	sadd.s32 $0xC000, s2;
	[sflag:s5] =	ssyncadd.s32 $0xFFFFF000  }
0x10e: {  	s14 =	sor.u32 s24, s2;
	v0 =	vld [tilespmem:s25+$0x0]  }
0x10f: {  	s26 =	sor.u32 s23, s0;
	v1 =	vld [tilespmem:s14+$0x180]  }
0x110: {  	s20 =	sor.u32 s23, s2;
	v3 =	vld [tilespmem:s26+$0x0]  }
0x111: {  	v4 =	vld [tilespmem:s20+$0x0]  }
0x112: {  	v5 =	vld [tilespmem:s20+$0x80]  }
0x113: {  	v6 =	vld [tilespmem:s20+$0x100]  }
0x114: {  	s28 =	sor.u32 $0x10, s23  }
0x115: {  	s19 =	sor.u32 s28, s0;
	v7 =	vld [tilespmem:s20+$0x180]  }
0x116: {  	s18 =	sor.u32 s28, s2;
	v2 =	vld [tilespmem:s19+$0x0];
	v1 =	vadd.f32 v1, v0  }
0x117: {  	v8 =	vld [tilespmem:s18+$0x0];
	v4 =	vadd.f32 v4, v3  }
0x118: {  	v63 =	vadd.f32 v6, v3;
	[tilespmem:s14+$0x180] =	vst v1;
	v1 =	vadd.f32 v5, v3;
	v5 =	vld [tilespmem:s18+$0x80]  }
0x119: {  	s17 =	sor.u32 $0x20, s23;
	v6 =	vld [tilespmem:s18+$0x100];
	[tilespmem:s20+$0x0] =	vst v4  }
0x11a: {  	s0 =	sor.u32 s17, s0;
	v3 =	vadd.f32 v7, v3;
	v4 =	vld [tilespmem:s18+$0x180];
	[tilespmem:s20+$0x100] =	vst v63  }
0x11b: {  	s17 =	sor.u32 s17, s2;
	[tilespmem:s20+$0x80] =	vst v1;
	v1 =	vld [tilespmem:s0+$0x0]  }
0x11c: {  	s19 =	simm.s32 $0x0;
	v7 =	vadd.f32 v8, v2;
	[tilespmem:s20+$0x180] =	vst v3;
	v3 =	vld [tilespmem:s17+$0x0];
	s20 =	simm.s32 $0x0  }
.LBB2_8:
0x11d: {  	s19 =	sadd.s32 $0x4, s19;
	v5 =	vadd.f32 v5, v2;
	v8 =	vld [tilespmem:s17+$0x80]  }
0x11e: {  	s15 =	sadd.s32 $0x100, s15;
	s20 =	sadd.s32 $0x40, s20;
	s0 =	sshll.u32 s19, $0x1;
	[tilespmem:s18+$0x0] =	vst v7;
	v6 =	vadd.f32 v6, v2;
	v7 =	vld [tilespmem:s17+$0x100]  }
0x11f: {  	s2 =	sand.u32 $0xE00, s15;
	s23 =	sshll.u32 s19, $0x6;
	s0 =	sand.u32 $0x3FFFFF80, s0;
	[tilespmem:s18+$0x80] =	vst v5;
	v2 =	vadd.f32 v4, v2;
	v4 =	vld [tilespmem:s17+$0x180]  }
0x120: {  	s24 =	sand.u32 $0x40, s20;
	s23 =	sand.u32 $0x3FFFF000, s23;
	s0 =	sadd.s32 s2, s0;
	[tilespmem:s18+$0x100] =	vst v6;
	v5 =	vld [tilespmem:s14+$0x0]  }
0x121: {  	s2 =	sor.u32 s2, s23;
	s23 =	sor.u32 $0x30, s24;
	s0 =	sadd.s32 $0x1B000, s0;
	[tilespmem:s18+$0x180] =	vst v2;
	v2 =	vadd.f32 v3, v1;
	v3 =	vld [tilespmem:s14+$0x80]  }
0x122: {  	s2 =	sadd.s32 $0xC000, s2;
	s18 =	sor.u32 $0x10, s24;
	s25 =	sor.u32 s23, s0;
	v6 =	vadd.f32 v8, v1;
	v8 =	vld [tilespmem:s14+$0x100]  }
0x123: {  	s28 =	sor.u32 $0x20, s24;
	s26 =	sor.u32 s24, s0;
	s23 =	sor.u32 s23, s2;
	v9 =	vld [tilespmem:s25+$0x0];
	[tilespmem:s17+$0x0] =	vst v2;
	v2 =	vadd.f32 v7, v1  }
0x124: {  	s24 =	sor.u32 s24, s2;
	s25 =	sor.u32 s18, s0;
	s18 =	sor.u32 s18, s2;
	v7 =	vld [tilespmem:s23+$0x180];
	[tilespmem:s17+$0x80] =	vst v6;
	v1 =	vadd.f32 v4, v1  }
0x125: {  	p0 =	slt.u32 s19, $0xFC;
	s0 =	sor.u32 s28, s0;
	s2 =	sor.u32 s28, s2;
	v4 =	vld [tilespmem:s26+$0x0];
	[tilespmem:s17+$0x100] =	vst v2;
	v2 =	vadd.f32 v5, v0  }
0x126: {  	v5 =	vld [tilespmem:s24+$0x0];
	[tilespmem:s17+$0x180] =	vst v1;
	v1 =	vadd.f32 v3, v0;
	s17 =	smov.u32 s2  }
0x127: {  	v3 =	vld [tilespmem:s24+$0x80];
	[tilespmem:s14+$0x0] =	vst v2;
	v2 =	vadd.f32 v8, v0  }
0x128: {  	v6 =	vld [tilespmem:s24+$0x100];
	[tilespmem:s14+$0x80] =	vst v1;
	v0 =	vmov v9  }
0x129: {  	v1 =	vld [tilespmem:s24+$0x180];
	v7 =	vadd.f32 v7, v0;
	[tilespmem:s14+$0x100] =	vst v2;
	s14 =	smov.u32 s23  }
0x12a: {  	v2 =	vld [tilespmem:s25+$0x0]  }
0x12b: {  	v8 =	vadd.f32 v5, v4;
	v9 =	vld [tilespmem:s18+$0x0];
	[tilespmem:s14+$0x180] =	vst v7  }
.Ltmp3:
0x12c: {  	v3 =	vadd.f32 v3, v4;
	v5 =	vld [tilespmem:s18+$0x80];
	(pc) =	sbr.rel @p0 .LBB2_8-.Ltmp3, $4  }
0x12d: {  	[tilespmem:s24+$0x0] =	vst v8;
	v7 =	vadd.f32 v6, v4;
	v6 =	vld [tilespmem:s18+$0x100]  }
0x12e: {  	[tilespmem:s24+$0x80] =	vst v3;
	v3 =	vadd.f32 v1, v4;
	v4 =	vld [tilespmem:s18+$0x180]  }
0x12f: {  	[tilespmem:s24+$0x100] =	vst v7;
	v1 =	vld [tilespmem:s0+$0x0]  }
0x130: {  	[tilespmem:s24+$0x180] =	vst v3;
	v7 =	vadd.f32 v9, v2;
	v3 =	vld [tilespmem:s17+$0x0]  }
0x131: {  	v8 =	vld [tilespmem:s17+$0x80]  }
0x132: {  	v5 =	vadd.f32 v5, v2;
	v9 =	vld [tilespmem:s17+$0x100]  }
0x133: {  	[tilespmem:s18+$0x0] =	vst v7;
	v6 =	vadd.f32 v6, v2;
	v7 =	vld [tilespmem:s17+$0x180]  }
0x134: {  	[tilespmem:s18+$0x80] =	vst v5;
	v2 =	vadd.f32 v4, v2;
	v4 =	vld [tilespmem:s14+$0x0]  }
0x135: {  	v5 =	vld [tilespmem:s14+$0x80];
	[tilespmem:s18+$0x100] =	vst v6;
	v3 =	vadd.f32 v3, v1  }
0x136: {  	v6 =	vld [tilespmem:s14+$0x100];
	[tilespmem:s18+$0x180] =	vst v2;
	v2 =	vadd.f32 v8, v1  }
0x137: {  	[tilespmem:s17+$0x0] =	vst v3;
	v3 =	vadd.f32 v9, v1  }
0x138: {  	v1 =	vadd.f32 v7, v1;
	[tilespmem:s17+$0x80] =	vst v2  }
0x139: {  	v2 =	vadd.f32 v4, v0;
	[tilespmem:s17+$0x100] =	vst v3  }
0x13a: {  	[tilespmem:s17+$0x180] =	vst v1;
	v1 =	vadd.f32 v5, v0  }
0x13b: {  	v0 =	vadd.f32 v6, v0;
	[tilespmem:s14+$0x0] =	vst v2  }
0x13c: {  	[tilespmem:s14+$0x80] =	vst v1  }
0x13d: {  	[tilespmem:s14+$0x100] =	vst v0  }
0x13e: {  	s15 =	simm.s32 $0x0;
	s0 =	rddreg [dreg:$0x1b]  }
0x13f: {  	[hbm4b:s0+s15] =	stream.linear.scatter [tilespmem:s29], [sflag:$0xA], $0x4000, $0x38;
	[tilespmem:$0x1E000] =	vst v63  }
0x140: {  	_ =	swait.ge [sflag:s6], $0x4000  }
0x141: {  	s17 =	sld [smem:$0x7EB]  }
0x142: {  	[sflag:s6] =	ssyncset.done $0x0  }
0x143: {  	[sflag:s6] =	ssyncadd.s32 $0xFFFFC000  }
0x144: {  	[tilespmem:s30], [sflag:$0x2] =	stream.linear.gather [hbm4b:s17+s15], $0x4000, $0x38;
	[tilespmem:$0x1E000] =	vst v63  }
0x145: {  	s2 =	simm.s32 $0x19000;
	s18 =	rddreg [dreg:$0xf]  }
0x146: {  	[tilespmem:s2], [sflag:$0x2] =	stream.strided.gather [hbm4b:s18+s21], $0x1000, s22, s21, $0x38;
	[tilespmem:$0x1E000] =	vst v63  }
0x147: {  	s19 =	simm.s32 $0x0;
	s23 =	simm.s32 $0x0;
	_ =	swait.ge [sflag:s7], $0x4000  }
0x148: {  	s20 =	sand.u32 $0xE00, s15;
	s24 =	sand.u32 $0x40, s15;
	[sflag:s7] =	ssyncset.done $0x0  }
0x149: {  	s25 =	sor.u32 $0x30, s24;
	s0 =	sand.u32 $0x3FFFFF80, s19;
	[sflag:s7] =	ssyncadd.s32 $0xFFFFC000  }
0x14a: {  	s14 =	sand.u32 $0x3FFFF000, s23;
	s0 =	sadd.s32 s20, s0;
	_ =	swait.ge [sflag:s7], $0x1000  }
0x14b: {  	s0 =	sadd.s32 $0x1C000, s0;
	s2 =	sor.u32 s20, s14;
	[sflag:s7] =	ssyncset.done $0x0  }
0x14c: {  	s26 =	sor.u32 s25, s0;
	s2 =	sadd.s32 $0x10000, s2;
	[sflag:s7] =	ssyncadd.s32 $0xFFFFF000  }
0x14d: {  	s14 =	sor.u32 s25, s2;
	v0 =	vld [tilespmem:s26+$0x0]  }
0x14e: {  	s28 =	sor.u32 s24, s0;
	v1 =	vld [tilespmem:s14+$0x180]  }
0x14f: {  	s20 =	sor.u32 s24, s2;
	v3 =	vld [tilespmem:s28+$0x0]  }
0x150: {  	v4 =	vld [tilespmem:s20+$0x0]  }
0x151: {  	v5 =	vld [tilespmem:s20+$0x80]  }
0x152: {  	v6 =	vld [tilespmem:s20+$0x100]  }
0x153: {  	s30 =	sor.u32 $0x10, s24  }
0x154: {  	s19 =	sor.u32 s30, s0;
	v7 =	vld [tilespmem:s20+$0x180]  }
0x155: {  	s18 =	sor.u32 s30, s2;
	v2 =	vld [tilespmem:s19+$0x0];
	v1 =	vadd.f32 v1, v0  }
0x156: {  	v8 =	vld [tilespmem:s18+$0x0];
	v4 =	vadd.f32 v4, v3  }
0x157: {  	v63 =	vadd.f32 v6, v3;
	[tilespmem:s14+$0x180] =	vst v1;
	v1 =	vadd.f32 v5, v3;
	v5 =	vld [tilespmem:s18+$0x80]  }
0x158: {  	s17 =	sor.u32 $0x20, s24;
	v6 =	vld [tilespmem:s18+$0x100];
	[tilespmem:s20+$0x0] =	vst v4  }
0x159: {  	s0 =	sor.u32 s17, s0;
	v3 =	vadd.f32 v7, v3;
	v4 =	vld [tilespmem:s18+$0x180];
	[tilespmem:s20+$0x100] =	vst v63  }
0x15a: {  	s17 =	sor.u32 s17, s2;
	[tilespmem:s20+$0x80] =	vst v1;
	v1 =	vld [tilespmem:s0+$0x0]  }
0x15b: {  	s19 =	simm.s32 $0x0;
	v7 =	vadd.f32 v8, v2;
	[tilespmem:s20+$0x180] =	vst v3;
	v3 =	vld [tilespmem:s17+$0x0];
	s20 =	simm.s32 $0x0  }
.LBB2_10:
0x15c: {  	s19 =	sadd.s32 $0x4, s19;
	v5 =	vadd.f32 v5, v2;
	v8 =	vld [tilespmem:s17+$0x80]  }
0x15d: {  	s15 =	sadd.s32 $0x100, s15;
	s20 =	sadd.s32 $0x40, s20;
	s0 =	sshll.u32 s19, $0x1;
	[tilespmem:s18+$0x0] =	vst v7;
	v6 =	vadd.f32 v6, v2;
	v7 =	vld [tilespmem:s17+$0x100]  }
0x15e: {  	s2 =	sand.u32 $0xE00, s15;
	s23 =	sshll.u32 s19, $0x6;
	s0 =	sand.u32 $0x3FFFFF80, s0;
	[tilespmem:s18+$0x80] =	vst v5;
	v2 =	vadd.f32 v4, v2;
	v4 =	vld [tilespmem:s17+$0x180]  }
0x15f: {  	s24 =	sand.u32 $0x40, s20;
	s23 =	sand.u32 $0x3FFFF000, s23;
	s0 =	sadd.s32 s2, s0;
	[tilespmem:s18+$0x100] =	vst v6;
	v5 =	vld [tilespmem:s14+$0x0]  }
0x160: {  	s2 =	sor.u32 s2, s23;
	s23 =	sor.u32 $0x30, s24;
	s0 =	sadd.s32 $0x1C000, s0;
	[tilespmem:s18+$0x180] =	vst v2;
	v2 =	vadd.f32 v3, v1;
	v3 =	vld [tilespmem:s14+$0x80]  }
0x161: {  	s2 =	sadd.s32 $0x10000, s2;
	s18 =	sor.u32 $0x10, s24;
	s25 =	sor.u32 s23, s0;
	v6 =	vadd.f32 v8, v1;
	v8 =	vld [tilespmem:s14+$0x100]  }
0x162: {  	s28 =	sor.u32 $0x20, s24;
	s26 =	sor.u32 s24, s0;
	s23 =	sor.u32 s23, s2;
	v9 =	vld [tilespmem:s25+$0x0];
	[tilespmem:s17+$0x0] =	vst v2;
	v2 =	vadd.f32 v7, v1  }
0x163: {  	s24 =	sor.u32 s24, s2;
	s25 =	sor.u32 s18, s0;
	s18 =	sor.u32 s18, s2;
	v7 =	vld [tilespmem:s23+$0x180];
	[tilespmem:s17+$0x80] =	vst v6;
	v1 =	vadd.f32 v4, v1  }
0x164: {  	p0 =	slt.u32 s19, $0xFC;
	s0 =	sor.u32 s28, s0;
	s2 =	sor.u32 s28, s2;
	v4 =	vld [tilespmem:s26+$0x0];
	[tilespmem:s17+$0x100] =	vst v2;
	v2 =	vadd.f32 v5, v0  }
0x165: {  	v5 =	vld [tilespmem:s24+$0x0];
	[tilespmem:s17+$0x180] =	vst v1;
	v1 =	vadd.f32 v3, v0;
	s17 =	smov.u32 s2  }
0x166: {  	v3 =	vld [tilespmem:s24+$0x80];
	[tilespmem:s14+$0x0] =	vst v2;
	v2 =	vadd.f32 v8, v0  }
0x167: {  	v6 =	vld [tilespmem:s24+$0x100];
	[tilespmem:s14+$0x80] =	vst v1;
	v0 =	vmov v9  }
0x168: {  	v1 =	vld [tilespmem:s24+$0x180];
	v7 =	vadd.f32 v7, v0;
	[tilespmem:s14+$0x100] =	vst v2;
	s14 =	smov.u32 s23  }
0x169: {  	v2 =	vld [tilespmem:s25+$0x0]  }
0x16a: {  	v8 =	vadd.f32 v5, v4;
	v9 =	vld [tilespmem:s18+$0x0];
	[tilespmem:s14+$0x180] =	vst v7  }
.Ltmp4:
0x16b: {  	v3 =	vadd.f32 v3, v4;
	v5 =	vld [tilespmem:s18+$0x80];
	(pc) =	sbr.rel @p0 .LBB2_10-.Ltmp4, $4  }
0x16c: {  	[tilespmem:s24+$0x0] =	vst v8;
	v7 =	vadd.f32 v6, v4;
	v6 =	vld [tilespmem:s18+$0x100]  }
0x16d: {  	[tilespmem:s24+$0x80] =	vst v3;
	v3 =	vadd.f32 v1, v4;
	v4 =	vld [tilespmem:s18+$0x180]  }
0x16e: {  	[tilespmem:s24+$0x100] =	vst v7;
	v1 =	vld [tilespmem:s0+$0x0]  }
0x16f: {  	[tilespmem:s24+$0x180] =	vst v3;
	v7 =	vadd.f32 v9, v2;
	v3 =	vld [tilespmem:s17+$0x0]  }
0x170: {  	v8 =	vld [tilespmem:s17+$0x80]  }
0x171: {  	v5 =	vadd.f32 v5, v2;
	v9 =	vld [tilespmem:s17+$0x100]  }
0x172: {  	[tilespmem:s18+$0x0] =	vst v7;
	v6 =	vadd.f32 v6, v2;
	v7 =	vld [tilespmem:s17+$0x180]  }
0x173: {  	[tilespmem:s18+$0x80] =	vst v5;
	v2 =	vadd.f32 v4, v2;
	v4 =	vld [tilespmem:s14+$0x0]  }
0x174: {  	v5 =	vld [tilespmem:s14+$0x80];
	[tilespmem:s18+$0x100] =	vst v6;
	v3 =	vadd.f32 v3, v1  }
0x175: {  	v6 =	vld [tilespmem:s14+$0x100];
	[tilespmem:s18+$0x180] =	vst v2;
	v2 =	vadd.f32 v8, v1  }
0x176: {  	[tilespmem:s17+$0x0] =	vst v3;
	v3 =	vadd.f32 v9, v1  }
0x177: {  	v1 =	vadd.f32 v7, v1;
	[tilespmem:s17+$0x80] =	vst v2  }
0x178: {  	v2 =	vadd.f32 v4, v0;
	[tilespmem:s17+$0x100] =	vst v3  }
0x179: {  	[tilespmem:s17+$0x180] =	vst v1;
	v1 =	vadd.f32 v5, v0  }
0x17a: {  	v0 =	vadd.f32 v6, v0;
	[tilespmem:s14+$0x0] =	vst v2  }
0x17b: {  	[tilespmem:s14+$0x80] =	vst v1  }
0x17c: {  	[tilespmem:s14+$0x100] =	vst v0  }
0x17d: {  	s15 =	simm.s32 $0x0;
	s2 =	simm.s32 $0x10000;
	s0 =	rddreg [dreg:$0x1d]  }
0x17e: {  	[hbm4b:s0+s15] =	stream.linear.scatter [tilespmem:s2], [sflag:$0xB], $0x4000, $0x38;
	[tilespmem:$0x1E000] =	vst v63  }
0x17f: {  	_ =	swait.ge [sflag:s8], $0x4000  }
0x180: {  	s2 =	sld [smem:$0x7ED]  }
0x181: {  	[sflag:s8] =	ssyncset.done $0x0  }
0x182: {  	s14 =	simm.s32 $0x8000;
	[sflag:s8] =	ssyncadd.s32 $0xFFFFC000  }
0x183: {  	[tilespmem:s14], [sflag:$0x3] =	stream.linear.gather [hbm4b:s2+s15], $0x4000, $0x38;
	[tilespmem:$0x1E000] =	vst v63  }
0x184: {  	s18 =	simm.s32 $0x1A000;
	s17 =	rddreg [dreg:$0xa]  }
0x185: {  	[tilespmem:s18], [sflag:$0x3] =	stream.strided.gather [hbm4b:s17+s21], $0x1000, s22, s21, $0x38;
	[tilespmem:$0x1E000] =	vst v63  }
0x186: {  	s19 =	simm.s32 $0x0;
	s23 =	simm.s32 $0x0;
	_ =	swait.ge [sflag:s9], $0x4000  }
0x187: {  	s20 =	sand.u32 $0xE00, s15;
	s24 =	sand.u32 $0x40, s15;
	[sflag:s9] =	ssyncset.done $0x0  }
0x188: {  	s25 =	sor.u32 $0x30, s24;
	s0 =	sand.u32 $0x3FFFFF80, s19;
	[sflag:s9] =	ssyncadd.s32 $0xFFFFC000  }
0x189: {  	s0 =	sadd.s32 s20, s0;
	s14 =	sand.u32 $0x3FFFF000, s23;
	_ =	swait.ge [sflag:s9], $0x1000  }
0x18a: {  	s0 =	sadd.s32 $0x1D000, s0;
	s2 =	sor.u32 s20, s14;
	[sflag:s9] =	ssyncset.done $0x0  }
0x18b: {  	s26 =	sor.u32 s25, s0;
	s2 =	sadd.s32 $0x14000, s2;
	[sflag:s9] =	ssyncadd.s32 $0xFFFFF000  }
0x18c: {  	s14 =	sor.u32 s25, s2;
	v0 =	vld [tilespmem:s26+$0x0]  }
0x18d: {  	s28 =	sor.u32 s24, s0;
	v1 =	vld [tilespmem:s14+$0x180]  }
0x18e: {  	s20 =	sor.u32 s24, s2;
	v3 =	vld [tilespmem:s28+$0x0]  }
0x18f: {  	v4 =	vld [tilespmem:s20+$0x0]  }
0x190: {  	v5 =	vld [tilespmem:s20+$0x80]  }
0x191: {  	v6 =	vld [tilespmem:s20+$0x100]  }
0x192: {  	s30 =	sor.u32 $0x10, s24  }
0x193: {  	s19 =	sor.u32 s30, s0;
	v7 =	vld [tilespmem:s20+$0x180]  }
0x194: {  	s18 =	sor.u32 s30, s2;
	v2 =	vld [tilespmem:s19+$0x0];
	v1 =	vadd.f32 v1, v0  }
0x195: {  	v8 =	vld [tilespmem:s18+$0x0];
	v4 =	vadd.f32 v4, v3  }
0x196: {  	v63 =	vadd.f32 v6, v3;
	[tilespmem:s14+$0x180] =	vst v1;
	v1 =	vadd.f32 v5, v3;
	v5 =	vld [tilespmem:s18+$0x80]  }
0x197: {  	s17 =	sor.u32 $0x20, s24;
	v6 =	vld [tilespmem:s18+$0x100];
	[tilespmem:s20+$0x0] =	vst v4  }
0x198: {  	s0 =	sor.u32 s17, s0;
	v3 =	vadd.f32 v7, v3;
	v4 =	vld [tilespmem:s18+$0x180];
	[tilespmem:s20+$0x100] =	vst v63  }
0x199: {  	s17 =	sor.u32 s17, s2;
	[tilespmem:s20+$0x80] =	vst v1;
	v1 =	vld [tilespmem:s0+$0x0]  }
0x19a: {  	s19 =	simm.s32 $0x0;
	v7 =	vadd.f32 v8, v2;
	[tilespmem:s20+$0x180] =	vst v3;
	v3 =	vld [tilespmem:s17+$0x0];
	s20 =	simm.s32 $0x0  }
.LBB2_12:
0x19b: {  	s19 =	sadd.s32 $0x4, s19;
	v5 =	vadd.f32 v5, v2;
	v8 =	vld [tilespmem:s17+$0x80]  }
0x19c: {  	s15 =	sadd.s32 $0x100, s15;
	s20 =	sadd.s32 $0x40, s20;
	s0 =	sshll.u32 s19, $0x1;
	[tilespmem:s18+$0x0] =	vst v7;
	v6 =	vadd.f32 v6, v2;
	v7 =	vld [tilespmem:s17+$0x100]  }
0x19d: {  	s2 =	sand.u32 $0xE00, s15;
	s23 =	sshll.u32 s19, $0x6;
	s0 =	sand.u32 $0x3FFFFF80, s0;
	[tilespmem:s18+$0x80] =	vst v5;
	v2 =	vadd.f32 v4, v2;
	v4 =	vld [tilespmem:s17+$0x180]  }
0x19e: {  	s24 =	sand.u32 $0x40, s20;
	s23 =	sand.u32 $0x3FFFF000, s23;
	s0 =	sadd.s32 s2, s0;
	[tilespmem:s18+$0x100] =	vst v6;
	v5 =	vld [tilespmem:s14+$0x0]  }
0x19f: {  	s2 =	sor.u32 s2, s23;
	s23 =	sor.u32 $0x30, s24;
	s0 =	sadd.s32 $0x1D000, s0;
	[tilespmem:s18+$0x180] =	vst v2;
	v2 =	vadd.f32 v3, v1;
	v3 =	vld [tilespmem:s14+$0x80]  }
0x1a0: {  	s2 =	sadd.s32 $0x14000, s2;
	s18 =	sor.u32 $0x10, s24;
	s25 =	sor.u32 s23, s0;
	v6 =	vadd.f32 v8, v1;
	v8 =	vld [tilespmem:s14+$0x100]  }
0x1a1: {  	s28 =	sor.u32 $0x20, s24;
	s26 =	sor.u32 s24, s0;
	s23 =	sor.u32 s23, s2;
	v9 =	vld [tilespmem:s25+$0x0];
	[tilespmem:s17+$0x0] =	vst v2;
	v2 =	vadd.f32 v7, v1  }
0x1a2: {  	s24 =	sor.u32 s24, s2;
	s25 =	sor.u32 s18, s0;
	s18 =	sor.u32 s18, s2;
	v7 =	vld [tilespmem:s23+$0x180];
	[tilespmem:s17+$0x80] =	vst v6;
	v1 =	vadd.f32 v4, v1  }
0x1a3: {  	p0 =	slt.u32 s19, $0xFC;
	s0 =	sor.u32 s28, s0;
	s2 =	sor.u32 s28, s2;
	v4 =	vld [tilespmem:s26+$0x0];
	[tilespmem:s17+$0x100] =	vst v2;
	v2 =	vadd.f32 v5, v0  }
0x1a4: {  	v5 =	vld [tilespmem:s24+$0x0];
	[tilespmem:s17+$0x180] =	vst v1;
	v1 =	vadd.f32 v3, v0;
	s17 =	smov.u32 s2  }
0x1a5: {  	v3 =	vld [tilespmem:s24+$0x80];
	[tilespmem:s14+$0x0] =	vst v2;
	v2 =	vadd.f32 v8, v0  }
0x1a6: {  	v6 =	vld [tilespmem:s24+$0x100];
	[tilespmem:s14+$0x80] =	vst v1;
	v0 =	vmov v9  }
0x1a7: {  	v1 =	vld [tilespmem:s24+$0x180];
	v7 =	vadd.f32 v7, v0;
	[tilespmem:s14+$0x100] =	vst v2;
	s14 =	smov.u32 s23  }
0x1a8: {  	v2 =	vld [tilespmem:s25+$0x0]  }
0x1a9: {  	v8 =	vadd.f32 v5, v4;
	v9 =	vld [tilespmem:s18+$0x0];
	[tilespmem:s14+$0x180] =	vst v7  }
.Ltmp5:
0x1aa: {  	v3 =	vadd.f32 v3, v4;
	v5 =	vld [tilespmem:s18+$0x80];
	(pc) =	sbr.rel @p0 .LBB2_12-.Ltmp5, $4  }
0x1ab: {  	[tilespmem:s24+$0x0] =	vst v8;
	v7 =	vadd.f32 v6, v4;
	v6 =	vld [tilespmem:s18+$0x100]  }
0x1ac: {  	[tilespmem:s24+$0x80] =	vst v3;
	v3 =	vadd.f32 v1, v4;
	v4 =	vld [tilespmem:s18+$0x180]  }
0x1ad: {  	[tilespmem:s24+$0x100] =	vst v7;
	v1 =	vld [tilespmem:s0+$0x0]  }
0x1ae: {  	[tilespmem:s24+$0x180] =	vst v3;
	v7 =	vadd.f32 v9, v2;
	v3 =	vld [tilespmem:s17+$0x0]  }
0x1af: {  	v8 =	vld [tilespmem:s17+$0x80]  }
0x1b0: {  	v5 =	vadd.f32 v5, v2;
	v9 =	vld [tilespmem:s17+$0x100]  }
0x1b1: {  	[tilespmem:s18+$0x0] =	vst v7;
	v6 =	vadd.f32 v6, v2;
	v7 =	vld [tilespmem:s17+$0x180]  }
0x1b2: {  	[tilespmem:s18+$0x80] =	vst v5;
	v2 =	vadd.f32 v4, v2;
	v4 =	vld [tilespmem:s14+$0x0]  }
0x1b3: {  	v5 =	vld [tilespmem:s14+$0x80];
	[tilespmem:s18+$0x100] =	vst v6;
	v3 =	vadd.f32 v3, v1  }
0x1b4: {  	v6 =	vld [tilespmem:s14+$0x100];
	[tilespmem:s18+$0x180] =	vst v2;
	v2 =	vadd.f32 v8, v1  }
0x1b5: {  	[tilespmem:s17+$0x0] =	vst v3;
	v3 =	vadd.f32 v9, v1  }
0x1b6: {  	v1 =	vadd.f32 v7, v1;
	[tilespmem:s17+$0x80] =	vst v2  }
0x1b7: {  	v2 =	vadd.f32 v4, v0;
	[tilespmem:s17+$0x100] =	vst v3  }
0x1b8: {  	[tilespmem:s17+$0x180] =	vst v1;
	v1 =	vadd.f32 v5, v0  }
0x1b9: {  	v0 =	vadd.f32 v6, v0;
	[tilespmem:s14+$0x0] =	vst v2  }
0x1ba: {  	[tilespmem:s14+$0x80] =	vst v1  }
0x1bb: {  	[tilespmem:s14+$0x100] =	vst v0  }
0x1bc: {  	s15 =	simm.s32 $0x0;
	s2 =	simm.s32 $0x14000;
	s0 =	rddreg [dreg:$0x1f]  }
0x1bd: {  	[hbm4b:s0+s15] =	stream.linear.scatter [tilespmem:s2], [sflag:$0xC], $0x4000, $0x38;
	[tilespmem:$0x1E000] =	vst v63  }
0x1be: {  	_ =	swait.ge [sflag:s10], $0x4000  }
0x1bf: {  	s18 =	sld [smem:$0x7EF]  }
0x1c0: {  	[sflag:s10] =	ssyncset.done $0x0  }
0x1c1: {  	[sflag:s10] =	ssyncadd.s32 $0xFFFFC000  }
0x1c2: {  	[tilespmem:s29], [sflag:$0x4] =	stream.linear.gather [hbm4b:s18+s15], $0x4000, $0x38;
	[tilespmem:$0x1E000] =	vst v63  }
0x1c3: {  	s20 =	simm.s32 $0x1B000;
	s19 =	rddreg [dreg:$0x10]  }
0x1c4: {  	[tilespmem:s20], [sflag:$0x4] =	stream.strided.gather [hbm4b:s19+s21], $0x1000, s22, s21, $0x38;
	[tilespmem:$0x1E000] =	vst v63  }
0x1c5: {  	s24 =	simm.s32 $0x0;
	_ =	swait.ge [sflag:s31], $0x4000  }
0x1c6: {  	s25 =	simm.s32 $0x0;
	s23 =	sand.u32 $0x40, s15;
	[sflag:s31] =	ssyncset.done $0x0  }
0x1c7: {  	s26 =	sand.u32 $0xE00, s15;
	s28 =	sor.u32 $0x30, s23;
	[sflag:s31] =	ssyncadd.s32 $0xFFFFC000  }
0x1c8: {  	s14 =	sand.u32 $0x3FFFF000, s25;
	s2 =	sand.u32 $0x3FFFFF80, s24;
	_ =	swait.ge [sflag:s31], $0x1000  }
0x1c9: {  	s17 =	sor.u32 s26, s14;
	s2 =	sadd.s32 s26, s2;
	[sflag:s31] =	ssyncset.done $0x0  }
0x1ca: {  	s14 =	sor.u32 s28, s17;
	s2 =	sadd.s32 $0x18000, s2;
	[sflag:s31] =	ssyncadd.s32 $0xFFFFF000  }
0x1cb: {  	s18 =	sor.u32 s28, s2;
	v3 =	vld [tilespmem:s14+$0x180]  }
0x1cc: {  	s19 =	sor.u32 $0x10, s23;
	s20 =	sor.u32 s23, s2;
	v0 =	vld [tilespmem:s18+$0x0]  }
0x1cd: {  	s24 =	sor.u32 $0x20, s23;
	s30 =	sor.u32 s19, s2;
	v8 =	vld [tilespmem:s20+$0x0]  }
0x1ce: {  	s2 =	sor.u32 s24, s2;
	v2 =	vld [tilespmem:s30+$0x0]  }
0x1cf: {  	s23 =	sor.u32 s23, s17;
	v1 =	vld [tilespmem:s2+$0x0]  }
0x1d0: {  	v4 =	vld [tilespmem:s23+$0x0]  }
0x1d1: {  	v9 =	vld [tilespmem:s23+$0x100]  }
0x1d2: {  	v5 =	vld [tilespmem:s23+$0x80]  }
0x1d3: {  	s18 =	sor.u32 s19, s17;
	v10 =	vld [tilespmem:s23+$0x180]  }
0x1d4: {  	v11 =	vld [tilespmem:s18+$0x0];
	v3 =	vadd.f32 v3, v0  }
0x1d5: {  	v7 =	vld [tilespmem:s18+$0x80];
	v4 =	vadd.f32 v4, v8  }
0x1d6: {  	v6 =	vld [tilespmem:s18+$0x100];
	v12 =	vadd.f32 v9, v8;
	[tilespmem:s14+$0x180] =	vst v3  }
0x1d7: {  	s17 =	sor.u32 s24, s17;
	v3 =	vadd.f32 v5, v8;
	[tilespmem:s23+$0x0] =	vst v4;
	v5 =	vld [tilespmem:s18+$0x180]  }
0x1d8: {  	v9 =	vadd.f32 v10, v8;
	v4 =	vld [tilespmem:s17+$0x0];
	[tilespmem:s23+$0x100] =	vst v12  }
0x1d9: {  	s19 =	simm.s32 $0x0;
	s20 =	simm.s32 $0x0;
	v8 =	vadd.f32 v11, v2;
	[tilespmem:s23+$0x80] =	vst v3;
	v3 =	vld [tilespmem:s17+$0x80]  }
.LBB2_14:
0x1da: {  	s19 =	sadd.s32 $0x4, s19;
	[tilespmem:s23+$0x180] =	vst v9;
	v7 =	vadd.f32 v7, v2;
	v9 =	vld [tilespmem:s17+$0x100];
	s15 =	sadd.s32 $0x100, s15;
	s20 =	sadd.s32 $0x40, s20  }
0x1db: {  	s0 =	sand.u32 $0x40, s20;
	s2 =	sshll.u32 s19, $0x1;
	s23 =	sshll.u32 s19, $0x6;
	[tilespmem:s18+$0x0] =	vst v8;
	v6 =	vadd.f32 v6, v2;
	v8 =	vld [tilespmem:s17+$0x180]  }
0x1dc: {  	s24 =	sand.u32 $0xE00, s15;
	s2 =	sand.u32 $0x3FFFFF80, s2;
	s23 =	sand.u32 $0x3FFFF000, s23;
	[tilespmem:s18+$0x80] =	vst v7;
	v2 =	vadd.f32 v5, v2;
	v5 =	vld [tilespmem:s14+$0x0]  }
0x1dd: {  	s2 =	sadd.s32 s24, s2;
	s24 =	sor.u32 s24, s23;
	s23 =	sor.u32 $0x30, s0;
	[tilespmem:s18+$0x100] =	vst v6;
	v4 =	vadd.f32 v4, v1;
	v6 =	vld [tilespmem:s14+$0x80]  }
0x1de: {  	s25 =	sor.u32 $0x10, s0;
	s2 =	sadd.s32 $0x18000, s2;
	s26 =	sor.u32 s23, s24;
	[tilespmem:s18+$0x180] =	vst v2;
	v2 =	vadd.f32 v3, v1;
	v3 =	vld [tilespmem:s14+$0x100]  }
0x1df: {  	s28 =	sor.u32 $0x20, s0;
	s18 =	sor.u32 s0, s2;
	s30 =	sor.u32 s23, s2;
	v7 =	vld [tilespmem:s26+$0x180];
	[tilespmem:s17+$0x0] =	vst v4;
	v4 =	vadd.f32 v9, v1  }
0x1e0: {  	s23 =	sor.u32 s0, s24;
	s0 =	sor.u32 s25, s2;
	s2 =	sor.u32 s28, s2;
	v9 =	vld [tilespmem:s30+$0x0];
	[tilespmem:s17+$0x80] =	vst v2;
	v1 =	vadd.f32 v8, v1  }
0x1e1: {  	p0 =	slt.u32 s19, $0xFC;
	v8 =	vld [tilespmem:s18+$0x0];
	s18 =	sor.u32 s25, s24;
	s24 =	sor.u32 s28, s24;
	[tilespmem:s17+$0x100] =	vst v4;
	v4 =	vadd.f32 v5, v0  }
0x1e2: {  	v2 =	vld [tilespmem:s0+$0x0];
	[tilespmem:s17+$0x180] =	vst v1;
	v5 =	vadd.f32 v6, v0;
	s17 =	smov.u32 s24  }
0x1e3: {  	v1 =	vld [tilespmem:s2+$0x0];
	[tilespmem:s14+$0x0] =	vst v4;
	v6 =	vadd.f32 v3, v0  }
0x1e4: {  	v3 =	vld [tilespmem:s23+$0x0];
	[tilespmem:s14+$0x80] =	vst v5  }
0x1e5: {  	v4 =	vld [tilespmem:s23+$0x80];
	v5 =	vadd.f32 v7, v9;
	[tilespmem:s14+$0x100] =	vst v6;
	v0 =	vmov v9;
	s14 =	smov.u32 s26  }
0x1e6: {  	v9 =	vld [tilespmem:s23+$0x100]  }
0x1e7: {  	v10 =	vld [tilespmem:s23+$0x180];
	[tilespmem:s14+$0x180] =	vst v5  }
0x1e8: {  	v11 =	vld [tilespmem:s18+$0x0]  }
.Ltmp6:
0x1e9: {  	v3 =	vadd.f32 v3, v8;
	v7 =	vld [tilespmem:s18+$0x80];
	(pc) =	sbr.rel @p0 .LBB2_14-.Ltmp6, $4  }
0x1ea: {  	v4 =	vadd.f32 v4, v8;
	v6 =	vld [tilespmem:s18+$0x100]  }
0x1eb: {  	[tilespmem:s23+$0x0] =	vst v3;
	v3 =	vadd.f32 v9, v8;
	v5 =	vld [tilespmem:s18+$0x180]  }
0x1ec: {  	[tilespmem:s23+$0x80] =	vst v4;
	v9 =	vadd.f32 v10, v8;
	v4 =	vld [tilespmem:s17+$0x0]  }
0x1ed: {  	[tilespmem:s23+$0x100] =	vst v3;
	v8 =	vadd.f32 v11, v2;
	v3 =	vld [tilespmem:s17+$0x80]  }
0x1ee: {  	[tilespmem:s23+$0x180] =	vst v9;
	v7 =	vadd.f32 v7, v2;
	v62 =	vld [tilespmem:s17+$0x100]  }
0x1ef: {  	[tilespmem:s18+$0x0] =	vst v8;
	v6 =	vadd.f32 v6, v2;
	v8 =	vld [tilespmem:s17+$0x180]  }
0x1f0: {  	[tilespmem:s18+$0x80] =	vst v7;
	v2 =	vadd.f32 v5, v2;
	v5 =	vld [tilespmem:s14+$0x0]  }
0x1f1: {  	[tilespmem:s18+$0x100] =	vst v6;
	v4 =	vadd.f32 v4, v1;
	v6 =	vld [tilespmem:s14+$0x80]  }
0x1f2: {  	[tilespmem:s18+$0x180] =	vst v2;
	v2 =	vadd.f32 v3, v1;
	v3 =	vld [tilespmem:s14+$0x100]  }
0x1f3: {  	[tilespmem:s17+$0x0] =	vst v4;
	v4 =	vadd.f32 v62, v1  }
0x1f4: {  	[tilespmem:s17+$0x80] =	vst v2;
	v1 =	vadd.f32 v8, v1  }
0x1f5: {  	[tilespmem:s17+$0x100] =	vst v4;
	v2 =	vadd.f32 v5, v0  }
0x1f6: {  	[tilespmem:s17+$0x180] =	vst v1;
	v1 =	vadd.f32 v6, v0  }
0x1f7: {  	[tilespmem:s14+$0x0] =	vst v2;
	v0 =	vadd.f32 v3, v0  }
0x1f8: {  	[tilespmem:s14+$0x80] =	vst v1  }
0x1f9: {  	[tilespmem:s14+$0x100] =	vst v0  }
0x1fa: {  	s0 =	sld [smem:$0x7EA];
	_ =	sdelay $0x1  }
0x1fb: {  	s15 =	simm.s32 $0x0  }
0x1fc: {  	[hbm4b:s0+s15] =	stream.linear.scatter [tilespmem:s15], [sflag:$0x7], $0x4000, $0x38;
	[tilespmem:$0x1E000] =	vst v63  }
0x1fd: {  	_ =	swait.ge [sflag:s11], $0x4000  }
0x1fe: {  	s14 =	sld [smem:$0x7F1]  }
0x1ff: {  	[sflag:s11] =	ssyncset.done $0x0  }
0x200: {  	s2 =	simm.s32 $0x10000;
	[sflag:s11] =	ssyncadd.s32 $0xFFFFC000  }
0x201: {  	[tilespmem:s2], [sflag:$0x5] =	stream.linear.gather [hbm4b:s14+s15], $0x4000, $0x38;
	[tilespmem:$0x1E000] =	vst v63  }
0x202: {  	s18 =	simm.s32 $0x1C000;
	s17 =	rddreg [dreg:$0xb]  }
0x203: {  	[tilespmem:s18], [sflag:$0x5] =	stream.strided.gather [hbm4b:s17+s21], $0x1000, s22, s21, $0x38;
	[tilespmem:$0x1E000] =	vst v63  }
0x204: {  	s19 =	simm.s32 $0x0;
	s23 =	simm.s32 $0x0;
	_ =	swait.ge [sflag:s1], $0x4000  }
0x205: {  	s20 =	sand.u32 $0xE00, s15;
	s24 =	sand.u32 $0x40, s15;
	[sflag:s1] =	ssyncset.done $0x0  }
0x206: {  	s25 =	sor.u32 $0x30, s24;
	s0 =	sand.u32 $0x3FFFFF80, s19;
	[sflag:s1] =	ssyncadd.s32 $0xFFFFC000  }
0x207: {  	s0 =	sadd.s32 s20, s0;
	s14 =	sand.u32 $0x3FFFF000, s23;
	_ =	swait.ge [sflag:s1], $0x1000  }
0x208: {  	s0 =	sadd.s32 $0x19000, s0;
	s2 =	sor.u32 s20, s14;
	[sflag:s1] =	ssyncset.done $0x0  }
0x209: {  	s26 =	sor.u32 s25, s0;
	s2 =	sadd.s32 $0x4000, s2;
	[sflag:s1] =	ssyncadd.s32 $0xFFFFF000  }
0x20a: {  	s14 =	sor.u32 s25, s2;
	v0 =	vld [tilespmem:s26+$0x0]  }
0x20b: {  	s28 =	sor.u32 s24, s0;
	v1 =	vld [tilespmem:s14+$0x180]  }
0x20c: {  	s20 =	sor.u32 s24, s2;
	v3 =	vld [tilespmem:s28+$0x0]  }
0x20d: {  	v4 =	vld [tilespmem:s20+$0x0]  }
0x20e: {  	v5 =	vld [tilespmem:s20+$0x80]  }
0x20f: {  	v6 =	vld [tilespmem:s20+$0x100]  }
0x210: {  	s30 =	sor.u32 $0x10, s24  }
0x211: {  	s19 =	sor.u32 s30, s0;
	v7 =	vld [tilespmem:s20+$0x180]  }
0x212: {  	s18 =	sor.u32 s30, s2;
	v2 =	vld [tilespmem:s19+$0x0];
	v1 =	vadd.f32 v1, v0  }
0x213: {  	v8 =	vld [tilespmem:s18+$0x0];
	v4 =	vadd.f32 v4, v3  }
0x214: {  	v63 =	vadd.f32 v6, v3;
	[tilespmem:s14+$0x180] =	vst v1;
	v1 =	vadd.f32 v5, v3;
	v5 =	vld [tilespmem:s18+$0x80]  }
0x215: {  	s17 =	sor.u32 $0x20, s24;
	v6 =	vld [tilespmem:s18+$0x100];
	[tilespmem:s20+$0x0] =	vst v4  }
0x216: {  	s0 =	sor.u32 s17, s0;
	v3 =	vadd.f32 v7, v3;
	v4 =	vld [tilespmem:s18+$0x180];
	[tilespmem:s20+$0x100] =	vst v63  }
0x217: {  	s17 =	sor.u32 s17, s2;
	[tilespmem:s20+$0x80] =	vst v1;
	v1 =	vld [tilespmem:s0+$0x0]  }
0x218: {  	s19 =	simm.s32 $0x0;
	v7 =	vadd.f32 v8, v2;
	[tilespmem:s20+$0x180] =	vst v3;
	v3 =	vld [tilespmem:s17+$0x0];
	s20 =	simm.s32 $0x0  }
.LBB2_16:
0x219: {  	s19 =	sadd.s32 $0x4, s19;
	v5 =	vadd.f32 v5, v2;
	v8 =	vld [tilespmem:s17+$0x80]  }
0x21a: {  	s15 =	sadd.s32 $0x100, s15;
	s20 =	sadd.s32 $0x40, s20;
	s0 =	sshll.u32 s19, $0x1;
	[tilespmem:s18+$0x0] =	vst v7;
	v6 =	vadd.f32 v6, v2;
	v7 =	vld [tilespmem:s17+$0x100]  }
0x21b: {  	s2 =	sand.u32 $0xE00, s15;
	s23 =	sshll.u32 s19, $0x6;
	s0 =	sand.u32 $0x3FFFFF80, s0;
	[tilespmem:s18+$0x80] =	vst v5;
	v2 =	vadd.f32 v4, v2;
	v4 =	vld [tilespmem:s17+$0x180]  }
0x21c: {  	s24 =	sand.u32 $0x40, s20;
	s23 =	sand.u32 $0x3FFFF000, s23;
	s0 =	sadd.s32 s2, s0;
	[tilespmem:s18+$0x100] =	vst v6;
	v5 =	vld [tilespmem:s14+$0x0]  }
0x21d: {  	s2 =	sor.u32 s2, s23;
	s23 =	sor.u32 $0x30, s24;
	s0 =	sadd.s32 $0x19000, s0;
	[tilespmem:s18+$0x180] =	vst v2;
	v2 =	vadd.f32 v3, v1;
	v3 =	vld [tilespmem:s14+$0x80]  }
0x21e: {  	s2 =	sadd.s32 $0x4000, s2;
	s18 =	sor.u32 $0x10, s24;
	s25 =	sor.u32 s23, s0;
	v6 =	vadd.f32 v8, v1;
	v8 =	vld [tilespmem:s14+$0x100]  }
0x21f: {  	s28 =	sor.u32 $0x20, s24;
	s26 =	sor.u32 s24, s0;
	s23 =	sor.u32 s23, s2;
	v9 =	vld [tilespmem:s25+$0x0];
	[tilespmem:s17+$0x0] =	vst v2;
	v2 =	vadd.f32 v7, v1  }
0x220: {  	s24 =	sor.u32 s24, s2;
	s25 =	sor.u32 s18, s0;
	s18 =	sor.u32 s18, s2;
	v7 =	vld [tilespmem:s23+$0x180];
	[tilespmem:s17+$0x80] =	vst v6;
	v1 =	vadd.f32 v4, v1  }
0x221: {  	p0 =	slt.u32 s19, $0xFC;
	s0 =	sor.u32 s28, s0;
	s2 =	sor.u32 s28, s2;
	v4 =	vld [tilespmem:s26+$0x0];
	[tilespmem:s17+$0x100] =	vst v2;
	v2 =	vadd.f32 v5, v0  }
0x222: {  	v5 =	vld [tilespmem:s24+$0x0];
	[tilespmem:s17+$0x180] =	vst v1;
	v1 =	vadd.f32 v3, v0;
	s17 =	smov.u32 s2  }
0x223: {  	v3 =	vld [tilespmem:s24+$0x80];
	[tilespmem:s14+$0x0] =	vst v2;
	v2 =	vadd.f32 v8, v0  }
0x224: {  	v6 =	vld [tilespmem:s24+$0x100];
	[tilespmem:s14+$0x80] =	vst v1;
	v0 =	vmov v9  }
0x225: {  	v1 =	vld [tilespmem:s24+$0x180];
	v7 =	vadd.f32 v7, v0;
	[tilespmem:s14+$0x100] =	vst v2;
	s14 =	smov.u32 s23  }
0x226: {  	v2 =	vld [tilespmem:s25+$0x0]  }
0x227: {  	v8 =	vadd.f32 v5, v4;
	v9 =	vld [tilespmem:s18+$0x0];
	[tilespmem:s14+$0x180] =	vst v7  }
.Ltmp7:
0x228: {  	v3 =	vadd.f32 v3, v4;
	v5 =	vld [tilespmem:s18+$0x80];
	(pc) =	sbr.rel @p0 .LBB2_16-.Ltmp7, $4  }
0x229: {  	[tilespmem:s24+$0x0] =	vst v8;
	v7 =	vadd.f32 v6, v4;
	v6 =	vld [tilespmem:s18+$0x100]  }
0x22a: {  	[tilespmem:s24+$0x80] =	vst v3;
	v3 =	vadd.f32 v1, v4;
	v4 =	vld [tilespmem:s18+$0x180]  }
0x22b: {  	[tilespmem:s24+$0x100] =	vst v7;
	v1 =	vld [tilespmem:s0+$0x0]  }
0x22c: {  	[tilespmem:s24+$0x180] =	vst v3;
	v7 =	vadd.f32 v9, v2;
	v3 =	vld [tilespmem:s17+$0x0]  }
0x22d: {  	v8 =	vld [tilespmem:s17+$0x80]  }
0x22e: {  	v5 =	vadd.f32 v5, v2;
	v9 =	vld [tilespmem:s17+$0x100]  }
0x22f: {  	[tilespmem:s18+$0x0] =	vst v7;
	v6 =	vadd.f32 v6, v2;
	v7 =	vld [tilespmem:s17+$0x180]  }
0x230: {  	[tilespmem:s18+$0x80] =	vst v5;
	v2 =	vadd.f32 v4, v2;
	v4 =	vld [tilespmem:s14+$0x0]  }
0x231: {  	v5 =	vld [tilespmem:s14+$0x80];
	[tilespmem:s18+$0x100] =	vst v6;
	v3 =	vadd.f32 v3, v1  }
0x232: {  	v6 =	vld [tilespmem:s14+$0x100];
	[tilespmem:s18+$0x180] =	vst v2;
	v2 =	vadd.f32 v8, v1  }
0x233: {  	[tilespmem:s17+$0x0] =	vst v3;
	v3 =	vadd.f32 v9, v1  }
0x234: {  	v1 =	vadd.f32 v7, v1;
	[tilespmem:s17+$0x80] =	vst v2  }
0x235: {  	v2 =	vadd.f32 v4, v0;
	[tilespmem:s17+$0x100] =	vst v3  }
0x236: {  	[tilespmem:s17+$0x180] =	vst v1;
	v1 =	vadd.f32 v5, v0  }
0x237: {  	v0 =	vadd.f32 v6, v0;
	[tilespmem:s14+$0x0] =	vst v2  }
0x238: {  	[tilespmem:s14+$0x80] =	vst v1  }
0x239: {  	[tilespmem:s14+$0x100] =	vst v0  }
0x23a: {  	s0 =	sld [smem:$0x7EC];
	_ =	sdelay $0x1  }
0x23b: {  	s15 =	simm.s32 $0x0;
	s30 =	simm.s32 $0x4000  }
0x23c: {  	[hbm4b:s0+s15] =	stream.linear.scatter [tilespmem:s30], [sflag:$0x8], $0x4000, $0x38;
	[tilespmem:$0x1E000] =	vst v63  }
0x23d: {  	_ =	swait.ge [sflag:s12], $0x4000  }
0x23e: {  	s28 =	sld [smem:$0x7F3]  }
0x23f: {  	[sflag:s12] =	ssyncset.done $0x0  }
0x240: {  	s2 =	simm.s32 $0x14000;
	[sflag:s12] =	ssyncadd.s32 $0xFFFFC000  }
0x241: {  	[tilespmem:s2], [sflag:$0x6] =	stream.linear.gather [hbm4b:s28+s15], $0x4000, $0x38;
	[tilespmem:$0x1E000] =	vst v63  }
0x242: {  	s17 =	simm.s32 $0x1D000;
	s14 =	rddreg [dreg:$0x11]  }
0x243: {  	[tilespmem:s17], [sflag:$0x6] =	stream.strided.gather [hbm4b:s14+s21], $0x1000, s22, s21, $0x38;
	[tilespmem:$0x1E000] =	vst v63  }
0x244: {  	s20 =	simm.s32 $0x0;
	s19 =	sand.u32 $0xE00, s15;
	_ =	swait.ge [sflag:s3], $0x4000  }
0x245: {  	s23 =	sand.u32 $0x40, s15;
	s18 =	simm.s32 $0x0;
	[sflag:s3] =	ssyncset.done $0x0  }
0x246: {  	s24 =	sor.u32 $0x30, s23;
	s0 =	sand.u32 $0x3FFFFF80, s18;
	[sflag:s3] =	ssyncadd.s32 $0xFFFFC000  }
0x247: {  	s0 =	sadd.s32 s19, s0;
	s14 =	sand.u32 $0x3FFFF000, s20;
	_ =	swait.ge [sflag:s3], $0x1000  }
0x248: {  	s0 =	sadd.s32 $0x1A000, s0;
	s2 =	sor.u32 s19, s14;
	[sflag:s3] =	ssyncset.done $0x0  }
0x249: {  	s25 =	sor.u32 s24, s0;
	s2 =	sadd.s32 $0x8000, s2;
	[sflag:s3] =	ssyncadd.s32 $0xFFFFF000  }
0x24a: {  	s14 =	sor.u32 s24, s2;
	v0 =	vld [tilespmem:s25+$0x0]  }
0x24b: {  	s26 =	sor.u32 s23, s0;
	v1 =	vld [tilespmem:s14+$0x180]  }
0x24c: {  	s20 =	sor.u32 s23, s2;
	v3 =	vld [tilespmem:s26+$0x0]  }
0x24d: {  	v4 =	vld [tilespmem:s20+$0x0]  }
0x24e: {  	v5 =	vld [tilespmem:s20+$0x80]  }
0x24f: {  	v6 =	vld [tilespmem:s20+$0x100]  }
0x250: {  	s28 =	sor.u32 $0x10, s23  }
0x251: {  	s19 =	sor.u32 s28, s0;
	v7 =	vld [tilespmem:s20+$0x180]  }
0x252: {  	s18 =	sor.u32 s28, s2;
	v2 =	vld [tilespmem:s19+$0x0];
	v1 =	vadd.f32 v1, v0  }
0x253: {  	v8 =	vld [tilespmem:s18+$0x0];
	v4 =	vadd.f32 v4, v3  }
0x254: {  	v63 =	vadd.f32 v6, v3;
	[tilespmem:s14+$0x180] =	vst v1;
	v1 =	vadd.f32 v5, v3;
	v5 =	vld [tilespmem:s18+$0x80]  }
0x255: {  	s17 =	sor.u32 $0x20, s23;
	v6 =	vld [tilespmem:s18+$0x100];
	[tilespmem:s20+$0x0] =	vst v4  }
0x256: {  	s0 =	sor.u32 s17, s0;
	v3 =	vadd.f32 v7, v3;
	v4 =	vld [tilespmem:s18+$0x180];
	[tilespmem:s20+$0x100] =	vst v63  }
0x257: {  	s17 =	sor.u32 s17, s2;
	[tilespmem:s20+$0x80] =	vst v1;
	v1 =	vld [tilespmem:s0+$0x0]  }
0x258: {  	s19 =	simm.s32 $0x0;
	v7 =	vadd.f32 v8, v2;
	[tilespmem:s20+$0x180] =	vst v3;
	v3 =	vld [tilespmem:s17+$0x0];
	s20 =	simm.s32 $0x0  }
.LBB2_18:
0x259: {  	s19 =	sadd.s32 $0x4, s19;
	v5 =	vadd.f32 v5, v2;
	v8 =	vld [tilespmem:s17+$0x80]  }
0x25a: {  	s15 =	sadd.s32 $0x100, s15;
	s20 =	sadd.s32 $0x40, s20;
	s0 =	sshll.u32 s19, $0x1;
	[tilespmem:s18+$0x0] =	vst v7;
	v6 =	vadd.f32 v6, v2;
	v7 =	vld [tilespmem:s17+$0x100]  }
0x25b: {  	s2 =	sand.u32 $0xE00, s15;
	s23 =	sshll.u32 s19, $0x6;
	s0 =	sand.u32 $0x3FFFFF80, s0;
	[tilespmem:s18+$0x80] =	vst v5;
	v2 =	vadd.f32 v4, v2;
	v4 =	vld [tilespmem:s17+$0x180]  }
0x25c: {  	s24 =	sand.u32 $0x40, s20;
	s23 =	sand.u32 $0x3FFFF000, s23;
	s0 =	sadd.s32 s2, s0;
	[tilespmem:s18+$0x100] =	vst v6;
	v5 =	vld [tilespmem:s14+$0x0]  }
0x25d: {  	s2 =	sor.u32 s2, s23;
	s23 =	sor.u32 $0x30, s24;
	s0 =	sadd.s32 $0x1A000, s0;
	[tilespmem:s18+$0x180] =	vst v2;
	v2 =	vadd.f32 v3, v1;
	v3 =	vld [tilespmem:s14+$0x80]  }
0x25e: {  	s2 =	sadd.s32 $0x8000, s2;
	s18 =	sor.u32 $0x10, s24;
	s25 =	sor.u32 s23, s0;
	v6 =	vadd.f32 v8, v1;
	v8 =	vld [tilespmem:s14+$0x100]  }
0x25f: {  	s28 =	sor.u32 $0x20, s24;
	s26 =	sor.u32 s24, s0;
	s23 =	sor.u32 s23, s2;
	v9 =	vld [tilespmem:s25+$0x0];
	[tilespmem:s17+$0x0] =	vst v2;
	v2 =	vadd.f32 v7, v1  }
0x260: {  	s24 =	sor.u32 s24, s2;
	s25 =	sor.u32 s18, s0;
	s18 =	sor.u32 s18, s2;
	v7 =	vld [tilespmem:s23+$0x180];
	[tilespmem:s17+$0x80] =	vst v6;
	v1 =	vadd.f32 v4, v1  }
0x261: {  	p0 =	slt.u32 s19, $0xFC;
	s0 =	sor.u32 s28, s0;
	s2 =	sor.u32 s28, s2;
	v4 =	vld [tilespmem:s26+$0x0];
	[tilespmem:s17+$0x100] =	vst v2;
	v2 =	vadd.f32 v5, v0  }
0x262: {  	v5 =	vld [tilespmem:s24+$0x0];
	[tilespmem:s17+$0x180] =	vst v1;
	v1 =	vadd.f32 v3, v0;
	s17 =	smov.u32 s2  }
0x263: {  	v3 =	vld [tilespmem:s24+$0x80];
	[tilespmem:s14+$0x0] =	vst v2;
	v2 =	vadd.f32 v8, v0  }
0x264: {  	v6 =	vld [tilespmem:s24+$0x100];
	[tilespmem:s14+$0x80] =	vst v1;
	v0 =	vmov v9  }
0x265: {  	v1 =	vld [tilespmem:s24+$0x180];
	v7 =	vadd.f32 v7, v0;
	[tilespmem:s14+$0x100] =	vst v2;
	s14 =	smov.u32 s23  }
0x266: {  	v2 =	vld [tilespmem:s25+$0x0]  }
0x267: {  	v8 =	vadd.f32 v5, v4;
	v9 =	vld [tilespmem:s18+$0x0];
	[tilespmem:s14+$0x180] =	vst v7  }
.Ltmp8:
0x268: {  	v3 =	vadd.f32 v3, v4;
	v5 =	vld [tilespmem:s18+$0x80];
	(pc) =	sbr.rel @p0 .LBB2_18-.Ltmp8, $4  }
0x269: {  	[tilespmem:s24+$0x0] =	vst v8;
	v7 =	vadd.f32 v6, v4;
	v6 =	vld [tilespmem:s18+$0x100]  }
0x26a: {  	[tilespmem:s24+$0x80] =	vst v3;
	v3 =	vadd.f32 v1, v4;
	v4 =	vld [tilespmem:s18+$0x180]  }
0x26b: {  	[tilespmem:s24+$0x100] =	vst v7;
	v1 =	vld [tilespmem:s0+$0x0]  }
0x26c: {  	[tilespmem:s24+$0x180] =	vst v3;
	v7 =	vadd.f32 v9, v2;
	v3 =	vld [tilespmem:s17+$0x0]  }
0x26d: {  	v8 =	vld [tilespmem:s17+$0x80]  }
0x26e: {  	v5 =	vadd.f32 v5, v2;
	v9 =	vld [tilespmem:s17+$0x100]  }
0x26f: {  	[tilespmem:s18+$0x0] =	vst v7;
	v6 =	vadd.f32 v6, v2;
	v7 =	vld [tilespmem:s17+$0x180]  }
0x270: {  	[tilespmem:s18+$0x80] =	vst v5;
	v2 =	vadd.f32 v4, v2;
	v4 =	vld [tilespmem:s14+$0x0]  }
0x271: {  	v5 =	vld [tilespmem:s14+$0x80];
	[tilespmem:s18+$0x100] =	vst v6;
	v3 =	vadd.f32 v3, v1  }
0x272: {  	v6 =	vld [tilespmem:s14+$0x100];
	[tilespmem:s18+$0x180] =	vst v2;
	v2 =	vadd.f32 v8, v1  }
0x273: {  	[tilespmem:s17+$0x0] =	vst v3;
	v3 =	vadd.f32 v9, v1  }
0x274: {  	v1 =	vadd.f32 v7, v1;
	[tilespmem:s17+$0x80] =	vst v2  }
0x275: {  	v2 =	vadd.f32 v4, v0;
	[tilespmem:s17+$0x100] =	vst v3  }
0x276: {  	[tilespmem:s17+$0x180] =	vst v1;
	v1 =	vadd.f32 v5, v0  }
0x277: {  	v0 =	vadd.f32 v6, v0;
	[tilespmem:s14+$0x0] =	vst v2  }
0x278: {  	[tilespmem:s14+$0x80] =	vst v1  }
0x279: {  	[tilespmem:s14+$0x100] =	vst v0  }
0x27a: {  	s0 =	sld [smem:$0x7EE];
	_ =	sdelay $0x1  }
0x27b: {  	s15 =	simm.s32 $0x0;
	s2 =	simm.s32 $0x8000  }
0x27c: {  	[hbm4b:s0+s15] =	stream.linear.scatter [tilespmem:s2], [sflag:$0x9], $0x4000, $0x38;
	[tilespmem:$0x1E000] =	vst v63  }
0x27d: {  	_ =	swait.ge [sflag:s4], $0x4000  }
0x27e: {  	s2 =	sld [smem:$0x7F5]  }
0x27f: {  	[sflag:s4] =	ssyncset.done $0x0  }
0x280: {  	[sflag:s4] =	ssyncadd.s32 $0xFFFFC000  }
0x281: {  	[tilespmem:s15], [sflag:$0x1] =	stream.linear.gather [hbm4b:s2+s15], $0x4000, $0x38;
	[tilespmem:$0x1E000] =	vst v63  }
0x282: {  	s17 =	simm.s32 $0x18000;
	s14 =	rddreg [dreg:$0xc]  }
0x283: {  	[tilespmem:s17], [sflag:$0x1] =	stream.strided.gather [hbm4b:s14+s21], $0x1000, s22, s21, $0x38;
	[tilespmem:$0x1E000] =	vst v63  }
0x284: {  	s20 =	simm.s32 $0x0;
	s19 =	sand.u32 $0xE00, s15;
	_ =	swait.ge [sflag:s5], $0x4000  }
0x285: {  	s23 =	sand.u32 $0x40, s15;
	s18 =	simm.s32 $0x0;
	[sflag:s5] =	ssyncset.done $0x0  }
0x286: {  	s24 =	sor.u32 $0x30, s23;
	s0 =	sand.u32 $0x3FFFFF80, s18;
	[sflag:s5] =	ssyncadd.s32 $0xFFFFC000  }
0x287: {  	s0 =	sadd.s32 s19, s0;
	s14 =	sand.u32 $0x3FFFF000, s20;
	_ =	swait.ge [sflag:s5], $0x1000  }
0x288: {  	s0 =	sadd.s32 $0x1B000, s0;
	s2 =	sor.u32 s19, s14;
	[sflag:s5] =	ssyncset.done $0x0  }
0x289: {  	s25 =	sor.u32 s24, s0;
	s2 =	sadd.s32 $0xC000, s2;
	[sflag:s5] =	ssyncadd.s32 $0xFFFFF000  }
0x28a: {  	s14 =	sor.u32 s24, s2;
	v0 =	vld [tilespmem:s25+$0x0]  }
0x28b: {  	s26 =	sor.u32 s23, s0;
	v1 =	vld [tilespmem:s14+$0x180]  }
0x28c: {  	s20 =	sor.u32 s23, s2;
	v3 =	vld [tilespmem:s26+$0x0]  }
0x28d: {  	v4 =	vld [tilespmem:s20+$0x0]  }
0x28e: {  	v5 =	vld [tilespmem:s20+$0x80]  }
0x28f: {  	v6 =	vld [tilespmem:s20+$0x100]  }
0x290: {  	s28 =	sor.u32 $0x10, s23  }
0x291: {  	s19 =	sor.u32 s28, s0;
	v7 =	vld [tilespmem:s20+$0x180]  }
0x292: {  	s18 =	sor.u32 s28, s2;
	v2 =	vld [tilespmem:s19+$0x0];
	v1 =	vadd.f32 v1, v0  }
0x293: {  	v8 =	vld [tilespmem:s18+$0x0];
	v4 =	vadd.f32 v4, v3  }
0x294: {  	v63 =	vadd.f32 v6, v3;
	[tilespmem:s14+$0x180] =	vst v1;
	v1 =	vadd.f32 v5, v3;
	v5 =	vld [tilespmem:s18+$0x80]  }
0x295: {  	s17 =	sor.u32 $0x20, s23;
	v6 =	vld [tilespmem:s18+$0x100];
	[tilespmem:s20+$0x0] =	vst v4  }
0x296: {  	s0 =	sor.u32 s17, s0;
	v3 =	vadd.f32 v7, v3;
	v4 =	vld [tilespmem:s18+$0x180];
	[tilespmem:s20+$0x100] =	vst v63  }
0x297: {  	s17 =	sor.u32 s17, s2;
	[tilespmem:s20+$0x80] =	vst v1;
	v1 =	vld [tilespmem:s0+$0x0]  }
0x298: {  	s19 =	simm.s32 $0x0;
	v7 =	vadd.f32 v8, v2;
	[tilespmem:s20+$0x180] =	vst v3;
	v3 =	vld [tilespmem:s17+$0x0];
	s20 =	simm.s32 $0x0  }
.LBB2_20:
0x299: {  	s19 =	sadd.s32 $0x4, s19;
	v5 =	vadd.f32 v5, v2;
	v8 =	vld [tilespmem:s17+$0x80]  }
0x29a: {  	s15 =	sadd.s32 $0x100, s15;
	s20 =	sadd.s32 $0x40, s20;
	s0 =	sshll.u32 s19, $0x1;
	[tilespmem:s18+$0x0] =	vst v7;
	v6 =	vadd.f32 v6, v2;
	v7 =	vld [tilespmem:s17+$0x100]  }
0x29b: {  	s2 =	sand.u32 $0xE00, s15;
	s23 =	sshll.u32 s19, $0x6;
	s0 =	sand.u32 $0x3FFFFF80, s0;
	[tilespmem:s18+$0x80] =	vst v5;
	v2 =	vadd.f32 v4, v2;
	v4 =	vld [tilespmem:s17+$0x180]  }
0x29c: {  	s24 =	sand.u32 $0x40, s20;
	s23 =	sand.u32 $0x3FFFF000, s23;
	s0 =	sadd.s32 s2, s0;
	[tilespmem:s18+$0x100] =	vst v6;
	v5 =	vld [tilespmem:s14+$0x0]  }
0x29d: {  	s2 =	sor.u32 s2, s23;
	s23 =	sor.u32 $0x30, s24;
	s0 =	sadd.s32 $0x1B000, s0;
	[tilespmem:s18+$0x180] =	vst v2;
	v2 =	vadd.f32 v3, v1;
	v3 =	vld [tilespmem:s14+$0x80]  }
0x29e: {  	s2 =	sadd.s32 $0xC000, s2;
	s18 =	sor.u32 $0x10, s24;
	s25 =	sor.u32 s23, s0;
	v6 =	vadd.f32 v8, v1;
	v8 =	vld [tilespmem:s14+$0x100]  }
0x29f: {  	s28 =	sor.u32 $0x20, s24;
	s26 =	sor.u32 s24, s0;
	s23 =	sor.u32 s23, s2;
	v9 =	vld [tilespmem:s25+$0x0];
	[tilespmem:s17+$0x0] =	vst v2;
	v2 =	vadd.f32 v7, v1  }
0x2a0: {  	s24 =	sor.u32 s24, s2;
	s25 =	sor.u32 s18, s0;
	s18 =	sor.u32 s18, s2;
	v7 =	vld [tilespmem:s23+$0x180];
	[tilespmem:s17+$0x80] =	vst v6;
	v1 =	vadd.f32 v4, v1  }
0x2a1: {  	p0 =	slt.u32 s19, $0xFC;
	s0 =	sor.u32 s28, s0;
	s2 =	sor.u32 s28, s2;
	v4 =	vld [tilespmem:s26+$0x0];
	[tilespmem:s17+$0x100] =	vst v2;
	v2 =	vadd.f32 v5, v0  }
0x2a2: {  	v5 =	vld [tilespmem:s24+$0x0];
	[tilespmem:s17+$0x180] =	vst v1;
	v1 =	vadd.f32 v3, v0;
	s17 =	smov.u32 s2  }
0x2a3: {  	v3 =	vld [tilespmem:s24+$0x80];
	[tilespmem:s14+$0x0] =	vst v2;
	v2 =	vadd.f32 v8, v0  }
0x2a4: {  	v6 =	vld [tilespmem:s24+$0x100];
	[tilespmem:s14+$0x80] =	vst v1;
	v0 =	vmov v9  }
0x2a5: {  	v1 =	vld [tilespmem:s24+$0x180];
	v7 =	vadd.f32 v7, v0;
	[tilespmem:s14+$0x100] =	vst v2;
	s14 =	smov.u32 s23  }
0x2a6: {  	v2 =	vld [tilespmem:s25+$0x0]  }
0x2a7: {  	v8 =	vadd.f32 v5, v4;
	v9 =	vld [tilespmem:s18+$0x0];
	[tilespmem:s14+$0x180] =	vst v7  }
.Ltmp9:
0x2a8: {  	v3 =	vadd.f32 v3, v4;
	v5 =	vld [tilespmem:s18+$0x80];
	(pc) =	sbr.rel @p0 .LBB2_20-.Ltmp9, $4  }
0x2a9: {  	[tilespmem:s24+$0x0] =	vst v8;
	v7 =	vadd.f32 v6, v4;
	v6 =	vld [tilespmem:s18+$0x100]  }
0x2aa: {  	[tilespmem:s24+$0x80] =	vst v3;
	v3 =	vadd.f32 v1, v4;
	v4 =	vld [tilespmem:s18+$0x180]  }
0x2ab: {  	[tilespmem:s24+$0x100] =	vst v7;
	v1 =	vld [tilespmem:s0+$0x0]  }
0x2ac: {  	[tilespmem:s24+$0x180] =	vst v3;
	v7 =	vadd.f32 v9, v2;
	v3 =	vld [tilespmem:s17+$0x0]  }
0x2ad: {  	v8 =	vld [tilespmem:s17+$0x80]  }
0x2ae: {  	v5 =	vadd.f32 v5, v2;
	v9 =	vld [tilespmem:s17+$0x100]  }
0x2af: {  	[tilespmem:s18+$0x0] =	vst v7;
	v6 =	vadd.f32 v6, v2;
	v7 =	vld [tilespmem:s17+$0x180]  }
0x2b0: {  	[tilespmem:s18+$0x80] =	vst v5;
	v2 =	vadd.f32 v4, v2;
	v4 =	vld [tilespmem:s14+$0x0]  }
0x2b1: {  	v5 =	vld [tilespmem:s14+$0x80];
	[tilespmem:s18+$0x100] =	vst v6;
	v3 =	vadd.f32 v3, v1  }
0x2b2: {  	v6 =	vld [tilespmem:s14+$0x100];
	[tilespmem:s18+$0x180] =	vst v2;
	v2 =	vadd.f32 v8, v1  }
0x2b3: {  	[tilespmem:s17+$0x0] =	vst v3;
	v3 =	vadd.f32 v9, v1  }
0x2b4: {  	v1 =	vadd.f32 v7, v1;
	[tilespmem:s17+$0x80] =	vst v2  }
0x2b5: {  	v2 =	vadd.f32 v4, v0;
	[tilespmem:s17+$0x100] =	vst v3  }
0x2b6: {  	[tilespmem:s17+$0x180] =	vst v1;
	v1 =	vadd.f32 v5, v0  }
0x2b7: {  	v0 =	vadd.f32 v6, v0;
	[tilespmem:s14+$0x0] =	vst v2  }
0x2b8: {  	[tilespmem:s14+$0x80] =	vst v1  }
0x2b9: {  	[tilespmem:s14+$0x100] =	vst v0  }
0x2ba: {  	s0 =	sld [smem:$0x7F0];
	_ =	sdelay $0x1  }
0x2bb: {  	s15 =	simm.s32 $0x0  }
0x2bc: {  	[hbm4b:s0+s15] =	stream.linear.scatter [tilespmem:s29], [sflag:$0xA], $0x4000, $0x38;
	[tilespmem:$0x1E000] =	vst v63  }
0x2bd: {  	_ =	swait.ge [sflag:s6], $0x4000  }
0x2be: {  	s17 =	sld [smem:$0x7F6]  }
0x2bf: {  	[sflag:s6] =	ssyncset.done $0x0  }
0x2c0: {  	[sflag:s6] =	ssyncadd.s32 $0xFFFFC000  }
0x2c1: {  	[tilespmem:s30], [sflag:$0x2] =	stream.linear.gather [hbm4b:s17+s15], $0x4000, $0x38;
	[tilespmem:$0x1E000] =	vst v63  }
0x2c2: {  	s2 =	simm.s32 $0x19000;
	s18 =	rddreg [dreg:$0x12]  }
0x2c3: {  	[tilespmem:s2], [sflag:$0x2] =	stream.strided.gather [hbm4b:s18+s21], $0x1000, s22, s21, $0x38;
	[tilespmem:$0x1E000] =	vst v63  }
0x2c4: {  	s19 =	simm.s32 $0x0;
	s23 =	simm.s32 $0x0;
	_ =	swait.ge [sflag:s7], $0x4000  }
0x2c5: {  	s20 =	sand.u32 $0xE00, s15;
	s24 =	sand.u32 $0x40, s15;
	[sflag:s7] =	ssyncset.done $0x0  }
0x2c6: {  	s25 =	sor.u32 $0x30, s24;
	s0 =	sand.u32 $0x3FFFFF80, s19;
	[sflag:s7] =	ssyncadd.s32 $0xFFFFC000  }
0x2c7: {  	s14 =	sand.u32 $0x3FFFF000, s23;
	s0 =	sadd.s32 s20, s0;
	_ =	swait.ge [sflag:s7], $0x1000  }
0x2c8: {  	s0 =	sadd.s32 $0x1C000, s0;
	s2 =	sor.u32 s20, s14;
	[sflag:s7] =	ssyncset.done $0x0  }
0x2c9: {  	s26 =	sor.u32 s25, s0;
	s2 =	sadd.s32 $0x10000, s2;
	[sflag:s7] =	ssyncadd.s32 $0xFFFFF000  }
0x2ca: {  	s14 =	sor.u32 s25, s2;
	v0 =	vld [tilespmem:s26+$0x0]  }
0x2cb: {  	s28 =	sor.u32 s24, s0;
	v1 =	vld [tilespmem:s14+$0x180]  }
0x2cc: {  	s20 =	sor.u32 s24, s2;
	v3 =	vld [tilespmem:s28+$0x0]  }
0x2cd: {  	v4 =	vld [tilespmem:s20+$0x0]  }
0x2ce: {  	v5 =	vld [tilespmem:s20+$0x80]  }
0x2cf: {  	v6 =	vld [tilespmem:s20+$0x100]  }
0x2d0: {  	s30 =	sor.u32 $0x10, s24  }
0x2d1: {  	s19 =	sor.u32 s30, s0;
	v7 =	vld [tilespmem:s20+$0x180]  }
0x2d2: {  	s18 =	sor.u32 s30, s2;
	v2 =	vld [tilespmem:s19+$0x0];
	v1 =	vadd.f32 v1, v0  }
0x2d3: {  	v8 =	vld [tilespmem:s18+$0x0];
	v4 =	vadd.f32 v4, v3  }
0x2d4: {  	v63 =	vadd.f32 v6, v3;
	[tilespmem:s14+$0x180] =	vst v1;
	v1 =	vadd.f32 v5, v3;
	v5 =	vld [tilespmem:s18+$0x80]  }
0x2d5: {  	s17 =	sor.u32 $0x20, s24;
	v6 =	vld [tilespmem:s18+$0x100];
	[tilespmem:s20+$0x0] =	vst v4  }
0x2d6: {  	s0 =	sor.u32 s17, s0;
	v3 =	vadd.f32 v7, v3;
	v4 =	vld [tilespmem:s18+$0x180];
	[tilespmem:s20+$0x100] =	vst v63  }
0x2d7: {  	s17 =	sor.u32 s17, s2;
	[tilespmem:s20+$0x80] =	vst v1;
	v1 =	vld [tilespmem:s0+$0x0]  }
0x2d8: {  	s19 =	simm.s32 $0x0;
	v7 =	vadd.f32 v8, v2;
	[tilespmem:s20+$0x180] =	vst v3;
	v3 =	vld [tilespmem:s17+$0x0];
	s20 =	simm.s32 $0x0  }
.LBB2_22:
0x2d9: {  	s19 =	sadd.s32 $0x4, s19;
	v5 =	vadd.f32 v5, v2;
	v8 =	vld [tilespmem:s17+$0x80]  }
0x2da: {  	s15 =	sadd.s32 $0x100, s15;
	s20 =	sadd.s32 $0x40, s20;
	s0 =	sshll.u32 s19, $0x1;
	[tilespmem:s18+$0x0] =	vst v7;
	v6 =	vadd.f32 v6, v2;
	v7 =	vld [tilespmem:s17+$0x100]  }
0x2db: {  	s2 =	sand.u32 $0xE00, s15;
	s23 =	sshll.u32 s19, $0x6;
	s0 =	sand.u32 $0x3FFFFF80, s0;
	[tilespmem:s18+$0x80] =	vst v5;
	v2 =	vadd.f32 v4, v2;
	v4 =	vld [tilespmem:s17+$0x180]  }
0x2dc: {  	s24 =	sand.u32 $0x40, s20;
	s23 =	sand.u32 $0x3FFFF000, s23;
	s0 =	sadd.s32 s2, s0;
	[tilespmem:s18+$0x100] =	vst v6;
	v5 =	vld [tilespmem:s14+$0x0]  }
0x2dd: {  	s2 =	sor.u32 s2, s23;
	s23 =	sor.u32 $0x30, s24;
	s0 =	sadd.s32 $0x1C000, s0;
	[tilespmem:s18+$0x180] =	vst v2;
	v2 =	vadd.f32 v3, v1;
	v3 =	vld [tilespmem:s14+$0x80]  }
0x2de: {  	s2 =	sadd.s32 $0x10000, s2;
	s18 =	sor.u32 $0x10, s24;
	s25 =	sor.u32 s23, s0;
	v6 =	vadd.f32 v8, v1;
	v8 =	vld [tilespmem:s14+$0x100]  }
0x2df: {  	s28 =	sor.u32 $0x20, s24;
	s26 =	sor.u32 s24, s0;
	s23 =	sor.u32 s23, s2;
	v9 =	vld [tilespmem:s25+$0x0];
	[tilespmem:s17+$0x0] =	vst v2;
	v2 =	vadd.f32 v7, v1  }
0x2e0: {  	s24 =	sor.u32 s24, s2;
	s25 =	sor.u32 s18, s0;
	s18 =	sor.u32 s18, s2;
	v7 =	vld [tilespmem:s23+$0x180];
	[tilespmem:s17+$0x80] =	vst v6;
	v1 =	vadd.f32 v4, v1  }
0x2e1: {  	p0 =	slt.u32 s19, $0xFC;
	s0 =	sor.u32 s28, s0;
	s2 =	sor.u32 s28, s2;
	v4 =	vld [tilespmem:s26+$0x0];
	[tilespmem:s17+$0x100] =	vst v2;
	v2 =	vadd.f32 v5, v0  }
0x2e2: {  	v5 =	vld [tilespmem:s24+$0x0];
	[tilespmem:s17+$0x180] =	vst v1;
	v1 =	vadd.f32 v3, v0;
	s17 =	smov.u32 s2  }
0x2e3: {  	v3 =	vld [tilespmem:s24+$0x80];
	[tilespmem:s14+$0x0] =	vst v2;
	v2 =	vadd.f32 v8, v0  }
0x2e4: {  	v6 =	vld [tilespmem:s24+$0x100];
	[tilespmem:s14+$0x80] =	vst v1;
	v0 =	vmov v9  }
0x2e5: {  	v1 =	vld [tilespmem:s24+$0x180];
	v7 =	vadd.f32 v7, v0;
	[tilespmem:s14+$0x100] =	vst v2;
	s14 =	smov.u32 s23  }
0x2e6: {  	v2 =	vld [tilespmem:s25+$0x0]  }
0x2e7: {  	v8 =	vadd.f32 v5, v4;
	v9 =	vld [tilespmem:s18+$0x0];
	[tilespmem:s14+$0x180] =	vst v7  }
.Ltmp10:
0x2e8: {  	v3 =	vadd.f32 v3, v4;
	v5 =	vld [tilespmem:s18+$0x80];
	(pc) =	sbr.rel @p0 .LBB2_22-.Ltmp10, $4  }
0x2e9: {  	[tilespmem:s24+$0x0] =	vst v8;
	v7 =	vadd.f32 v6, v4;
	v6 =	vld [tilespmem:s18+$0x100]  }
0x2ea: {  	[tilespmem:s24+$0x80] =	vst v3;
	v3 =	vadd.f32 v1, v4;
	v4 =	vld [tilespmem:s18+$0x180]  }
0x2eb: {  	[tilespmem:s24+$0x100] =	vst v7;
	v1 =	vld [tilespmem:s0+$0x0]  }
0x2ec: {  	[tilespmem:s24+$0x180] =	vst v3;
	v7 =	vadd.f32 v9, v2;
	v3 =	vld [tilespmem:s17+$0x0]  }
0x2ed: {  	v8 =	vld [tilespmem:s17+$0x80]  }
0x2ee: {  	v5 =	vadd.f32 v5, v2;
	v9 =	vld [tilespmem:s17+$0x100]  }
0x2ef: {  	[tilespmem:s18+$0x0] =	vst v7;
	v6 =	vadd.f32 v6, v2;
	v7 =	vld [tilespmem:s17+$0x180]  }
0x2f0: {  	[tilespmem:s18+$0x80] =	vst v5;
	v2 =	vadd.f32 v4, v2;
	v4 =	vld [tilespmem:s14+$0x0]  }
0x2f1: {  	v5 =	vld [tilespmem:s14+$0x80];
	[tilespmem:s18+$0x100] =	vst v6;
	v3 =	vadd.f32 v3, v1  }
0x2f2: {  	v6 =	vld [tilespmem:s14+$0x100];
	[tilespmem:s18+$0x180] =	vst v2;
	v2 =	vadd.f32 v8, v1  }
0x2f3: {  	[tilespmem:s17+$0x0] =	vst v3;
	v3 =	vadd.f32 v9, v1  }
0x2f4: {  	v1 =	vadd.f32 v7, v1;
	[tilespmem:s17+$0x80] =	vst v2  }
0x2f5: {  	v2 =	vadd.f32 v4, v0;
	[tilespmem:s17+$0x100] =	vst v3  }
0x2f6: {  	[tilespmem:s17+$0x180] =	vst v1;
	v1 =	vadd.f32 v5, v0  }
0x2f7: {  	v0 =	vadd.f32 v6, v0;
	[tilespmem:s14+$0x0] =	vst v2  }
0x2f8: {  	[tilespmem:s14+$0x80] =	vst v1  }
0x2f9: {  	[tilespmem:s14+$0x100] =	vst v0  }
0x2fa: {  	s0 =	sld [smem:$0x7F2];
	_ =	sdelay $0x1  }
0x2fb: {  	s15 =	simm.s32 $0x0;
	s2 =	simm.s32 $0x10000  }
0x2fc: {  	[hbm4b:s0+s15] =	stream.linear.scatter [tilespmem:s2], [sflag:$0xB], $0x4000, $0x38;
	[tilespmem:$0x1E000] =	vst v63  }
0x2fd: {  	_ =	swait.ge [sflag:s8], $0x4000  }
0x2fe: {  	s2 =	sld [smem:$0x7F7]  }
0x2ff: {  	[sflag:s8] =	ssyncset.done $0x0  }
0x300: {  	s14 =	simm.s32 $0x8000;
	[sflag:s8] =	ssyncadd.s32 $0xFFFFC000  }
0x301: {  	[tilespmem:s14], [sflag:$0x3] =	stream.linear.gather [hbm4b:s2+s15], $0x4000, $0x38;
	[tilespmem:$0x1E000] =	vst v63  }
0x302: {  	s18 =	simm.s32 $0x1A000;
	s17 =	rddreg [dreg:$0xd]  }
0x303: {  	[tilespmem:s18], [sflag:$0x3] =	stream.strided.gather [hbm4b:s17+s21], $0x1000, s22, s21, $0x38;
	[tilespmem:$0x1E000] =	vst v63  }
0x304: {  	s19 =	simm.s32 $0x0;
	s23 =	simm.s32 $0x0;
	_ =	swait.ge [sflag:s9], $0x4000  }
0x305: {  	s20 =	sand.u32 $0xE00, s15;
	s24 =	sand.u32 $0x40, s15;
	[sflag:s9] =	ssyncset.done $0x0  }
0x306: {  	s25 =	sor.u32 $0x30, s24;
	s0 =	sand.u32 $0x3FFFFF80, s19;
	[sflag:s9] =	ssyncadd.s32 $0xFFFFC000  }
0x307: {  	s0 =	sadd.s32 s20, s0;
	s14 =	sand.u32 $0x3FFFF000, s23;
	_ =	swait.ge [sflag:s9], $0x1000  }
0x308: {  	s0 =	sadd.s32 $0x1D000, s0;
	s2 =	sor.u32 s20, s14;
	[sflag:s9] =	ssyncset.done $0x0  }
0x309: {  	s26 =	sor.u32 s25, s0;
	s2 =	sadd.s32 $0x14000, s2;
	[sflag:s9] =	ssyncadd.s32 $0xFFFFF000  }
0x30a: {  	s14 =	sor.u32 s25, s2;
	v0 =	vld [tilespmem:s26+$0x0]  }
0x30b: {  	s28 =	sor.u32 s24, s0;
	v1 =	vld [tilespmem:s14+$0x180]  }
0x30c: {  	s20 =	sor.u32 s24, s2;
	v3 =	vld [tilespmem:s28+$0x0]  }
0x30d: {  	v4 =	vld [tilespmem:s20+$0x0]  }
0x30e: {  	v5 =	vld [tilespmem:s20+$0x80]  }
0x30f: {  	v6 =	vld [tilespmem:s20+$0x100]  }
0x310: {  	s30 =	sor.u32 $0x10, s24  }
0x311: {  	s19 =	sor.u32 s30, s0;
	v7 =	vld [tilespmem:s20+$0x180]  }
0x312: {  	s18 =	sor.u32 s30, s2;
	v2 =	vld [tilespmem:s19+$0x0];
	v1 =	vadd.f32 v1, v0  }
0x313: {  	v8 =	vld [tilespmem:s18+$0x0];
	v4 =	vadd.f32 v4, v3  }
0x314: {  	v63 =	vadd.f32 v6, v3;
	[tilespmem:s14+$0x180] =	vst v1;
	v1 =	vadd.f32 v5, v3;
	v5 =	vld [tilespmem:s18+$0x80]  }
0x315: {  	s17 =	sor.u32 $0x20, s24;
	v6 =	vld [tilespmem:s18+$0x100];
	[tilespmem:s20+$0x0] =	vst v4  }
0x316: {  	s0 =	sor.u32 s17, s0;
	v3 =	vadd.f32 v7, v3;
	v4 =	vld [tilespmem:s18+$0x180];
	[tilespmem:s20+$0x100] =	vst v63  }
0x317: {  	s17 =	sor.u32 s17, s2;
	[tilespmem:s20+$0x80] =	vst v1;
	v1 =	vld [tilespmem:s0+$0x0]  }
0x318: {  	s19 =	simm.s32 $0x0;
	v7 =	vadd.f32 v8, v2;
	[tilespmem:s20+$0x180] =	vst v3;
	v3 =	vld [tilespmem:s17+$0x0];
	s20 =	simm.s32 $0x0  }
.LBB2_24:
0x319: {  	s19 =	sadd.s32 $0x4, s19;
	v5 =	vadd.f32 v5, v2;
	v8 =	vld [tilespmem:s17+$0x80]  }
0x31a: {  	s15 =	sadd.s32 $0x100, s15;
	s20 =	sadd.s32 $0x40, s20;
	s0 =	sshll.u32 s19, $0x1;
	[tilespmem:s18+$0x0] =	vst v7;
	v6 =	vadd.f32 v6, v2;
	v7 =	vld [tilespmem:s17+$0x100]  }
0x31b: {  	s2 =	sand.u32 $0xE00, s15;
	s23 =	sshll.u32 s19, $0x6;
	s0 =	sand.u32 $0x3FFFFF80, s0;
	[tilespmem:s18+$0x80] =	vst v5;
	v2 =	vadd.f32 v4, v2;
	v4 =	vld [tilespmem:s17+$0x180]  }
0x31c: {  	s24 =	sand.u32 $0x40, s20;
	s23 =	sand.u32 $0x3FFFF000, s23;
	s0 =	sadd.s32 s2, s0;
	[tilespmem:s18+$0x100] =	vst v6;
	v5 =	vld [tilespmem:s14+$0x0]  }
0x31d: {  	s2 =	sor.u32 s2, s23;
	s23 =	sor.u32 $0x30, s24;
	s0 =	sadd.s32 $0x1D000, s0;
	[tilespmem:s18+$0x180] =	vst v2;
	v2 =	vadd.f32 v3, v1;
	v3 =	vld [tilespmem:s14+$0x80]  }
0x31e: {  	s2 =	sadd.s32 $0x14000, s2;
	s18 =	sor.u32 $0x10, s24;
	s25 =	sor.u32 s23, s0;
	v6 =	vadd.f32 v8, v1;
	v8 =	vld [tilespmem:s14+$0x100]  }
0x31f: {  	s28 =	sor.u32 $0x20, s24;
	s26 =	sor.u32 s24, s0;
	s23 =	sor.u32 s23, s2;
	v9 =	vld [tilespmem:s25+$0x0];
	[tilespmem:s17+$0x0] =	vst v2;
	v2 =	vadd.f32 v7, v1  }
0x320: {  	s24 =	sor.u32 s24, s2;
	s25 =	sor.u32 s18, s0;
	s18 =	sor.u32 s18, s2;
	v7 =	vld [tilespmem:s23+$0x180];
	[tilespmem:s17+$0x80] =	vst v6;
	v1 =	vadd.f32 v4, v1  }
0x321: {  	p0 =	slt.u32 s19, $0xFC;
	s0 =	sor.u32 s28, s0;
	s2 =	sor.u32 s28, s2;
	v4 =	vld [tilespmem:s26+$0x0];
	[tilespmem:s17+$0x100] =	vst v2;
	v2 =	vadd.f32 v5, v0  }
0x322: {  	v5 =	vld [tilespmem:s24+$0x0];
	[tilespmem:s17+$0x180] =	vst v1;
	v1 =	vadd.f32 v3, v0;
	s17 =	smov.u32 s2  }
0x323: {  	v3 =	vld [tilespmem:s24+$0x80];
	[tilespmem:s14+$0x0] =	vst v2;
	v2 =	vadd.f32 v8, v0  }
0x324: {  	v6 =	vld [tilespmem:s24+$0x100];
	[tilespmem:s14+$0x80] =	vst v1;
	v0 =	vmov v9  }
0x325: {  	v1 =	vld [tilespmem:s24+$0x180];
	v7 =	vadd.f32 v7, v0;
	[tilespmem:s14+$0x100] =	vst v2;
	s14 =	smov.u32 s23  }
0x326: {  	v2 =	vld [tilespmem:s25+$0x0]  }
0x327: {  	v8 =	vadd.f32 v5, v4;
	v9 =	vld [tilespmem:s18+$0x0];
	[tilespmem:s14+$0x180] =	vst v7  }
.Ltmp11:
0x328: {  	v3 =	vadd.f32 v3, v4;
	v5 =	vld [tilespmem:s18+$0x80];
	(pc) =	sbr.rel @p0 .LBB2_24-.Ltmp11, $4  }
0x329: {  	[tilespmem:s24+$0x0] =	vst v8;
	v7 =	vadd.f32 v6, v4;
	v6 =	vld [tilespmem:s18+$0x100]  }
0x32a: {  	[tilespmem:s24+$0x80] =	vst v3;
	v3 =	vadd.f32 v1, v4;
	v4 =	vld [tilespmem:s18+$0x180]  }
0x32b: {  	[tilespmem:s24+$0x100] =	vst v7;
	v1 =	vld [tilespmem:s0+$0x0]  }
0x32c: {  	[tilespmem:s24+$0x180] =	vst v3;
	v7 =	vadd.f32 v9, v2;
	v3 =	vld [tilespmem:s17+$0x0]  }
0x32d: {  	v8 =	vld [tilespmem:s17+$0x80]  }
0x32e: {  	v5 =	vadd.f32 v5, v2;
	v9 =	vld [tilespmem:s17+$0x100]  }
0x32f: {  	[tilespmem:s18+$0x0] =	vst v7;
	v6 =	vadd.f32 v6, v2;
	v7 =	vld [tilespmem:s17+$0x180]  }
0x330: {  	[tilespmem:s18+$0x80] =	vst v5;
	v2 =	vadd.f32 v4, v2;
	v4 =	vld [tilespmem:s14+$0x0]  }
0x331: {  	v5 =	vld [tilespmem:s14+$0x80];
	[tilespmem:s18+$0x100] =	vst v6;
	v3 =	vadd.f32 v3, v1  }
0x332: {  	v6 =	vld [tilespmem:s14+$0x100];
	[tilespmem:s18+$0x180] =	vst v2;
	v2 =	vadd.f32 v8, v1  }
0x333: {  	[tilespmem:s17+$0x0] =	vst v3;
	v3 =	vadd.f32 v9, v1  }
0x334: {  	v1 =	vadd.f32 v7, v1;
	[tilespmem:s17+$0x80] =	vst v2  }
0x335: {  	v2 =	vadd.f32 v4, v0;
	[tilespmem:s17+$0x100] =	vst v3  }
0x336: {  	[tilespmem:s17+$0x180] =	vst v1;
	v1 =	vadd.f32 v5, v0  }
0x337: {  	v0 =	vadd.f32 v6, v0;
	[tilespmem:s14+$0x0] =	vst v2  }
0x338: {  	[tilespmem:s14+$0x80] =	vst v1  }
0x339: {  	[tilespmem:s14+$0x100] =	vst v0  }
0x33a: {  	s0 =	sld [smem:$0x7F4];
	_ =	sdelay $0x1  }
0x33b: {  	s15 =	simm.s32 $0x0;
	s2 =	simm.s32 $0x14000  }
0x33c: {  	[hbm4b:s0+s15] =	stream.linear.scatter [tilespmem:s2], [sflag:$0xC], $0x4000, $0x38;
	[tilespmem:$0x1E000] =	vst v63  }
0x33d: {  	_ =	swait.ge [sflag:s10], $0x4000  }
0x33e: {  	s18 =	sld [smem:$0x7F8]  }
0x33f: {  	[sflag:s10] =	ssyncset.done $0x0  }
0x340: {  	[sflag:s10] =	ssyncadd.s32 $0xFFFFC000  }
0x341: {  	[tilespmem:s29], [sflag:$0x4] =	stream.linear.gather [hbm4b:s18+s15], $0x4000, $0x38;
	[tilespmem:$0x1E000] =	vst v63  }
0x342: {  	s20 =	simm.s32 $0x1B000;
	s19 =	rddreg [dreg:$0x13]  }
0x343: {  	[tilespmem:s20], [sflag:$0x4] =	stream.strided.gather [hbm4b:s19+s21], $0x1000, s22, s21, $0x38;
	[tilespmem:$0x1E000] =	vst v63  }
0x344: {  	s24 =	simm.s32 $0x0;
	_ =	swait.ge [sflag:s31], $0x4000  }
0x345: {  	s25 =	simm.s32 $0x0;
	s23 =	sand.u32 $0x40, s15;
	[sflag:s31] =	ssyncset.done $0x0  }
0x346: {  	s26 =	sand.u32 $0xE00, s15;
	s28 =	sor.u32 $0x30, s23;
	[sflag:s31] =	ssyncadd.s32 $0xFFFFC000  }
0x347: {  	s14 =	sand.u32 $0x3FFFF000, s25;
	s2 =	sand.u32 $0x3FFFFF80, s24;
	_ =	swait.ge [sflag:s31], $0x1000  }
0x348: {  	s17 =	sor.u32 s26, s14;
	s2 =	sadd.s32 s26, s2;
	[sflag:s31] =	ssyncset.done $0x0  }
0x349: {  	s14 =	sor.u32 s28, s17;
	s2 =	sadd.s32 $0x18000, s2;
	[sflag:s31] =	ssyncadd.s32 $0xFFFFF000  }
0x34a: {  	s18 =	sor.u32 s28, s2;
	v3 =	vld [tilespmem:s14+$0x180]  }
0x34b: {  	s19 =	sor.u32 $0x10, s23;
	s20 =	sor.u32 s23, s2;
	v0 =	vld [tilespmem:s18+$0x0]  }
0x34c: {  	s24 =	sor.u32 $0x20, s23;
	s30 =	sor.u32 s19, s2;
	v8 =	vld [tilespmem:s20+$0x0]  }
0x34d: {  	s2 =	sor.u32 s24, s2;
	v2 =	vld [tilespmem:s30+$0x0]  }
0x34e: {  	s23 =	sor.u32 s23, s17;
	v1 =	vld [tilespmem:s2+$0x0]  }
0x34f: {  	v4 =	vld [tilespmem:s23+$0x0]  }
0x350: {  	v9 =	vld [tilespmem:s23+$0x100]  }
0x351: {  	v5 =	vld [tilespmem:s23+$0x80]  }
0x352: {  	s18 =	sor.u32 s19, s17;
	v10 =	vld [tilespmem:s23+$0x180]  }
0x353: {  	v11 =	vld [tilespmem:s18+$0x0];
	v3 =	vadd.f32 v3, v0  }
0x354: {  	v7 =	vld [tilespmem:s18+$0x80];
	v4 =	vadd.f32 v4, v8  }
0x355: {  	v6 =	vld [tilespmem:s18+$0x100];
	v12 =	vadd.f32 v9, v8;
	[tilespmem:s14+$0x180] =	vst v3  }
0x356: {  	s17 =	sor.u32 s24, s17;
	v3 =	vadd.f32 v5, v8;
	[tilespmem:s23+$0x0] =	vst v4;
	v5 =	vld [tilespmem:s18+$0x180]  }
0x357: {  	v9 =	vadd.f32 v10, v8;
	v4 =	vld [tilespmem:s17+$0x0];
	[tilespmem:s23+$0x100] =	vst v12  }
0x358: {  	s19 =	simm.s32 $0x0;
	s20 =	simm.s32 $0x0;
	v8 =	vadd.f32 v11, v2;
	[tilespmem:s23+$0x80] =	vst v3;
	v3 =	vld [tilespmem:s17+$0x80]  }
.LBB2_26:
0x359: {  	s19 =	sadd.s32 $0x4, s19;
	[tilespmem:s23+$0x180] =	vst v9;
	v7 =	vadd.f32 v7, v2;
	v9 =	vld [tilespmem:s17+$0x100];
	s15 =	sadd.s32 $0x100, s15;
	s20 =	sadd.s32 $0x40, s20  }
0x35a: {  	s0 =	sand.u32 $0x40, s20;
	s2 =	sshll.u32 s19, $0x1;
	s23 =	sshll.u32 s19, $0x6;
	[tilespmem:s18+$0x0] =	vst v8;
	v6 =	vadd.f32 v6, v2;
	v8 =	vld [tilespmem:s17+$0x180]  }
0x35b: {  	s24 =	sand.u32 $0xE00, s15;
	s2 =	sand.u32 $0x3FFFFF80, s2;
	s23 =	sand.u32 $0x3FFFF000, s23;
	[tilespmem:s18+$0x80] =	vst v7;
	v2 =	vadd.f32 v5, v2;
	v5 =	vld [tilespmem:s14+$0x0]  }
0x35c: {  	s2 =	sadd.s32 s24, s2;
	s24 =	sor.u32 s24, s23;
	s23 =	sor.u32 $0x30, s0;
	[tilespmem:s18+$0x100] =	vst v6;
	v4 =	vadd.f32 v4, v1;
	v6 =	vld [tilespmem:s14+$0x80]  }
0x35d: {  	s25 =	sor.u32 $0x10, s0;
	s2 =	sadd.s32 $0x18000, s2;
	s26 =	sor.u32 s23, s24;
	[tilespmem:s18+$0x180] =	vst v2;
	v2 =	vadd.f32 v3, v1;
	v3 =	vld [tilespmem:s14+$0x100]  }
0x35e: {  	s28 =	sor.u32 $0x20, s0;
	s18 =	sor.u32 s0, s2;
	s30 =	sor.u32 s23, s2;
	v7 =	vld [tilespmem:s26+$0x180];
	[tilespmem:s17+$0x0] =	vst v4;
	v4 =	vadd.f32 v9, v1  }
0x35f: {  	s23 =	sor.u32 s0, s24;
	s0 =	sor.u32 s25, s2;
	s2 =	sor.u32 s28, s2;
	v9 =	vld [tilespmem:s30+$0x0];
	[tilespmem:s17+$0x80] =	vst v2;
	v1 =	vadd.f32 v8, v1  }
0x360: {  	p0 =	slt.u32 s19, $0xFC;
	v8 =	vld [tilespmem:s18+$0x0];
	s18 =	sor.u32 s25, s24;
	s24 =	sor.u32 s28, s24;
	[tilespmem:s17+$0x100] =	vst v4;
	v4 =	vadd.f32 v5, v0  }
0x361: {  	v2 =	vld [tilespmem:s0+$0x0];
	[tilespmem:s17+$0x180] =	vst v1;
	v5 =	vadd.f32 v6, v0;
	s17 =	smov.u32 s24  }
0x362: {  	v1 =	vld [tilespmem:s2+$0x0];
	[tilespmem:s14+$0x0] =	vst v4;
	v6 =	vadd.f32 v3, v0  }
0x363: {  	v3 =	vld [tilespmem:s23+$0x0];
	[tilespmem:s14+$0x80] =	vst v5  }
0x364: {  	v4 =	vld [tilespmem:s23+$0x80];
	v5 =	vadd.f32 v7, v9;
	[tilespmem:s14+$0x100] =	vst v6;
	v0 =	vmov v9;
	s14 =	smov.u32 s26  }
0x365: {  	v9 =	vld [tilespmem:s23+$0x100]  }
0x366: {  	v10 =	vld [tilespmem:s23+$0x180];
	[tilespmem:s14+$0x180] =	vst v5  }
0x367: {  	v11 =	vld [tilespmem:s18+$0x0]  }
.Ltmp12:
0x368: {  	v3 =	vadd.f32 v3, v8;
	v7 =	vld [tilespmem:s18+$0x80];
	(pc) =	sbr.rel @p0 .LBB2_26-.Ltmp12, $4  }
0x369: {  	v4 =	vadd.f32 v4, v8;
	v6 =	vld [tilespmem:s18+$0x100]  }
0x36a: {  	[tilespmem:s23+$0x0] =	vst v3;
	v3 =	vadd.f32 v9, v8;
	v5 =	vld [tilespmem:s18+$0x180]  }
0x36b: {  	[tilespmem:s23+$0x80] =	vst v4;
	v9 =	vadd.f32 v10, v8;
	v4 =	vld [tilespmem:s17+$0x0]  }
0x36c: {  	[tilespmem:s23+$0x100] =	vst v3;
	v8 =	vadd.f32 v11, v2;
	v3 =	vld [tilespmem:s17+$0x80]  }
0x36d: {  	[tilespmem:s23+$0x180] =	vst v9;
	v7 =	vadd.f32 v7, v2;
	v62 =	vld [tilespmem:s17+$0x100]  }
0x36e: {  	[tilespmem:s18+$0x0] =	vst v8;
	v6 =	vadd.f32 v6, v2;
	v8 =	vld [tilespmem:s17+$0x180]  }
0x36f: {  	[tilespmem:s18+$0x80] =	vst v7;
	v2 =	vadd.f32 v5, v2;
	v5 =	vld [tilespmem:s14+$0x0]  }
0x370: {  	[tilespmem:s18+$0x100] =	vst v6;
	v4 =	vadd.f32 v4, v1;
	v6 =	vld [tilespmem:s14+$0x80]  }
0x371: {  	[tilespmem:s18+$0x180] =	vst v2;
	v2 =	vadd.f32 v3, v1;
	v3 =	vld [tilespmem:s14+$0x100]  }
0x372: {  	[tilespmem:s17+$0x0] =	vst v4;
	v4 =	vadd.f32 v62, v1  }
0x373: {  	[tilespmem:s17+$0x80] =	vst v2;
	v1 =	vadd.f32 v8, v1  }
0x374: {  	[tilespmem:s17+$0x100] =	vst v4;
	v2 =	vadd.f32 v5, v0  }
0x375: {  	[tilespmem:s17+$0x180] =	vst v1;
	v1 =	vadd.f32 v6, v0  }
0x376: {  	[tilespmem:s14+$0x0] =	vst v2;
	v0 =	vadd.f32 v3, v0  }
0x377: {  	[tilespmem:s14+$0x80] =	vst v1  }
0x378: {  	[tilespmem:s14+$0x100] =	vst v0  }
0x379: {  	s0 =	sld [smem:$0x7F9];
	_ =	sdelay $0x1  }
0x37a: {  	s15 =	simm.s32 $0x0  }
0x37b: {  	[hbm4b:s0+s15] =	stream.linear.scatter [tilespmem:s15], [sflag:$0x7], $0x4000, $0x38;
	[tilespmem:$0x1E000] =	vst v63  }
0x37c: {  	s20 =	simm.s32 $0x0;
	s23 =	simm.s32 $0x0;
	_ =	swait.ge [sflag:s1], $0x4000  }
0x37d: {  	s2 =	sand.u32 $0xE00, s15;
	s24 =	sand.u32 $0x40, s15;
	[sflag:s1] =	ssyncset.done $0x0  }
0x37e: {  	s25 =	sor.u32 $0x30, s24;
	s0 =	sand.u32 $0x3FFFFF80, s20;
	[sflag:s1] =	ssyncadd.s32 $0xFFFFC000  }
0x37f: {  	s14 =	sand.u32 $0x3FFFF000, s23;
	s0 =	sadd.s32 s2, s0;
	_ =	swait.ge [sflag:s1], $0x1000  }
0x380: {  	s2 =	sor.u32 s2, s14;
	s0 =	sadd.s32 $0x19000, s0;
	[sflag:s1] =	ssyncset.done $0x0  }
0x381: {  	s2 =	sadd.s32 $0x4000, s2;
	s26 =	sor.u32 s25, s0;
	[sflag:s1] =	ssyncadd.s32 $0xFFFFF000  }
0x382: {  	s14 =	sor.u32 s25, s2;
	v0 =	vld [tilespmem:s26+$0x0]  }
0x383: {  	s28 =	sor.u32 s24, s0;
	v1 =	vld [tilespmem:s14+$0x180]  }
0x384: {  	s20 =	sor.u32 s24, s2;
	v3 =	vld [tilespmem:s28+$0x0]  }
0x385: {  	v4 =	vld [tilespmem:s20+$0x0]  }
0x386: {  	v5 =	vld [tilespmem:s20+$0x80]  }
0x387: {  	v6 =	vld [tilespmem:s20+$0x100]  }
0x388: {  	s30 =	sor.u32 $0x10, s24  }
0x389: {  	s19 =	sor.u32 s30, s0;
	v7 =	vld [tilespmem:s20+$0x180]  }
0x38a: {  	s18 =	sor.u32 s30, s2;
	v2 =	vld [tilespmem:s19+$0x0];
	v1 =	vadd.f32 v1, v0  }
0x38b: {  	v8 =	vld [tilespmem:s18+$0x0];
	v4 =	vadd.f32 v4, v3  }
0x38c: {  	v63 =	vadd.f32 v6, v3;
	[tilespmem:s14+$0x180] =	vst v1;
	v1 =	vadd.f32 v5, v3;
	v5 =	vld [tilespmem:s18+$0x80]  }
0x38d: {  	s17 =	sor.u32 $0x20, s24;
	v6 =	vld [tilespmem:s18+$0x100];
	[tilespmem:s20+$0x0] =	vst v4  }
0x38e: {  	s0 =	sor.u32 s17, s0;
	v3 =	vadd.f32 v7, v3;
	v4 =	vld [tilespmem:s18+$0x180];
	[tilespmem:s20+$0x100] =	vst v63  }
0x38f: {  	s17 =	sor.u32 s17, s2;
	[tilespmem:s20+$0x80] =	vst v1;
	v1 =	vld [tilespmem:s0+$0x0]  }
0x390: {  	s19 =	simm.s32 $0x0;
	v7 =	vadd.f32 v8, v2;
	[tilespmem:s20+$0x180] =	vst v3;
	v3 =	vld [tilespmem:s17+$0x0];
	s20 =	simm.s32 $0x0  }
.LBB2_28:
0x391: {  	s19 =	sadd.s32 $0x4, s19;
	v5 =	vadd.f32 v5, v2;
	v8 =	vld [tilespmem:s17+$0x80]  }
0x392: {  	s15 =	sadd.s32 $0x100, s15;
	s20 =	sadd.s32 $0x40, s20;
	s0 =	sshll.u32 s19, $0x1;
	[tilespmem:s18+$0x0] =	vst v7;
	v6 =	vadd.f32 v6, v2;
	v7 =	vld [tilespmem:s17+$0x100]  }
0x393: {  	s2 =	sand.u32 $0xE00, s15;
	s23 =	sshll.u32 s19, $0x6;
	s0 =	sand.u32 $0x3FFFFF80, s0;
	[tilespmem:s18+$0x80] =	vst v5;
	v2 =	vadd.f32 v4, v2;
	v4 =	vld [tilespmem:s17+$0x180]  }
0x394: {  	s24 =	sand.u32 $0x40, s20;
	s23 =	sand.u32 $0x3FFFF000, s23;
	s0 =	sadd.s32 s2, s0;
	[tilespmem:s18+$0x100] =	vst v6;
	v5 =	vld [tilespmem:s14+$0x0]  }
0x395: {  	s2 =	sor.u32 s2, s23;
	s23 =	sor.u32 $0x30, s24;
	s0 =	sadd.s32 $0x19000, s0;
	[tilespmem:s18+$0x180] =	vst v2;
	v2 =	vadd.f32 v3, v1;
	v3 =	vld [tilespmem:s14+$0x80]  }
0x396: {  	s2 =	sadd.s32 $0x4000, s2;
	s18 =	sor.u32 $0x10, s24;
	s25 =	sor.u32 s23, s0;
	v6 =	vadd.f32 v8, v1;
	v8 =	vld [tilespmem:s14+$0x100]  }
0x397: {  	s28 =	sor.u32 $0x20, s24;
	s26 =	sor.u32 s24, s0;
	s23 =	sor.u32 s23, s2;
	v9 =	vld [tilespmem:s25+$0x0];
	[tilespmem:s17+$0x0] =	vst v2;
	v2 =	vadd.f32 v7, v1  }
0x398: {  	s24 =	sor.u32 s24, s2;
	s25 =	sor.u32 s18, s0;
	s18 =	sor.u32 s18, s2;
	v7 =	vld [tilespmem:s23+$0x180];
	[tilespmem:s17+$0x80] =	vst v6;
	v1 =	vadd.f32 v4, v1  }
0x399: {  	p0 =	slt.u32 s19, $0xFC;
	s0 =	sor.u32 s28, s0;
	s2 =	sor.u32 s28, s2;
	v4 =	vld [tilespmem:s26+$0x0];
	[tilespmem:s17+$0x100] =	vst v2;
	v2 =	vadd.f32 v5, v0  }
0x39a: {  	v5 =	vld [tilespmem:s24+$0x0];
	[tilespmem:s17+$0x180] =	vst v1;
	v1 =	vadd.f32 v3, v0;
	s17 =	smov.u32 s2  }
0x39b: {  	v3 =	vld [tilespmem:s24+$0x80];
	[tilespmem:s14+$0x0] =	vst v2;
	v2 =	vadd.f32 v8, v0  }
0x39c: {  	v6 =	vld [tilespmem:s24+$0x100];
	[tilespmem:s14+$0x80] =	vst v1;
	v0 =	vmov v9  }
0x39d: {  	v1 =	vld [tilespmem:s24+$0x180];
	v7 =	vadd.f32 v7, v0;
	[tilespmem:s14+$0x100] =	vst v2;
	s14 =	smov.u32 s23  }
0x39e: {  	v2 =	vld [tilespmem:s25+$0x0]  }
0x39f: {  	v8 =	vadd.f32 v5, v4;
	v9 =	vld [tilespmem:s18+$0x0];
	[tilespmem:s14+$0x180] =	vst v7  }
.Ltmp13:
0x3a0: {  	v3 =	vadd.f32 v3, v4;
	v5 =	vld [tilespmem:s18+$0x80];
	(pc) =	sbr.rel @p0 .LBB2_28-.Ltmp13, $4  }
0x3a1: {  	[tilespmem:s24+$0x0] =	vst v8;
	v7 =	vadd.f32 v6, v4;
	v6 =	vld [tilespmem:s18+$0x100]  }
0x3a2: {  	[tilespmem:s24+$0x80] =	vst v3;
	v3 =	vadd.f32 v1, v4;
	v4 =	vld [tilespmem:s18+$0x180]  }
0x3a3: {  	[tilespmem:s24+$0x100] =	vst v7;
	v1 =	vld [tilespmem:s0+$0x0]  }
0x3a4: {  	[tilespmem:s24+$0x180] =	vst v3;
	v7 =	vadd.f32 v9, v2;
	v3 =	vld [tilespmem:s17+$0x0]  }
0x3a5: {  	v8 =	vld [tilespmem:s17+$0x80]  }
0x3a6: {  	v5 =	vadd.f32 v5, v2;
	v9 =	vld [tilespmem:s17+$0x100]  }
0x3a7: {  	[tilespmem:s18+$0x0] =	vst v7;
	v6 =	vadd.f32 v6, v2;
	v7 =	vld [tilespmem:s17+$0x180]  }
0x3a8: {  	[tilespmem:s18+$0x80] =	vst v5;
	v2 =	vadd.f32 v4, v2;
	v4 =	vld [tilespmem:s14+$0x0]  }
0x3a9: {  	v5 =	vld [tilespmem:s14+$0x80];
	[tilespmem:s18+$0x100] =	vst v6;
	v3 =	vadd.f32 v3, v1  }
0x3aa: {  	v6 =	vld [tilespmem:s14+$0x100];
	[tilespmem:s18+$0x180] =	vst v2;
	v2 =	vadd.f32 v8, v1  }
0x3ab: {  	[tilespmem:s17+$0x0] =	vst v3;
	v3 =	vadd.f32 v9, v1  }
0x3ac: {  	v1 =	vadd.f32 v7, v1;
	[tilespmem:s17+$0x80] =	vst v2  }
0x3ad: {  	v2 =	vadd.f32 v4, v0;
	[tilespmem:s17+$0x100] =	vst v3  }
0x3ae: {  	[tilespmem:s17+$0x180] =	vst v1;
	v1 =	vadd.f32 v5, v0  }
0x3af: {  	v0 =	vadd.f32 v6, v0;
	[tilespmem:s14+$0x0] =	vst v2  }
0x3b0: {  	[tilespmem:s14+$0x80] =	vst v1  }
0x3b1: {  	[tilespmem:s14+$0x100] =	vst v0  }
0x3b2: {  	s0 =	sld [smem:$0x7FA];
	_ =	sdelay $0x1  }
0x3b3: {  	s15 =	simm.s32 $0x0;
	s30 =	simm.s32 $0x4000  }
0x3b4: {  	[hbm4b:s0+s15] =	stream.linear.scatter [tilespmem:s30], [sflag:$0x8], $0x4000, $0x38;
	[tilespmem:$0x1E000] =	vst v63  }
0x3b5: {  	s19 =	simm.s32 $0x0;
	s20 =	simm.s32 $0x0;
	_ =	swait.ge [sflag:s3], $0x4000  }
0x3b6: {  	s2 =	sand.u32 $0xE00, s15;
	s23 =	sand.u32 $0x40, s15;
	[sflag:s3] =	ssyncset.done $0x0  }
0x3b7: {  	s24 =	sor.u32 $0x30, s23;
	s0 =	sand.u32 $0x3FFFFF80, s19;
	[sflag:s3] =	ssyncadd.s32 $0xFFFFC000  }
0x3b8: {  	s14 =	sand.u32 $0x3FFFF000, s20;
	s0 =	sadd.s32 s2, s0;
	_ =	swait.ge [sflag:s3], $0x1000  }
0x3b9: {  	s2 =	sor.u32 s2, s14;
	s0 =	sadd.s32 $0x1A000, s0;
	[sflag:s3] =	ssyncset.done $0x0  }
0x3ba: {  	s2 =	sadd.s32 $0x8000, s2;
	s25 =	sor.u32 s24, s0;
	[sflag:s3] =	ssyncadd.s32 $0xFFFFF000  }
0x3bb: {  	s14 =	sor.u32 s24, s2;
	v0 =	vld [tilespmem:s25+$0x0]  }
0x3bc: {  	s26 =	sor.u32 s23, s0;
	v1 =	vld [tilespmem:s14+$0x180]  }
0x3bd: {  	s20 =	sor.u32 s23, s2;
	v3 =	vld [tilespmem:s26+$0x0]  }
0x3be: {  	v4 =	vld [tilespmem:s20+$0x0]  }
0x3bf: {  	v5 =	vld [tilespmem:s20+$0x80]  }
0x3c0: {  	v6 =	vld [tilespmem:s20+$0x100]  }
0x3c1: {  	s28 =	sor.u32 $0x10, s23  }
0x3c2: {  	s19 =	sor.u32 s28, s0;
	v7 =	vld [tilespmem:s20+$0x180]  }
0x3c3: {  	s18 =	sor.u32 s28, s2;
	v2 =	vld [tilespmem:s19+$0x0];
	v1 =	vadd.f32 v1, v0  }
0x3c4: {  	v8 =	vld [tilespmem:s18+$0x0];
	v4 =	vadd.f32 v4, v3  }
0x3c5: {  	v63 =	vadd.f32 v6, v3;
	[tilespmem:s14+$0x180] =	vst v1;
	v1 =	vadd.f32 v5, v3;
	v5 =	vld [tilespmem:s18+$0x80]  }
0x3c6: {  	s17 =	sor.u32 $0x20, s23;
	v6 =	vld [tilespmem:s18+$0x100];
	[tilespmem:s20+$0x0] =	vst v4  }
0x3c7: {  	s0 =	sor.u32 s17, s0;
	v3 =	vadd.f32 v7, v3;
	v4 =	vld [tilespmem:s18+$0x180];
	[tilespmem:s20+$0x100] =	vst v63  }
0x3c8: {  	s17 =	sor.u32 s17, s2;
	[tilespmem:s20+$0x80] =	vst v1;
	v1 =	vld [tilespmem:s0+$0x0]  }
0x3c9: {  	s19 =	simm.s32 $0x0;
	v7 =	vadd.f32 v8, v2;
	[tilespmem:s20+$0x180] =	vst v3;
	v3 =	vld [tilespmem:s17+$0x0];
	s20 =	simm.s32 $0x0  }
.LBB2_30:
0x3ca: {  	s19 =	sadd.s32 $0x4, s19;
	v5 =	vadd.f32 v5, v2;
	v8 =	vld [tilespmem:s17+$0x80]  }
0x3cb: {  	s15 =	sadd.s32 $0x100, s15;
	s20 =	sadd.s32 $0x40, s20;
	s0 =	sshll.u32 s19, $0x1;
	[tilespmem:s18+$0x0] =	vst v7;
	v6 =	vadd.f32 v6, v2;
	v7 =	vld [tilespmem:s17+$0x100]  }
0x3cc: {  	s2 =	sand.u32 $0xE00, s15;
	s23 =	sshll.u32 s19, $0x6;
	s0 =	sand.u32 $0x3FFFFF80, s0;
	[tilespmem:s18+$0x80] =	vst v5;
	v2 =	vadd.f32 v4, v2;
	v4 =	vld [tilespmem:s17+$0x180]  }
0x3cd: {  	s24 =	sand.u32 $0x40, s20;
	s23 =	sand.u32 $0x3FFFF000, s23;
	s0 =	sadd.s32 s2, s0;
	[tilespmem:s18+$0x100] =	vst v6;
	v5 =	vld [tilespmem:s14+$0x0]  }
0x3ce: {  	s2 =	sor.u32 s2, s23;
	s23 =	sor.u32 $0x30, s24;
	s0 =	sadd.s32 $0x1A000, s0;
	[tilespmem:s18+$0x180] =	vst v2;
	v2 =	vadd.f32 v3, v1;
	v3 =	vld [tilespmem:s14+$0x80]  }
0x3cf: {  	s2 =	sadd.s32 $0x8000, s2;
	s18 =	sor.u32 $0x10, s24;
	s25 =	sor.u32 s23, s0;
	v6 =	vadd.f32 v8, v1;
	v8 =	vld [tilespmem:s14+$0x100]  }
0x3d0: {  	s28 =	sor.u32 $0x20, s24;
	s26 =	sor.u32 s24, s0;
	s23 =	sor.u32 s23, s2;
	v9 =	vld [tilespmem:s25+$0x0];
	[tilespmem:s17+$0x0] =	vst v2;
	v2 =	vadd.f32 v7, v1  }
0x3d1: {  	s24 =	sor.u32 s24, s2;
	s25 =	sor.u32 s18, s0;
	s18 =	sor.u32 s18, s2;
	v7 =	vld [tilespmem:s23+$0x180];
	[tilespmem:s17+$0x80] =	vst v6;
	v1 =	vadd.f32 v4, v1  }
0x3d2: {  	p0 =	slt.u32 s19, $0xFC;
	s0 =	sor.u32 s28, s0;
	s2 =	sor.u32 s28, s2;
	v4 =	vld [tilespmem:s26+$0x0];
	[tilespmem:s17+$0x100] =	vst v2;
	v2 =	vadd.f32 v5, v0  }
0x3d3: {  	v5 =	vld [tilespmem:s24+$0x0];
	[tilespmem:s17+$0x180] =	vst v1;
	v1 =	vadd.f32 v3, v0;
	s17 =	smov.u32 s2  }
0x3d4: {  	v3 =	vld [tilespmem:s24+$0x80];
	[tilespmem:s14+$0x0] =	vst v2;
	v2 =	vadd.f32 v8, v0  }
0x3d5: {  	v6 =	vld [tilespmem:s24+$0x100];
	[tilespmem:s14+$0x80] =	vst v1;
	v0 =	vmov v9  }
0x3d6: {  	v1 =	vld [tilespmem:s24+$0x180];
	v7 =	vadd.f32 v7, v0;
	[tilespmem:s14+$0x100] =	vst v2;
	s14 =	smov.u32 s23  }
0x3d7: {  	v2 =	vld [tilespmem:s25+$0x0]  }
0x3d8: {  	v8 =	vadd.f32 v5, v4;
	v9 =	vld [tilespmem:s18+$0x0];
	[tilespmem:s14+$0x180] =	vst v7  }
.Ltmp14:
0x3d9: {  	v3 =	vadd.f32 v3, v4;
	v5 =	vld [tilespmem:s18+$0x80];
	(pc) =	sbr.rel @p0 .LBB2_30-.Ltmp14, $4  }
0x3da: {  	[tilespmem:s24+$0x0] =	vst v8;
	v7 =	vadd.f32 v6, v4;
	v6 =	vld [tilespmem:s18+$0x100]  }
0x3db: {  	[tilespmem:s24+$0x80] =	vst v3;
	v3 =	vadd.f32 v1, v4;
	v4 =	vld [tilespmem:s18+$0x180]  }
0x3dc: {  	[tilespmem:s24+$0x100] =	vst v7;
	v1 =	vld [tilespmem:s0+$0x0]  }
0x3dd: {  	[tilespmem:s24+$0x180] =	vst v3;
	v7 =	vadd.f32 v9, v2;
	v3 =	vld [tilespmem:s17+$0x0]  }
0x3de: {  	v8 =	vld [tilespmem:s17+$0x80]  }
0x3df: {  	v5 =	vadd.f32 v5, v2;
	v9 =	vld [tilespmem:s17+$0x100]  }
0x3e0: {  	[tilespmem:s18+$0x0] =	vst v7;
	v6 =	vadd.f32 v6, v2;
	v7 =	vld [tilespmem:s17+$0x180]  }
0x3e1: {  	[tilespmem:s18+$0x80] =	vst v5;
	v2 =	vadd.f32 v4, v2;
	v4 =	vld [tilespmem:s14+$0x0]  }
0x3e2: {  	v5 =	vld [tilespmem:s14+$0x80];
	[tilespmem:s18+$0x100] =	vst v6;
	v3 =	vadd.f32 v3, v1  }
0x3e3: {  	v6 =	vld [tilespmem:s14+$0x100];
	[tilespmem:s18+$0x180] =	vst v2;
	v2 =	vadd.f32 v8, v1  }
0x3e4: {  	[tilespmem:s17+$0x0] =	vst v3;
	v3 =	vadd.f32 v9, v1  }
0x3e5: {  	v1 =	vadd.f32 v7, v1;
	[tilespmem:s17+$0x80] =	vst v2  }
0x3e6: {  	v2 =	vadd.f32 v4, v0;
	[tilespmem:s17+$0x100] =	vst v3  }
0x3e7: {  	[tilespmem:s17+$0x180] =	vst v1;
	v1 =	vadd.f32 v5, v0  }
0x3e8: {  	v0 =	vadd.f32 v6, v0;
	[tilespmem:s14+$0x0] =	vst v2  }
0x3e9: {  	[tilespmem:s14+$0x80] =	vst v1  }
0x3ea: {  	[tilespmem:s14+$0x100] =	vst v0  }
0x3eb: {  	s0 =	sld [smem:$0x7FB];
	_ =	sdelay $0x1  }
0x3ec: {  	s15 =	simm.s32 $0x0;
	s2 =	simm.s32 $0x8000  }
0x3ed: {  	[hbm4b:s0+s15] =	stream.linear.scatter [tilespmem:s2], [sflag:$0x9], $0x4000, $0x38;
	[tilespmem:$0x1E000] =	vst v63  }
0x3ee: {  	s20 =	simm.s32 $0x0;
	s19 =	sand.u32 $0xE00, s15;
	_ =	swait.ge [sflag:s5], $0x4000  }
0x3ef: {  	s23 =	sand.u32 $0x40, s15;
	s18 =	simm.s32 $0x0;
	[sflag:s5] =	ssyncset.done $0x0  }
0x3f0: {  	s24 =	sor.u32 $0x30, s23;
	s0 =	sand.u32 $0x3FFFFF80, s18;
	[sflag:s5] =	ssyncadd.s32 $0xFFFFC000  }
0x3f1: {  	s14 =	sand.u32 $0x3FFFF000, s20;
	s0 =	sadd.s32 s19, s0;
	_ =	swait.ge [sflag:s5], $0x1000  }
0x3f2: {  	s2 =	sor.u32 s19, s14;
	s0 =	sadd.s32 $0x1B000, s0;
	[sflag:s5] =	ssyncset.done $0x0  }
0x3f3: {  	s2 =	sadd.s32 $0xC000, s2;
	s25 =	sor.u32 s24, s0;
	[sflag:s5] =	ssyncadd.s32 $0xFFFFF000  }
0x3f4: {  	s14 =	sor.u32 s24, s2;
	v0 =	vld [tilespmem:s25+$0x0]  }
0x3f5: {  	s26 =	sor.u32 s23, s0;
	v1 =	vld [tilespmem:s14+$0x180]  }
0x3f6: {  	s20 =	sor.u32 s23, s2;
	v3 =	vld [tilespmem:s26+$0x0]  }
0x3f7: {  	v4 =	vld [tilespmem:s20+$0x0]  }
0x3f8: {  	v5 =	vld [tilespmem:s20+$0x80]  }
0x3f9: {  	v6 =	vld [tilespmem:s20+$0x100]  }
0x3fa: {  	s28 =	sor.u32 $0x10, s23  }
0x3fb: {  	s19 =	sor.u32 s28, s0;
	v7 =	vld [tilespmem:s20+$0x180]  }
0x3fc: {  	s18 =	sor.u32 s28, s2;
	v2 =	vld [tilespmem:s19+$0x0];
	v1 =	vadd.f32 v1, v0  }
0x3fd: {  	v8 =	vld [tilespmem:s18+$0x0];
	v4 =	vadd.f32 v4, v3  }
0x3fe: {  	v63 =	vadd.f32 v6, v3;
	[tilespmem:s14+$0x180] =	vst v1;
	v1 =	vadd.f32 v5, v3;
	v5 =	vld [tilespmem:s18+$0x80]  }
0x3ff: {  	s17 =	sor.u32 $0x20, s23;
	v6 =	vld [tilespmem:s18+$0x100];
	[tilespmem:s20+$0x0] =	vst v4  }
0x400: {  	s0 =	sor.u32 s17, s0;
	v3 =	vadd.f32 v7, v3;
	v4 =	vld [tilespmem:s18+$0x180];
	[tilespmem:s20+$0x100] =	vst v63  }
0x401: {  	s17 =	sor.u32 s17, s2;
	[tilespmem:s20+$0x80] =	vst v1;
	v1 =	vld [tilespmem:s0+$0x0]  }
0x402: {  	s19 =	simm.s32 $0x0;
	v7 =	vadd.f32 v8, v2;
	[tilespmem:s20+$0x180] =	vst v3;
	v3 =	vld [tilespmem:s17+$0x0];
	s20 =	simm.s32 $0x0  }
.LBB2_32:
0x403: {  	s19 =	sadd.s32 $0x4, s19;
	v5 =	vadd.f32 v5, v2;
	v8 =	vld [tilespmem:s17+$0x80]  }
0x404: {  	s15 =	sadd.s32 $0x100, s15;
	s20 =	sadd.s32 $0x40, s20;
	s0 =	sshll.u32 s19, $0x1;
	[tilespmem:s18+$0x0] =	vst v7;
	v6 =	vadd.f32 v6, v2;
	v7 =	vld [tilespmem:s17+$0x100]  }
0x405: {  	s2 =	sand.u32 $0xE00, s15;
	s23 =	sshll.u32 s19, $0x6;
	s0 =	sand.u32 $0x3FFFFF80, s0;
	[tilespmem:s18+$0x80] =	vst v5;
	v2 =	vadd.f32 v4, v2;
	v4 =	vld [tilespmem:s17+$0x180]  }
0x406: {  	s24 =	sand.u32 $0x40, s20;
	s23 =	sand.u32 $0x3FFFF000, s23;
	s0 =	sadd.s32 s2, s0;
	[tilespmem:s18+$0x100] =	vst v6;
	v5 =	vld [tilespmem:s14+$0x0]  }
0x407: {  	s2 =	sor.u32 s2, s23;
	s23 =	sor.u32 $0x30, s24;
	s0 =	sadd.s32 $0x1B000, s0;
	[tilespmem:s18+$0x180] =	vst v2;
	v2 =	vadd.f32 v3, v1;
	v3 =	vld [tilespmem:s14+$0x80]  }
0x408: {  	s2 =	sadd.s32 $0xC000, s2;
	s18 =	sor.u32 $0x10, s24;
	s25 =	sor.u32 s23, s0;
	v6 =	vadd.f32 v8, v1;
	v8 =	vld [tilespmem:s14+$0x100]  }
0x409: {  	s28 =	sor.u32 $0x20, s24;
	s26 =	sor.u32 s24, s0;
	s23 =	sor.u32 s23, s2;
	v9 =	vld [tilespmem:s25+$0x0];
	[tilespmem:s17+$0x0] =	vst v2;
	v2 =	vadd.f32 v7, v1  }
0x40a: {  	s24 =	sor.u32 s24, s2;
	s25 =	sor.u32 s18, s0;
	s18 =	sor.u32 s18, s2;
	v7 =	vld [tilespmem:s23+$0x180];
	[tilespmem:s17+$0x80] =	vst v6;
	v1 =	vadd.f32 v4, v1  }
0x40b: {  	p0 =	slt.u32 s19, $0xFC;
	s0 =	sor.u32 s28, s0;
	s2 =	sor.u32 s28, s2;
	v4 =	vld [tilespmem:s26+$0x0];
	[tilespmem:s17+$0x100] =	vst v2;
	v2 =	vadd.f32 v5, v0  }
0x40c: {  	v5 =	vld [tilespmem:s24+$0x0];
	[tilespmem:s17+$0x180] =	vst v1;
	v1 =	vadd.f32 v3, v0;
	s17 =	smov.u32 s2  }
0x40d: {  	v3 =	vld [tilespmem:s24+$0x80];
	[tilespmem:s14+$0x0] =	vst v2;
	v2 =	vadd.f32 v8, v0  }
0x40e: {  	v6 =	vld [tilespmem:s24+$0x100];
	[tilespmem:s14+$0x80] =	vst v1;
	v0 =	vmov v9  }
0x40f: {  	v1 =	vld [tilespmem:s24+$0x180];
	v7 =	vadd.f32 v7, v0;
	[tilespmem:s14+$0x100] =	vst v2;
	s14 =	smov.u32 s23  }
0x410: {  	v2 =	vld [tilespmem:s25+$0x0]  }
0x411: {  	v8 =	vadd.f32 v5, v4;
	v9 =	vld [tilespmem:s18+$0x0];
	[tilespmem:s14+$0x180] =	vst v7  }
.Ltmp15:
0x412: {  	v3 =	vadd.f32 v3, v4;
	v5 =	vld [tilespmem:s18+$0x80];
	(pc) =	sbr.rel @p0 .LBB2_32-.Ltmp15, $4  }
0x413: {  	[tilespmem:s24+$0x0] =	vst v8;
	v7 =	vadd.f32 v6, v4;
	v6 =	vld [tilespmem:s18+$0x100]  }
0x414: {  	[tilespmem:s24+$0x80] =	vst v3;
	v3 =	vadd.f32 v1, v4;
	v4 =	vld [tilespmem:s18+$0x180]  }
0x415: {  	[tilespmem:s24+$0x100] =	vst v7;
	v1 =	vld [tilespmem:s0+$0x0]  }
0x416: {  	[tilespmem:s24+$0x180] =	vst v3;
	v7 =	vadd.f32 v9, v2;
	v3 =	vld [tilespmem:s17+$0x0]  }
0x417: {  	v8 =	vld [tilespmem:s17+$0x80]  }
0x418: {  	v5 =	vadd.f32 v5, v2;
	v9 =	vld [tilespmem:s17+$0x100]  }
0x419: {  	v53 =	vld [tilespmem:s17+$0x180];
	[tilespmem:s18+$0x0] =	vst v7;
	v6 =	vadd.f32 v6, v2  }
0x41a: {  	v55 =	vld [tilespmem:s14+$0x0];
	[tilespmem:s18+$0x80] =	vst v5;
	v54 =	vadd.f32 v4, v2  }
0x41b: {  	v56 =	vld [tilespmem:s14+$0x80];
	[tilespmem:s18+$0x100] =	vst v6;
	v3 =	vadd.f32 v3, v1  }
0x41c: {  	v58 =	vld [tilespmem:s14+$0x100];
	[tilespmem:s18+$0x180] =	vst v54;
	v57 =	vadd.f32 v8, v1  }
0x41d: {  	v59 =	vadd.f32 v9, v1;
	[tilespmem:s17+$0x0] =	vst v3  }
0x41e: {  	v60 =	vadd.f32 v53, v1;
	[tilespmem:s17+$0x80] =	vst v57  }
0x41f: {  	v61 =	vadd.f32 v55, v0;
	[tilespmem:s17+$0x100] =	vst v59  }
0x420: {  	v62 =	vadd.f32 v56, v0;
	[tilespmem:s17+$0x180] =	vst v60  }
0x421: {  	v63 =	vadd.f32 v58, v0;
	[tilespmem:s14+$0x0] =	vst v61  }
0x422: {  	[tilespmem:s14+$0x80] =	vst v62  }
0x423: {  	[tilespmem:s14+$0x100] =	vst v63  }
0x424: {  	s0 =	sld [smem:$0x7FC];
	_ =	sdelay $0x2  }
0x425: {  	[hbm4b:s0+s16] =	stream.linear.scatter [tilespmem:s29], [sflag:$0xA], $0x4000, $0x38;
	[tilespmem:$0x1E000] =	vst v63  }
0x426: {  	_ =	swait.ge [sflag:s11], $0x4000  }
0x427: {  	[sflag:s11] =	ssyncset.done $0x0  }
0x428: {  	[sflag:s11] =	ssyncadd.s32 $0xFFFFC000  }
0x429: {  	_ =	swait.ge [sflag:s12], $0x4000  }
0x42a: {  	[sflag:s12] =	ssyncset.done $0x0  }
0x42b: {  	[sflag:s12] =	ssyncadd.s32 $0xFFFFC000  }
0x42c: {  	_ =	swait.ge [sflag:s4], $0x4000  }
0x42d: {  	[sflag:s4] =	ssyncset.done $0x0  }
0x42e: {  	[sflag:s4] =	ssyncadd.s32 $0xFFFFC000  }
0x42f: {  	_ =	swait.ge [sflag:s6], $0x4000  }
0x430: {  	[sflag:s6] =	ssyncset.done $0x0  }
0x431: {  	[sflag:s6] =	ssyncadd.s32 $0xFFFFC000  }
0x432: {  	_ =	swait.ge [sflag:s8], $0x4000  }
0x433: {  	[sflag:s8] =	ssyncset.done $0x0  }
0x434: {  	[sflag:s8] =	ssyncadd.s32 $0xFFFFC000  }
0x435: {  	_ =	swait.ge [sflag:s10], $0x4000  }
0x436: {  	s28 =	sld [smem:$0x7FD];
	_ =	sdelay $0x1  }
0x437: {  	s13 =	sadd.s32 $0x1, s13  }
0x438: {  	p0 =	sne.s32 s13, s28  }
.Ltmp16:
0x439: {  	_ = 	snop;
	(pc) =	sbr.rel @p0 .LBB2_1-.Ltmp16, $3  }
0x43a: {  	_ =	sdelay $0x1  }
0x43b: {  	[sflag:s10] =	ssyncset.done $0x0  }
0x43c: {  	[sflag:s10] =	ssyncadd.s32 $0xFFFFC000  }
0x43d: {  	_ =	sfence.sel $0x180000  }
0x43e: {  	[bflag:$0x0] =	sbarrier.arrive $0xFFFF  }
0x43f: {  	_ =	strace $0x90000047  }
0x440: {  	s0 =	stileid.u32;
	[bflag:$0x2] =	sbarrier.arrive $0xFFFF  }
0x441: {  	p0 =	sne.s32 s0, $0x0;
	s0 =	rddreg [dreg:$0x3]  }
0x442: {  	s0 =	sadd.s32 @!p0 $0x100000, s0  }
0x443: {  	[sflag:s0] =	ssyncadd.tile.s32 @!p0 $0x1;
	_ =	shalt  }
.Lfunc_end2:
_tile_overlayer_lowered:
.L_overlay_start_2:
0x444: {  	(tag) =	ssettag $0x2  }
0x445: {  	s0 =	rddreg [dreg:$0x0];
	s2 =	stileid.u32  }
0x446: {  	s1 =	rddreg [dreg:$0x1];
	p0 =	sne.s32 s2, $0x0  }
0x447: {  	s3 =	rddreg [dreg:$0x2];
	[bflag:$0x3] =	sbarrier.arrive $0xFFFF;
	s2 =	simm.s32 @!p0 $0x1C0D  }
0x448: {  	[timem:s3], [sflag:s2] =	dma.local @!p0 [hbm:s0], s1  }
0x449: {  	s0 =	simm.s32 @!p0 $0xD  }
0x44a: {  	_ =	swait.ge @!p0 [sflag:s0], s1  }
0x44b: {  	s1 =	ssub.s32 @!p0 $0x0, s1;
	[sflag:s0] =	ssyncset.done @!p0 $0x0  }
0x44c: {  	[sflag:s0] =	ssyncadd.s32 @!p0 s1  }
0x44d: {  	[bflag:$0x3] =	sbarrier.arrive $0xFFFF  }
0x44e: {  	_ =	shalt  }

</sc_bundles>
